<compile_context>
chip_gen: v7x
topology: tpu7x:2x2x1
jax: 0.10.2.dev20260603
libtpu: 0.0.44.dev20260713+nightly
codegen_flags: <defaults>
</compile_context>

<pallas_src>
import functools
import math

import jax
import jax.numpy as jnp
from jax import lax
from jax.experimental import pallas as pl
from jax.experimental.pallas import tpu as pltpu
from jax.experimental.pallas import tpu_sc as plsc

D_MODEL = 64
SCALE = math.sqrt(D_MODEL)

NUM_CORES = 2
NUM_SUBCORES = 16
NUM_WORKERS = NUM_CORES * NUM_SUBCORES

BBLK = 128


def _make_embed(batch: int, seq: int):
    assert batch == NUM_WORKERS * BBLK
    assert seq % 4 == 0
    n_tiles_c = D_MODEL // 8
    n_tiles_b = batch // BBLK

    mesh = plsc.VectorSubcoreMesh(
        core_axis_name="c", subcore_axis_name="s"
    )

    @functools.partial(
        pl.kernel,
        out_type=jax.ShapeDtypeStruct(
            (seq, n_tiles_c, n_tiles_b, 8, BBLK), jnp.float32
        ),
        mesh=mesh,
        scratch_types=[
            pltpu.VMEM((seq, BBLK), jnp.int32),
            pltpu.VMEM((BBLK, D_MODEL), jnp.float32),
            pltpu.VMEM((BBLK, D_MODEL), jnp.float32),
            pltpu.VMEM((BBLK, D_MODEL), jnp.float32),
            pltpu.VMEM((BBLK, D_MODEL), jnp.float32),
            pltpu.VMEM((D_MODEL, BBLK + 1), jnp.float32),
            pltpu.VMEM((D_MODEL, BBLK + 1), jnp.float32),
            pltpu.VMEM((D_MODEL, BBLK + 1), jnp.float32),
            pltpu.VMEM((D_MODEL, BBLK + 1), jnp.float32),
            pltpu.SemaphoreType.DMA,
            pltpu.SemaphoreType.DMA,
            pltpu.SemaphoreType.DMA,
            pltpu.SemaphoreType.DMA,
            pltpu.SemaphoreType.DMA,
            pltpu.SemaphoreType.DMA,
            pltpu.SemaphoreType.DMA,
            pltpu.SemaphoreType.DMA,
        ],
        compiler_params=pltpu.CompilerParams(
            use_tc_tiling_on_sc=False, needs_layout_passes=False
        ),
    )
    def embed(table_hbm, xt_hbm, out_hbm, idx_all,
              rows0, rows1, rows2, rows3, tr0, tr1, tr2, tr3,
              gsem0, gsem1, gsem2, gsem3, ssem0, ssem1, ssem2, ssem3):
        wid = lax.axis_index("s") * NUM_CORES + lax.axis_index("c")
        b0 = wid * BBLK
        rows = (rows0, rows1, rows2, rows3)
        trs = (tr0, tr1, tr2, tr3)
        gsems = (gsem0, gsem1, gsem2, gsem3)
        ssems = (ssem0, ssem1, ssem2, ssem3)

        pltpu.sync_copy(xt_hbm.at[:, pl.ds(b0, BBLK)], idx_all)

        def start_gather(s, b):
            pltpu.async_copy(
                table_hbm.at[idx_all.at[s]], rows[b], gsems[b]
            )

        def wait_gather(b):
            pltpu.make_async_copy(
                table_hbm.at[idx_all.at[0]], rows[b], gsems[b]
            ).wait()

        def start_scatter(s, b):
            for r in range(n_tiles_c):
                pltpu.async_copy(
                    trs[b].at[pl.ds(r * 8, 8), pl.ds(0, BBLK)],
                    out_hbm.at[s, r, wid],
                    ssems[b],
                )

        def wait_scatter(b):
            for r in range(n_tiles_c):
                pltpu.make_async_copy(
                    trs[b].at[pl.ds(r * 8, 8), pl.ds(0, BBLK)],
                    out_hbm.at[0, r, wid],
                    ssems[b],
                ).wait()

        cvecs = [g * 16 + lax.iota(jnp.int32, 16) for g in range(D_MODEL // 16)]

        def transpose_scale(b):
            src = rows[b]
            dst = trs[b]

            @plsc.parallel_loop(0, BBLK, 1, unroll=4)
            def _(r):
                r16 = jnp.full((16,), r, dtype=jnp.int32)
                for g in range(D_MODEL // 16):
                    v = src[r, pl.ds(g * 16, 16)]
                    plsc.store_scatter(dst, [cvecs[g], r16], v * SCALE)

        start_gather(0, 0)
        start_gather(1, 1)
        start_gather(2, 2)

        def quad_body(p, carry):
            for b in range(4):
                s = 4 * p + b
                nb = (b + 3) % 4

                @pl.when(s < seq - 3)
                def _():
                    start_gather(s + 3, nb)

                wait_gather(b)

                @pl.when(s >= 4)
                def _():
                    wait_scatter(b)

                transpose_scale(b)
                start_scatter(s, b)
            return carry

        lax.fori_loop(0, seq // 4, quad_body, 0)
        for b in range(4):
            wait_scatter(b)

    return embed


def kernel(x, table):
    batch, seq = x.shape
    out5 = _make_embed(batch, seq)(table, x.T.astype(jnp.int32))
    return out5.transpose(2, 4, 0, 1, 3).reshape(batch, seq, D_MODEL)

# --- scband reference (transcript-rebuilt; emitter-appended) ---
"""Pipeline reference for scband-input-embedding-87582973100763 (READ-ONLY COPY).

The authoritative reference and input builder live on the scoring server;
editing this copy changes nothing except your own understanding.
"""

import jax, jax.numpy as jnp
import numpy as np
import math

D_MODEL = 64
VOCAB = 1000000
BATCH = 4096
SEQ = 200

def setup_inputs(seed: int = 0) -> dict:
    key = jax.random.key(seed)
    k1, k2 = jax.random.split(key)
    x = jax.random.randint(k1, (BATCH, SEQ), 0, VOCAB, dtype=jnp.int64 if jax.config.jax_enable_x64 else jnp.int32)
    table = jax.random.normal(k2, (VOCAB, D_MODEL), dtype=jnp.float32) * 0.02
    return {"x": x, "table": table}

def reference(x, table):
    # InputEmbedding.forward: embedding lookup scaled by sqrt(d_model)
    emb = jnp.take(table, x, axis=0)
    return emb * math.sqrt(D_MODEL)

if __name__ == "__main__":
    import jax
    _d = setup_inputs()
    print(jax.jit(kernel)(*tuple(_d.values())))

</pallas_src>

<mosaic_0001>
#map = affine_map<(d0, d1) -> (0, 0)>
#map1 = affine_map<(d0, d1) -> (0, 0, 0, 0, 0)>
module attributes {stable_mosaic.version = 14 : i64} {
  func.func @embed(%arg0: i32, %arg1: i32, %arg2: memref<1000000x64xf32, #tpu.memory_space<hbm>>, %arg3: memref<200x4096xi32, #tpu.memory_space<hbm>>, %arg4: memref<200x8x32x8x128xf32, #tpu.memory_space<hbm>>, %arg5: memref<200x128xi32, #tpu.memory_space<vmem>>, %arg6: memref<128x64xf32, #tpu.memory_space<vmem>>, %arg7: memref<128x64xf32, #tpu.memory_space<vmem>>, %arg8: memref<128x64xf32, #tpu.memory_space<vmem>>, %arg9: memref<128x64xf32, #tpu.memory_space<vmem>>, %arg10: memref<64x129xf32, #tpu.memory_space<vmem>>, %arg11: memref<64x129xf32, #tpu.memory_space<vmem>>, %arg12: memref<64x129xf32, #tpu.memory_space<vmem>>, %arg13: memref<64x129xf32, #tpu.memory_space<vmem>>, %arg14: memref<!tpu.dma_semaphore, #tpu.memory_space<semaphore_mem>>, %arg15: memref<!tpu.dma_semaphore, #tpu.memory_space<semaphore_mem>>, %arg16: memref<!tpu.dma_semaphore, #tpu.memory_space<semaphore_mem>>, %arg17: memref<!tpu.dma_semaphore, #tpu.memory_space<semaphore_mem>>, %arg18: memref<!tpu.dma_semaphore, #tpu.memory_space<semaphore_mem>>, %arg19: memref<!tpu.dma_semaphore, #tpu.memory_space<semaphore_mem>>, %arg20: memref<!tpu.dma_semaphore, #tpu.memory_space<semaphore_mem>>, %arg21: memref<!tpu.dma_semaphore, #tpu.memory_space<semaphore_mem>>) attributes {dimension_semantics = [#tpu.dimension_semantics<core_parallel>, #tpu.dimension_semantics<subcore_parallel>], iteration_bounds = array<i64: 2, 16>, scalar_prefetch = 0 : i64, scratch_operands = 17 : i64, tpu.core_type = #tpu.core_type<sc_vector_subcore>, window_params = [{transform_indices = #map}, {transform_indices = #map}, {transform_indices = #map1}]} {
    %mul3A = arith.constant 2 : i32
    %mul3A_0 = arith.muli %arg1, %mul3A : i32
    %add3A = arith.addi %mul3A_0, %arg0 : i32
    %mul3A_1 = arith.constant 128 : i32
    %mul3A_2 = arith.muli %add3A, %mul3A_1 : i32
    "tpu.region"() ({
      %run_scoped3A = tpu.sem_alloc : memref<!tpu.dma_semaphore, #tpu.memory_space<semaphore_mem>>
      %dma_start3A_554 = arith.constant 0 : i32
      %dma_start3A_555 = tpu.memref_slice %arg3[%dma_start3A_554, %mul3A_2] : memref<200x4096xi32, #tpu.memory_space<hbm>> -> memref<200x128xi32, #tpu.memory_space<hbm>>
      %dma_start3A_556 = arith.constant 0 : i32
      %dma_start3A_557 = tpu.memref_slice %arg3[%dma_start3A_556, %mul3A_2] : memref<200x4096xi32, #tpu.memory_space<hbm>> -> memref<200x128xi32, #tpu.memory_space<hbm>>
      tpu.enqueue_dma source(%dma_start3A_557 : memref<200x128xi32, #tpu.memory_space<hbm>>) target(%arg5 : memref<200x128xi32, #tpu.memory_space<vmem>>) target_semaphore(%run_scoped3A : memref<!tpu.dma_semaphore, #tpu.memory_space<semaphore_mem>>)
      %dma_wait3A_558 = arith.constant 0 : i32
      %dma_wait3A_559 = tpu.memref_slice %arg3[%dma_wait3A_558, %mul3A_2] : memref<200x4096xi32, #tpu.memory_space<hbm>> -> memref<200x128xi32, #tpu.memory_space<hbm>>
      %dma_wait3A_560 = arith.constant 0 : i32
      %dma_wait3A_561 = tpu.memref_slice %arg3[%dma_wait3A_560, %mul3A_2] : memref<200x4096xi32, #tpu.memory_space<hbm>> -> memref<200x128xi32, #tpu.memory_space<hbm>>
      tpu.wait_dma2 semaphore(%run_scoped3A : memref<!tpu.dma_semaphore, #tpu.memory_space<semaphore_mem>>) src(%dma_wait3A_561 : memref<200x128xi32, #tpu.memory_space<hbm>>) dst(%arg5 : memref<200x128xi32, #tpu.memory_space<vmem>>)
      tpu.yield
    }) : () -> ()
    %iota3A = tpu.iota {dimensions = array<i32: 0>} : vector<16xi32>
    %add3A_3 = arith.constant 0 : i32
    %add3A_4 = vector.broadcast %add3A_3 : i32 to vector<16xi32>
    %add3A_5 = arith.addi %add3A_4, %iota3A : vector<16xi32>
    %iota3A_6 = tpu.iota {dimensions = array<i32: 0>} : vector<16xi32>
    %add3A_7 = arith.constant 16 : i32
    %add3A_8 = vector.broadcast %add3A_7 : i32 to vector<16xi32>
    %add3A_9 = arith.addi %add3A_8, %iota3A_6 : vector<16xi32>
    %iota3A_10 = tpu.iota {dimensions = array<i32: 0>} : vector<16xi32>
    %add3A_11 = arith.constant 32 : i32
    %add3A_12 = vector.broadcast %add3A_11 : i32 to vector<16xi32>
    %add3A_13 = arith.addi %add3A_12, %iota3A_10 : vector<16xi32>
    %iota3A_14 = tpu.iota {dimensions = array<i32: 0>} : vector<16xi32>
    %add3A_15 = arith.constant 48 : i32
    %add3A_16 = vector.broadcast %add3A_15 : i32 to vector<16xi32>
    %add3A_17 = arith.addi %add3A_16, %iota3A_14 : vector<16xi32>
    %dma_start3A = arith.constant 0 : i32
    %dma_start3A_18 = arith.constant 0 : i32
    %dma_start3A_19 = tpu.memref_slice %arg5[%dma_start3A, %dma_start3A_18] : memref<200x128xi32, #tpu.memory_space<vmem>> -> memref<1x128xi32, #tpu.memory_space<vmem>>
    %dma_start3A_20 = tpu.memref_squeeze %dma_start3A_19 : memref<1x128xi32, #tpu.memory_space<vmem>> -> memref<128xi32, #tpu.memory_space<vmem>>
    %dma_start3A_21 = arith.constant 0 : i32
    %dma_start3A_22 = arith.constant 0 : i32
    %dma_start3A_23 = tpu.memref_slice %arg2[%dma_start3A_21, %dma_start3A_22] : memref<1000000x64xf32, #tpu.memory_space<hbm>> -> memref<1000000x64xf32, #tpu.memory_space<hbm>>
    tpu.enqueue_indirect_dma source(%dma_start3A_23 : memref<1000000x64xf32, #tpu.memory_space<hbm>>) target(%arg6 : memref<128x64xf32, #tpu.memory_space<vmem>>) offsets(%dma_start3A_20 : memref<128xi32, #tpu.memory_space<vmem>>) semaphore(%arg14 : memref<!tpu.dma_semaphore, #tpu.memory_space<semaphore_mem>>)
    %dma_start3A_24 = arith.constant 1 : i32
    %dma_start3A_25 = arith.constant 0 : i32
    %dma_start3A_26 = tpu.memref_slice %arg5[%dma_start3A_24, %dma_start3A_25] : memref<200x128xi32, #tpu.memory_space<vmem>> -> memref<1x128xi32, #tpu.memory_space<vmem>>
    %dma_start3A_27 = tpu.memref_squeeze %dma_start3A_26 : memref<1x128xi32, #tpu.memory_space<vmem>> -> memref<128xi32, #tpu.memory_space<vmem>>
    %dma_start3A_28 = arith.constant 0 : i32
    %dma_start3A_29 = arith.constant 0 : i32
    %dma_start3A_30 = tpu.memref_slice %arg2[%dma_start3A_28, %dma_start3A_29] : memref<1000000x64xf32, #tpu.memory_space<hbm>> -> memref<1000000x64xf32, #tpu.memory_space<hbm>>
    tpu.enqueue_indirect_dma source(%dma_start3A_30 : memref<1000000x64xf32, #tpu.memory_space<hbm>>) target(%arg7 : memref<128x64xf32, #tpu.memory_space<vmem>>) offsets(%dma_start3A_27 : memref<128xi32, #tpu.memory_space<vmem>>) semaphore(%arg15 : memref<!tpu.dma_semaphore, #tpu.memory_space<semaphore_mem>>)
    %dma_start3A_31 = arith.constant 2 : i32
    %dma_start3A_32 = arith.constant 0 : i32
    %dma_start3A_33 = tpu.memref_slice %arg5[%dma_start3A_31, %dma_start3A_32] : memref<200x128xi32, #tpu.memory_space<vmem>> -> memref<1x128xi32, #tpu.memory_space<vmem>>
    %dma_start3A_34 = tpu.memref_squeeze %dma_start3A_33 : memref<1x128xi32, #tpu.memory_space<vmem>> -> memref<128xi32, #tpu.memory_space<vmem>>
    %dma_start3A_35 = arith.constant 0 : i32
    %dma_start3A_36 = arith.constant 0 : i32
    %dma_start3A_37 = tpu.memref_slice %arg2[%dma_start3A_35, %dma_start3A_36] : memref<1000000x64xf32, #tpu.memory_space<hbm>> -> memref<1000000x64xf32, #tpu.memory_space<hbm>>
    tpu.enqueue_indirect_dma source(%dma_start3A_37 : memref<1000000x64xf32, #tpu.memory_space<hbm>>) target(%arg8 : memref<128x64xf32, #tpu.memory_space<vmem>>) offsets(%dma_start3A_34 : memref<128xi32, #tpu.memory_space<vmem>>) semaphore(%arg16 : memref<!tpu.dma_semaphore, #tpu.memory_space<semaphore_mem>>)
    %scan3A = arith.constant 0 : i32
    %scan3A_38 = arith.constant 0 : i32
    %scan3A_39 = arith.constant 50 : i32
    %scan3A_40 = arith.addi %scan3A_38, %scan3A_39 : i32
    %scan3A_41 = arith.constant 1 : i32
    scf.for %scan3A_554 = %scan3A_38 to %scan3A_40 step %scan3A_41  : i32 {
      %mul3A_555 = arith.constant 4 : i32
      %mul3A_556 = arith.muli %mul3A_555, %scan3A_554 : i32
      %add3A_557 = arith.constant 0 : i32
      %add3A_558 = arith.addi %mul3A_556, %add3A_557 : i32
      %lt3A = arith.constant 197 : i32
      %lt3A_559 = arith.cmpi slt, %add3A_558, %lt3A : i32
      %convert_element_type3A = arith.extui %lt3A_559 : i1 to i32
      %cond3A = arith.constant 0 : i32
      %cond3A_560 = arith.cmpi ne, %convert_element_type3A, %cond3A : i32
      scf.if %cond3A_560 {
        %add3A_1126 = arith.constant 3 : i32
        %add3A_1127 = arith.addi %add3A_558, %add3A_1126 : i32
        %dma_start3A_1128 = arith.constant 0 : i32
        %dma_start3A_1129 = tpu.memref_slice %arg5[%add3A_1127, %dma_start3A_1128] : memref<200x128xi32, #tpu.memory_space<vmem>> -> memref<1x128xi32, #tpu.memory_space<vmem>>
        %dma_start3A_1130 = tpu.memref_squeeze %dma_start3A_1129 : memref<1x128xi32, #tpu.memory_space<vmem>> -> memref<128xi32, #tpu.memory_space<vmem>>
        %dma_start3A_1131 = arith.constant 0 : i32
        %dma_start3A_1132 = arith.constant 0 : i32
        %dma_start3A_1133 = tpu.memref_slice %arg2[%dma_start3A_1131, %dma_start3A_1132] : memref<1000000x64xf32, #tpu.memory_space<hbm>> -> memref<1000000x64xf32, #tpu.memory_space<hbm>>
        tpu.enqueue_indirect_dma source(%dma_start3A_1133 : memref<1000000x64xf32, #tpu.memory_space<hbm>>) target(%arg9 : memref<128x64xf32, #tpu.memory_space<vmem>>) offsets(%dma_start3A_1130 : memref<128xi32, #tpu.memory_space<vmem>>) semaphore(%arg17 : memref<!tpu.dma_semaphore, #tpu.memory_space<semaphore_mem>>)
      } else {
      }
      %dma_wait3A_561 = arith.constant 0 : i32
      %dma_wait3A_562 = arith.constant 0 : i32
      %dma_wait3A_563 = tpu.memref_slice %arg5[%dma_wait3A_561, %dma_wait3A_562] : memref<200x128xi32, #tpu.memory_space<vmem>> -> memref<1x128xi32, #tpu.memory_space<vmem>>
      %dma_wait3A_564 = tpu.memref_squeeze %dma_wait3A_563 : memref<1x128xi32, #tpu.memory_space<vmem>> -> memref<128xi32, #tpu.memory_space<vmem>>
      %dma_wait3A_565 = arith.constant 0 : i32
      %dma_wait3A_566 = arith.constant 0 : i32
      %dma_wait3A_567 = tpu.memref_slice %arg2[%dma_wait3A_565, %dma_wait3A_566] : memref<1000000x64xf32, #tpu.memory_space<hbm>> -> memref<1000000x64xf32, #tpu.memory_space<hbm>>
      tpu.wait_indirect_dma semaphore(%arg14 : memref<!tpu.dma_semaphore, #tpu.memory_space<semaphore_mem>>) src(%dma_wait3A_567 : memref<1000000x64xf32, #tpu.memory_space<hbm>>) dst(%arg6 : memref<128x64xf32, #tpu.memory_space<vmem>>)
      %ge3A = arith.constant 4 : i32
      %ge3A_568 = arith.cmpi sge, %add3A_558, %ge3A : i32
      %convert_element_type3A_569 = arith.extui %ge3A_568 : i1 to i32
      %cond3A_570 = arith.constant 0 : i32
      %cond3A_571 = arith.cmpi ne, %convert_element_type3A_569, %cond3A_570 : i32
      scf.if %cond3A_571 {
        %dma_wait3A_1126 = arith.constant 0 : i32
        %dma_wait3A_1127 = arith.constant 0 : i32
        %dma_wait3A_1128 = arith.constant 0 : i32
        %dma_wait3A_1129 = arith.constant 0 : i32
        %dma_wait3A_1130 = tpu.memref_slice %arg10[%dma_wait3A_1128, %dma_wait3A_1129] : memref<64x129xf32, #tpu.memory_space<vmem>> -> memref<8x128xf32, #tpu.memory_space<vmem>>
        %dma_wait3A_1131 = arith.constant 0 : i32
        %dma_wait3A_1132 = arith.constant 0 : i32
        %dma_wait3A_1133 = tpu.memref_slice %arg4[%dma_wait3A_1126, %dma_wait3A_1127, %add3A, %dma_wait3A_1131, %dma_wait3A_1132] : memref<200x8x32x8x128xf32, #tpu.memory_space<hbm>> -> memref<1x1x1x8x128xf32, #tpu.memory_space<hbm>>
        %dma_wait3A_1134 = tpu.memref_squeeze %dma_wait3A_1133 : memref<1x1x1x8x128xf32, #tpu.memory_space<hbm>> -> memref<8x128xf32, #tpu.memory_space<hbm>>
        %dma_wait3A_1135 = arith.constant 0 : i32
        %dma_wait3A_1136 = arith.constant 0 : i32
        %dma_wait3A_1137 = tpu.memref_slice %arg4[%dma_wait3A_1126, %dma_wait3A_1127, %add3A, %dma_wait3A_1135, %dma_wait3A_1136] : memref<200x8x32x8x128xf32, #tpu.memory_space<hbm>> -> memref<1x1x1x8x128xf32, #tpu.memory_space<hbm>>
        %dma_wait3A_1138 = tpu.memref_squeeze %dma_wait3A_1137 : memref<1x1x1x8x128xf32, #tpu.memory_space<hbm>> -> memref<8x128xf32, #tpu.memory_space<hbm>>
        %dma_wait3A_1139 = arith.constant 0 : i32
        %dma_wait3A_1140 = arith.constant 0 : i32
        %dma_wait3A_1141 = tpu.memref_slice %arg10[%dma_wait3A_1139, %dma_wait3A_1140] : memref<64x129xf32, #tpu.memory_space<vmem>> -> memref<8x128xf32, #tpu.memory_space<vmem>>
        tpu.wait_dma2 semaphore(%arg18 : memref<!tpu.dma_semaphore, #tpu.memory_space<semaphore_mem>>) src(%dma_wait3A_1141 : memref<8x128xf32, #tpu.memory_space<vmem>>) dst(%dma_wait3A_1138 : memref<8x128xf32, #tpu.memory_space<hbm>>)
        %dma_wait3A_1142 = arith.constant 0 : i32
        %dma_wait3A_1143 = arith.constant 1 : i32
        %dma_wait3A_1144 = arith.constant 8 : i32
        %dma_wait3A_1145 = arith.constant 0 : i32
        %dma_wait3A_1146 = tpu.memref_slice %arg10[%dma_wait3A_1144, %dma_wait3A_1145] : memref<64x129xf32, #tpu.memory_space<vmem>> -> memref<8x128xf32, #tpu.memory_space<vmem>>
        %dma_wait3A_1147 = arith.constant 0 : i32
        %dma_wait3A_1148 = arith.constant 0 : i32
        %dma_wait3A_1149 = tpu.memref_slice %arg4[%dma_wait3A_1142, %dma_wait3A_1143, %add3A, %dma_wait3A_1147, %dma_wait3A_1148] : memref<200x8x32x8x128xf32, #tpu.memory_space<hbm>> -> memref<1x1x1x8x128xf32, #tpu.memory_space<hbm>>
        %dma_wait3A_1150 = tpu.memref_squeeze %dma_wait3A_1149 : memref<1x1x1x8x128xf32, #tpu.memory_space<hbm>> -> memref<8x128xf32, #tpu.memory_space<hbm>>
        %dma_wait3A_1151 = arith.constant 0 : i32
        %dma_wait3A_1152 = arith.constant 0 : i32
        %dma_wait3A_1153 = tpu.memref_slice %arg4[%dma_wait3A_1142, %dma_wait3A_1143, %add3A, %dma_wait3A_1151, %dma_wait3A_1152] : memref<200x8x32x8x128xf32, #tpu.memory_space<hbm>> -> memref<1x1x1x8x128xf32, #tpu.memory_space<hbm>>
        %dma_wait3A_1154 = tpu.memref_squeeze %dma_wait3A_1153 : memref<1x1x1x8x128xf32, #tpu.memory_space<hbm>> -> memref<8x128xf32, #tpu.memory_space<hbm>>
        %dma_wait3A_1155 = arith.constant 8 : i32
        %dma_wait3A_1156 = arith.constant 0 : i32
        %dma_wait3A_1157 = tpu.memref_slice %arg10[%dma_wait3A_1155, %dma_wait3A_1156] : memref<64x129xf32, #tpu.memory_space<vmem>> -> memref<8x128xf32, #tpu.memory_space<vmem>>
        tpu.wait_dma2 semaphore(%arg18 : memref<!tpu.dma_semaphore, #tpu.memory_space<semaphore_mem>>) src(%dma_wait3A_1157 : memref<8x128xf32, #tpu.memory_space<vmem>>) dst(%dma_wait3A_1154 : memref<8x128xf32, #tpu.memory_space<hbm>>)
        %dma_wait3A_1158 = arith.constant 0 : i32
        %dma_wait3A_1159 = arith.constant 2 : i32
        %dma_wait3A_1160 = arith.constant 16 : i32
        %dma_wait3A_1161 = arith.constant 0 : i32
        %dma_wait3A_1162 = tpu.memref_slice %arg10[%dma_wait3A_1160, %dma_wait3A_1161] : memref<64x129xf32, #tpu.memory_space<vmem>> -> memref<8x128xf32, #tpu.memory_space<vmem>>
        %dma_wait3A_1163 = arith.constant 0 : i32
        %dma_wait3A_1164 = arith.constant 0 : i32
        %dma_wait3A_1165 = tpu.memref_slice %arg4[%dma_wait3A_1158, %dma_wait3A_1159, %add3A, %dma_wait3A_1163, %dma_wait3A_1164] : memref<200x8x32x8x128xf32, #tpu.memory_space<hbm>> -> memref<1x1x1x8x128xf32, #tpu.memory_space<hbm>>
        %dma_wait3A_1166 = tpu.memref_squeeze %dma_wait3A_1165 : memref<1x1x1x8x128xf32, #tpu.memory_space<hbm>> -> memref<8x128xf32, #tpu.memory_space<hbm>>
        %dma_wait3A_1167 = arith.constant 0 : i32
        %dma_wait3A_1168 = arith.constant 0 : i32
        %dma_wait3A_1169 = tpu.memref_slice %arg4[%dma_wait3A_1158, %dma_wait3A_1159, %add3A, %dma_wait3A_1167, %dma_wait3A_1168] : memref<200x8x32x8x128xf32, #tpu.memory_space<hbm>> -> memref<1x1x1x8x128xf32, #tpu.memory_space<hbm>>
        %dma_wait3A_1170 = tpu.memref_squeeze %dma_wait3A_1169 : memref<1x1x1x8x128xf32, #tpu.memory_space<hbm>> -> memref<8x128xf32, #tpu.memory_space<hbm>>
        %dma_wait3A_1171 = arith.constant 16 : i32
        %dma_wait3A_1172 = arith.constant 0 : i32
        %dma_wait3A_1173 = tpu.memref_slice %arg10[%dma_wait3A_1171, %dma_wait3A_1172] : memref<64x129xf32, #tpu.memory_space<vmem>> -> memref<8x128xf32, #tpu.memory_space<vmem>>
        tpu.wait_dma2 semaphore(%arg18 : memref<!tpu.dma_semaphore, #tpu.memory_space<semaphore_mem>>) src(%dma_wait3A_1173 : memref<8x128xf32, #tpu.memory_space<vmem>>) dst(%dma_wait3A_1170 : memref<8x128xf32, #tpu.memory_space<hbm>>)
        %dma_wait3A_1174 = arith.constant 0 : i32
        %dma_wait3A_1175 = arith.constant 3 : i32
        %dma_wait3A_1176 = arith.constant 24 : i32
        %dma_wait3A_1177 = arith.constant 0 : i32
        %dma_wait3A_1178 = tpu.memref_slice %arg10[%dma_wait3A_1176, %dma_wait3A_1177] : memref<64x129xf32, #tpu.memory_space<vmem>> -> memref<8x128xf32, #tpu.memory_space<vmem>>
        %dma_wait3A_1179 = arith.constant 0 : i32
        %dma_wait3A_1180 = arith.constant 0 : i32
        %dma_wait3A_1181 = tpu.memref_slice %arg4[%dma_wait3A_1174, %dma_wait3A_1175, %add3A, %dma_wait3A_1179, %dma_wait3A_1180] : memref<200x8x32x8x128xf32, #tpu.memory_space<hbm>> -> memref<1x1x1x8x128xf32, #tpu.memory_space<hbm>>
        %dma_wait3A_1182 = tpu.memref_squeeze %dma_wait3A_1181 : memref<1x1x1x8x128xf32, #tpu.memory_space<hbm>> -> memref<8x128xf32, #tpu.memory_space<hbm>>
        %dma_wait3A_1183 = arith.constant 0 : i32
        %dma_wait3A_1184 = arith.constant 0 : i32
        %dma_wait3A_1185 = tpu.memref_slice %arg4[%dma_wait3A_1174, %dma_wait3A_1175, %add3A, %dma_wait3A_1183, %dma_wait3A_1184] : memref<200x8x32x8x128xf32, #tpu.memory_space<hbm>> -> memref<1x1x1x8x128xf32, #tpu.memory_space<hbm>>
        %dma_wait3A_1186 = tpu.memref_squeeze %dma_wait3A_1185 : memref<1x1x1x8x128xf32, #tpu.memory_space<hbm>> -> memref<8x128xf32, #tpu.memory_space<hbm>>
        %dma_wait3A_1187 = arith.constant 24 : i32
        %dma_wait3A_1188 = arith.constant 0 : i32
        %dma_wait3A_1189 = tpu.memref_slice %arg10[%dma_wait3A_1187, %dma_wait3A_1188] : memref<64x129xf32, #tpu.memory_space<vmem>> -> memref<8x128xf32, #tpu.memory_space<vmem>>
        tpu.wait_dma2 semaphore(%arg18 : memref<!tpu.dma_semaphore, #tpu.memory_space<semaphore_mem>>) src(%dma_wait3A_1189 : memref<8x128xf32, #tpu.memory_space<vmem>>) dst(%dma_wait3A_1186 : memref<8x128xf32, #tpu.memory_space<hbm>>)
        %dma_wait3A_1190 = arith.constant 0 : i32
        %dma_wait3A_1191 = arith.constant 4 : i32
        %dma_wait3A_1192 = arith.constant 32 : i32
        %dma_wait3A_1193 = arith.constant 0 : i32
        %dma_wait3A_1194 = tpu.memref_slice %arg10[%dma_wait3A_1192, %dma_wait3A_1193] : memref<64x129xf32, #tpu.memory_space<vmem>> -> memref<8x128xf32, #tpu.memory_space<vmem>>
        %dma_wait3A_1195 = arith.constant 0 : i32
        %dma_wait3A_1196 = arith.constant 0 : i32
        %dma_wait3A_1197 = tpu.memref_slice %arg4[%dma_wait3A_1190, %dma_wait3A_1191, %add3A, %dma_wait3A_1195, %dma_wait3A_1196] : memref<200x8x32x8x128xf32, #tpu.memory_space<hbm>> -> memref<1x1x1x8x128xf32, #tpu.memory_space<hbm>>
        %dma_wait3A_1198 = tpu.memref_squeeze %dma_wait3A_1197 : memref<1x1x1x8x128xf32, #tpu.memory_space<hbm>> -> memref<8x128xf32, #tpu.memory_space<hbm>>
        %dma_wait3A_1199 = arith.constant 0 : i32
        %dma_wait3A_1200 = arith.constant 0 : i32
        %dma_wait3A_1201 = tpu.memref_slice %arg4[%dma_wait3A_1190, %dma_wait3A_1191, %add3A, %dma_wait3A_1199, %dma_wait3A_1200] : memref<200x8x32x8x128xf32, #tpu.memory_space<hbm>> -> memref<1x1x1x8x128xf32, #tpu.memory_space<hbm>>
        %dma_wait3A_1202 = tpu.memref_squeeze %dma_wait3A_1201 : memref<1x1x1x8x128xf32, #tpu.memory_space<hbm>> -> memref<8x128xf32, #tpu.memory_space<hbm>>
        %dma_wait3A_1203 = arith.constant 32 : i32
        %dma_wait3A_1204 = arith.constant 0 : i32
        %dma_wait3A_1205 = tpu.memref_slice %arg10[%dma_wait3A_1203, %dma_wait3A_1204] : memref<64x129xf32, #tpu.memory_space<vmem>> -> memref<8x128xf32, #tpu.memory_space<vmem>>
        tpu.wait_dma2 semaphore(%arg18 : memref<!tpu.dma_semaphore, #tpu.memory_space<semaphore_mem>>) src(%dma_wait3A_1205 : memref<8x128xf32, #tpu.memory_space<vmem>>) dst(%dma_wait3A_1202 : memref<8x128xf32, #tpu.memory_space<hbm>>)
        %dma_wait3A_1206 = arith.constant 0 : i32
        %dma_wait3A_1207 = arith.constant 5 : i32
        %dma_wait3A_1208 = arith.constant 40 : i32
        %dma_wait3A_1209 = arith.constant 0 : i32
        %dma_wait3A_1210 = tpu.memref_slice %arg10[%dma_wait3A_1208, %dma_wait3A_1209] : memref<64x129xf32, #tpu.memory_space<vmem>> -> memref<8x128xf32, #tpu.memory_space<vmem>>
        %dma_wait3A_1211 = arith.constant 0 : i32
        %dma_wait3A_1212 = arith.constant 0 : i32
        %dma_wait3A_1213 = tpu.memref_slice %arg4[%dma_wait3A_1206, %dma_wait3A_1207, %add3A, %dma_wait3A_1211, %dma_wait3A_1212] : memref<200x8x32x8x128xf32, #tpu.memory_space<hbm>> -> memref<1x1x1x8x128xf32, #tpu.memory_space<hbm>>
        %dma_wait3A_1214 = tpu.memref_squeeze %dma_wait3A_1213 : memref<1x1x1x8x128xf32, #tpu.memory_space<hbm>> -> memref<8x128xf32, #tpu.memory_space<hbm>>
        %dma_wait3A_1215 = arith.constant 0 : i32
        %dma_wait3A_1216 = arith.constant 0 : i32
        %dma_wait3A_1217 = tpu.memref_slice %arg4[%dma_wait3A_1206, %dma_wait3A_1207, %add3A, %dma_wait3A_1215, %dma_wait3A_1216] : memref<200x8x32x8x128xf32, #tpu.memory_space<hbm>> -> memref<1x1x1x8x128xf32, #tpu.memory_space<hbm>>
        %dma_wait3A_1218 = tpu.memref_squeeze %dma_wait3A_1217 : memref<1x1x1x8x128xf32, #tpu.memory_space<hbm>> -> memref<8x128xf32, #tpu.memory_space<hbm>>
        %dma_wait3A_1219 = arith.constant 40 : i32
        %dma_wait3A_1220 = arith.constant 0 : i32
        %dma_wait3A_1221 = tpu.memref_slice %arg10[%dma_wait3A_1219, %dma_wait3A_1220] : memref<64x129xf32, #tpu.memory_space<vmem>> -> memref<8x128xf32, #tpu.memory_space<vmem>>
        tpu.wait_dma2 semaphore(%arg18 : memref<!tpu.dma_semaphore, #tpu.memory_space<semaphore_mem>>) src(%dma_wait3A_1221 : memref<8x128xf32, #tpu.memory_space<vmem>>) dst(%dma_wait3A_1218 : memref<8x128xf32, #tpu.memory_space<hbm>>)
        %dma_wait3A_1222 = arith.constant 0 : i32
        %dma_wait3A_1223 = arith.constant 6 : i32
        %dma_wait3A_1224 = arith.constant 48 : i32
        %dma_wait3A_1225 = arith.constant 0 : i32
        %dma_wait3A_1226 = tpu.memref_slice %arg10[%dma_wait3A_1224, %dma_wait3A_1225] : memref<64x129xf32, #tpu.memory_space<vmem>> -> memref<8x128xf32, #tpu.memory_space<vmem>>
        %dma_wait3A_1227 = arith.constant 0 : i32
        %dma_wait3A_1228 = arith.constant 0 : i32
        %dma_wait3A_1229 = tpu.memref_slice %arg4[%dma_wait3A_1222, %dma_wait3A_1223, %add3A, %dma_wait3A_1227, %dma_wait3A_1228] : memref<200x8x32x8x128xf32, #tpu.memory_space<hbm>> -> memref<1x1x1x8x128xf32, #tpu.memory_space<hbm>>
        %dma_wait3A_1230 = tpu.memref_squeeze %dma_wait3A_1229 : memref<1x1x1x8x128xf32, #tpu.memory_space<hbm>> -> memref<8x128xf32, #tpu.memory_space<hbm>>
        %dma_wait3A_1231 = arith.constant 0 : i32
        %dma_wait3A_1232 = arith.constant 0 : i32
        %dma_wait3A_1233 = tpu.memref_slice %arg4[%dma_wait3A_1222, %dma_wait3A_1223, %add3A, %dma_wait3A_1231, %dma_wait3A_1232] : memref<200x8x32x8x128xf32, #tpu.memory_space<hbm>> -> memref<1x1x1x8x128xf32, #tpu.memory_space<hbm>>
        %dma_wait3A_1234 = tpu.memref_squeeze %dma_wait3A_1233 : memref<1x1x1x8x128xf32, #tpu.memory_space<hbm>> -> memref<8x128xf32, #tpu.memory_space<hbm>>
        %dma_wait3A_1235 = arith.constant 48 : i32
        %dma_wait3A_1236 = arith.constant 0 : i32
        %dma_wait3A_1237 = tpu.memref_slice %arg10[%dma_wait3A_1235, %dma_wait3A_1236] : memref<64x129xf32, #tpu.memory_space<vmem>> -> memref<8x128xf32, #tpu.memory_space<vmem>>
        tpu.wait_dma2 semaphore(%arg18 : memref<!tpu.dma_semaphore, #tpu.memory_space<semaphore_mem>>) src(%dma_wait3A_1237 : memref<8x128xf32, #tpu.memory_space<vmem>>) dst(%dma_wait3A_1234 : memref<8x128xf32, #tpu.memory_space<hbm>>)
        %dma_wait3A_1238 = arith.constant 0 : i32
        %dma_wait3A_1239 = arith.constant 7 : i32
        %dma_wait3A_1240 = arith.constant 56 : i32
        %dma_wait3A_1241 = arith.constant 0 : i32
        %dma_wait3A_1242 = tpu.memref_slice %arg10[%dma_wait3A_1240, %dma_wait3A_1241] : memref<64x129xf32, #tpu.memory_space<vmem>> -> memref<8x128xf32, #tpu.memory_space<vmem>>
        %dma_wait3A_1243 = arith.constant 0 : i32
        %dma_wait3A_1244 = arith.constant 0 : i32
        %dma_wait3A_1245 = tpu.memref_slice %arg4[%dma_wait3A_1238, %dma_wait3A_1239, %add3A, %dma_wait3A_1243, %dma_wait3A_1244] : memref<200x8x32x8x128xf32, #tpu.memory_space<hbm>> -> memref<1x1x1x8x128xf32, #tpu.memory_space<hbm>>
        %dma_wait3A_1246 = tpu.memref_squeeze %dma_wait3A_1245 : memref<1x1x1x8x128xf32, #tpu.memory_space<hbm>> -> memref<8x128xf32, #tpu.memory_space<hbm>>
        %dma_wait3A_1247 = arith.constant 0 : i32
        %dma_wait3A_1248 = arith.constant 0 : i32
        %dma_wait3A_1249 = tpu.memref_slice %arg4[%dma_wait3A_1238, %dma_wait3A_1239, %add3A, %dma_wait3A_1247, %dma_wait3A_1248] : memref<200x8x32x8x128xf32, #tpu.memory_space<hbm>> -> memref<1x1x1x8x128xf32, #tpu.memory_space<hbm>>
        %dma_wait3A_1250 = tpu.memref_squeeze %dma_wait3A_1249 : memref<1x1x1x8x128xf32, #tpu.memory_space<hbm>> -> memref<8x128xf32, #tpu.memory_space<hbm>>
        %dma_wait3A_1251 = arith.constant 56 : i32
        %dma_wait3A_1252 = arith.constant 0 : i32
        %dma_wait3A_1253 = tpu.memref_slice %arg10[%dma_wait3A_1251, %dma_wait3A_1252] : memref<64x129xf32, #tpu.memory_space<vmem>> -> memref<8x128xf32, #tpu.memory_space<vmem>>
        tpu.wait_dma2 semaphore(%arg18 : memref<!tpu.dma_semaphore, #tpu.memory_space<semaphore_mem>>) src(%dma_wait3A_1253 : memref<8x128xf32, #tpu.memory_space<vmem>>) dst(%dma_wait3A_1250 : memref<8x128xf32, #tpu.memory_space<hbm>>)
      } else {
      }
      %parallel_loop3A = arith.constant 0 : i32
      %parallel_loop3A_572 = arith.constant 128 : i32
      %parallel_loop3A_573 = arith.constant 1 : i32
      scf.for %parallel_loop3A_1126 = %parallel_loop3A to %parallel_loop3A_572 step %parallel_loop3A_573  : i32 {
        %parallel_loop3A_1127 = vector.broadcast %parallel_loop3A_1126 : i32 to vector<16xi32>
        %parallel_loop3A_1128 = arith.index_cast %parallel_loop3A_1126 : i32 to index
        %parallel_loop3A_1129 = arith.constant 0 : index
        %parallel_loop3A_1130 = tpu.vector_load %arg6[%parallel_loop3A_1128, %parallel_loop3A_1129] {strides = array<i32>} : memref<128x64xf32, #tpu.memory_space<vmem>>, vector<16xf32>,
        %parallel_loop3A_1131 = arith.constant 8.000000e+00 : f32
        %parallel_loop3A_1132 = vector.broadcast %parallel_loop3A_1131 : f32 to vector<16xf32>
        %parallel_loop3A_1133 = arith.mulf %parallel_loop3A_1130, %parallel_loop3A_1132 : vector<16xf32>
        tpu.vector_store_idx %arg10[%add3A_5, %parallel_loop3A_1127], %parallel_loop3A_1133 : memref<64x129xf32, #tpu.memory_space<vmem>>[vector<16xi32>, vector<16xi32>], vector<16xf32>,
        %parallel_loop3A_1134 = arith.index_cast %parallel_loop3A_1126 : i32 to index
        %parallel_loop3A_1135 = arith.constant 16 : index
        %parallel_loop3A_1136 = tpu.vector_load %arg6[%parallel_loop3A_1134, %parallel_loop3A_1135] {strides = array<i32>} : memref<128x64xf32, #tpu.memory_space<vmem>>, vector<16xf32>,
        %parallel_loop3A_1137 = arith.constant 8.000000e+00 : f32
        %parallel_loop3A_1138 = vector.broadcast %parallel_loop3A_1137 : f32 to vector<16xf32>
        %parallel_loop3A_1139 = arith.mulf %parallel_loop3A_1136, %parallel_loop3A_1138 : vector<16xf32>
        tpu.vector_store_idx %arg10[%add3A_9, %parallel_loop3A_1127], %parallel_loop3A_1139 : memref<64x129xf32, #tpu.memory_space<vmem>>[vector<16xi32>, vector<16xi32>], vector<16xf32>,
        %parallel_loop3A_1140 = arith.index_cast %parallel_loop3A_1126 : i32 to index
        %parallel_loop3A_1141 = arith.constant 32 : index
        %parallel_loop3A_1142 = tpu.vector_load %arg6[%parallel_loop3A_1140, %parallel_loop3A_1141] {strides = array<i32>} : memref<128x64xf32, #tpu.memory_space<vmem>>, vector<16xf32>,
        %parallel_loop3A_1143 = arith.constant 8.000000e+00 : f32
        %parallel_loop3A_1144 = vector.broadcast %parallel_loop3A_1143 : f32 to vector<16xf32>
        %parallel_loop3A_1145 = arith.mulf %parallel_loop3A_1142, %parallel_loop3A_1144 : vector<16xf32>
        tpu.vector_store_idx %arg10[%add3A_13, %parallel_loop3A_1127], %parallel_loop3A_1145 : memref<64x129xf32, #tpu.memory_space<vmem>>[vector<16xi32>, vector<16xi32>], vector<16xf32>,
        %parallel_loop3A_1146 = arith.index_cast %parallel_loop3A_1126 : i32 to index
        %parallel_loop3A_1147 = arith.constant 48 : index
        %parallel_loop3A_1148 = tpu.vector_load %arg6[%parallel_loop3A_1146, %parallel_loop3A_1147] {strides = array<i32>} : memref<128x64xf32, #tpu.memory_space<vmem>>, vector<16xf32>,
        %parallel_loop3A_1149 = arith.constant 8.000000e+00 : f32
        %parallel_loop3A_1150 = vector.broadcast %parallel_loop3A_1149 : f32 to vector<16xf32>
        %parallel_loop3A_1151 = arith.mulf %parallel_loop3A_1148, %parallel_loop3A_1150 : vector<16xf32>
        tpu.vector_store_idx %arg10[%add3A_17, %parallel_loop3A_1127], %parallel_loop3A_1151 : memref<64x129xf32, #tpu.memory_space<vmem>>[vector<16xi32>, vector<16xi32>], vector<16xf32>,
      } {sc.loop_unroll_factor = 4 : i64, sc.parallel_access}
      %dma_start3A_574 = arith.constant 0 : i32
      %dma_start3A_575 = arith.constant 0 : i32
      %dma_start3A_576 = arith.constant 0 : i32
      %dma_start3A_577 = tpu.memref_slice %arg10[%dma_start3A_575, %dma_start3A_576] : memref<64x129xf32, #tpu.memory_space<vmem>> -> memref<8x128xf32, #tpu.memory_space<vmem>>
      %dma_start3A_578 = arith.constant 0 : i32
      %dma_start3A_579 = arith.constant 0 : i32
      %dma_start3A_580 = tpu.memref_slice %arg4[%add3A_558, %dma_start3A_574, %add3A, %dma_start3A_578, %dma_start3A_579] : memref<200x8x32x8x128xf32, #tpu.memory_space<hbm>> -> memref<1x1x1x8x128xf32, #tpu.memory_space<hbm>>
      %dma_start3A_581 = tpu.memref_squeeze %dma_start3A_580 : memref<1x1x1x8x128xf32, #tpu.memory_space<hbm>> -> memref<8x128xf32, #tpu.memory_space<hbm>>
      %dma_start3A_582 = arith.constant 0 : i32
      %dma_start3A_583 = arith.constant 0 : i32
      %dma_start3A_584 = tpu.memref_slice %arg4[%add3A_558, %dma_start3A_574, %add3A, %dma_start3A_582, %dma_start3A_583] : memref<200x8x32x8x128xf32, #tpu.memory_space<hbm>> -> memref<1x1x1x8x128xf32, #tpu.memory_space<hbm>>
      %dma_start3A_585 = tpu.memref_squeeze %dma_start3A_584 : memref<1x1x1x8x128xf32, #tpu.memory_space<hbm>> -> memref<8x128xf32, #tpu.memory_space<hbm>>
      %dma_start3A_586 = arith.constant 0 : i32
      %dma_start3A_587 = arith.constant 0 : i32
      %dma_start3A_588 = tpu.memref_slice %arg10[%dma_start3A_586, %dma_start3A_587] : memref<64x129xf32, #tpu.memory_space<vmem>> -> memref<8x128xf32, #tpu.memory_space<vmem>>
      tpu.enqueue_dma source(%dma_start3A_588 : memref<8x128xf32, #tpu.memory_space<vmem>>) target(%dma_start3A_585 : memref<8x128xf32, #tpu.memory_space<hbm>>) target_semaphore(%arg18 : memref<!tpu.dma_semaphore, #tpu.memory_space<semaphore_mem>>)
      %dma_start3A_589 = arith.constant 1 : i32
      %dma_start3A_590 = arith.constant 8 : i32
      %dma_start3A_591 = arith.constant 0 : i32
      %dma_start3A_592 = tpu.memref_slice %arg10[%dma_start3A_590, %dma_start3A_591] : memref<64x129xf32, #tpu.memory_space<vmem>> -> memref<8x128xf32, #tpu.memory_space<vmem>>
      %dma_start3A_593 = arith.constant 0 : i32
      %dma_start3A_594 = arith.constant 0 : i32
      %dma_start3A_595 = tpu.memref_slice %arg4[%add3A_558, %dma_start3A_589, %add3A, %dma_start3A_593, %dma_start3A_594] : memref<200x8x32x8x128xf32, #tpu.memory_space<hbm>> -> memref<1x1x1x8x128xf32, #tpu.memory_space<hbm>>
      %dma_start3A_596 = tpu.memref_squeeze %dma_start3A_595 : memref<1x1x1x8x128xf32, #tpu.memory_space<hbm>> -> memref<8x128xf32, #tpu.memory_space<hbm>>
      %dma_start3A_597 = arith.constant 0 : i32
      %dma_start3A_598 = arith.constant 0 : i32
      %dma_start3A_599 = tpu.memref_slice %arg4[%add3A_558, %dma_start3A_589, %add3A, %dma_start3A_597, %dma_start3A_598] : memref<200x8x32x8x128xf32, #tpu.memory_space<hbm>> -> memref<1x1x1x8x128xf32, #tpu.memory_space<hbm>>
      %dma_start3A_600 = tpu.memref_squeeze %dma_start3A_599 : memref<1x1x1x8x128xf32, #tpu.memory_space<hbm>> -> memref<8x128xf32, #tpu.memory_space<hbm>>
      %dma_start3A_601 = arith.constant 8 : i32
      %dma_start3A_602 = arith.constant 0 : i32
      %dma_start3A_603 = tpu.memref_slice %arg10[%dma_start3A_601, %dma_start3A_602] : memref<64x129xf32, #tpu.memory_space<vmem>> -> memref<8x128xf32, #tpu.memory_space<vmem>>
      tpu.enqueue_dma source(%dma_start3A_603 : memref<8x128xf32, #tpu.memory_space<vmem>>) target(%dma_start3A_600 : memref<8x128xf32, #tpu.memory_space<hbm>>) target_semaphore(%arg18 : memref<!tpu.dma_semaphore, #tpu.memory_space<semaphore_mem>>)
      %dma_start3A_604 = arith.constant 2 : i32
      %dma_start3A_605 = arith.constant 16 : i32
      %dma_start3A_606 = arith.constant 0 : i32
      %dma_start3A_607 = tpu.memref_slice %arg10[%dma_start3A_605, %dma_start3A_606] : memref<64x129xf32, #tpu.memory_space<vmem>> -> memref<8x128xf32, #tpu.memory_space<vmem>>
      %dma_start3A_608 = arith.constant 0 : i32
      %dma_start3A_609 = arith.constant 0 : i32
      %dma_start3A_610 = tpu.memref_slice %arg4[%add3A_558, %dma_start3A_604, %add3A, %dma_start3A_608, %dma_start3A_609] : memref<200x8x32x8x128xf32, #tpu.memory_space<hbm>> -> memref<1x1x1x8x128xf32, #tpu.memory_space<hbm>>
      %dma_start3A_611 = tpu.memref_squeeze %dma_start3A_610 : memref<1x1x1x8x128xf32, #tpu.memory_space<hbm>> -> memref<8x128xf32, #tpu.memory_space<hbm>>
      %dma_start3A_612 = arith.constant 0 : i32
      %dma_start3A_613 = arith.constant 0 : i32
      %dma_start3A_614 = tpu.memref_slice %arg4[%add3A_558, %dma_start3A_604, %add3A, %dma_start3A_612, %dma_start3A_613] : memref<200x8x32x8x128xf32, #tpu.memory_space<hbm>> -> memref<1x1x1x8x128xf32, #tpu.memory_space<hbm>>
      %dma_start3A_615 = tpu.memref_squeeze %dma_start3A_614 : memref<1x1x1x8x128xf32, #tpu.memory_space<hbm>> -> memref<8x128xf32, #tpu.memory_space<hbm>>
      %dma_start3A_616 = arith.constant 16 : i32
      %dma_start3A_617 = arith.constant 0 : i32
      %dma_start3A_618 = tpu.memref_slice %arg10[%dma_start3A_616, %dma_start3A_617] : memref<64x129xf32, #tpu.memory_space<vmem>> -> memref<8x128xf32, #tpu.memory_space<vmem>>
      tpu.enqueue_dma source(%dma_start3A_618 : memref<8x128xf32, #tpu.memory_space<vmem>>) target(%dma_start3A_615 : memref<8x128xf32, #tpu.memory_space<hbm>>) target_semaphore(%arg18 : memref<!tpu.dma_semaphore, #tpu.memory_space<semaphore_mem>>)
      %dma_start3A_619 = arith.constant 3 : i32
      %dma_start3A_620 = arith.constant 24 : i32
      %dma_start3A_621 = arith.constant 0 : i32
      %dma_start3A_622 = tpu.memref_slice %arg10[%dma_start3A_620, %dma_start3A_621] : memref<64x129xf32, #tpu.memory_space<vmem>> -> memref<8x128xf32, #tpu.memory_space<vmem>>
      %dma_start3A_623 = arith.constant 0 : i32
      %dma_start3A_624 = arith.constant 0 : i32
      %dma_start3A_625 = tpu.memref_slice %arg4[%add3A_558, %dma_start3A_619, %add3A, %dma_start3A_623, %dma_start3A_624] : memref<200x8x32x8x128xf32, #tpu.memory_space<hbm>> -> memref<1x1x1x8x128xf32, #tpu.memory_space<hbm>>
      %dma_start3A_626 = tpu.memref_squeeze %dma_start3A_625 : memref<1x1x1x8x128xf32, #tpu.memory_space<hbm>> -> memref<8x128xf32, #tpu.memory_space<hbm>>
      %dma_start3A_627 = arith.constant 0 : i32
      %dma_start3A_628 = arith.constant 0 : i32
      %dma_start3A_629 = tpu.memref_slice %arg4[%add3A_558, %dma_start3A_619, %add3A, %dma_start3A_627, %dma_start3A_628] : memref<200x8x32x8x128xf32, #tpu.memory_space<hbm>> -> memref<1x1x1x8x128xf32, #tpu.memory_space<hbm>>
      %dma_start3A_630 = tpu.memref_squeeze %dma_start3A_629 : memref<1x1x1x8x128xf32, #tpu.memory_space<hbm>> -> memref<8x128xf32, #tpu.memory_space<hbm>>
      %dma_start3A_631 = arith.constant 24 : i32
      %dma_start3A_632 = arith.constant 0 : i32
      %dma_start3A_633 = tpu.memref_slice %arg10[%dma_start3A_631, %dma_start3A_632] : memref<64x129xf32, #tpu.memory_space<vmem>> -> memref<8x128xf32, #tpu.memory_space<vmem>>
      tpu.enqueue_dma source(%dma_start3A_633 : memref<8x128xf32, #tpu.memory_space<vmem>>) target(%dma_start3A_630 : memref<8x128xf32, #tpu.memory_space<hbm>>) target_semaphore(%arg18 : memref<!tpu.dma_semaphore, #tpu.memory_space<semaphore_mem>>)
      %dma_start3A_634 = arith.constant 4 : i32
      %dma_start3A_635 = arith.constant 32 : i32
      %dma_start3A_636 = arith.constant 0 : i32
      %dma_start3A_637 = tpu.memref_slice %arg10[%dma_start3A_635, %dma_start3A_636] : memref<64x129xf32, #tpu.memory_space<vmem>> -> memref<8x128xf32, #tpu.memory_space<vmem>>
      %dma_start3A_638 = arith.constant 0 : i32
      %dma_start3A_639 = arith.constant 0 : i32
      %dma_start3A_640 = tpu.memref_slice %arg4[%add3A_558, %dma_start3A_634, %add3A, %dma_start3A_638, %dma_start3A_639] : memref<200x8x32x8x128xf32, #tpu.memory_space<hbm>> -> memref<1x1x1x8x128xf32, #tpu.memory_space<hbm>>
      %dma_start3A_641 = tpu.memref_squeeze %dma_start3A_640 : memref<1x1x1x8x128xf32, #tpu.memory_space<hbm>> -> memref<8x128xf32, #tpu.memory_space<hbm>>
      %dma_start3A_642 = arith.constant 0 : i32
      %dma_start3A_643 = arith.constant 0 : i32
      %dma_start3A_644 = tpu.memref_slice %arg4[%add3A_558, %dma_start3A_634, %add3A, %dma_start3A_642, %dma_start3A_643] : memref<200x8x32x8x128xf32, #tpu.memory_space<hbm>> -> memref<1x1x1x8x128xf32, #tpu.memory_space<hbm>>
      %dma_start3A_645 = tpu.memref_squeeze %dma_start3A_644 : memref<1x1x1x8x128xf32, #tpu.memory_space<hbm>> -> memref<8x128xf32, #tpu.memory_space<hbm>>
      %dma_start3A_646 = arith.constant 32 : i32
      %dma_start3A_647 = arith.constant 0 : i32
      %dma_start3A_648 = tpu.memref_slice %arg10[%dma_start3A_646, %dma_start3A_647] : memref<64x129xf32, #tpu.memory_space<vmem>> -> memref<8x128xf32, #tpu.memory_space<vmem>>
      tpu.enqueue_dma source(%dma_start3A_648 : memref<8x128xf32, #tpu.memory_space<vmem>>) target(%dma_start3A_645 : memref<8x128xf32, #tpu.memory_space<hbm>>) target_semaphore(%arg18 : memref<!tpu.dma_semaphore, #tpu.memory_space<semaphore_mem>>)
      %dma_start3A_649 = arith.constant 5 : i32
      %dma_start3A_650 = arith.constant 40 : i32
      %dma_start3A_651 = arith.constant 0 : i32
      %dma_start3A_652 = tpu.memref_slice %arg10[%dma_start3A_650, %dma_start3A_651] : memref<64x129xf32, #tpu.memory_space<vmem>> -> memref<8x128xf32, #tpu.memory_space<vmem>>
      %dma_start3A_653 = arith.constant 0 : i32
      %dma_start3A_654 = arith.constant 0 : i32
      %dma_start3A_655 = tpu.memref_slice %arg4[%add3A_558, %dma_start3A_649, %add3A, %dma_start3A_653, %dma_start3A_654] : memref<200x8x32x8x128xf32, #tpu.memory_space<hbm>> -> memref<1x1x1x8x128xf32, #tpu.memory_space<hbm>>
      %dma_start3A_656 = tpu.memref_squeeze %dma_start3A_655 : memref<1x1x1x8x128xf32, #tpu.memory_space<hbm>> -> memref<8x128xf32, #tpu.memory_space<hbm>>
      %dma_start3A_657 = arith.constant 0 : i32
      %dma_start3A_658 = arith.constant 0 : i32
      %dma_start3A_659 = tpu.memref_slice %arg4[%add3A_558, %dma_start3A_649, %add3A, %dma_start3A_657, %dma_start3A_658] : memref<200x8x32x8x128xf32, #tpu.memory_space<hbm>> -> memref<1x1x1x8x128xf32, #tpu.memory_space<hbm>>
      %dma_start3A_660 = tpu.memref_squeeze %dma_start3A_659 : memref<1x1x1x8x128xf32, #tpu.memory_space<hbm>> -> memref<8x128xf32, #tpu.memory_space<hbm>>
      %dma_start3A_661 = arith.constant 40 : i32
      %dma_start3A_662 = arith.constant 0 : i32
      %dma_start3A_663 = tpu.memref_slice %arg10[%dma_start3A_661, %dma_start3A_662] : memref<64x129xf32, #tpu.memory_space<vmem>> -> memref<8x128xf32, #tpu.memory_space<vmem>>
      tpu.enqueue_dma source(%dma_start3A_663 : memref<8x128xf32, #tpu.memory_space<vmem>>) target(%dma_start3A_660 : memref<8x128xf32, #tpu.memory_space<hbm>>) target_semaphore(%arg18 : memref<!tpu.dma_semaphore, #tpu.memory_space<semaphore_mem>>)
      %dma_start3A_664 = arith.constant 6 : i32
      %dma_start3A_665 = arith.constant 48 : i32
      %dma_start3A_666 = arith.constant 0 : i32
      %dma_start3A_667 = tpu.memref_slice %arg10[%dma_start3A_665, %dma_start3A_666] : memref<64x129xf32, #tpu.memory_space<vmem>> -> memref<8x128xf32, #tpu.memory_space<vmem>>
      %dma_start3A_668 = arith.constant 0 : i32
      %dma_start3A_669 = arith.constant 0 : i32
      %dma_start3A_670 = tpu.memref_slice %arg4[%add3A_558, %dma_start3A_664, %add3A, %dma_start3A_668, %dma_start3A_669] : memref<200x8x32x8x128xf32, #tpu.memory_space<hbm>> -> memref<1x1x1x8x128xf32, #tpu.memory_space<hbm>>
      %dma_start3A_671 = tpu.memref_squeeze %dma_start3A_670 : memref<1x1x1x8x128xf32, #tpu.memory_space<hbm>> -> memref<8x128xf32, #tpu.memory_space<hbm>>
      %dma_start3A_672 = arith.constant 0 : i32
      %dma_start3A_673 = arith.constant 0 : i32
      %dma_start3A_674 = tpu.memref_slice %arg4[%add3A_558, %dma_start3A_664, %add3A, %dma_start3A_672, %dma_start3A_673] : memref<200x8x32x8x128xf32, #tpu.memory_space<hbm>> -> memref<1x1x1x8x128xf32, #tpu.memory_space<hbm>>
      %dma_start3A_675 = tpu.memref_squeeze %dma_start3A_674 : memref<1x1x1x8x128xf32, #tpu.memory_space<hbm>> -> memref<8x128xf32, #tpu.memory_space<hbm>>
      %dma_start3A_676 = arith.constant 48 : i32
      %dma_start3A_677 = arith.constant 0 : i32
      %dma_start3A_678 = tpu.memref_slice %arg10[%dma_start3A_676, %dma_start3A_677] : memref<64x129xf32, #tpu.memory_space<vmem>> -> memref<8x128xf32, #tpu.memory_space<vmem>>
      tpu.enqueue_dma source(%dma_start3A_678 : memref<8x128xf32, #tpu.memory_space<vmem>>) target(%dma_start3A_675 : memref<8x128xf32, #tpu.memory_space<hbm>>) target_semaphore(%arg18 : memref<!tpu.dma_semaphore, #tpu.memory_space<semaphore_mem>>)
      %dma_start3A_679 = arith.constant 7 : i32
      %dma_start3A_680 = arith.constant 56 : i32
      %dma_start3A_681 = arith.constant 0 : i32
      %dma_start3A_682 = tpu.memref_slice %arg10[%dma_start3A_680, %dma_start3A_681] : memref<64x129xf32, #tpu.memory_space<vmem>> -> memref<8x128xf32, #tpu.memory_space<vmem>>
      %dma_start3A_683 = arith.constant 0 : i32
      %dma_start3A_684 = arith.constant 0 : i32
      %dma_start3A_685 = tpu.memref_slice %arg4[%add3A_558, %dma_start3A_679, %add3A, %dma_start3A_683, %dma_start3A_684] : memref<200x8x32x8x128xf32, #tpu.memory_space<hbm>> -> memref<1x1x1x8x128xf32, #tpu.memory_space<hbm>>
      %dma_start3A_686 = tpu.memref_squeeze %dma_start3A_685 : memref<1x1x1x8x128xf32, #tpu.memory_space<hbm>> -> memref<8x128xf32, #tpu.memory_space<hbm>>
      %dma_start3A_687 = arith.constant 0 : i32
      %dma_start3A_688 = arith.constant 0 : i32
      %dma_start3A_689 = tpu.memref_slice %arg4[%add3A_558, %dma_start3A_679, %add3A, %dma_start3A_687, %dma_start3A_688] : memref<200x8x32x8x128xf32, #tpu.memory_space<hbm>> -> memref<1x1x1x8x128xf32, #tpu.memory_space<hbm>>
      %dma_start3A_690 = tpu.memref_squeeze %dma_start3A_689 : memref<1x1x1x8x128xf32, #tpu.memory_space<hbm>> -> memref<8x128xf32, #tpu.memory_space<hbm>>
      %dma_start3A_691 = arith.constant 56 : i32
      %dma_start3A_692 = arith.constant 0 : i32
      %dma_start3A_693 = tpu.memref_slice %arg10[%dma_start3A_691, %dma_start3A_692] : memref<64x129xf32, #tpu.memory_space<vmem>> -> memref<8x128xf32, #tpu.memory_space<vmem>>
      tpu.enqueue_dma source(%dma_start3A_693 : memref<8x128xf32, #tpu.memory_space<vmem>>) target(%dma_start3A_690 : memref<8x128xf32, #tpu.memory_space<hbm>>) target_semaphore(%arg18 : memref<!tpu.dma_semaphore, #tpu.memory_space<semaphore_mem>>)
      %mul3A_694 = arith.constant 4 : i32
      %mul3A_695 = arith.muli %mul3A_694, %scan3A_554 : i32
      %add3A_696 = arith.constant 1 : i32
      %add3A_697 = arith.addi %mul3A_695, %add3A_696 : i32
      %lt3A_698 = arith.constant 197 : i32
      %lt3A_699 = arith.cmpi slt, %add3A_697, %lt3A_698 : i32
      %convert_element_type3A_700 = arith.extui %lt3A_699 : i1 to i32
      %cond3A_701 = arith.constant 0 : i32
      %cond3A_702 = arith.cmpi ne, %convert_element_type3A_700, %cond3A_701 : i32
      scf.if %cond3A_702 {
        %add3A_1126 = arith.constant 3 : i32
        %add3A_1127 = arith.addi %add3A_697, %add3A_1126 : i32
        %dma_start3A_1128 = arith.constant 0 : i32
        %dma_start3A_1129 = tpu.memref_slice %arg5[%add3A_1127, %dma_start3A_1128] : memref<200x128xi32, #tpu.memory_space<vmem>> -> memref<1x128xi32, #tpu.memory_space<vmem>>
        %dma_start3A_1130 = tpu.memref_squeeze %dma_start3A_1129 : memref<1x128xi32, #tpu.memory_space<vmem>> -> memref<128xi32, #tpu.memory_space<vmem>>
        %dma_start3A_1131 = arith.constant 0 : i32
        %dma_start3A_1132 = arith.constant 0 : i32
        %dma_start3A_1133 = tpu.memref_slice %arg2[%dma_start3A_1131, %dma_start3A_1132] : memref<1000000x64xf32, #tpu.memory_space<hbm>> -> memref<1000000x64xf32, #tpu.memory_space<hbm>>
        tpu.enqueue_indirect_dma source(%dma_start3A_1133 : memref<1000000x64xf32, #tpu.memory_space<hbm>>) target(%arg6 : memref<128x64xf32, #tpu.memory_space<vmem>>) offsets(%dma_start3A_1130 : memref<128xi32, #tpu.memory_space<vmem>>) semaphore(%arg14 : memref<!tpu.dma_semaphore, #tpu.memory_space<semaphore_mem>>)
      } else {
      }
      %dma_wait3A_703 = arith.constant 0 : i32
      %dma_wait3A_704 = arith.constant 0 : i32
      %dma_wait3A_705 = tpu.memref_slice %arg5[%dma_wait3A_703, %dma_wait3A_704] : memref<200x128xi32, #tpu.memory_space<vmem>> -> memref<1x128xi32, #tpu.memory_space<vmem>>
      %dma_wait3A_706 = tpu.memref_squeeze %dma_wait3A_705 : memref<1x128xi32, #tpu.memory_space<vmem>> -> memref<128xi32, #tpu.memory_space<vmem>>
      %dma_wait3A_707 = arith.constant 0 : i32
      %dma_wait3A_708 = arith.constant 0 : i32
      %dma_wait3A_709 = tpu.memref_slice %arg2[%dma_wait3A_707, %dma_wait3A_708] : memref<1000000x64xf32, #tpu.memory_space<hbm>> -> memref<1000000x64xf32, #tpu.memory_space<hbm>>
      tpu.wait_indirect_dma semaphore(%arg15 : memref<!tpu.dma_semaphore, #tpu.memory_space<semaphore_mem>>) src(%dma_wait3A_709 : memref<1000000x64xf32, #tpu.memory_space<hbm>>) dst(%arg7 : memref<128x64xf32, #tpu.memory_space<vmem>>)
      %ge3A_710 = arith.constant 4 : i32
      %ge3A_711 = arith.cmpi sge, %add3A_697, %ge3A_710 : i32
      %convert_element_type3A_712 = arith.extui %ge3A_711 : i1 to i32
      %cond3A_713 = arith.constant 0 : i32
      %cond3A_714 = arith.cmpi ne, %convert_element_type3A_712, %cond3A_713 : i32
      scf.if %cond3A_714 {
        %dma_wait3A_1126 = arith.constant 0 : i32
        %dma_wait3A_1127 = arith.constant 0 : i32
        %dma_wait3A_1128 = arith.constant 0 : i32
        %dma_wait3A_1129 = arith.constant 0 : i32
        %dma_wait3A_1130 = tpu.memref_slice %arg11[%dma_wait3A_1128, %dma_wait3A_1129] : memref<64x129xf32, #tpu.memory_space<vmem>> -> memref<8x128xf32, #tpu.memory_space<vmem>>
        %dma_wait3A_1131 = arith.constant 0 : i32
        %dma_wait3A_1132 = arith.constant 0 : i32
        %dma_wait3A_1133 = tpu.memref_slice %arg4[%dma_wait3A_1126, %dma_wait3A_1127, %add3A, %dma_wait3A_1131, %dma_wait3A_1132] : memref<200x8x32x8x128xf32, #tpu.memory_space<hbm>> -> memref<1x1x1x8x128xf32, #tpu.memory_space<hbm>>
        %dma_wait3A_1134 = tpu.memref_squeeze %dma_wait3A_1133 : memref<1x1x1x8x128xf32, #tpu.memory_space<hbm>> -> memref<8x128xf32, #tpu.memory_space<hbm>>
        %dma_wait3A_1135 = arith.constant 0 : i32
        %dma_wait3A_1136 = arith.constant 0 : i32
        %dma_wait3A_1137 = tpu.memref_slice %arg4[%dma_wait3A_1126, %dma_wait3A_1127, %add3A, %dma_wait3A_1135, %dma_wait3A_1136] : memref<200x8x32x8x128xf32, #tpu.memory_space<hbm>> -> memref<1x1x1x8x128xf32, #tpu.memory_space<hbm>>
        %dma_wait3A_1138 = tpu.memref_squeeze %dma_wait3A_1137 : memref<1x1x1x8x128xf32, #tpu.memory_space<hbm>> -> memref<8x128xf32, #tpu.memory_space<hbm>>
        %dma_wait3A_1139 = arith.constant 0 : i32
        %dma_wait3A_1140 = arith.constant 0 : i32
        %dma_wait3A_1141 = tpu.memref_slice %arg11[%dma_wait3A_1139, %dma_wait3A_1140] : memref<64x129xf32, #tpu.memory_space<vmem>> -> memref<8x128xf32, #tpu.memory_space<vmem>>
        tpu.wait_dma2 semaphore(%arg19 : memref<!tpu.dma_semaphore, #tpu.memory_space<semaphore_mem>>) src(%dma_wait3A_1141 : memref<8x128xf32, #tpu.memory_space<vmem>>) dst(%dma_wait3A_1138 : memref<8x128xf32, #tpu.memory_space<hbm>>)
        %dma_wait3A_1142 = arith.constant 0 : i32
        %dma_wait3A_1143 = arith.constant 1 : i32
        %dma_wait3A_1144 = arith.constant 8 : i32
        %dma_wait3A_1145 = arith.constant 0 : i32
        %dma_wait3A_1146 = tpu.memref_slice %arg11[%dma_wait3A_1144, %dma_wait3A_1145] : memref<64x129xf32, #tpu.memory_space<vmem>> -> memref<8x128xf32, #tpu.memory_space<vmem>>
        %dma_wait3A_1147 = arith.constant 0 : i32
        %dma_wait3A_1148 = arith.constant 0 : i32
        %dma_wait3A_1149 = tpu.memref_slice %arg4[%dma_wait3A_1142, %dma_wait3A_1143, %add3A, %dma_wait3A_1147, %dma_wait3A_1148] : memref<200x8x32x8x128xf32, #tpu.memory_space<hbm>> -> memref<1x1x1x8x128xf32, #tpu.memory_space<hbm>>
        %dma_wait3A_1150 = tpu.memref_squeeze %dma_wait3A_1149 : memref<1x1x1x8x128xf32, #tpu.memory_space<hbm>> -> memref<8x128xf32, #tpu.memory_space<hbm>>
        %dma_wait3A_1151 = arith.constant 0 : i32
        %dma_wait3A_1152 = arith.constant 0 : i32
        %dma_wait3A_1153 = tpu.memref_slice %arg4[%dma_wait3A_1142, %dma_wait3A_1143, %add3A, %dma_wait3A_1151, %dma_wait3A_1152] : memref<200x8x32x8x128xf32, #tpu.memory_space<hbm>> -> memref<1x1x1x8x128xf32, #tpu.memory_space<hbm>>
        %dma_wait3A_1154 = tpu.memref_squeeze %dma_wait3A_1153 : memref<1x1x1x8x128xf32, #tpu.memory_space<hbm>> -> memref<8x128xf32, #tpu.memory_space<hbm>>
        %dma_wait3A_1155 = arith.constant 8 : i32
        %dma_wait3A_1156 = arith.constant 0 : i32
        %dma_wait3A_1157 = tpu.memref_slice %arg11[%dma_wait3A_1155, %dma_wait3A_1156] : memref<64x129xf32, #tpu.memory_space<vmem>> -> memref<8x128xf32, #tpu.memory_space<vmem>>
        tpu.wait_dma2 semaphore(%arg19 : memref<!tpu.dma_semaphore, #tpu.memory_space<semaphore_mem>>) src(%dma_wait3A_1157 : memref<8x128xf32, #tpu.memory_space<vmem>>) dst(%dma_wait3A_1154 : memref<8x128xf32, #tpu.memory_space<hbm>>)
        %dma_wait3A_1158 = arith.constant 0 : i32
        %dma_wait3A_1159 = arith.constant 2 : i32
        %dma_wait3A_1160 = arith.constant 16 : i32
        %dma_wait3A_1161 = arith.constant 0 : i32
        %dma_wait3A_1162 = tpu.memref_slice %arg11[%dma_wait3A_1160, %dma_wait3A_1161] : memref<64x129xf32, #tpu.memory_space<vmem>> -> memref<8x128xf32, #tpu.memory_space<vmem>>
        %dma_wait3A_1163 = arith.constant 0 : i32
        %dma_wait3A_1164 = arith.constant 0 : i32
        %dma_wait3A_1165 = tpu.memref_slice %arg4[%dma_wait3A_1158, %dma_wait3A_1159, %add3A, %dma_wait3A_1163, %dma_wait3A_1164] : memref<200x8x32x8x128xf32, #tpu.memory_space<hbm>> -> memref<1x1x1x8x128xf32, #tpu.memory_space<hbm>>
        %dma_wait3A_1166 = tpu.memref_squeeze %dma_wait3A_1165 : memref<1x1x1x8x128xf32, #tpu.memory_space<hbm>> -> memref<8x128xf32, #tpu.memory_space<hbm>>
        %dma_wait3A_1167 = arith.constant 0 : i32
        %dma_wait3A_1168 = arith.constant 0 : i32
        %dma_wait3A_1169 = tpu.memref_slice %arg4[%dma_wait3A_1158, %dma_wait3A_1159, %add3A, %dma_wait3A_1167, %dma_wait3A_1168] : memref<200x8x32x8x128xf32, #tpu.memory_space<hbm>> -> memref<1x1x1x8x128xf32, #tpu.memory_space<hbm>>
        %dma_wait3A_1170 = tpu.memref_squeeze %dma_wait3A_1169 : memref<1x1x1x8x128xf32, #tpu.memory_space<hbm>> -> memref<8x128xf32, #tpu.memory_space<hbm>>
        %dma_wait3A_1171 = arith.constant 16 : i32
        %dma_wait3A_1172 = arith.constant 0 : i32
        %dma_wait3A_1173 = tpu.memref_slice %arg11[%dma_wait3A_1171, %dma_wait3A_1172] : memref<64x129xf32, #tpu.memory_space<vmem>> -> memref<8x128xf32, #tpu.memory_space<vmem>>
        tpu.wait_dma2 semaphore(%arg19 : memref<!tpu.dma_semaphore, #tpu.memory_space<semaphore_mem>>) src(%dma_wait3A_1173 : memref<8x128xf32, #tpu.memory_space<vmem>>) dst(%dma_wait3A_1170 : memref<8x128xf32, #tpu.memory_space<hbm>>)
        %dma_wait3A_1174 = arith.constant 0 : i32
        %dma_wait3A_1175 = arith.constant 3 : i32
        %dma_wait3A_1176 = arith.constant 24 : i32
        %dma_wait3A_1177 = arith.constant 0 : i32
        %dma_wait3A_1178 = tpu.memref_slice %arg11[%dma_wait3A_1176, %dma_wait3A_1177] : memref<64x129xf32, #tpu.memory_space<vmem>> -> memref<8x128xf32, #tpu.memory_space<vmem>>
        %dma_wait3A_1179 = arith.constant 0 : i32
        %dma_wait3A_1180 = arith.constant 0 : i32
        %dma_wait3A_1181 = tpu.memref_slice %arg4[%dma_wait3A_1174, %dma_wait3A_1175, %add3A, %dma_wait3A_1179, %dma_wait3A_1180] : memref<200x8x32x8x128xf32, #tpu.memory_space<hbm>> -> memref<1x1x1x8x128xf32, #tpu.memory_space<hbm>>
        %dma_wait3A_1182 = tpu.memref_squeeze %dma_wait3A_1181 : memref<1x1x1x8x128xf32, #tpu.memory_space<hbm>> -> memref<8x128xf32, #tpu.memory_space<hbm>>
        %dma_wait3A_1183 = arith.constant 0 : i32
        %dma_wait3A_1184 = arith.constant 0 : i32
        %dma_wait3A_1185 = tpu.memref_slice %arg4[%dma_wait3A_1174, %dma_wait3A_1175, %add3A, %dma_wait3A_1183, %dma_wait3A_1184] : memref<200x8x32x8x128xf32, #tpu.memory_space<hbm>> -> memref<1x1x1x8x128xf32, #tpu.memory_space<hbm>>
        %dma_wait3A_1186 = tpu.memref_squeeze %dma_wait3A_1185 : memref<1x1x1x8x128xf32, #tpu.memory_space<hbm>> -> memref<8x128xf32, #tpu.memory_space<hbm>>
        %dma_wait3A_1187 = arith.constant 24 : i32
        %dma_wait3A_1188 = arith.constant 0 : i32
        %dma_wait3A_1189 = tpu.memref_slice %arg11[%dma_wait3A_1187, %dma_wait3A_1188] : memref<64x129xf32, #tpu.memory_space<vmem>> -> memref<8x128xf32, #tpu.memory_space<vmem>>
        tpu.wait_dma2 semaphore(%arg19 : memref<!tpu.dma_semaphore, #tpu.memory_space<semaphore_mem>>) src(%dma_wait3A_1189 : memref<8x128xf32, #tpu.memory_space<vmem>>) dst(%dma_wait3A_1186 : memref<8x128xf32, #tpu.memory_space<hbm>>)
        %dma_wait3A_1190 = arith.constant 0 : i32
        %dma_wait3A_1191 = arith.constant 4 : i32
        %dma_wait3A_1192 = arith.constant 32 : i32
        %dma_wait3A_1193 = arith.constant 0 : i32
        %dma_wait3A_1194 = tpu.memref_slice %arg11[%dma_wait3A_1192, %dma_wait3A_1193] : memref<64x129xf32, #tpu.memory_space<vmem>> -> memref<8x128xf32, #tpu.memory_space<vmem>>
        %dma_wait3A_1195 = arith.constant 0 : i32
        %dma_wait3A_1196 = arith.constant 0 : i32
        %dma_wait3A_1197 = tpu.memref_slice %arg4[%dma_wait3A_1190, %dma_wait3A_1191, %add3A, %dma_wait3A_1195, %dma_wait3A_1196] : memref<200x8x32x8x128xf32, #tpu.memory_space<hbm>> -> memref<1x1x1x8x128xf32, #tpu.memory_space<hbm>>
        %dma_wait3A_1198 = tpu.memref_squeeze %dma_wait3A_1197 : memref<1x1x1x8x128xf32, #tpu.memory_space<hbm>> -> memref<8x128xf32, #tpu.memory_space<hbm>>
        %dma_wait3A_1199 = arith.constant 0 : i32
        %dma_wait3A_1200 = arith.constant 0 : i32
        %dma_wait3A_1201 = tpu.memref_slice %arg4[%dma_wait3A_1190, %dma_wait3A_1191, %add3A, %dma_wait3A_1199, %dma_wait3A_1200] : memref<200x8x32x8x128xf32, #tpu.memory_space<hbm>> -> memref<1x1x1x8x128xf32, #tpu.memory_space<hbm>>
        %dma_wait3A_1202 = tpu.memref_squeeze %dma_wait3A_1201 : memref<1x1x1x8x128xf32, #tpu.memory_space<hbm>> -> memref<8x128xf32, #tpu.memory_space<hbm>>
        %dma_wait3A_1203 = arith.constant 32 : i32
        %dma_wait3A_1204 = arith.constant 0 : i32
        %dma_wait3A_1205 = tpu.memref_slice %arg11[%dma_wait3A_1203, %dma_wait3A_1204] : memref<64x129xf32, #tpu.memory_space<vmem>> -> memref<8x128xf32, #tpu.memory_space<vmem>>
        tpu.wait_dma2 semaphore(%arg19 : memref<!tpu.dma_semaphore, #tpu.memory_space<semaphore_mem>>) src(%dma_wait3A_1205 : memref<8x128xf32, #tpu.memory_space<vmem>>) dst(%dma_wait3A_1202 : memref<8x128xf32, #tpu.memory_space<hbm>>)
        %dma_wait3A_1206 = arith.constant 0 : i32
        %dma_wait3A_1207 = arith.constant 5 : i32
        %dma_wait3A_1208 = arith.constant 40 : i32
        %dma_wait3A_1209 = arith.constant 0 : i32
        %dma_wait3A_1210 = tpu.memref_slice %arg11[%dma_wait3A_1208, %dma_wait3A_1209] : memref<64x129xf32, #tpu.memory_space<vmem>> -> memref<8x128xf32, #tpu.memory_space<vmem>>
        %dma_wait3A_1211 = arith.constant 0 : i32
        %dma_wait3A_1212 = arith.constant 0 : i32
        %dma_wait3A_1213 = tpu.memref_slice %arg4[%dma_wait3A_1206, %dma_wait3A_1207, %add3A, %dma_wait3A_1211, %dma_wait3A_1212] : memref<200x8x32x8x128xf32, #tpu.memory_space<hbm>> -> memref<1x1x1x8x128xf32, #tpu.memory_space<hbm>>
        %dma_wait3A_1214 = tpu.memref_squeeze %dma_wait3A_1213 : memref<1x1x1x8x128xf32, #tpu.memory_space<hbm>> -> memref<8x128xf32, #tpu.memory_space<hbm>>
        %dma_wait3A_1215 = arith.constant 0 : i32
        %dma_wait3A_1216 = arith.constant 0 : i32
        %dma_wait3A_1217 = tpu.memref_slice %arg4[%dma_wait3A_1206, %dma_wait3A_1207, %add3A, %dma_wait3A_1215, %dma_wait3A_1216] : memref<200x8x32x8x128xf32, #tpu.memory_space<hbm>> -> memref<1x1x1x8x128xf32, #tpu.memory_space<hbm>>
        %dma_wait3A_1218 = tpu.memref_squeeze %dma_wait3A_1217 : memref<1x1x1x8x128xf32, #tpu.memory_space<hbm>> -> memref<8x128xf32, #tpu.memory_space<hbm>>
        %dma_wait3A_1219 = arith.constant 40 : i32
        %dma_wait3A_1220 = arith.constant 0 : i32
        %dma_wait3A_1221 = tpu.memref_slice %arg11[%dma_wait3A_1219, %dma_wait3A_1220] : memref<64x129xf32, #tpu.memory_space<vmem>> -> memref<8x128xf32, #tpu.memory_space<vmem>>
        tpu.wait_dma2 semaphore(%arg19 : memref<!tpu.dma_semaphore, #tpu.memory_space<semaphore_mem>>) src(%dma_wait3A_1221 : memref<8x128xf32, #tpu.memory_space<vmem>>) dst(%dma_wait3A_1218 : memref<8x128xf32, #tpu.memory_space<hbm>>)
        %dma_wait3A_1222 = arith.constant 0 : i32
        %dma_wait3A_1223 = arith.constant 6 : i32
        %dma_wait3A_1224 = arith.constant 48 : i32
        %dma_wait3A_1225 = arith.constant 0 : i32
        %dma_wait3A_1226 = tpu.memref_slice %arg11[%dma_wait3A_1224, %dma_wait3A_1225] : memref<64x129xf32, #tpu.memory_space<vmem>> -> memref<8x128xf32, #tpu.memory_space<vmem>>
        %dma_wait3A_1227 = arith.constant 0 : i32
        %dma_wait3A_1228 = arith.constant 0 : i32
        %dma_wait3A_1229 = tpu.memref_slice %arg4[%dma_wait3A_1222, %dma_wait3A_1223, %add3A, %dma_wait3A_1227, %dma_wait3A_1228] : memref<200x8x32x8x128xf32, #tpu.memory_space<hbm>> -> memref<1x1x1x8x128xf32, #tpu.memory_space<hbm>>
        %dma_wait3A_1230 = tpu.memref_squeeze %dma_wait3A_1229 : memref<1x1x1x8x128xf32, #tpu.memory_space<hbm>> -> memref<8x128xf32, #tpu.memory_space<hbm>>
        %dma_wait3A_1231 = arith.constant 0 : i32
        %dma_wait3A_1232 = arith.constant 0 : i32
        %dma_wait3A_1233 = tpu.memref_slice %arg4[%dma_wait3A_1222, %dma_wait3A_1223, %add3A, %dma_wait3A_1231, %dma_wait3A_1232] : memref<200x8x32x8x128xf32, #tpu.memory_space<hbm>> -> memref<1x1x1x8x128xf32, #tpu.memory_space<hbm>>
        %dma_wait3A_1234 = tpu.memref_squeeze %dma_wait3A_1233 : memref<1x1x1x8x128xf32, #tpu.memory_space<hbm>> -> memref<8x128xf32, #tpu.memory_space<hbm>>
        %dma_wait3A_1235 = arith.constant 48 : i32
        %dma_wait3A_1236 = arith.constant 0 : i32
        %dma_wait3A_1237 = tpu.memref_slice %arg11[%dma_wait3A_1235, %dma_wait3A_1236] : memref<64x129xf32, #tpu.memory_space<vmem>> -> memref<8x128xf32, #tpu.memory_space<vmem>>
        tpu.wait_dma2 semaphore(%arg19 : memref<!tpu.dma_semaphore, #tpu.memory_space<semaphore_mem>>) src(%dma_wait3A_1237 : memref<8x128xf32, #tpu.memory_space<vmem>>) dst(%dma_wait3A_1234 : memref<8x128xf32, #tpu.memory_space<hbm>>)
        %dma_wait3A_1238 = arith.constant 0 : i32
        %dma_wait3A_1239 = arith.constant 7 : i32
        %dma_wait3A_1240 = arith.constant 56 : i32
        %dma_wait3A_1241 = arith.constant 0 : i32
        %dma_wait3A_1242 = tpu.memref_slice %arg11[%dma_wait3A_1240, %dma_wait3A_1241] : memref<64x129xf32, #tpu.memory_space<vmem>> -> memref<8x128xf32, #tpu.memory_space<vmem>>
        %dma_wait3A_1243 = arith.constant 0 : i32
        %dma_wait3A_1244 = arith.constant 0 : i32
        %dma_wait3A_1245 = tpu.memref_slice %arg4[%dma_wait3A_1238, %dma_wait3A_1239, %add3A, %dma_wait3A_1243, %dma_wait3A_1244] : memref<200x8x32x8x128xf32, #tpu.memory_space<hbm>> -> memref<1x1x1x8x128xf32, #tpu.memory_space<hbm>>
        %dma_wait3A_1246 = tpu.memref_squeeze %dma_wait3A_1245 : memref<1x1x1x8x128xf32, #tpu.memory_space<hbm>> -> memref<8x128xf32, #tpu.memory_space<hbm>>
        %dma_wait3A_1247 = arith.constant 0 : i32
        %dma_wait3A_1248 = arith.constant 0 : i32
        %dma_wait3A_1249 = tpu.memref_slice %arg4[%dma_wait3A_1238, %dma_wait3A_1239, %add3A, %dma_wait3A_1247, %dma_wait3A_1248] : memref<200x8x32x8x128xf32, #tpu.memory_space<hbm>> -> memref<1x1x1x8x128xf32, #tpu.memory_space<hbm>>
        %dma_wait3A_1250 = tpu.memref_squeeze %dma_wait3A_1249 : memref<1x1x1x8x128xf32, #tpu.memory_space<hbm>> -> memref<8x128xf32, #tpu.memory_space<hbm>>
        %dma_wait3A_1251 = arith.constant 56 : i32
        %dma_wait3A_1252 = arith.constant 0 : i32
        %dma_wait3A_1253 = tpu.memref_slice %arg11[%dma_wait3A_1251, %dma_wait3A_1252] : memref<64x129xf32, #tpu.memory_space<vmem>> -> memref<8x128xf32, #tpu.memory_space<vmem>>
        tpu.wait_dma2 semaphore(%arg19 : memref<!tpu.dma_semaphore, #tpu.memory_space<semaphore_mem>>) src(%dma_wait3A_1253 : memref<8x128xf32, #tpu.memory_space<vmem>>) dst(%dma_wait3A_1250 : memref<8x128xf32, #tpu.memory_space<hbm>>)
      } else {
      }
      %parallel_loop3A_715 = arith.constant 0 : i32
      %parallel_loop3A_716 = arith.constant 128 : i32
      %parallel_loop3A_717 = arith.constant 1 : i32
      scf.for %parallel_loop3A_1126 = %parallel_loop3A_715 to %parallel_loop3A_716 step %parallel_loop3A_717  : i32 {
        %parallel_loop3A_1127 = vector.broadcast %parallel_loop3A_1126 : i32 to vector<16xi32>
        %parallel_loop3A_1128 = arith.index_cast %parallel_loop3A_1126 : i32 to index
        %parallel_loop3A_1129 = arith.constant 0 : index
        %parallel_loop3A_1130 = tpu.vector_load %arg7[%parallel_loop3A_1128, %parallel_loop3A_1129] {strides = array<i32>} : memref<128x64xf32, #tpu.memory_space<vmem>>, vector<16xf32>,
        %parallel_loop3A_1131 = arith.constant 8.000000e+00 : f32
        %parallel_loop3A_1132 = vector.broadcast %parallel_loop3A_1131 : f32 to vector<16xf32>
        %parallel_loop3A_1133 = arith.mulf %parallel_loop3A_1130, %parallel_loop3A_1132 : vector<16xf32>
        tpu.vector_store_idx %arg11[%add3A_5, %parallel_loop3A_1127], %parallel_loop3A_1133 : memref<64x129xf32, #tpu.memory_space<vmem>>[vector<16xi32>, vector<16xi32>], vector<16xf32>,
        %parallel_loop3A_1134 = arith.index_cast %parallel_loop3A_1126 : i32 to index
        %parallel_loop3A_1135 = arith.constant 16 : index
        %parallel_loop3A_1136 = tpu.vector_load %arg7[%parallel_loop3A_1134, %parallel_loop3A_1135] {strides = array<i32>} : memref<128x64xf32, #tpu.memory_space<vmem>>, vector<16xf32>,
        %parallel_loop3A_1137 = arith.constant 8.000000e+00 : f32
        %parallel_loop3A_1138 = vector.broadcast %parallel_loop3A_1137 : f32 to vector<16xf32>
        %parallel_loop3A_1139 = arith.mulf %parallel_loop3A_1136, %parallel_loop3A_1138 : vector<16xf32>
        tpu.vector_store_idx %arg11[%add3A_9, %parallel_loop3A_1127], %parallel_loop3A_1139 : memref<64x129xf32, #tpu.memory_space<vmem>>[vector<16xi32>, vector<16xi32>], vector<16xf32>,
        %parallel_loop3A_1140 = arith.index_cast %parallel_loop3A_1126 : i32 to index
        %parallel_loop3A_1141 = arith.constant 32 : index
        %parallel_loop3A_1142 = tpu.vector_load %arg7[%parallel_loop3A_1140, %parallel_loop3A_1141] {strides = array<i32>} : memref<128x64xf32, #tpu.memory_space<vmem>>, vector<16xf32>,
        %parallel_loop3A_1143 = arith.constant 8.000000e+00 : f32
        %parallel_loop3A_1144 = vector.broadcast %parallel_loop3A_1143 : f32 to vector<16xf32>
        %parallel_loop3A_1145 = arith.mulf %parallel_loop3A_1142, %parallel_loop3A_1144 : vector<16xf32>
        tpu.vector_store_idx %arg11[%add3A_13, %parallel_loop3A_1127], %parallel_loop3A_1145 : memref<64x129xf32, #tpu.memory_space<vmem>>[vector<16xi32>, vector<16xi32>], vector<16xf32>,
        %parallel_loop3A_1146 = arith.index_cast %parallel_loop3A_1126 : i32 to index
        %parallel_loop3A_1147 = arith.constant 48 : index
        %parallel_loop3A_1148 = tpu.vector_load %arg7[%parallel_loop3A_1146, %parallel_loop3A_1147] {strides = array<i32>} : memref<128x64xf32, #tpu.memory_space<vmem>>, vector<16xf32>,
        %parallel_loop3A_1149 = arith.constant 8.000000e+00 : f32
        %parallel_loop3A_1150 = vector.broadcast %parallel_loop3A_1149 : f32 to vector<16xf32>
        %parallel_loop3A_1151 = arith.mulf %parallel_loop3A_1148, %parallel_loop3A_1150 : vector<16xf32>
        tpu.vector_store_idx %arg11[%add3A_17, %parallel_loop3A_1127], %parallel_loop3A_1151 : memref<64x129xf32, #tpu.memory_space<vmem>>[vector<16xi32>, vector<16xi32>], vector<16xf32>,
      } {sc.loop_unroll_factor = 4 : i64, sc.parallel_access}
      %dma_start3A_718 = arith.constant 0 : i32
      %dma_start3A_719 = arith.constant 0 : i32
      %dma_start3A_720 = arith.constant 0 : i32
      %dma_start3A_721 = tpu.memref_slice %arg11[%dma_start3A_719, %dma_start3A_720] : memref<64x129xf32, #tpu.memory_space<vmem>> -> memref<8x128xf32, #tpu.memory_space<vmem>>
      %dma_start3A_722 = arith.constant 0 : i32
      %dma_start3A_723 = arith.constant 0 : i32
      %dma_start3A_724 = tpu.memref_slice %arg4[%add3A_697, %dma_start3A_718, %add3A, %dma_start3A_722, %dma_start3A_723] : memref<200x8x32x8x128xf32, #tpu.memory_space<hbm>> -> memref<1x1x1x8x128xf32, #tpu.memory_space<hbm>>
      %dma_start3A_725 = tpu.memref_squeeze %dma_start3A_724 : memref<1x1x1x8x128xf32, #tpu.memory_space<hbm>> -> memref<8x128xf32, #tpu.memory_space<hbm>>
      %dma_start3A_726 = arith.constant 0 : i32
      %dma_start3A_727 = arith.constant 0 : i32
      %dma_start3A_728 = tpu.memref_slice %arg4[%add3A_697, %dma_start3A_718, %add3A, %dma_start3A_726, %dma_start3A_727] : memref<200x8x32x8x128xf32, #tpu.memory_space<hbm>> -> memref<1x1x1x8x128xf32, #tpu.memory_space<hbm>>
      %dma_start3A_729 = tpu.memref_squeeze %dma_start3A_728 : memref<1x1x1x8x128xf32, #tpu.memory_space<hbm>> -> memref<8x128xf32, #tpu.memory_space<hbm>>
      %dma_start3A_730 = arith.constant 0 : i32
      %dma_start3A_731 = arith.constant 0 : i32
      %dma_start3A_732 = tpu.memref_slice %arg11[%dma_start3A_730, %dma_start3A_731] : memref<64x129xf32, #tpu.memory_space<vmem>> -> memref<8x128xf32, #tpu.memory_space<vmem>>
      tpu.enqueue_dma source(%dma_start3A_732 : memref<8x128xf32, #tpu.memory_space<vmem>>) target(%dma_start3A_729 : memref<8x128xf32, #tpu.memory_space<hbm>>) target_semaphore(%arg19 : memref<!tpu.dma_semaphore, #tpu.memory_space<semaphore_mem>>)
      %dma_start3A_733 = arith.constant 1 : i32
      %dma_start3A_734 = arith.constant 8 : i32
      %dma_start3A_735 = arith.constant 0 : i32
      %dma_start3A_736 = tpu.memref_slice %arg11[%dma_start3A_734, %dma_start3A_735] : memref<64x129xf32, #tpu.memory_space<vmem>> -> memref<8x128xf32, #tpu.memory_space<vmem>>
      %dma_start3A_737 = arith.constant 0 : i32
      %dma_start3A_738 = arith.constant 0 : i32
      %dma_start3A_739 = tpu.memref_slice %arg4[%add3A_697, %dma_start3A_733, %add3A, %dma_start3A_737, %dma_start3A_738] : memref<200x8x32x8x128xf32, #tpu.memory_space<hbm>> -> memref<1x1x1x8x128xf32, #tpu.memory_space<hbm>>
      %dma_start3A_740 = tpu.memref_squeeze %dma_start3A_739 : memref<1x1x1x8x128xf32, #tpu.memory_space<hbm>> -> memref<8x128xf32, #tpu.memory_space<hbm>>
      %dma_start3A_741 = arith.constant 0 : i32
      %dma_start3A_742 = arith.constant 0 : i32
      %dma_start3A_743 = tpu.memref_slice %arg4[%add3A_697, %dma_start3A_733, %add3A, %dma_start3A_741, %dma_start3A_742] : memref<200x8x32x8x128xf32, #tpu.memory_space<hbm>> -> memref<1x1x1x8x128xf32, #tpu.memory_space<hbm>>
      %dma_start3A_744 = tpu.memref_squeeze %dma_start3A_743 : memref<1x1x1x8x128xf32, #tpu.memory_space<hbm>> -> memref<8x128xf32, #tpu.memory_space<hbm>>
      %dma_start3A_745 = arith.constant 8 : i32
      %dma_start3A_746 = arith.constant 0 : i32
      %dma_start3A_747 = tpu.memref_slice %arg11[%dma_start3A_745, %dma_start3A_746] : memref<64x129xf32, #tpu.memory_space<vmem>> -> memref<8x128xf32, #tpu.memory_space<vmem>>
      tpu.enqueue_dma source(%dma_start3A_747 : memref<8x128xf32, #tpu.memory_space<vmem>>) target(%dma_start3A_744 : memref<8x128xf32, #tpu.memory_space<hbm>>) target_semaphore(%arg19 : memref<!tpu.dma_semaphore, #tpu.memory_space<semaphore_mem>>)
      %dma_start3A_748 = arith.constant 2 : i32
      %dma_start3A_749 = arith.constant 16 : i32
      %dma_start3A_750 = arith.constant 0 : i32
      %dma_start3A_751 = tpu.memref_slice %arg11[%dma_start3A_749, %dma_start3A_750] : memref<64x129xf32, #tpu.memory_space<vmem>> -> memref<8x128xf32, #tpu.memory_space<vmem>>
      %dma_start3A_752 = arith.constant 0 : i32
      %dma_start3A_753 = arith.constant 0 : i32
      %dma_start3A_754 = tpu.memref_slice %arg4[%add3A_697, %dma_start3A_748, %add3A, %dma_start3A_752, %dma_start3A_753] : memref<200x8x32x8x128xf32, #tpu.memory_space<hbm>> -> memref<1x1x1x8x128xf32, #tpu.memory_space<hbm>>
      %dma_start3A_755 = tpu.memref_squeeze %dma_start3A_754 : memref<1x1x1x8x128xf32, #tpu.memory_space<hbm>> -> memref<8x128xf32, #tpu.memory_space<hbm>>
      %dma_start3A_756 = arith.constant 0 : i32
      %dma_start3A_757 = arith.constant 0 : i32
      %dma_start3A_758 = tpu.memref_slice %arg4[%add3A_697, %dma_start3A_748, %add3A, %dma_start3A_756, %dma_start3A_757] : memref<200x8x32x8x128xf32, #tpu.memory_space<hbm>> -> memref<1x1x1x8x128xf32, #tpu.memory_space<hbm>>
      %dma_start3A_759 = tpu.memref_squeeze %dma_start3A_758 : memref<1x1x1x8x128xf32, #tpu.memory_space<hbm>> -> memref<8x128xf32, #tpu.memory_space<hbm>>
      %dma_start3A_760 = arith.constant 16 : i32
      %dma_start3A_761 = arith.constant 0 : i32
      %dma_start3A_762 = tpu.memref_slice %arg11[%dma_start3A_760, %dma_start3A_761] : memref<64x129xf32, #tpu.memory_space<vmem>> -> memref<8x128xf32, #tpu.memory_space<vmem>>
      tpu.enqueue_dma source(%dma_start3A_762 : memref<8x128xf32, #tpu.memory_space<vmem>>) target(%dma_start3A_759 : memref<8x128xf32, #tpu.memory_space<hbm>>) target_semaphore(%arg19 : memref<!tpu.dma_semaphore, #tpu.memory_space<semaphore_mem>>)
      %dma_start3A_763 = arith.constant 3 : i32
      %dma_start3A_764 = arith.constant 24 : i32
      %dma_start3A_765 = arith.constant 0 : i32
      %dma_start3A_766 = tpu.memref_slice %arg11[%dma_start3A_764, %dma_start3A_765] : memref<64x129xf32, #tpu.memory_space<vmem>> -> memref<8x128xf32, #tpu.memory_space<vmem>>
      %dma_start3A_767 = arith.constant 0 : i32
      %dma_start3A_768 = arith.constant 0 : i32
      %dma_start3A_769 = tpu.memref_slice %arg4[%add3A_697, %dma_start3A_763, %add3A, %dma_start3A_767, %dma_start3A_768] : memref<200x8x32x8x128xf32, #tpu.memory_space<hbm>> -> memref<1x1x1x8x128xf32, #tpu.memory_space<hbm>>
      %dma_start3A_770 = tpu.memref_squeeze %dma_start3A_769 : memref<1x1x1x8x128xf32, #tpu.memory_space<hbm>> -> memref<8x128xf32, #tpu.memory_space<hbm>>
      %dma_start3A_771 = arith.constant 0 : i32
      %dma_start3A_772 = arith.constant 0 : i32
      %dma_start3A_773 = tpu.memref_slice %arg4[%add3A_697, %dma_start3A_763, %add3A, %dma_start3A_771, %dma_start3A_772] : memref<200x8x32x8x128xf32, #tpu.memory_space<hbm>> -> memref<1x1x1x8x128xf32, #tpu.memory_space<hbm>>
      %dma_start3A_774 = tpu.memref_squeeze %dma_start3A_773 : memref<1x1x1x8x128xf32, #tpu.memory_space<hbm>> -> memref<8x128xf32, #tpu.memory_space<hbm>>
      %dma_start3A_775 = arith.constant 24 : i32
      %dma_start3A_776 = arith.constant 0 : i32
      %dma_start3A_777 = tpu.memref_slice %arg11[%dma_start3A_775, %dma_start3A_776] : memref<64x129xf32, #tpu.memory_space<vmem>> -> memref<8x128xf32, #tpu.memory_space<vmem>>
      tpu.enqueue_dma source(%dma_start3A_777 : memref<8x128xf32, #tpu.memory_space<vmem>>) target(%dma_start3A_774 : memref<8x128xf32, #tpu.memory_space<hbm>>) target_semaphore(%arg19 : memref<!tpu.dma_semaphore, #tpu.memory_space<semaphore_mem>>)
      %dma_start3A_778 = arith.constant 4 : i32
      %dma_start3A_779 = arith.constant 32 : i32
      %dma_start3A_780 = arith.constant 0 : i32
      %dma_start3A_781 = tpu.memref_slice %arg11[%dma_start3A_779, %dma_start3A_780] : memref<64x129xf32, #tpu.memory_space<vmem>> -> memref<8x128xf32, #tpu.memory_space<vmem>>
      %dma_start3A_782 = arith.constant 0 : i32
      %dma_start3A_783 = arith.constant 0 : i32
      %dma_start3A_784 = tpu.memref_slice %arg4[%add3A_697, %dma_start3A_778, %add3A, %dma_start3A_782, %dma_start3A_783] : memref<200x8x32x8x128xf32, #tpu.memory_space<hbm>> -> memref<1x1x1x8x128xf32, #tpu.memory_space<hbm>>
      %dma_start3A_785 = tpu.memref_squeeze %dma_start3A_784 : memref<1x1x1x8x128xf32, #tpu.memory_space<hbm>> -> memref<8x128xf32, #tpu.memory_space<hbm>>
      %dma_start3A_786 = arith.constant 0 : i32
      %dma_start3A_787 = arith.constant 0 : i32
      %dma_start3A_788 = tpu.memref_slice %arg4[%add3A_697, %dma_start3A_778, %add3A, %dma_start3A_786, %dma_start3A_787] : memref<200x8x32x8x128xf32, #tpu.memory_space<hbm>> -> memref<1x1x1x8x128xf32, #tpu.memory_space<hbm>>
      %dma_start3A_789 = tpu.memref_squeeze %dma_start3A_788 : memref<1x1x1x8x128xf32, #tpu.memory_space<hbm>> -> memref<8x128xf32, #tpu.memory_space<hbm>>
      %dma_start3A_790 = arith.constant 32 : i32
      %dma_start3A_791 = arith.constant 0 : i32
      %dma_start3A_792 = tpu.memref_slice %arg11[%dma_start3A_790, %dma_start3A_791] : memref<64x129xf32, #tpu.memory_space<vmem>> -> memref<8x128xf32, #tpu.memory_space<vmem>>
      tpu.enqueue_dma source(%dma_start3A_792 : memref<8x128xf32, #tpu.memory_space<vmem>>) target(%dma_start3A_789 : memref<8x128xf32, #tpu.memory_space<hbm>>) target_semaphore(%arg19 : memref<!tpu.dma_semaphore, #tpu.memory_space<semaphore_mem>>)
      %dma_start3A_793 = arith.constant 5 : i32
      %dma_start3A_794 = arith.constant 40 : i32
      %dma_start3A_795 = arith.constant 0 : i32
      %dma_start3A_796 = tpu.memref_slice %arg11[%dma_start3A_794, %dma_start3A_795] : memref<64x129xf32, #tpu.memory_space<vmem>> -> memref<8x128xf32, #tpu.memory_space<vmem>>
      %dma_start3A_797 = arith.constant 0 : i32
      %dma_start3A_798 = arith.constant 0 : i32
      %dma_start3A_799 = tpu.memref_slice %arg4[%add3A_697, %dma_start3A_793, %add3A, %dma_start3A_797, %dma_start3A_798] : memref<200x8x32x8x128xf32, #tpu.memory_space<hbm>> -> memref<1x1x1x8x128xf32, #tpu.memory_space<hbm>>
      %dma_start3A_800 = tpu.memref_squeeze %dma_start3A_799 : memref<1x1x1x8x128xf32, #tpu.memory_space<hbm>> -> memref<8x128xf32, #tpu.memory_space<hbm>>
      %dma_start3A_801 = arith.constant 0 : i32
      %dma_start3A_802 = arith.constant 0 : i32
      %dma_start3A_803 = tpu.memref_slice %arg4[%add3A_697, %dma_start3A_793, %add3A, %dma_start3A_801, %dma_start3A_802] : memref<200x8x32x8x128xf32, #tpu.memory_space<hbm>> -> memref<1x1x1x8x128xf32, #tpu.memory_space<hbm>>
      %dma_start3A_804 = tpu.memref_squeeze %dma_start3A_803 : memref<1x1x1x8x128xf32, #tpu.memory_space<hbm>> -> memref<8x128xf32, #tpu.memory_space<hbm>>
      %dma_start3A_805 = arith.constant 40 : i32
      %dma_start3A_806 = arith.constant 0 : i32
      %dma_start3A_807 = tpu.memref_slice %arg11[%dma_start3A_805, %dma_start3A_806] : memref<64x129xf32, #tpu.memory_space<vmem>> -> memref<8x128xf32, #tpu.memory_space<vmem>>
      tpu.enqueue_dma source(%dma_start3A_807 : memref<8x128xf32, #tpu.memory_space<vmem>>) target(%dma_start3A_804 : memref<8x128xf32, #tpu.memory_space<hbm>>) target_semaphore(%arg19 : memref<!tpu.dma_semaphore, #tpu.memory_space<semaphore_mem>>)
      %dma_start3A_808 = arith.constant 6 : i32
      %dma_start3A_809 = arith.constant 48 : i32
      %dma_start3A_810 = arith.constant 0 : i32
      %dma_start3A_811 = tpu.memref_slice %arg11[%dma_start3A_809, %dma_start3A_810] : memref<64x129xf32, #tpu.memory_space<vmem>> -> memref<8x128xf32, #tpu.memory_space<vmem>>
      %dma_start3A_812 = arith.constant 0 : i32
      %dma_start3A_813 = arith.constant 0 : i32
      %dma_start3A_814 = tpu.memref_slice %arg4[%add3A_697, %dma_start3A_808, %add3A, %dma_start3A_812, %dma_start3A_813] : memref<200x8x32x8x128xf32, #tpu.memory_space<hbm>> -> memref<1x1x1x8x128xf32, #tpu.memory_space<hbm>>
      %dma_start3A_815 = tpu.memref_squeeze %dma_start3A_814 : memref<1x1x1x8x128xf32, #tpu.memory_space<hbm>> -> memref<8x128xf32, #tpu.memory_space<hbm>>
      %dma_start3A_816 = arith.constant 0 : i32
      %dma_start3A_817 = arith.constant 0 : i32
      %dma_start3A_818 = tpu.memref_slice %arg4[%add3A_697, %dma_start3A_808, %add3A, %dma_start3A_816, %dma_start3A_817] : memref<200x8x32x8x128xf32, #tpu.memory_space<hbm>> -> memref<1x1x1x8x128xf32, #tpu.memory_space<hbm>>
      %dma_start3A_819 = tpu.memref_squeeze %dma_start3A_818 : memref<1x1x1x8x128xf32, #tpu.memory_space<hbm>> -> memref<8x128xf32, #tpu.memory_space<hbm>>
      %dma_start3A_820 = arith.constant 48 : i32
      %dma_start3A_821 = arith.constant 0 : i32
      %dma_start3A_822 = tpu.memref_slice %arg11[%dma_start3A_820, %dma_start3A_821] : memref<64x129xf32, #tpu.memory_space<vmem>> -> memref<8x128xf32, #tpu.memory_space<vmem>>
      tpu.enqueue_dma source(%dma_start3A_822 : memref<8x128xf32, #tpu.memory_space<vmem>>) target(%dma_start3A_819 : memref<8x128xf32, #tpu.memory_space<hbm>>) target_semaphore(%arg19 : memref<!tpu.dma_semaphore, #tpu.memory_space<semaphore_mem>>)
      %dma_start3A_823 = arith.constant 7 : i32
      %dma_start3A_824 = arith.constant 56 : i32
      %dma_start3A_825 = arith.constant 0 : i32
      %dma_start3A_826 = tpu.memref_slice %arg11[%dma_start3A_824, %dma_start3A_825] : memref<64x129xf32, #tpu.memory_space<vmem>> -> memref<8x128xf32, #tpu.memory_space<vmem>>
      %dma_start3A_827 = arith.constant 0 : i32
      %dma_start3A_828 = arith.constant 0 : i32
      %dma_start3A_829 = tpu.memref_slice %arg4[%add3A_697, %dma_start3A_823, %add3A, %dma_start3A_827, %dma_start3A_828] : memref<200x8x32x8x128xf32, #tpu.memory_space<hbm>> -> memref<1x1x1x8x128xf32, #tpu.memory_space<hbm>>
      %dma_start3A_830 = tpu.memref_squeeze %dma_start3A_829 : memref<1x1x1x8x128xf32, #tpu.memory_space<hbm>> -> memref<8x128xf32, #tpu.memory_space<hbm>>
      %dma_start3A_831 = arith.constant 0 : i32
      %dma_start3A_832 = arith.constant 0 : i32
      %dma_start3A_833 = tpu.memref_slice %arg4[%add3A_697, %dma_start3A_823, %add3A, %dma_start3A_831, %dma_start3A_832] : memref<200x8x32x8x128xf32, #tpu.memory_space<hbm>> -> memref<1x1x1x8x128xf32, #tpu.memory_space<hbm>>
      %dma_start3A_834 = tpu.memref_squeeze %dma_start3A_833 : memref<1x1x1x8x128xf32, #tpu.memory_space<hbm>> -> memref<8x128xf32, #tpu.memory_space<hbm>>
      %dma_start3A_835 = arith.constant 56 : i32
      %dma_start3A_836 = arith.constant 0 : i32
      %dma_start3A_837 = tpu.memref_slice %arg11[%dma_start3A_835, %dma_start3A_836] : memref<64x129xf32, #tpu.memory_space<vmem>> -> memref<8x128xf32, #tpu.memory_space<vmem>>
      tpu.enqueue_dma source(%dma_start3A_837 : memref<8x128xf32, #tpu.memory_space<vmem>>) target(%dma_start3A_834 : memref<8x128xf32, #tpu.memory_space<hbm>>) target_semaphore(%arg19 : memref<!tpu.dma_semaphore, #tpu.memory_space<semaphore_mem>>)
      %mul3A_838 = arith.constant 4 : i32
      %mul3A_839 = arith.muli %mul3A_838, %scan3A_554 : i32
      %add3A_840 = arith.constant 2 : i32
      %add3A_841 = arith.addi %mul3A_839, %add3A_840 : i32
      %lt3A_842 = arith.constant 197 : i32
      %lt3A_843 = arith.cmpi slt, %add3A_841, %lt3A_842 : i32
      %convert_element_type3A_844 = arith.extui %lt3A_843 : i1 to i32
      %cond3A_845 = arith.constant 0 : i32
      %cond3A_846 = arith.cmpi ne, %convert_element_type3A_844, %cond3A_845 : i32
      scf.if %cond3A_846 {
        %add3A_1126 = arith.constant 3 : i32
        %add3A_1127 = arith.addi %add3A_841, %add3A_1126 : i32
        %dma_start3A_1128 = arith.constant 0 : i32
        %dma_start3A_1129 = tpu.memref_slice %arg5[%add3A_1127, %dma_start3A_1128] : memref<200x128xi32, #tpu.memory_space<vmem>> -> memref<1x128xi32, #tpu.memory_space<vmem>>
        %dma_start3A_1130 = tpu.memref_squeeze %dma_start3A_1129 : memref<1x128xi32, #tpu.memory_space<vmem>> -> memref<128xi32, #tpu.memory_space<vmem>>
        %dma_start3A_1131 = arith.constant 0 : i32
        %dma_start3A_1132 = arith.constant 0 : i32
        %dma_start3A_1133 = tpu.memref_slice %arg2[%dma_start3A_1131, %dma_start3A_1132] : memref<1000000x64xf32, #tpu.memory_space<hbm>> -> memref<1000000x64xf32, #tpu.memory_space<hbm>>
        tpu.enqueue_indirect_dma source(%dma_start3A_1133 : memref<1000000x64xf32, #tpu.memory_space<hbm>>) target(%arg7 : memref<128x64xf32, #tpu.memory_space<vmem>>) offsets(%dma_start3A_1130 : memref<128xi32, #tpu.memory_space<vmem>>) semaphore(%arg15 : memref<!tpu.dma_semaphore, #tpu.memory_space<semaphore_mem>>)
      } else {
      }
      %dma_wait3A_847 = arith.constant 0 : i32
      %dma_wait3A_848 = arith.constant 0 : i32
      %dma_wait3A_849 = tpu.memref_slice %arg5[%dma_wait3A_847, %dma_wait3A_848] : memref<200x128xi32, #tpu.memory_space<vmem>> -> memref<1x128xi32, #tpu.memory_space<vmem>>
      %dma_wait3A_850 = tpu.memref_squeeze %dma_wait3A_849 : memref<1x128xi32, #tpu.memory_space<vmem>> -> memref<128xi32, #tpu.memory_space<vmem>>
      %dma_wait3A_851 = arith.constant 0 : i32
      %dma_wait3A_852 = arith.constant 0 : i32
      %dma_wait3A_853 = tpu.memref_slice %arg2[%dma_wait3A_851, %dma_wait3A_852] : memref<1000000x64xf32, #tpu.memory_space<hbm>> -> memref<1000000x64xf32, #tpu.memory_space<hbm>>
      tpu.wait_indirect_dma semaphore(%arg16 : memref<!tpu.dma_semaphore, #tpu.memory_space<semaphore_mem>>) src(%dma_wait3A_853 : memref<1000000x64xf32, #tpu.memory_space<hbm>>) dst(%arg8 : memref<128x64xf32, #tpu.memory_space<vmem>>)
      %ge3A_854 = arith.constant 4 : i32
      %ge3A_855 = arith.cmpi sge, %add3A_841, %ge3A_854 : i32
      %convert_element_type3A_856 = arith.extui %ge3A_855 : i1 to i32
      %cond3A_857 = arith.constant 0 : i32
      %cond3A_858 = arith.cmpi ne, %convert_element_type3A_856, %cond3A_857 : i32
      scf.if %cond3A_858 {
        %dma_wait3A_1126 = arith.constant 0 : i32
        %dma_wait3A_1127 = arith.constant 0 : i32
        %dma_wait3A_1128 = arith.constant 0 : i32
        %dma_wait3A_1129 = arith.constant 0 : i32
        %dma_wait3A_1130 = tpu.memref_slice %arg12[%dma_wait3A_1128, %dma_wait3A_1129] : memref<64x129xf32, #tpu.memory_space<vmem>> -> memref<8x128xf32, #tpu.memory_space<vmem>>
        %dma_wait3A_1131 = arith.constant 0 : i32
        %dma_wait3A_1132 = arith.constant 0 : i32
        %dma_wait3A_1133 = tpu.memref_slice %arg4[%dma_wait3A_1126, %dma_wait3A_1127, %add3A, %dma_wait3A_1131, %dma_wait3A_1132] : memref<200x8x32x8x128xf32, #tpu.memory_space<hbm>> -> memref<1x1x1x8x128xf32, #tpu.memory_space<hbm>>
        %dma_wait3A_1134 = tpu.memref_squeeze %dma_wait3A_1133 : memref<1x1x1x8x128xf32, #tpu.memory_space<hbm>> -> memref<8x128xf32, #tpu.memory_space<hbm>>
        %dma_wait3A_1135 = arith.constant 0 : i32
        %dma_wait3A_1136 = arith.constant 0 : i32
        %dma_wait3A_1137 = tpu.memref_slice %arg4[%dma_wait3A_1126, %dma_wait3A_1127, %add3A, %dma_wait3A_1135, %dma_wait3A_1136] : memref<200x8x32x8x128xf32, #tpu.memory_space<hbm>> -> memref<1x1x1x8x128xf32, #tpu.memory_space<hbm>>
        %dma_wait3A_1138 = tpu.memref_squeeze %dma_wait3A_1137 : memref<1x1x1x8x128xf32, #tpu.memory_space<hbm>> -> memref<8x128xf32, #tpu.memory_space<hbm>>
        %dma_wait3A_1139 = arith.constant 0 : i32
        %dma_wait3A_1140 = arith.constant 0 : i32
        %dma_wait3A_1141 = tpu.memref_slice %arg12[%dma_wait3A_1139, %dma_wait3A_1140] : memref<64x129xf32, #tpu.memory_space<vmem>> -> memref<8x128xf32, #tpu.memory_space<vmem>>
        tpu.wait_dma2 semaphore(%arg20 : memref<!tpu.dma_semaphore, #tpu.memory_space<semaphore_mem>>) src(%dma_wait3A_1141 : memref<8x128xf32, #tpu.memory_space<vmem>>) dst(%dma_wait3A_1138 : memref<8x128xf32, #tpu.memory_space<hbm>>)
        %dma_wait3A_1142 = arith.constant 0 : i32
        %dma_wait3A_1143 = arith.constant 1 : i32
        %dma_wait3A_1144 = arith.constant 8 : i32
        %dma_wait3A_1145 = arith.constant 0 : i32
        %dma_wait3A_1146 = tpu.memref_slice %arg12[%dma_wait3A_1144, %dma_wait3A_1145] : memref<64x129xf32, #tpu.memory_space<vmem>> -> memref<8x128xf32, #tpu.memory_space<vmem>>
        %dma_wait3A_1147 = arith.constant 0 : i32
        %dma_wait3A_1148 = arith.constant 0 : i32
        %dma_wait3A_1149 = tpu.memref_slice %arg4[%dma_wait3A_1142, %dma_wait3A_1143, %add3A, %dma_wait3A_1147, %dma_wait3A_1148] : memref<200x8x32x8x128xf32, #tpu.memory_space<hbm>> -> memref<1x1x1x8x128xf32, #tpu.memory_space<hbm>>
        %dma_wait3A_1150 = tpu.memref_squeeze %dma_wait3A_1149 : memref<1x1x1x8x128xf32, #tpu.memory_space<hbm>> -> memref<8x128xf32, #tpu.memory_space<hbm>>
        %dma_wait3A_1151 = arith.constant 0 : i32
        %dma_wait3A_1152 = arith.constant 0 : i32
        %dma_wait3A_1153 = tpu.memref_slice %arg4[%dma_wait3A_1142, %dma_wait3A_1143, %add3A, %dma_wait3A_1151, %dma_wait3A_1152] : memref<200x8x32x8x128xf32, #tpu.memory_space<hbm>> -> memref<1x1x1x8x128xf32, #tpu.memory_space<hbm>>
        %dma_wait3A_1154 = tpu.memref_squeeze %dma_wait3A_1153 : memref<1x1x1x8x128xf32, #tpu.memory_space<hbm>> -> memref<8x128xf32, #tpu.memory_space<hbm>>
        %dma_wait3A_1155 = arith.constant 8 : i32
        %dma_wait3A_1156 = arith.constant 0 : i32
        %dma_wait3A_1157 = tpu.memref_slice %arg12[%dma_wait3A_1155, %dma_wait3A_1156] : memref<64x129xf32, #tpu.memory_space<vmem>> -> memref<8x128xf32, #tpu.memory_space<vmem>>
        tpu.wait_dma2 semaphore(%arg20 : memref<!tpu.dma_semaphore, #tpu.memory_space<semaphore_mem>>) src(%dma_wait3A_1157 : memref<8x128xf32, #tpu.memory_space<vmem>>) dst(%dma_wait3A_1154 : memref<8x128xf32, #tpu.memory_space<hbm>>)
        %dma_wait3A_1158 = arith.constant 0 : i32
        %dma_wait3A_1159 = arith.constant 2 : i32
        %dma_wait3A_1160 = arith.constant 16 : i32
        %dma_wait3A_1161 = arith.constant 0 : i32
        %dma_wait3A_1162 = tpu.memref_slice %arg12[%dma_wait3A_1160, %dma_wait3A_1161] : memref<64x129xf32, #tpu.memory_space<vmem>> -> memref<8x128xf32, #tpu.memory_space<vmem>>
        %dma_wait3A_1163 = arith.constant 0 : i32
        %dma_wait3A_1164 = arith.constant 0 : i32
        %dma_wait3A_1165 = tpu.memref_slice %arg4[%dma_wait3A_1158, %dma_wait3A_1159, %add3A, %dma_wait3A_1163, %dma_wait3A_1164] : memref<200x8x32x8x128xf32, #tpu.memory_space<hbm>> -> memref<1x1x1x8x128xf32, #tpu.memory_space<hbm>>
        %dma_wait3A_1166 = tpu.memref_squeeze %dma_wait3A_1165 : memref<1x1x1x8x128xf32, #tpu.memory_space<hbm>> -> memref<8x128xf32, #tpu.memory_space<hbm>>
        %dma_wait3A_1167 = arith.constant 0 : i32
        %dma_wait3A_1168 = arith.constant 0 : i32
        %dma_wait3A_1169 = tpu.memref_slice %arg4[%dma_wait3A_1158, %dma_wait3A_1159, %add3A, %dma_wait3A_1167, %dma_wait3A_1168] : memref<200x8x32x8x128xf32, #tpu.memory_space<hbm>> -> memref<1x1x1x8x128xf32, #tpu.memory_space<hbm>>
        %dma_wait3A_1170 = tpu.memref_squeeze %dma_wait3A_1169 : memref<1x1x1x8x128xf32, #tpu.memory_space<hbm>> -> memref<8x128xf32, #tpu.memory_space<hbm>>
        %dma_wait3A_1171 = arith.constant 16 : i32
        %dma_wait3A_1172 = arith.constant 0 : i32
        %dma_wait3A_1173 = tpu.memref_slice %arg12[%dma_wait3A_1171, %dma_wait3A_1172] : memref<64x129xf32, #tpu.memory_space<vmem>> -> memref<8x128xf32, #tpu.memory_space<vmem>>
        tpu.wait_dma2 semaphore(%arg20 : memref<!tpu.dma_semaphore, #tpu.memory_space<semaphore_mem>>) src(%dma_wait3A_1173 : memref<8x128xf32, #tpu.memory_space<vmem>>) dst(%dma_wait3A_1170 : memref<8x128xf32, #tpu.memory_space<hbm>>)
        %dma_wait3A_1174 = arith.constant 0 : i32
        %dma_wait3A_1175 = arith.constant 3 : i32
        %dma_wait3A_1176 = arith.constant 24 : i32
        %dma_wait3A_1177 = arith.constant 0 : i32
        %dma_wait3A_1178 = tpu.memref_slice %arg12[%dma_wait3A_1176, %dma_wait3A_1177] : memref<64x129xf32, #tpu.memory_space<vmem>> -> memref<8x128xf32, #tpu.memory_space<vmem>>
        %dma_wait3A_1179 = arith.constant 0 : i32
        %dma_wait3A_1180 = arith.constant 0 : i32
        %dma_wait3A_1181 = tpu.memref_slice %arg4[%dma_wait3A_1174, %dma_wait3A_1175, %add3A, %dma_wait3A_1179, %dma_wait3A_1180] : memref<200x8x32x8x128xf32, #tpu.memory_space<hbm>> -> memref<1x1x1x8x128xf32, #tpu.memory_space<hbm>>
        %dma_wait3A_1182 = tpu.memref_squeeze %dma_wait3A_1181 : memref<1x1x1x8x128xf32, #tpu.memory_space<hbm>> -> memref<8x128xf32, #tpu.memory_space<hbm>>
        %dma_wait3A_1183 = arith.constant 0 : i32
        %dma_wait3A_1184 = arith.constant 0 : i32
        %dma_wait3A_1185 = tpu.memref_slice %arg4[%dma_wait3A_1174, %dma_wait3A_1175, %add3A, %dma_wait3A_1183, %dma_wait3A_1184] : memref<200x8x32x8x128xf32, #tpu.memory_space<hbm>> -> memref<1x1x1x8x128xf32, #tpu.memory_space<hbm>>
        %dma_wait3A_1186 = tpu.memref_squeeze %dma_wait3A_1185 : memref<1x1x1x8x128xf32, #tpu.memory_space<hbm>> -> memref<8x128xf32, #tpu.memory_space<hbm>>
        %dma_wait3A_1187 = arith.constant 24 : i32
        %dma_wait3A_1188 = arith.constant 0 : i32
        %dma_wait3A_1189 = tpu.memref_slice %arg12[%dma_wait3A_1187, %dma_wait3A_1188] : memref<64x129xf32, #tpu.memory_space<vmem>> -> memref<8x128xf32, #tpu.memory_space<vmem>>
        tpu.wait_dma2 semaphore(%arg20 : memref<!tpu.dma_semaphore, #tpu.memory_space<semaphore_mem>>) src(%dma_wait3A_1189 : memref<8x128xf32, #tpu.memory_space<vmem>>) dst(%dma_wait3A_1186 : memref<8x128xf32, #tpu.memory_space<hbm>>)
        %dma_wait3A_1190 = arith.constant 0 : i32
        %dma_wait3A_1191 = arith.constant 4 : i32
        %dma_wait3A_1192 = arith.constant 32 : i32
        %dma_wait3A_1193 = arith.constant 0 : i32
        %dma_wait3A_1194 = tpu.memref_slice %arg12[%dma_wait3A_1192, %dma_wait3A_1193] : memref<64x129xf32, #tpu.memory_space<vmem>> -> memref<8x128xf32, #tpu.memory_space<vmem>>
        %dma_wait3A_1195 = arith.constant 0 : i32
        %dma_wait3A_1196 = arith.constant 0 : i32
        %dma_wait3A_1197 = tpu.memref_slice %arg4[%dma_wait3A_1190, %dma_wait3A_1191, %add3A, %dma_wait3A_1195, %dma_wait3A_1196] : memref<200x8x32x8x128xf32, #tpu.memory_space<hbm>> -> memref<1x1x1x8x128xf32, #tpu.memory_space<hbm>>
        %dma_wait3A_1198 = tpu.memref_squeeze %dma_wait3A_1197 : memref<1x1x1x8x128xf32, #tpu.memory_space<hbm>> -> memref<8x128xf32, #tpu.memory_space<hbm>>
        %dma_wait3A_1199 = arith.constant 0 : i32
        %dma_wait3A_1200 = arith.constant 0 : i32
        %dma_wait3A_1201 = tpu.memref_slice %arg4[%dma_wait3A_1190, %dma_wait3A_1191, %add3A, %dma_wait3A_1199, %dma_wait3A_1200] : memref<200x8x32x8x128xf32, #tpu.memory_space<hbm>> -> memref<1x1x1x8x128xf32, #tpu.memory_space<hbm>>
        %dma_wait3A_1202 = tpu.memref_squeeze %dma_wait3A_1201 : memref<1x1x1x8x128xf32, #tpu.memory_space<hbm>> -> memref<8x128xf32, #tpu.memory_space<hbm>>
        %dma_wait3A_1203 = arith.constant 32 : i32
        %dma_wait3A_1204 = arith.constant 0 : i32
        %dma_wait3A_1205 = tpu.memref_slice %arg12[%dma_wait3A_1203, %dma_wait3A_1204] : memref<64x129xf32, #tpu.memory_space<vmem>> -> memref<8x128xf32, #tpu.memory_space<vmem>>
        tpu.wait_dma2 semaphore(%arg20 : memref<!tpu.dma_semaphore, #tpu.memory_space<semaphore_mem>>) src(%dma_wait3A_1205 : memref<8x128xf32, #tpu.memory_space<vmem>>) dst(%dma_wait3A_1202 : memref<8x128xf32, #tpu.memory_space<hbm>>)
        %dma_wait3A_1206 = arith.constant 0 : i32
        %dma_wait3A_1207 = arith.constant 5 : i32
        %dma_wait3A_1208 = arith.constant 40 : i32
        %dma_wait3A_1209 = arith.constant 0 : i32
        %dma_wait3A_1210 = tpu.memref_slice %arg12[%dma_wait3A_1208, %dma_wait3A_1209] : memref<64x129xf32, #tpu.memory_space<vmem>> -> memref<8x128xf32, #tpu.memory_space<vmem>>
        %dma_wait3A_1211 = arith.constant 0 : i32
        %dma_wait3A_1212 = arith.constant 0 : i32
        %dma_wait3A_1213 = tpu.memref_slice %arg4[%dma_wait3A_1206, %dma_wait3A_1207, %add3A, %dma_wait3A_1211, %dma_wait3A_1212] : memref<200x8x32x8x128xf32, #tpu.memory_space<hbm>> -> memref<1x1x1x8x128xf32, #tpu.memory_space<hbm>>
        %dma_wait3A_1214 = tpu.memref_squeeze %dma_wait3A_1213 : memref<1x1x1x8x128xf32, #tpu.memory_space<hbm>> -> memref<8x128xf32, #tpu.memory_space<hbm>>
        %dma_wait3A_1215 = arith.constant 0 : i32
        %dma_wait3A_1216 = arith.constant 0 : i32
        %dma_wait3A_1217 = tpu.memref_slice %arg4[%dma_wait3A_1206, %dma_wait3A_1207, %add3A, %dma_wait3A_1215, %dma_wait3A_1216] : memref<200x8x32x8x128xf32, #tpu.memory_space<hbm>> -> memref<1x1x1x8x128xf32, #tpu.memory_space<hbm>>
        %dma_wait3A_1218 = tpu.memref_squeeze %dma_wait3A_1217 : memref<1x1x1x8x128xf32, #tpu.memory_space<hbm>> -> memref<8x128xf32, #tpu.memory_space<hbm>>
        %dma_wait3A_1219 = arith.constant 40 : i32
        %dma_wait3A_1220 = arith.constant 0 : i32
        %dma_wait3A_1221 = tpu.memref_slice %arg12[%dma_wait3A_1219, %dma_wait3A_1220] : memref<64x129xf32, #tpu.memory_space<vmem>> -> memref<8x128xf32, #tpu.memory_space<vmem>>
        tpu.wait_dma2 semaphore(%arg20 : memref<!tpu.dma_semaphore, #tpu.memory_space<semaphore_mem>>) src(%dma_wait3A_1221 : memref<8x128xf32, #tpu.memory_space<vmem>>) dst(%dma_wait3A_1218 : memref<8x128xf32, #tpu.memory_space<hbm>>)
        %dma_wait3A_1222 = arith.constant 0 : i32
        %dma_wait3A_1223 = arith.constant 6 : i32
        %dma_wait3A_1224 = arith.constant 48 : i32
        %dma_wait3A_1225 = arith.constant 0 : i32
        %dma_wait3A_1226 = tpu.memref_slice %arg12[%dma_wait3A_1224, %dma_wait3A_1225] : memref<64x129xf32, #tpu.memory_space<vmem>> -> memref<8x128xf32, #tpu.memory_space<vmem>>
        %dma_wait3A_1227 = arith.constant 0 : i32
        %dma_wait3A_1228 = arith.constant 0 : i32
        %dma_wait3A_1229 = tpu.memref_slice %arg4[%dma_wait3A_1222, %dma_wait3A_1223, %add3A, %dma_wait3A_1227, %dma_wait3A_1228] : memref<200x8x32x8x128xf32, #tpu.memory_space<hbm>> -> memref<1x1x1x8x128xf32, #tpu.memory_space<hbm>>
        %dma_wait3A_1230 = tpu.memref_squeeze %dma_wait3A_1229 : memref<1x1x1x8x128xf32, #tpu.memory_space<hbm>> -> memref<8x128xf32, #tpu.memory_space<hbm>>
        %dma_wait3A_1231 = arith.constant 0 : i32
        %dma_wait3A_1232 = arith.constant 0 : i32
        %dma_wait3A_1233 = tpu.memref_slice %arg4[%dma_wait3A_1222, %dma_wait3A_1223, %add3A, %dma_wait3A_1231, %dma_wait3A_1232] : memref<200x8x32x8x128xf32, #tpu.memory_space<hbm>> -> memref<1x1x1x8x128xf32, #tpu.memory_space<hbm>>
        %dma_wait3A_1234 = tpu.memref_squeeze %dma_wait3A_1233 : memref<1x1x1x8x128xf32, #tpu.memory_space<hbm>> -> memref<8x128xf32, #tpu.memory_space<hbm>>
        %dma_wait3A_1235 = arith.constant 48 : i32
        %dma_wait3A_1236 = arith.constant 0 : i32
        %dma_wait3A_1237 = tpu.memref_slice %arg12[%dma_wait3A_1235, %dma_wait3A_1236] : memref<64x129xf32, #tpu.memory_space<vmem>> -> memref<8x128xf32, #tpu.memory_space<vmem>>
        tpu.wait_dma2 semaphore(%arg20 : memref<!tpu.dma_semaphore, #tpu.memory_space<semaphore_mem>>) src(%dma_wait3A_1237 : memref<8x128xf32, #tpu.memory_space<vmem>>) dst(%dma_wait3A_1234 : memref<8x128xf32, #tpu.memory_space<hbm>>)
        %dma_wait3A_1238 = arith.constant 0 : i32
        %dma_wait3A_1239 = arith.constant 7 : i32
        %dma_wait3A_1240 = arith.constant 56 : i32
        %dma_wait3A_1241 = arith.constant 0 : i32
        %dma_wait3A_1242 = tpu.memref_slice %arg12[%dma_wait3A_1240, %dma_wait3A_1241] : memref<64x129xf32, #tpu.memory_space<vmem>> -> memref<8x128xf32, #tpu.memory_space<vmem>>
        %dma_wait3A_1243 = arith.constant 0 : i32
        %dma_wait3A_1244 = arith.constant 0 : i32
        %dma_wait3A_1245 = tpu.memref_slice %arg4[%dma_wait3A_1238, %dma_wait3A_1239, %add3A, %dma_wait3A_1243, %dma_wait3A_1244] : memref<200x8x32x8x128xf32, #tpu.memory_space<hbm>> -> memref<1x1x1x8x128xf32, #tpu.memory_space<hbm>>
        %dma_wait3A_1246 = tpu.memref_squeeze %dma_wait3A_1245 : memref<1x1x1x8x128xf32, #tpu.memory_space<hbm>> -> memref<8x128xf32, #tpu.memory_space<hbm>>
        %dma_wait3A_1247 = arith.constant 0 : i32
        %dma_wait3A_1248 = arith.constant 0 : i32
        %dma_wait3A_1249 = tpu.memref_slice %arg4[%dma_wait3A_1238, %dma_wait3A_1239, %add3A, %dma_wait3A_1247, %dma_wait3A_1248] : memref<200x8x32x8x128xf32, #tpu.memory_space<hbm>> -> memref<1x1x1x8x128xf32, #tpu.memory_space<hbm>>
        %dma_wait3A_1250 = tpu.memref_squeeze %dma_wait3A_1249 : memref<1x1x1x8x128xf32, #tpu.memory_space<hbm>> -> memref<8x128xf32, #tpu.memory_space<hbm>>
        %dma_wait3A_1251 = arith.constant 56 : i32
        %dma_wait3A_1252 = arith.constant 0 : i32
        %dma_wait3A_1253 = tpu.memref_slice %arg12[%dma_wait3A_1251, %dma_wait3A_1252] : memref<64x129xf32, #tpu.memory_space<vmem>> -> memref<8x128xf32, #tpu.memory_space<vmem>>
        tpu.wait_dma2 semaphore(%arg20 : memref<!tpu.dma_semaphore, #tpu.memory_space<semaphore_mem>>) src(%dma_wait3A_1253 : memref<8x128xf32, #tpu.memory_space<vmem>>) dst(%dma_wait3A_1250 : memref<8x128xf32, #tpu.memory_space<hbm>>)
      } else {
      }
      %parallel_loop3A_859 = arith.constant 0 : i32
      %parallel_loop3A_860 = arith.constant 128 : i32
      %parallel_loop3A_861 = arith.constant 1 : i32
      scf.for %parallel_loop3A_1126 = %parallel_loop3A_859 to %parallel_loop3A_860 step %parallel_loop3A_861  : i32 {
        %parallel_loop3A_1127 = vector.broadcast %parallel_loop3A_1126 : i32 to vector<16xi32>
        %parallel_loop3A_1128 = arith.index_cast %parallel_loop3A_1126 : i32 to index
        %parallel_loop3A_1129 = arith.constant 0 : index
        %parallel_loop3A_1130 = tpu.vector_load %arg8[%parallel_loop3A_1128, %parallel_loop3A_1129] {strides = array<i32>} : memref<128x64xf32, #tpu.memory_space<vmem>>, vector<16xf32>,
        %parallel_loop3A_1131 = arith.constant 8.000000e+00 : f32
        %parallel_loop3A_1132 = vector.broadcast %parallel_loop3A_1131 : f32 to vector<16xf32>
        %parallel_loop3A_1133 = arith.mulf %parallel_loop3A_1130, %parallel_loop3A_1132 : vector<16xf32>
        tpu.vector_store_idx %arg12[%add3A_5, %parallel_loop3A_1127], %parallel_loop3A_1133 : memref<64x129xf32, #tpu.memory_space<vmem>>[vector<16xi32>, vector<16xi32>], vector<16xf32>,
        %parallel_loop3A_1134 = arith.index_cast %parallel_loop3A_1126 : i32 to index
        %parallel_loop3A_1135 = arith.constant 16 : index
        %parallel_loop3A_1136 = tpu.vector_load %arg8[%parallel_loop3A_1134, %parallel_loop3A_1135] {strides = array<i32>} : memref<128x64xf32, #tpu.memory_space<vmem>>, vector<16xf32>,
        %parallel_loop3A_1137 = arith.constant 8.000000e+00 : f32
        %parallel_loop3A_1138 = vector.broadcast %parallel_loop3A_1137 : f32 to vector<16xf32>
        %parallel_loop3A_1139 = arith.mulf %parallel_loop3A_1136, %parallel_loop3A_1138 : vector<16xf32>
        tpu.vector_store_idx %arg12[%add3A_9, %parallel_loop3A_1127], %parallel_loop3A_1139 : memref<64x129xf32, #tpu.memory_space<vmem>>[vector<16xi32>, vector<16xi32>], vector<16xf32>,
        %parallel_loop3A_1140 = arith.index_cast %parallel_loop3A_1126 : i32 to index
        %parallel_loop3A_1141 = arith.constant 32 : index
        %parallel_loop3A_1142 = tpu.vector_load %arg8[%parallel_loop3A_1140, %parallel_loop3A_1141] {strides = array<i32>} : memref<128x64xf32, #tpu.memory_space<vmem>>, vector<16xf32>,
        %parallel_loop3A_1143 = arith.constant 8.000000e+00 : f32
        %parallel_loop3A_1144 = vector.broadcast %parallel_loop3A_1143 : f32 to vector<16xf32>
        %parallel_loop3A_1145 = arith.mulf %parallel_loop3A_1142, %parallel_loop3A_1144 : vector<16xf32>
        tpu.vector_store_idx %arg12[%add3A_13, %parallel_loop3A_1127], %parallel_loop3A_1145 : memref<64x129xf32, #tpu.memory_space<vmem>>[vector<16xi32>, vector<16xi32>], vector<16xf32>,
        %parallel_loop3A_1146 = arith.index_cast %parallel_loop3A_1126 : i32 to index
        %parallel_loop3A_1147 = arith.constant 48 : index
        %parallel_loop3A_1148 = tpu.vector_load %arg8[%parallel_loop3A_1146, %parallel_loop3A_1147] {strides = array<i32>} : memref<128x64xf32, #tpu.memory_space<vmem>>, vector<16xf32>,
        %parallel_loop3A_1149 = arith.constant 8.000000e+00 : f32
        %parallel_loop3A_1150 = vector.broadcast %parallel_loop3A_1149 : f32 to vector<16xf32>
        %parallel_loop3A_1151 = arith.mulf %parallel_loop3A_1148, %parallel_loop3A_1150 : vector<16xf32>
        tpu.vector_store_idx %arg12[%add3A_17, %parallel_loop3A_1127], %parallel_loop3A_1151 : memref<64x129xf32, #tpu.memory_space<vmem>>[vector<16xi32>, vector<16xi32>], vector<16xf32>,
      } {sc.loop_unroll_factor = 4 : i64, sc.parallel_access}
      %dma_start3A_862 = arith.constant 0 : i32
      %dma_start3A_863 = arith.constant 0 : i32
      %dma_start3A_864 = arith.constant 0 : i32
      %dma_start3A_865 = tpu.memref_slice %arg12[%dma_start3A_863, %dma_start3A_864] : memref<64x129xf32, #tpu.memory_space<vmem>> -> memref<8x128xf32, #tpu.memory_space<vmem>>
      %dma_start3A_866 = arith.constant 0 : i32
      %dma_start3A_867 = arith.constant 0 : i32
      %dma_start3A_868 = tpu.memref_slice %arg4[%add3A_841, %dma_start3A_862, %add3A, %dma_start3A_866, %dma_start3A_867] : memref<200x8x32x8x128xf32, #tpu.memory_space<hbm>> -> memref<1x1x1x8x128xf32, #tpu.memory_space<hbm>>
      %dma_start3A_869 = tpu.memref_squeeze %dma_start3A_868 : memref<1x1x1x8x128xf32, #tpu.memory_space<hbm>> -> memref<8x128xf32, #tpu.memory_space<hbm>>
      %dma_start3A_870 = arith.constant 0 : i32
      %dma_start3A_871 = arith.constant 0 : i32
      %dma_start3A_872 = tpu.memref_slice %arg4[%add3A_841, %dma_start3A_862, %add3A, %dma_start3A_870, %dma_start3A_871] : memref<200x8x32x8x128xf32, #tpu.memory_space<hbm>> -> memref<1x1x1x8x128xf32, #tpu.memory_space<hbm>>
      %dma_start3A_873 = tpu.memref_squeeze %dma_start3A_872 : memref<1x1x1x8x128xf32, #tpu.memory_space<hbm>> -> memref<8x128xf32, #tpu.memory_space<hbm>>
      %dma_start3A_874 = arith.constant 0 : i32
      %dma_start3A_875 = arith.constant 0 : i32
      %dma_start3A_876 = tpu.memref_slice %arg12[%dma_start3A_874, %dma_start3A_875] : memref<64x129xf32, #tpu.memory_space<vmem>> -> memref<8x128xf32, #tpu.memory_space<vmem>>
      tpu.enqueue_dma source(%dma_start3A_876 : memref<8x128xf32, #tpu.memory_space<vmem>>) target(%dma_start3A_873 : memref<8x128xf32, #tpu.memory_space<hbm>>) target_semaphore(%arg20 : memref<!tpu.dma_semaphore, #tpu.memory_space<semaphore_mem>>)
      %dma_start3A_877 = arith.constant 1 : i32
      %dma_start3A_878 = arith.constant 8 : i32
      %dma_start3A_879 = arith.constant 0 : i32
      %dma_start3A_880 = tpu.memref_slice %arg12[%dma_start3A_878, %dma_start3A_879] : memref<64x129xf32, #tpu.memory_space<vmem>> -> memref<8x128xf32, #tpu.memory_space<vmem>>
      %dma_start3A_881 = arith.constant 0 : i32
      %dma_start3A_882 = arith.constant 0 : i32
      %dma_start3A_883 = tpu.memref_slice %arg4[%add3A_841, %dma_start3A_877, %add3A, %dma_start3A_881, %dma_start3A_882] : memref<200x8x32x8x128xf32, #tpu.memory_space<hbm>> -> memref<1x1x1x8x128xf32, #tpu.memory_space<hbm>>
      %dma_start3A_884 = tpu.memref_squeeze %dma_start3A_883 : memref<1x1x1x8x128xf32, #tpu.memory_space<hbm>> -> memref<8x128xf32, #tpu.memory_space<hbm>>
      %dma_start3A_885 = arith.constant 0 : i32
      %dma_start3A_886 = arith.constant 0 : i32
      %dma_start3A_887 = tpu.memref_slice %arg4[%add3A_841, %dma_start3A_877, %add3A, %dma_start3A_885, %dma_start3A_886] : memref<200x8x32x8x128xf32, #tpu.memory_space<hbm>> -> memref<1x1x1x8x128xf32, #tpu.memory_space<hbm>>
      %dma_start3A_888 = tpu.memref_squeeze %dma_start3A_887 : memref<1x1x1x8x128xf32, #tpu.memory_space<hbm>> -> memref<8x128xf32, #tpu.memory_space<hbm>>
      %dma_start3A_889 = arith.constant 8 : i32
      %dma_start3A_890 = arith.constant 0 : i32
      %dma_start3A_891 = tpu.memref_slice %arg12[%dma_start3A_889, %dma_start3A_890] : memref<64x129xf32, #tpu.memory_space<vmem>> -> memref<8x128xf32, #tpu.memory_space<vmem>>
      tpu.enqueue_dma source(%dma_start3A_891 : memref<8x128xf32, #tpu.memory_space<vmem>>) target(%dma_start3A_888 : memref<8x128xf32, #tpu.memory_space<hbm>>) target_semaphore(%arg20 : memref<!tpu.dma_semaphore, #tpu.memory_space<semaphore_mem>>)
      %dma_start3A_892 = arith.constant 2 : i32
      %dma_start3A_893 = arith.constant 16 : i32
      %dma_start3A_894 = arith.constant 0 : i32
      %dma_start3A_895 = tpu.memref_slice %arg12[%dma_start3A_893, %dma_start3A_894] : memref<64x129xf32, #tpu.memory_space<vmem>> -> memref<8x128xf32, #tpu.memory_space<vmem>>
      %dma_start3A_896 = arith.constant 0 : i32
      %dma_start3A_897 = arith.constant 0 : i32
      %dma_start3A_898 = tpu.memref_slice %arg4[%add3A_841, %dma_start3A_892, %add3A, %dma_start3A_896, %dma_start3A_897] : memref<200x8x32x8x128xf32, #tpu.memory_space<hbm>> -> memref<1x1x1x8x128xf32, #tpu.memory_space<hbm>>
      %dma_start3A_899 = tpu.memref_squeeze %dma_start3A_898 : memref<1x1x1x8x128xf32, #tpu.memory_space<hbm>> -> memref<8x128xf32, #tpu.memory_space<hbm>>
      %dma_start3A_900 = arith.constant 0 : i32
      %dma_start3A_901 = arith.constant 0 : i32
      %dma_start3A_902 = tpu.memref_slice %arg4[%add3A_841, %dma_start3A_892, %add3A, %dma_start3A_900, %dma_start3A_901] : memref<200x8x32x8x128xf32, #tpu.memory_space<hbm>> -> memref<1x1x1x8x128xf32, #tpu.memory_space<hbm>>
      %dma_start3A_903 = tpu.memref_squeeze %dma_start3A_902 : memref<1x1x1x8x128xf32, #tpu.memory_space<hbm>> -> memref<8x128xf32, #tpu.memory_space<hbm>>
      %dma_start3A_904 = arith.constant 16 : i32
      %dma_start3A_905 = arith.constant 0 : i32
      %dma_start3A_906 = tpu.memref_slice %arg12[%dma_start3A_904, %dma_start3A_905] : memref<64x129xf32, #tpu.memory_space<vmem>> -> memref<8x128xf32, #tpu.memory_space<vmem>>
      tpu.enqueue_dma source(%dma_start3A_906 : memref<8x128xf32, #tpu.memory_space<vmem>>) target(%dma_start3A_903 : memref<8x128xf32, #tpu.memory_space<hbm>>) target_semaphore(%arg20 : memref<!tpu.dma_semaphore, #tpu.memory_space<semaphore_mem>>)
      %dma_start3A_907 = arith.constant 3 : i32
      %dma_start3A_908 = arith.constant 24 : i32
      %dma_start3A_909 = arith.constant 0 : i32
      %dma_start3A_910 = tpu.memref_slice %arg12[%dma_start3A_908, %dma_start3A_909] : memref<64x129xf32, #tpu.memory_space<vmem>> -> memref<8x128xf32, #tpu.memory_space<vmem>>
      %dma_start3A_911 = arith.constant 0 : i32
      %dma_start3A_912 = arith.constant 0 : i32
      %dma_start3A_913 = tpu.memref_slice %arg4[%add3A_841, %dma_start3A_907, %add3A, %dma_start3A_911, %dma_start3A_912] : memref<200x8x32x8x128xf32, #tpu.memory_space<hbm>> -> memref<1x1x1x8x128xf32, #tpu.memory_space<hbm>>
      %dma_start3A_914 = tpu.memref_squeeze %dma_start3A_913 : memref<1x1x1x8x128xf32, #tpu.memory_space<hbm>> -> memref<8x128xf32, #tpu.memory_space<hbm>>
      %dma_start3A_915 = arith.constant 0 : i32
      %dma_start3A_916 = arith.constant 0 : i32
      %dma_start3A_917 = tpu.memref_slice %arg4[%add3A_841, %dma_start3A_907, %add3A, %dma_start3A_915, %dma_start3A_916] : memref<200x8x32x8x128xf32, #tpu.memory_space<hbm>> -> memref<1x1x1x8x128xf32, #tpu.memory_space<hbm>>
      %dma_start3A_918 = tpu.memref_squeeze %dma_start3A_917 : memref<1x1x1x8x128xf32, #tpu.memory_space<hbm>> -> memref<8x128xf32, #tpu.memory_space<hbm>>
      %dma_start3A_919 = arith.constant 24 : i32
      %dma_start3A_920 = arith.constant 0 : i32
      %dma_start3A_921 = tpu.memref_slice %arg12[%dma_start3A_919, %dma_start3A_920] : memref<64x129xf32, #tpu.memory_space<vmem>> -> memref<8x128xf32, #tpu.memory_space<vmem>>
      tpu.enqueue_dma source(%dma_start3A_921 : memref<8x128xf32, #tpu.memory_space<vmem>>) target(%dma_start3A_918 : memref<8x128xf32, #tpu.memory_space<hbm>>) target_semaphore(%arg20 : memref<!tpu.dma_semaphore, #tpu.memory_space<semaphore_mem>>)
      %dma_start3A_922 = arith.constant 4 : i32
      %dma_start3A_923 = arith.constant 32 : i32
      %dma_start3A_924 = arith.constant 0 : i32
      %dma_start3A_925 = tpu.memref_slice %arg12[%dma_start3A_923, %dma_start3A_924] : memref<64x129xf32, #tpu.memory_space<vmem>> -> memref<8x128xf32, #tpu.memory_space<vmem>>
      %dma_start3A_926 = arith.constant 0 : i32
      %dma_start3A_927 = arith.constant 0 : i32
      %dma_start3A_928 = tpu.memref_slice %arg4[%add3A_841, %dma_start3A_922, %add3A, %dma_start3A_926, %dma_start3A_927] : memref<200x8x32x8x128xf32, #tpu.memory_space<hbm>> -> memref<1x1x1x8x128xf32, #tpu.memory_space<hbm>>
      %dma_start3A_929 = tpu.memref_squeeze %dma_start3A_928 : memref<1x1x1x8x128xf32, #tpu.memory_space<hbm>> -> memref<8x128xf32, #tpu.memory_space<hbm>>
      %dma_start3A_930 = arith.constant 0 : i32
      %dma_start3A_931 = arith.constant 0 : i32
      %dma_start3A_932 = tpu.memref_slice %arg4[%add3A_841, %dma_start3A_922, %add3A, %dma_start3A_930, %dma_start3A_931] : memref<200x8x32x8x128xf32, #tpu.memory_space<hbm>> -> memref<1x1x1x8x128xf32, #tpu.memory_space<hbm>>
      %dma_start3A_933 = tpu.memref_squeeze %dma_start3A_932 : memref<1x1x1x8x128xf32, #tpu.memory_space<hbm>> -> memref<8x128xf32, #tpu.memory_space<hbm>>
      %dma_start3A_934 = arith.constant 32 : i32
      %dma_start3A_935 = arith.constant 0 : i32
      %dma_start3A_936 = tpu.memref_slice %arg12[%dma_start3A_934, %dma_start3A_935] : memref<64x129xf32, #tpu.memory_space<vmem>> -> memref<8x128xf32, #tpu.memory_space<vmem>>
      tpu.enqueue_dma source(%dma_start3A_936 : memref<8x128xf32, #tpu.memory_space<vmem>>) target(%dma_start3A_933 : memref<8x128xf32, #tpu.memory_space<hbm>>) target_semaphore(%arg20 : memref<!tpu.dma_semaphore, #tpu.memory_space<semaphore_mem>>)
      %dma_start3A_937 = arith.constant 5 : i32
      %dma_start3A_938 = arith.constant 40 : i32
      %dma_start3A_939 = arith.constant 0 : i32
      %dma_start3A_940 = tpu.memref_slice %arg12[%dma_start3A_938, %dma_start3A_939] : memref<64x129xf32, #tpu.memory_space<vmem>> -> memref<8x128xf32, #tpu.memory_space<vmem>>
      %dma_start3A_941 = arith.constant 0 : i32
      %dma_start3A_942 = arith.constant 0 : i32
      %dma_start3A_943 = tpu.memref_slice %arg4[%add3A_841, %dma_start3A_937, %add3A, %dma_start3A_941, %dma_start3A_942] : memref<200x8x32x8x128xf32, #tpu.memory_space<hbm>> -> memref<1x1x1x8x128xf32, #tpu.memory_space<hbm>>
      %dma_start3A_944 = tpu.memref_squeeze %dma_start3A_943 : memref<1x1x1x8x128xf32, #tpu.memory_space<hbm>> -> memref<8x128xf32, #tpu.memory_space<hbm>>
      %dma_start3A_945 = arith.constant 0 : i32
      %dma_start3A_946 = arith.constant 0 : i32
      %dma_start3A_947 = tpu.memref_slice %arg4[%add3A_841, %dma_start3A_937, %add3A, %dma_start3A_945, %dma_start3A_946] : memref<200x8x32x8x128xf32, #tpu.memory_space<hbm>> -> memref<1x1x1x8x128xf32, #tpu.memory_space<hbm>>
      %dma_start3A_948 = tpu.memref_squeeze %dma_start3A_947 : memref<1x1x1x8x128xf32, #tpu.memory_space<hbm>> -> memref<8x128xf32, #tpu.memory_space<hbm>>
      %dma_start3A_949 = arith.constant 40 : i32
      %dma_start3A_950 = arith.constant 0 : i32
      %dma_start3A_951 = tpu.memref_slice %arg12[%dma_start3A_949, %dma_start3A_950] : memref<64x129xf32, #tpu.memory_space<vmem>> -> memref<8x128xf32, #tpu.memory_space<vmem>>
      tpu.enqueue_dma source(%dma_start3A_951 : memref<8x128xf32, #tpu.memory_space<vmem>>) target(%dma_start3A_948 : memref<8x128xf32, #tpu.memory_space<hbm>>) target_semaphore(%arg20 : memref<!tpu.dma_semaphore, #tpu.memory_space<semaphore_mem>>)
      %dma_start3A_952 = arith.constant 6 : i32
      %dma_start3A_953 = arith.constant 48 : i32
      %dma_start3A_954 = arith.constant 0 : i32
      %dma_start3A_955 = tpu.memref_slice %arg12[%dma_start3A_953, %dma_start3A_954] : memref<64x129xf32, #tpu.memory_space<vmem>> -> memref<8x128xf32, #tpu.memory_space<vmem>>
      %dma_start3A_956 = arith.constant 0 : i32
      %dma_start3A_957 = arith.constant 0 : i32
      %dma_start3A_958 = tpu.memref_slice %arg4[%add3A_841, %dma_start3A_952, %add3A, %dma_start3A_956, %dma_start3A_957] : memref<200x8x32x8x128xf32, #tpu.memory_space<hbm>> -> memref<1x1x1x8x128xf32, #tpu.memory_space<hbm>>
      %dma_start3A_959 = tpu.memref_squeeze %dma_start3A_958 : memref<1x1x1x8x128xf32, #tpu.memory_space<hbm>> -> memref<8x128xf32, #tpu.memory_space<hbm>>
      %dma_start3A_960 = arith.constant 0 : i32
      %dma_start3A_961 = arith.constant 0 : i32
      %dma_start3A_962 = tpu.memref_slice %arg4[%add3A_841, %dma_start3A_952, %add3A, %dma_start3A_960, %dma_start3A_961] : memref<200x8x32x8x128xf32, #tpu.memory_space<hbm>> -> memref<1x1x1x8x128xf32, #tpu.memory_space<hbm>>
      %dma_start3A_963 = tpu.memref_squeeze %dma_start3A_962 : memref<1x1x1x8x128xf32, #tpu.memory_space<hbm>> -> memref<8x128xf32, #tpu.memory_space<hbm>>
      %dma_start3A_964 = arith.constant 48 : i32
      %dma_start3A_965 = arith.constant 0 : i32
      %dma_start3A_966 = tpu.memref_slice %arg12[%dma_start3A_964, %dma_start3A_965] : memref<64x129xf32, #tpu.memory_space<vmem>> -> memref<8x128xf32, #tpu.memory_space<vmem>>
      tpu.enqueue_dma source(%dma_start3A_966 : memref<8x128xf32, #tpu.memory_space<vmem>>) target(%dma_start3A_963 : memref<8x128xf32, #tpu.memory_space<hbm>>) target_semaphore(%arg20 : memref<!tpu.dma_semaphore, #tpu.memory_space<semaphore_mem>>)
      %dma_start3A_967 = arith.constant 7 : i32
      %dma_start3A_968 = arith.constant 56 : i32
      %dma_start3A_969 = arith.constant 0 : i32
      %dma_start3A_970 = tpu.memref_slice %arg12[%dma_start3A_968, %dma_start3A_969] : memref<64x129xf32, #tpu.memory_space<vmem>> -> memref<8x128xf32, #tpu.memory_space<vmem>>
      %dma_start3A_971 = arith.constant 0 : i32
      %dma_start3A_972 = arith.constant 0 : i32
      %dma_start3A_973 = tpu.memref_slice %arg4[%add3A_841, %dma_start3A_967, %add3A, %dma_start3A_971, %dma_start3A_972] : memref<200x8x32x8x128xf32, #tpu.memory_space<hbm>> -> memref<1x1x1x8x128xf32, #tpu.memory_space<hbm>>
      %dma_start3A_974 = tpu.memref_squeeze %dma_start3A_973 : memref<1x1x1x8x128xf32, #tpu.memory_space<hbm>> -> memref<8x128xf32, #tpu.memory_space<hbm>>
      %dma_start3A_975 = arith.constant 0 : i32
      %dma_start3A_976 = arith.constant 0 : i32
      %dma_start3A_977 = tpu.memref_slice %arg4[%add3A_841, %dma_start3A_967, %add3A, %dma_start3A_975, %dma_start3A_976] : memref<200x8x32x8x128xf32, #tpu.memory_space<hbm>> -> memref<1x1x1x8x128xf32, #tpu.memory_space<hbm>>
      %dma_start3A_978 = tpu.memref_squeeze %dma_start3A_977 : memref<1x1x1x8x128xf32, #tpu.memory_space<hbm>> -> memref<8x128xf32, #tpu.memory_space<hbm>>
      %dma_start3A_979 = arith.constant 56 : i32
      %dma_start3A_980 = arith.constant 0 : i32
      %dma_start3A_981 = tpu.memref_slice %arg12[%dma_start3A_979, %dma_start3A_980] : memref<64x129xf32, #tpu.memory_space<vmem>> -> memref<8x128xf32, #tpu.memory_space<vmem>>
      tpu.enqueue_dma source(%dma_start3A_981 : memref<8x128xf32, #tpu.memory_space<vmem>>) target(%dma_start3A_978 : memref<8x128xf32, #tpu.memory_space<hbm>>) target_semaphore(%arg20 : memref<!tpu.dma_semaphore, #tpu.memory_space<semaphore_mem>>)
      %mul3A_982 = arith.constant 4 : i32
      %mul3A_983 = arith.muli %mul3A_982, %scan3A_554 : i32
      %add3A_984 = arith.constant 3 : i32
      %add3A_985 = arith.addi %mul3A_983, %add3A_984 : i32
      %lt3A_986 = arith.constant 197 : i32
      %lt3A_987 = arith.cmpi slt, %add3A_985, %lt3A_986 : i32
      %convert_element_type3A_988 = arith.extui %lt3A_987 : i1 to i32
      %cond3A_989 = arith.constant 0 : i32
      %cond3A_990 = arith.cmpi ne, %convert_element_type3A_988, %cond3A_989 : i32
      scf.if %cond3A_990 {
        %add3A_1126 = arith.constant 3 : i32
        %add3A_1127 = arith.addi %add3A_985, %add3A_1126 : i32
        %dma_start3A_1128 = arith.constant 0 : i32
        %dma_start3A_1129 = tpu.memref_slice %arg5[%add3A_1127, %dma_start3A_1128] : memref<200x128xi32, #tpu.memory_space<vmem>> -> memref<1x128xi32, #tpu.memory_space<vmem>>
        %dma_start3A_1130 = tpu.memref_squeeze %dma_start3A_1129 : memref<1x128xi32, #tpu.memory_space<vmem>> -> memref<128xi32, #tpu.memory_space<vmem>>
        %dma_start3A_1131 = arith.constant 0 : i32
        %dma_start3A_1132 = arith.constant 0 : i32
        %dma_start3A_1133 = tpu.memref_slice %arg2[%dma_start3A_1131, %dma_start3A_1132] : memref<1000000x64xf32, #tpu.memory_space<hbm>> -> memref<1000000x64xf32, #tpu.memory_space<hbm>>
        tpu.enqueue_indirect_dma source(%dma_start3A_1133 : memref<1000000x64xf32, #tpu.memory_space<hbm>>) target(%arg8 : memref<128x64xf32, #tpu.memory_space<vmem>>) offsets(%dma_start3A_1130 : memref<128xi32, #tpu.memory_space<vmem>>) semaphore(%arg16 : memref<!tpu.dma_semaphore, #tpu.memory_space<semaphore_mem>>)
      } else {
      }
      %dma_wait3A_991 = arith.constant 0 : i32
      %dma_wait3A_992 = arith.constant 0 : i32
      %dma_wait3A_993 = tpu.memref_slice %arg5[%dma_wait3A_991, %dma_wait3A_992] : memref<200x128xi32, #tpu.memory_space<vmem>> -> memref<1x128xi32, #tpu.memory_space<vmem>>
      %dma_wait3A_994 = tpu.memref_squeeze %dma_wait3A_993 : memref<1x128xi32, #tpu.memory_space<vmem>> -> memref<128xi32, #tpu.memory_space<vmem>>
      %dma_wait3A_995 = arith.constant 0 : i32
      %dma_wait3A_996 = arith.constant 0 : i32
      %dma_wait3A_997 = tpu.memref_slice %arg2[%dma_wait3A_995, %dma_wait3A_996] : memref<1000000x64xf32, #tpu.memory_space<hbm>> -> memref<1000000x64xf32, #tpu.memory_space<hbm>>
      tpu.wait_indirect_dma semaphore(%arg17 : memref<!tpu.dma_semaphore, #tpu.memory_space<semaphore_mem>>) src(%dma_wait3A_997 : memref<1000000x64xf32, #tpu.memory_space<hbm>>) dst(%arg9 : memref<128x64xf32, #tpu.memory_space<vmem>>)
      %ge3A_998 = arith.constant 4 : i32
      %ge3A_999 = arith.cmpi sge, %add3A_985, %ge3A_998 : i32
      %convert_element_type3A_1000 = arith.extui %ge3A_999 : i1 to i32
      %cond3A_1001 = arith.constant 0 : i32
      %cond3A_1002 = arith.cmpi ne, %convert_element_type3A_1000, %cond3A_1001 : i32
      scf.if %cond3A_1002 {
        %dma_wait3A_1126 = arith.constant 0 : i32
        %dma_wait3A_1127 = arith.constant 0 : i32
        %dma_wait3A_1128 = arith.constant 0 : i32
        %dma_wait3A_1129 = arith.constant 0 : i32
        %dma_wait3A_1130 = tpu.memref_slice %arg13[%dma_wait3A_1128, %dma_wait3A_1129] : memref<64x129xf32, #tpu.memory_space<vmem>> -> memref<8x128xf32, #tpu.memory_space<vmem>>
        %dma_wait3A_1131 = arith.constant 0 : i32
        %dma_wait3A_1132 = arith.constant 0 : i32
        %dma_wait3A_1133 = tpu.memref_slice %arg4[%dma_wait3A_1126, %dma_wait3A_1127, %add3A, %dma_wait3A_1131, %dma_wait3A_1132] : memref<200x8x32x8x128xf32, #tpu.memory_space<hbm>> -> memref<1x1x1x8x128xf32, #tpu.memory_space<hbm>>
        %dma_wait3A_1134 = tpu.memref_squeeze %dma_wait3A_1133 : memref<1x1x1x8x128xf32, #tpu.memory_space<hbm>> -> memref<8x128xf32, #tpu.memory_space<hbm>>
        %dma_wait3A_1135 = arith.constant 0 : i32
        %dma_wait3A_1136 = arith.constant 0 : i32
        %dma_wait3A_1137 = tpu.memref_slice %arg4[%dma_wait3A_1126, %dma_wait3A_1127, %add3A, %dma_wait3A_1135, %dma_wait3A_1136] : memref<200x8x32x8x128xf32, #tpu.memory_space<hbm>> -> memref<1x1x1x8x128xf32, #tpu.memory_space<hbm>>
        %dma_wait3A_1138 = tpu.memref_squeeze %dma_wait3A_1137 : memref<1x1x1x8x128xf32, #tpu.memory_space<hbm>> -> memref<8x128xf32, #tpu.memory_space<hbm>>
        %dma_wait3A_1139 = arith.constant 0 : i32
        %dma_wait3A_1140 = arith.constant 0 : i32
        %dma_wait3A_1141 = tpu.memref_slice %arg13[%dma_wait3A_1139, %dma_wait3A_1140] : memref<64x129xf32, #tpu.memory_space<vmem>> -> memref<8x128xf32, #tpu.memory_space<vmem>>
        tpu.wait_dma2 semaphore(%arg21 : memref<!tpu.dma_semaphore, #tpu.memory_space<semaphore_mem>>) src(%dma_wait3A_1141 : memref<8x128xf32, #tpu.memory_space<vmem>>) dst(%dma_wait3A_1138 : memref<8x128xf32, #tpu.memory_space<hbm>>)
        %dma_wait3A_1142 = arith.constant 0 : i32
        %dma_wait3A_1143 = arith.constant 1 : i32
        %dma_wait3A_1144 = arith.constant 8 : i32
        %dma_wait3A_1145 = arith.constant 0 : i32
        %dma_wait3A_1146 = tpu.memref_slice %arg13[%dma_wait3A_1144, %dma_wait3A_1145] : memref<64x129xf32, #tpu.memory_space<vmem>> -> memref<8x128xf32, #tpu.memory_space<vmem>>
        %dma_wait3A_1147 = arith.constant 0 : i32
        %dma_wait3A_1148 = arith.constant 0 : i32
        %dma_wait3A_1149 = tpu.memref_slice %arg4[%dma_wait3A_1142, %dma_wait3A_1143, %add3A, %dma_wait3A_1147, %dma_wait3A_1148] : memref<200x8x32x8x128xf32, #tpu.memory_space<hbm>> -> memref<1x1x1x8x128xf32, #tpu.memory_space<hbm>>
        %dma_wait3A_1150 = tpu.memref_squeeze %dma_wait3A_1149 : memref<1x1x1x8x128xf32, #tpu.memory_space<hbm>> -> memref<8x128xf32, #tpu.memory_space<hbm>>
        %dma_wait3A_1151 = arith.constant 0 : i32
        %dma_wait3A_1152 = arith.constant 0 : i32
        %dma_wait3A_1153 = tpu.memref_slice %arg4[%dma_wait3A_1142, %dma_wait3A_1143, %add3A, %dma_wait3A_1151, %dma_wait3A_1152] : memref<200x8x32x8x128xf32, #tpu.memory_space<hbm>> -> memref<1x1x1x8x128xf32, #tpu.memory_space<hbm>>
        %dma_wait3A_1154 = tpu.memref_squeeze %dma_wait3A_1153 : memref<1x1x1x8x128xf32, #tpu.memory_space<hbm>> -> memref<8x128xf32, #tpu.memory_space<hbm>>
        %dma_wait3A_1155 = arith.constant 8 : i32
        %dma_wait3A_1156 = arith.constant 0 : i32
        %dma_wait3A_1157 = tpu.memref_slice %arg13[%dma_wait3A_1155, %dma_wait3A_1156] : memref<64x129xf32, #tpu.memory_space<vmem>> -> memref<8x128xf32, #tpu.memory_space<vmem>>
        tpu.wait_dma2 semaphore(%arg21 : memref<!tpu.dma_semaphore, #tpu.memory_space<semaphore_mem>>) src(%dma_wait3A_1157 : memref<8x128xf32, #tpu.memory_space<vmem>>) dst(%dma_wait3A_1154 : memref<8x128xf32, #tpu.memory_space<hbm>>)
        %dma_wait3A_1158 = arith.constant 0 : i32
        %dma_wait3A_1159 = arith.constant 2 : i32
        %dma_wait3A_1160 = arith.constant 16 : i32
        %dma_wait3A_1161 = arith.constant 0 : i32
        %dma_wait3A_1162 = tpu.memref_slice %arg13[%dma_wait3A_1160, %dma_wait3A_1161] : memref<64x129xf32, #tpu.memory_space<vmem>> -> memref<8x128xf32, #tpu.memory_space<vmem>>
        %dma_wait3A_1163 = arith.constant 0 : i32
        %dma_wait3A_1164 = arith.constant 0 : i32
        %dma_wait3A_1165 = tpu.memref_slice %arg4[%dma_wait3A_1158, %dma_wait3A_1159, %add3A, %dma_wait3A_1163, %dma_wait3A_1164] : memref<200x8x32x8x128xf32, #tpu.memory_space<hbm>> -> memref<1x1x1x8x128xf32, #tpu.memory_space<hbm>>
        %dma_wait3A_1166 = tpu.memref_squeeze %dma_wait3A_1165 : memref<1x1x1x8x128xf32, #tpu.memory_space<hbm>> -> memref<8x128xf32, #tpu.memory_space<hbm>>
        %dma_wait3A_1167 = arith.constant 0 : i32
        %dma_wait3A_1168 = arith.constant 0 : i32
        %dma_wait3A_1169 = tpu.memref_slice %arg4[%dma_wait3A_1158, %dma_wait3A_1159, %add3A, %dma_wait3A_1167, %dma_wait3A_1168] : memref<200x8x32x8x128xf32, #tpu.memory_space<hbm>> -> memref<1x1x1x8x128xf32, #tpu.memory_space<hbm>>
        %dma_wait3A_1170 = tpu.memref_squeeze %dma_wait3A_1169 : memref<1x1x1x8x128xf32, #tpu.memory_space<hbm>> -> memref<8x128xf32, #tpu.memory_space<hbm>>
        %dma_wait3A_1171 = arith.constant 16 : i32
        %dma_wait3A_1172 = arith.constant 0 : i32
        %dma_wait3A_1173 = tpu.memref_slice %arg13[%dma_wait3A_1171, %dma_wait3A_1172] : memref<64x129xf32, #tpu.memory_space<vmem>> -> memref<8x128xf32, #tpu.memory_space<vmem>>
        tpu.wait_dma2 semaphore(%arg21 : memref<!tpu.dma_semaphore, #tpu.memory_space<semaphore_mem>>) src(%dma_wait3A_1173 : memref<8x128xf32, #tpu.memory_space<vmem>>) dst(%dma_wait3A_1170 : memref<8x128xf32, #tpu.memory_space<hbm>>)
        %dma_wait3A_1174 = arith.constant 0 : i32
        %dma_wait3A_1175 = arith.constant 3 : i32
        %dma_wait3A_1176 = arith.constant 24 : i32
        %dma_wait3A_1177 = arith.constant 0 : i32
        %dma_wait3A_1178 = tpu.memref_slice %arg13[%dma_wait3A_1176, %dma_wait3A_1177] : memref<64x129xf32, #tpu.memory_space<vmem>> -> memref<8x128xf32, #tpu.memory_space<vmem>>
        %dma_wait3A_1179 = arith.constant 0 : i32
        %dma_wait3A_1180 = arith.constant 0 : i32
        %dma_wait3A_1181 = tpu.memref_slice %arg4[%dma_wait3A_1174, %dma_wait3A_1175, %add3A, %dma_wait3A_1179, %dma_wait3A_1180] : memref<200x8x32x8x128xf32, #tpu.memory_space<hbm>> -> memref<1x1x1x8x128xf32, #tpu.memory_space<hbm>>
        %dma_wait3A_1182 = tpu.memref_squeeze %dma_wait3A_1181 : memref<1x1x1x8x128xf32, #tpu.memory_space<hbm>> -> memref<8x128xf32, #tpu.memory_space<hbm>>
        %dma_wait3A_1183 = arith.constant 0 : i32
        %dma_wait3A_1184 = arith.constant 0 : i32
        %dma_wait3A_1185 = tpu.memref_slice %arg4[%dma_wait3A_1174, %dma_wait3A_1175, %add3A, %dma_wait3A_1183, %dma_wait3A_1184] : memref<200x8x32x8x128xf32, #tpu.memory_space<hbm>> -> memref<1x1x1x8x128xf32, #tpu.memory_space<hbm>>
        %dma_wait3A_1186 = tpu.memref_squeeze %dma_wait3A_1185 : memref<1x1x1x8x128xf32, #tpu.memory_space<hbm>> -> memref<8x128xf32, #tpu.memory_space<hbm>>
        %dma_wait3A_1187 = arith.constant 24 : i32
        %dma_wait3A_1188 = arith.constant 0 : i32
        %dma_wait3A_1189 = tpu.memref_slice %arg13[%dma_wait3A_1187, %dma_wait3A_1188] : memref<64x129xf32, #tpu.memory_space<vmem>> -> memref<8x128xf32, #tpu.memory_space<vmem>>
        tpu.wait_dma2 semaphore(%arg21 : memref<!tpu.dma_semaphore, #tpu.memory_space<semaphore_mem>>) src(%dma_wait3A_1189 : memref<8x128xf32, #tpu.memory_space<vmem>>) dst(%dma_wait3A_1186 : memref<8x128xf32, #tpu.memory_space<hbm>>)
        %dma_wait3A_1190 = arith.constant 0 : i32
        %dma_wait3A_1191 = arith.constant 4 : i32
        %dma_wait3A_1192 = arith.constant 32 : i32
        %dma_wait3A_1193 = arith.constant 0 : i32
        %dma_wait3A_1194 = tpu.memref_slice %arg13[%dma_wait3A_1192, %dma_wait3A_1193] : memref<64x129xf32, #tpu.memory_space<vmem>> -> memref<8x128xf32, #tpu.memory_space<vmem>>
        %dma_wait3A_1195 = arith.constant 0 : i32
        %dma_wait3A_1196 = arith.constant 0 : i32
        %dma_wait3A_1197 = tpu.memref_slice %arg4[%dma_wait3A_1190, %dma_wait3A_1191, %add3A, %dma_wait3A_1195, %dma_wait3A_1196] : memref<200x8x32x8x128xf32, #tpu.memory_space<hbm>> -> memref<1x1x1x8x128xf32, #tpu.memory_space<hbm>>
        %dma_wait3A_1198 = tpu.memref_squeeze %dma_wait3A_1197 : memref<1x1x1x8x128xf32, #tpu.memory_space<hbm>> -> memref<8x128xf32, #tpu.memory_space<hbm>>
        %dma_wait3A_1199 = arith.constant 0 : i32
        %dma_wait3A_1200 = arith.constant 0 : i32
        %dma_wait3A_1201 = tpu.memref_slice %arg4[%dma_wait3A_1190, %dma_wait3A_1191, %add3A, %dma_wait3A_1199, %dma_wait3A_1200] : memref<200x8x32x8x128xf32, #tpu.memory_space<hbm>> -> memref<1x1x1x8x128xf32, #tpu.memory_space<hbm>>
        %dma_wait3A_1202 = tpu.memref_squeeze %dma_wait3A_1201 : memref<1x1x1x8x128xf32, #tpu.memory_space<hbm>> -> memref<8x128xf32, #tpu.memory_space<hbm>>
        %dma_wait3A_1203 = arith.constant 32 : i32
        %dma_wait3A_1204 = arith.constant 0 : i32
        %dma_wait3A_1205 = tpu.memref_slice %arg13[%dma_wait3A_1203, %dma_wait3A_1204] : memref<64x129xf32, #tpu.memory_space<vmem>> -> memref<8x128xf32, #tpu.memory_space<vmem>>
        tpu.wait_dma2 semaphore(%arg21 : memref<!tpu.dma_semaphore, #tpu.memory_space<semaphore_mem>>) src(%dma_wait3A_1205 : memref<8x128xf32, #tpu.memory_space<vmem>>) dst(%dma_wait3A_1202 : memref<8x128xf32, #tpu.memory_space<hbm>>)
        %dma_wait3A_1206 = arith.constant 0 : i32
        %dma_wait3A_1207 = arith.constant 5 : i32
        %dma_wait3A_1208 = arith.constant 40 : i32
        %dma_wait3A_1209 = arith.constant 0 : i32
        %dma_wait3A_1210 = tpu.memref_slice %arg13[%dma_wait3A_1208, %dma_wait3A_1209] : memref<64x129xf32, #tpu.memory_space<vmem>> -> memref<8x128xf32, #tpu.memory_space<vmem>>
        %dma_wait3A_1211 = arith.constant 0 : i32
        %dma_wait3A_1212 = arith.constant 0 : i32
        %dma_wait3A_1213 = tpu.memref_slice %arg4[%dma_wait3A_1206, %dma_wait3A_1207, %add3A, %dma_wait3A_1211, %dma_wait3A_1212] : memref<200x8x32x8x128xf32, #tpu.memory_space<hbm>> -> memref<1x1x1x8x128xf32, #tpu.memory_space<hbm>>
        %dma_wait3A_1214 = tpu.memref_squeeze %dma_wait3A_1213 : memref<1x1x1x8x128xf32, #tpu.memory_space<hbm>> -> memref<8x128xf32, #tpu.memory_space<hbm>>
        %dma_wait3A_1215 = arith.constant 0 : i32
        %dma_wait3A_1216 = arith.constant 0 : i32
        %dma_wait3A_1217 = tpu.memref_slice %arg4[%dma_wait3A_1206, %dma_wait3A_1207, %add3A, %dma_wait3A_1215, %dma_wait3A_1216] : memref<200x8x32x8x128xf32, #tpu.memory_space<hbm>> -> memref<1x1x1x8x128xf32, #tpu.memory_space<hbm>>
        %dma_wait3A_1218 = tpu.memref_squeeze %dma_wait3A_1217 : memref<1x1x1x8x128xf32, #tpu.memory_space<hbm>> -> memref<8x128xf32, #tpu.memory_space<hbm>>
        %dma_wait3A_1219 = arith.constant 40 : i32
        %dma_wait3A_1220 = arith.constant 0 : i32
        %dma_wait3A_1221 = tpu.memref_slice %arg13[%dma_wait3A_1219, %dma_wait3A_1220] : memref<64x129xf32, #tpu.memory_space<vmem>> -> memref<8x128xf32, #tpu.memory_space<vmem>>
        tpu.wait_dma2 semaphore(%arg21 : memref<!tpu.dma_semaphore, #tpu.memory_space<semaphore_mem>>) src(%dma_wait3A_1221 : memref<8x128xf32, #tpu.memory_space<vmem>>) dst(%dma_wait3A_1218 : memref<8x128xf32, #tpu.memory_space<hbm>>)
        %dma_wait3A_1222 = arith.constant 0 : i32
        %dma_wait3A_1223 = arith.constant 6 : i32
        %dma_wait3A_1224 = arith.constant 48 : i32
        %dma_wait3A_1225 = arith.constant 0 : i32
        %dma_wait3A_1226 = tpu.memref_slice %arg13[%dma_wait3A_1224, %dma_wait3A_1225] : memref<64x129xf32, #tpu.memory_space<vmem>> -> memref<8x128xf32, #tpu.memory_space<vmem>>
        %dma_wait3A_1227 = arith.constant 0 : i32
        %dma_wait3A_1228 = arith.constant 0 : i32
        %dma_wait3A_1229 = tpu.memref_slice %arg4[%dma_wait3A_1222, %dma_wait3A_1223, %add3A, %dma_wait3A_1227, %dma_wait3A_1228] : memref<200x8x32x8x128xf32, #tpu.memory_space<hbm>> -> memref<1x1x1x8x128xf32, #tpu.memory_space<hbm>>
        %dma_wait3A_1230 = tpu.memref_squeeze %dma_wait3A_1229 : memref<1x1x1x8x128xf32, #tpu.memory_space<hbm>> -> memref<8x128xf32, #tpu.memory_space<hbm>>
        %dma_wait3A_1231 = arith.constant 0 : i32
        %dma_wait3A_1232 = arith.constant 0 : i32
        %dma_wait3A_1233 = tpu.memref_slice %arg4[%dma_wait3A_1222, %dma_wait3A_1223, %add3A, %dma_wait3A_1231, %dma_wait3A_1232] : memref<200x8x32x8x128xf32, #tpu.memory_space<hbm>> -> memref<1x1x1x8x128xf32, #tpu.memory_space<hbm>>
        %dma_wait3A_1234 = tpu.memref_squeeze %dma_wait3A_1233 : memref<1x1x1x8x128xf32, #tpu.memory_space<hbm>> -> memref<8x128xf32, #tpu.memory_space<hbm>>
        %dma_wait3A_1235 = arith.constant 48 : i32
        %dma_wait3A_1236 = arith.constant 0 : i32
        %dma_wait3A_1237 = tpu.memref_slice %arg13[%dma_wait3A_1235, %dma_wait3A_1236] : memref<64x129xf32, #tpu.memory_space<vmem>> -> memref<8x128xf32, #tpu.memory_space<vmem>>
        tpu.wait_dma2 semaphore(%arg21 : memref<!tpu.dma_semaphore, #tpu.memory_space<semaphore_mem>>) src(%dma_wait3A_1237 : memref<8x128xf32, #tpu.memory_space<vmem>>) dst(%dma_wait3A_1234 : memref<8x128xf32, #tpu.memory_space<hbm>>)
        %dma_wait3A_1238 = arith.constant 0 : i32
        %dma_wait3A_1239 = arith.constant 7 : i32
        %dma_wait3A_1240 = arith.constant 56 : i32
        %dma_wait3A_1241 = arith.constant 0 : i32
        %dma_wait3A_1242 = tpu.memref_slice %arg13[%dma_wait3A_1240, %dma_wait3A_1241] : memref<64x129xf32, #tpu.memory_space<vmem>> -> memref<8x128xf32, #tpu.memory_space<vmem>>
        %dma_wait3A_1243 = arith.constant 0 : i32
        %dma_wait3A_1244 = arith.constant 0 : i32
        %dma_wait3A_1245 = tpu.memref_slice %arg4[%dma_wait3A_1238, %dma_wait3A_1239, %add3A, %dma_wait3A_1243, %dma_wait3A_1244] : memref<200x8x32x8x128xf32, #tpu.memory_space<hbm>> -> memref<1x1x1x8x128xf32, #tpu.memory_space<hbm>>
        %dma_wait3A_1246 = tpu.memref_squeeze %dma_wait3A_1245 : memref<1x1x1x8x128xf32, #tpu.memory_space<hbm>> -> memref<8x128xf32, #tpu.memory_space<hbm>>
        %dma_wait3A_1247 = arith.constant 0 : i32
        %dma_wait3A_1248 = arith.constant 0 : i32
        %dma_wait3A_1249 = tpu.memref_slice %arg4[%dma_wait3A_1238, %dma_wait3A_1239, %add3A, %dma_wait3A_1247, %dma_wait3A_1248] : memref<200x8x32x8x128xf32, #tpu.memory_space<hbm>> -> memref<1x1x1x8x128xf32, #tpu.memory_space<hbm>>
        %dma_wait3A_1250 = tpu.memref_squeeze %dma_wait3A_1249 : memref<1x1x1x8x128xf32, #tpu.memory_space<hbm>> -> memref<8x128xf32, #tpu.memory_space<hbm>>
        %dma_wait3A_1251 = arith.constant 56 : i32
        %dma_wait3A_1252 = arith.constant 0 : i32
        %dma_wait3A_1253 = tpu.memref_slice %arg13[%dma_wait3A_1251, %dma_wait3A_1252] : memref<64x129xf32, #tpu.memory_space<vmem>> -> memref<8x128xf32, #tpu.memory_space<vmem>>
        tpu.wait_dma2 semaphore(%arg21 : memref<!tpu.dma_semaphore, #tpu.memory_space<semaphore_mem>>) src(%dma_wait3A_1253 : memref<8x128xf32, #tpu.memory_space<vmem>>) dst(%dma_wait3A_1250 : memref<8x128xf32, #tpu.memory_space<hbm>>)
      } else {
      }
      %parallel_loop3A_1003 = arith.constant 0 : i32
      %parallel_loop3A_1004 = arith.constant 128 : i32
      %parallel_loop3A_1005 = arith.constant 1 : i32
      scf.for %parallel_loop3A_1126 = %parallel_loop3A_1003 to %parallel_loop3A_1004 step %parallel_loop3A_1005  : i32 {
        %parallel_loop3A_1127 = vector.broadcast %parallel_loop3A_1126 : i32 to vector<16xi32>
        %parallel_loop3A_1128 = arith.index_cast %parallel_loop3A_1126 : i32 to index
        %parallel_loop3A_1129 = arith.constant 0 : index
        %parallel_loop3A_1130 = tpu.vector_load %arg9[%parallel_loop3A_1128, %parallel_loop3A_1129] {strides = array<i32>} : memref<128x64xf32, #tpu.memory_space<vmem>>, vector<16xf32>,
        %parallel_loop3A_1131 = arith.constant 8.000000e+00 : f32
        %parallel_loop3A_1132 = vector.broadcast %parallel_loop3A_1131 : f32 to vector<16xf32>
        %parallel_loop3A_1133 = arith.mulf %parallel_loop3A_1130, %parallel_loop3A_1132 : vector<16xf32>
        tpu.vector_store_idx %arg13[%add3A_5, %parallel_loop3A_1127], %parallel_loop3A_1133 : memref<64x129xf32, #tpu.memory_space<vmem>>[vector<16xi32>, vector<16xi32>], vector<16xf32>,
        %parallel_loop3A_1134 = arith.index_cast %parallel_loop3A_1126 : i32 to index
        %parallel_loop3A_1135 = arith.constant 16 : index
        %parallel_loop3A_1136 = tpu.vector_load %arg9[%parallel_loop3A_1134, %parallel_loop3A_1135] {strides = array<i32>} : memref<128x64xf32, #tpu.memory_space<vmem>>, vector<16xf32>,
        %parallel_loop3A_1137 = arith.constant 8.000000e+00 : f32
        %parallel_loop3A_1138 = vector.broadcast %parallel_loop3A_1137 : f32 to vector<16xf32>
        %parallel_loop3A_1139 = arith.mulf %parallel_loop3A_1136, %parallel_loop3A_1138 : vector<16xf32>
        tpu.vector_store_idx %arg13[%add3A_9, %parallel_loop3A_1127], %parallel_loop3A_1139 : memref<64x129xf32, #tpu.memory_space<vmem>>[vector<16xi32>, vector<16xi32>], vector<16xf32>,
        %parallel_loop3A_1140 = arith.index_cast %parallel_loop3A_1126 : i32 to index
        %parallel_loop3A_1141 = arith.constant 32 : index
        %parallel_loop3A_1142 = tpu.vector_load %arg9[%parallel_loop3A_1140, %parallel_loop3A_1141] {strides = array<i32>} : memref<128x64xf32, #tpu.memory_space<vmem>>, vector<16xf32>,
        %parallel_loop3A_1143 = arith.constant 8.000000e+00 : f32
        %parallel_loop3A_1144 = vector.broadcast %parallel_loop3A_1143 : f32 to vector<16xf32>
        %parallel_loop3A_1145 = arith.mulf %parallel_loop3A_1142, %parallel_loop3A_1144 : vector<16xf32>
        tpu.vector_store_idx %arg13[%add3A_13, %parallel_loop3A_1127], %parallel_loop3A_1145 : memref<64x129xf32, #tpu.memory_space<vmem>>[vector<16xi32>, vector<16xi32>], vector<16xf32>,
        %parallel_loop3A_1146 = arith.index_cast %parallel_loop3A_1126 : i32 to index
        %parallel_loop3A_1147 = arith.constant 48 : index
        %parallel_loop3A_1148 = tpu.vector_load %arg9[%parallel_loop3A_1146, %parallel_loop3A_1147] {strides = array<i32>} : memref<128x64xf32, #tpu.memory_space<vmem>>, vector<16xf32>,
        %parallel_loop3A_1149 = arith.constant 8.000000e+00 : f32
        %parallel_loop3A_1150 = vector.broadcast %parallel_loop3A_1149 : f32 to vector<16xf32>
        %parallel_loop3A_1151 = arith.mulf %parallel_loop3A_1148, %parallel_loop3A_1150 : vector<16xf32>
        tpu.vector_store_idx %arg13[%add3A_17, %parallel_loop3A_1127], %parallel_loop3A_1151 : memref<64x129xf32, #tpu.memory_space<vmem>>[vector<16xi32>, vector<16xi32>], vector<16xf32>,
      } {sc.loop_unroll_factor = 4 : i64, sc.parallel_access}
      %dma_start3A_1006 = arith.constant 0 : i32
      %dma_start3A_1007 = arith.constant 0 : i32
      %dma_start3A_1008 = arith.constant 0 : i32
      %dma_start3A_1009 = tpu.memref_slice %arg13[%dma_start3A_1007, %dma_start3A_1008] : memref<64x129xf32, #tpu.memory_space<vmem>> -> memref<8x128xf32, #tpu.memory_space<vmem>>
      %dma_start3A_1010 = arith.constant 0 : i32
      %dma_start3A_1011 = arith.constant 0 : i32
      %dma_start3A_1012 = tpu.memref_slice %arg4[%add3A_985, %dma_start3A_1006, %add3A, %dma_start3A_1010, %dma_start3A_1011] : memref<200x8x32x8x128xf32, #tpu.memory_space<hbm>> -> memref<1x1x1x8x128xf32, #tpu.memory_space<hbm>>
      %dma_start3A_1013 = tpu.memref_squeeze %dma_start3A_1012 : memref<1x1x1x8x128xf32, #tpu.memory_space<hbm>> -> memref<8x128xf32, #tpu.memory_space<hbm>>
      %dma_start3A_1014 = arith.constant 0 : i32
      %dma_start3A_1015 = arith.constant 0 : i32
      %dma_start3A_1016 = tpu.memref_slice %arg4[%add3A_985, %dma_start3A_1006, %add3A, %dma_start3A_1014, %dma_start3A_1015] : memref<200x8x32x8x128xf32, #tpu.memory_space<hbm>> -> memref<1x1x1x8x128xf32, #tpu.memory_space<hbm>>
      %dma_start3A_1017 = tpu.memref_squeeze %dma_start3A_1016 : memref<1x1x1x8x128xf32, #tpu.memory_space<hbm>> -> memref<8x128xf32, #tpu.memory_space<hbm>>
      %dma_start3A_1018 = arith.constant 0 : i32
      %dma_start3A_1019 = arith.constant 0 : i32
      %dma_start3A_1020 = tpu.memref_slice %arg13[%dma_start3A_1018, %dma_start3A_1019] : memref<64x129xf32, #tpu.memory_space<vmem>> -> memref<8x128xf32, #tpu.memory_space<vmem>>
      tpu.enqueue_dma source(%dma_start3A_1020 : memref<8x128xf32, #tpu.memory_space<vmem>>) target(%dma_start3A_1017 : memref<8x128xf32, #tpu.memory_space<hbm>>) target_semaphore(%arg21 : memref<!tpu.dma_semaphore, #tpu.memory_space<semaphore_mem>>)
      %dma_start3A_1021 = arith.constant 1 : i32
      %dma_start3A_1022 = arith.constant 8 : i32
      %dma_start3A_1023 = arith.constant 0 : i32
      %dma_start3A_1024 = tpu.memref_slice %arg13[%dma_start3A_1022, %dma_start3A_1023] : memref<64x129xf32, #tpu.memory_space<vmem>> -> memref<8x128xf32, #tpu.memory_space<vmem>>
      %dma_start3A_1025 = arith.constant 0 : i32
      %dma_start3A_1026 = arith.constant 0 : i32
      %dma_start3A_1027 = tpu.memref_slice %arg4[%add3A_985, %dma_start3A_1021, %add3A, %dma_start3A_1025, %dma_start3A_1026] : memref<200x8x32x8x128xf32, #tpu.memory_space<hbm>> -> memref<1x1x1x8x128xf32, #tpu.memory_space<hbm>>
      %dma_start3A_1028 = tpu.memref_squeeze %dma_start3A_1027 : memref<1x1x1x8x128xf32, #tpu.memory_space<hbm>> -> memref<8x128xf32, #tpu.memory_space<hbm>>
      %dma_start3A_1029 = arith.constant 0 : i32
      %dma_start3A_1030 = arith.constant 0 : i32
      %dma_start3A_1031 = tpu.memref_slice %arg4[%add3A_985, %dma_start3A_1021, %add3A, %dma_start3A_1029, %dma_start3A_1030] : memref<200x8x32x8x128xf32, #tpu.memory_space<hbm>> -> memref<1x1x1x8x128xf32, #tpu.memory_space<hbm>>
      %dma_start3A_1032 = tpu.memref_squeeze %dma_start3A_1031 : memref<1x1x1x8x128xf32, #tpu.memory_space<hbm>> -> memref<8x128xf32, #tpu.memory_space<hbm>>
      %dma_start3A_1033 = arith.constant 8 : i32
      %dma_start3A_1034 = arith.constant 0 : i32
      %dma_start3A_1035 = tpu.memref_slice %arg13[%dma_start3A_1033, %dma_start3A_1034] : memref<64x129xf32, #tpu.memory_space<vmem>> -> memref<8x128xf32, #tpu.memory_space<vmem>>
      tpu.enqueue_dma source(%dma_start3A_1035 : memref<8x128xf32, #tpu.memory_space<vmem>>) target(%dma_start3A_1032 : memref<8x128xf32, #tpu.memory_space<hbm>>) target_semaphore(%arg21 : memref<!tpu.dma_semaphore, #tpu.memory_space<semaphore_mem>>)
      %dma_start3A_1036 = arith.constant 2 : i32
      %dma_start3A_1037 = arith.constant 16 : i32
      %dma_start3A_1038 = arith.constant 0 : i32
      %dma_start3A_1039 = tpu.memref_slice %arg13[%dma_start3A_1037, %dma_start3A_1038] : memref<64x129xf32, #tpu.memory_space<vmem>> -> memref<8x128xf32, #tpu.memory_space<vmem>>
      %dma_start3A_1040 = arith.constant 0 : i32
      %dma_start3A_1041 = arith.constant 0 : i32
      %dma_start3A_1042 = tpu.memref_slice %arg4[%add3A_985, %dma_start3A_1036, %add3A, %dma_start3A_1040, %dma_start3A_1041] : memref<200x8x32x8x128xf32, #tpu.memory_space<hbm>> -> memref<1x1x1x8x128xf32, #tpu.memory_space<hbm>>
      %dma_start3A_1043 = tpu.memref_squeeze %dma_start3A_1042 : memref<1x1x1x8x128xf32, #tpu.memory_space<hbm>> -> memref<8x128xf32, #tpu.memory_space<hbm>>
      %dma_start3A_1044 = arith.constant 0 : i32
      %dma_start3A_1045 = arith.constant 0 : i32
      %dma_start3A_1046 = tpu.memref_slice %arg4[%add3A_985, %dma_start3A_1036, %add3A, %dma_start3A_1044, %dma_start3A_1045] : memref<200x8x32x8x128xf32, #tpu.memory_space<hbm>> -> memref<1x1x1x8x128xf32, #tpu.memory_space<hbm>>
      %dma_start3A_1047 = tpu.memref_squeeze %dma_start3A_1046 : memref<1x1x1x8x128xf32, #tpu.memory_space<hbm>> -> memref<8x128xf32, #tpu.memory_space<hbm>>
      %dma_start3A_1048 = arith.constant 16 : i32
      %dma_start3A_1049 = arith.constant 0 : i32
      %dma_start3A_1050 = tpu.memref_slice %arg13[%dma_start3A_1048, %dma_start3A_1049] : memref<64x129xf32, #tpu.memory_space<vmem>> -> memref<8x128xf32, #tpu.memory_space<vmem>>
      tpu.enqueue_dma source(%dma_start3A_1050 : memref<8x128xf32, #tpu.memory_space<vmem>>) target(%dma_start3A_1047 : memref<8x128xf32, #tpu.memory_space<hbm>>) target_semaphore(%arg21 : memref<!tpu.dma_semaphore, #tpu.memory_space<semaphore_mem>>)
      %dma_start3A_1051 = arith.constant 3 : i32
      %dma_start3A_1052 = arith.constant 24 : i32
      %dma_start3A_1053 = arith.constant 0 : i32
      %dma_start3A_1054 = tpu.memref_slice %arg13[%dma_start3A_1052, %dma_start3A_1053] : memref<64x129xf32, #tpu.memory_space<vmem>> -> memref<8x128xf32, #tpu.memory_space<vmem>>
      %dma_start3A_1055 = arith.constant 0 : i32
      %dma_start3A_1056 = arith.constant 0 : i32
      %dma_start3A_1057 = tpu.memref_slice %arg4[%add3A_985, %dma_start3A_1051, %add3A, %dma_start3A_1055, %dma_start3A_1056] : memref<200x8x32x8x128xf32, #tpu.memory_space<hbm>> -> memref<1x1x1x8x128xf32, #tpu.memory_space<hbm>>
      %dma_start3A_1058 = tpu.memref_squeeze %dma_start3A_1057 : memref<1x1x1x8x128xf32, #tpu.memory_space<hbm>> -> memref<8x128xf32, #tpu.memory_space<hbm>>
      %dma_start3A_1059 = arith.constant 0 : i32
      %dma_start3A_1060 = arith.constant 0 : i32
      %dma_start3A_1061 = tpu.memref_slice %arg4[%add3A_985, %dma_start3A_1051, %add3A, %dma_start3A_1059, %dma_start3A_1060] : memref<200x8x32x8x128xf32, #tpu.memory_space<hbm>> -> memref<1x1x1x8x128xf32, #tpu.memory_space<hbm>>
      %dma_start3A_1062 = tpu.memref_squeeze %dma_start3A_1061 : memref<1x1x1x8x128xf32, #tpu.memory_space<hbm>> -> memref<8x128xf32, #tpu.memory_space<hbm>>
      %dma_start3A_1063 = arith.constant 24 : i32
      %dma_start3A_1064 = arith.constant 0 : i32
      %dma_start3A_1065 = tpu.memref_slice %arg13[%dma_start3A_1063, %dma_start3A_1064] : memref<64x129xf32, #tpu.memory_space<vmem>> -> memref<8x128xf32, #tpu.memory_space<vmem>>
      tpu.enqueue_dma source(%dma_start3A_1065 : memref<8x128xf32, #tpu.memory_space<vmem>>) target(%dma_start3A_1062 : memref<8x128xf32, #tpu.memory_space<hbm>>) target_semaphore(%arg21 : memref<!tpu.dma_semaphore, #tpu.memory_space<semaphore_mem>>)
      %dma_start3A_1066 = arith.constant 4 : i32
      %dma_start3A_1067 = arith.constant 32 : i32
      %dma_start3A_1068 = arith.constant 0 : i32
      %dma_start3A_1069 = tpu.memref_slice %arg13[%dma_start3A_1067, %dma_start3A_1068] : memref<64x129xf32, #tpu.memory_space<vmem>> -> memref<8x128xf32, #tpu.memory_space<vmem>>
      %dma_start3A_1070 = arith.constant 0 : i32
      %dma_start3A_1071 = arith.constant 0 : i32
      %dma_start3A_1072 = tpu.memref_slice %arg4[%add3A_985, %dma_start3A_1066, %add3A, %dma_start3A_1070, %dma_start3A_1071] : memref<200x8x32x8x128xf32, #tpu.memory_space<hbm>> -> memref<1x1x1x8x128xf32, #tpu.memory_space<hbm>>
      %dma_start3A_1073 = tpu.memref_squeeze %dma_start3A_1072 : memref<1x1x1x8x128xf32, #tpu.memory_space<hbm>> -> memref<8x128xf32, #tpu.memory_space<hbm>>
      %dma_start3A_1074 = arith.constant 0 : i32
      %dma_start3A_1075 = arith.constant 0 : i32
      %dma_start3A_1076 = tpu.memref_slice %arg4[%add3A_985, %dma_start3A_1066, %add3A, %dma_start3A_1074, %dma_start3A_1075] : memref<200x8x32x8x128xf32, #tpu.memory_space<hbm>> -> memref<1x1x1x8x128xf32, #tpu.memory_space<hbm>>
      %dma_start3A_1077 = tpu.memref_squeeze %dma_start3A_1076 : memref<1x1x1x8x128xf32, #tpu.memory_space<hbm>> -> memref<8x128xf32, #tpu.memory_space<hbm>>
      %dma_start3A_1078 = arith.constant 32 : i32
      %dma_start3A_1079 = arith.constant 0 : i32
      %dma_start3A_1080 = tpu.memref_slice %arg13[%dma_start3A_1078, %dma_start3A_1079] : memref<64x129xf32, #tpu.memory_space<vmem>> -> memref<8x128xf32, #tpu.memory_space<vmem>>
      tpu.enqueue_dma source(%dma_start3A_1080 : memref<8x128xf32, #tpu.memory_space<vmem>>) target(%dma_start3A_1077 : memref<8x128xf32, #tpu.memory_space<hbm>>) target_semaphore(%arg21 : memref<!tpu.dma_semaphore, #tpu.memory_space<semaphore_mem>>)
      %dma_start3A_1081 = arith.constant 5 : i32
      %dma_start3A_1082 = arith.constant 40 : i32
      %dma_start3A_1083 = arith.constant 0 : i32
      %dma_start3A_1084 = tpu.memref_slice %arg13[%dma_start3A_1082, %dma_start3A_1083] : memref<64x129xf32, #tpu.memory_space<vmem>> -> memref<8x128xf32, #tpu.memory_space<vmem>>
      %dma_start3A_1085 = arith.constant 0 : i32
      %dma_start3A_1086 = arith.constant 0 : i32
      %dma_start3A_1087 = tpu.memref_slice %arg4[%add3A_985, %dma_start3A_1081, %add3A, %dma_start3A_1085, %dma_start3A_1086] : memref<200x8x32x8x128xf32, #tpu.memory_space<hbm>> -> memref<1x1x1x8x128xf32, #tpu.memory_space<hbm>>
      %dma_start3A_1088 = tpu.memref_squeeze %dma_start3A_1087 : memref<1x1x1x8x128xf32, #tpu.memory_space<hbm>> -> memref<8x128xf32, #tpu.memory_space<hbm>>
      %dma_start3A_1089 = arith.constant 0 : i32
      %dma_start3A_1090 = arith.constant 0 : i32
      %dma_start3A_1091 = tpu.memref_slice %arg4[%add3A_985, %dma_start3A_1081, %add3A, %dma_start3A_1089, %dma_start3A_1090] : memref<200x8x32x8x128xf32, #tpu.memory_space<hbm>> -> memref<1x1x1x8x128xf32, #tpu.memory_space<hbm>>
      %dma_start3A_1092 = tpu.memref_squeeze %dma_start3A_1091 : memref<1x1x1x8x128xf32, #tpu.memory_space<hbm>> -> memref<8x128xf32, #tpu.memory_space<hbm>>
      %dma_start3A_1093 = arith.constant 40 : i32
      %dma_start3A_1094 = arith.constant 0 : i32
      %dma_start3A_1095 = tpu.memref_slice %arg13[%dma_start3A_1093, %dma_start3A_1094] : memref<64x129xf32, #tpu.memory_space<vmem>> -> memref<8x128xf32, #tpu.memory_space<vmem>>
      tpu.enqueue_dma source(%dma_start3A_1095 : memref<8x128xf32, #tpu.memory_space<vmem>>) target(%dma_start3A_1092 : memref<8x128xf32, #tpu.memory_space<hbm>>) target_semaphore(%arg21 : memref<!tpu.dma_semaphore, #tpu.memory_space<semaphore_mem>>)
      %dma_start3A_1096 = arith.constant 6 : i32
      %dma_start3A_1097 = arith.constant 48 : i32
      %dma_start3A_1098 = arith.constant 0 : i32
      %dma_start3A_1099 = tpu.memref_slice %arg13[%dma_start3A_1097, %dma_start3A_1098] : memref<64x129xf32, #tpu.memory_space<vmem>> -> memref<8x128xf32, #tpu.memory_space<vmem>>
      %dma_start3A_1100 = arith.constant 0 : i32
      %dma_start3A_1101 = arith.constant 0 : i32
      %dma_start3A_1102 = tpu.memref_slice %arg4[%add3A_985, %dma_start3A_1096, %add3A, %dma_start3A_1100, %dma_start3A_1101] : memref<200x8x32x8x128xf32, #tpu.memory_space<hbm>> -> memref<1x1x1x8x128xf32, #tpu.memory_space<hbm>>
      %dma_start3A_1103 = tpu.memref_squeeze %dma_start3A_1102 : memref<1x1x1x8x128xf32, #tpu.memory_space<hbm>> -> memref<8x128xf32, #tpu.memory_space<hbm>>
      %dma_start3A_1104 = arith.constant 0 : i32
      %dma_start3A_1105 = arith.constant 0 : i32
      %dma_start3A_1106 = tpu.memref_slice %arg4[%add3A_985, %dma_start3A_1096, %add3A, %dma_start3A_1104, %dma_start3A_1105] : memref<200x8x32x8x128xf32, #tpu.memory_space<hbm>> -> memref<1x1x1x8x128xf32, #tpu.memory_space<hbm>>
      %dma_start3A_1107 = tpu.memref_squeeze %dma_start3A_1106 : memref<1x1x1x8x128xf32, #tpu.memory_space<hbm>> -> memref<8x128xf32, #tpu.memory_space<hbm>>
      %dma_start3A_1108 = arith.constant 48 : i32
      %dma_start3A_1109 = arith.constant 0 : i32
      %dma_start3A_1110 = tpu.memref_slice %arg13[%dma_start3A_1108, %dma_start3A_1109] : memref<64x129xf32, #tpu.memory_space<vmem>> -> memref<8x128xf32, #tpu.memory_space<vmem>>
      tpu.enqueue_dma source(%dma_start3A_1110 : memref<8x128xf32, #tpu.memory_space<vmem>>) target(%dma_start3A_1107 : memref<8x128xf32, #tpu.memory_space<hbm>>) target_semaphore(%arg21 : memref<!tpu.dma_semaphore, #tpu.memory_space<semaphore_mem>>)
      %dma_start3A_1111 = arith.constant 7 : i32
      %dma_start3A_1112 = arith.constant 56 : i32
      %dma_start3A_1113 = arith.constant 0 : i32
      %dma_start3A_1114 = tpu.memref_slice %arg13[%dma_start3A_1112, %dma_start3A_1113] : memref<64x129xf32, #tpu.memory_space<vmem>> -> memref<8x128xf32, #tpu.memory_space<vmem>>
      %dma_start3A_1115 = arith.constant 0 : i32
      %dma_start3A_1116 = arith.constant 0 : i32
      %dma_start3A_1117 = tpu.memref_slice %arg4[%add3A_985, %dma_start3A_1111, %add3A, %dma_start3A_1115, %dma_start3A_1116] : memref<200x8x32x8x128xf32, #tpu.memory_space<hbm>> -> memref<1x1x1x8x128xf32, #tpu.memory_space<hbm>>
      %dma_start3A_1118 = tpu.memref_squeeze %dma_start3A_1117 : memref<1x1x1x8x128xf32, #tpu.memory_space<hbm>> -> memref<8x128xf32, #tpu.memory_space<hbm>>
      %dma_start3A_1119 = arith.constant 0 : i32
      %dma_start3A_1120 = arith.constant 0 : i32
      %dma_start3A_1121 = tpu.memref_slice %arg4[%add3A_985, %dma_start3A_1111, %add3A, %dma_start3A_1119, %dma_start3A_1120] : memref<200x8x32x8x128xf32, #tpu.memory_space<hbm>> -> memref<1x1x1x8x128xf32, #tpu.memory_space<hbm>>
      %dma_start3A_1122 = tpu.memref_squeeze %dma_start3A_1121 : memref<1x1x1x8x128xf32, #tpu.memory_space<hbm>> -> memref<8x128xf32, #tpu.memory_space<hbm>>
      %dma_start3A_1123 = arith.constant 56 : i32
      %dma_start3A_1124 = arith.constant 0 : i32
      %dma_start3A_1125 = tpu.memref_slice %arg13[%dma_start3A_1123, %dma_start3A_1124] : memref<64x129xf32, #tpu.memory_space<vmem>> -> memref<8x128xf32, #tpu.memory_space<vmem>>
      tpu.enqueue_dma source(%dma_start3A_1125 : memref<8x128xf32, #tpu.memory_space<vmem>>) target(%dma_start3A_1122 : memref<8x128xf32, #tpu.memory_space<hbm>>) target_semaphore(%arg21 : memref<!tpu.dma_semaphore, #tpu.memory_space<semaphore_mem>>)
    }
    %scan3A_42 = arith.constant 50 : i32
    %dma_wait3A = arith.constant 0 : i32
    %dma_wait3A_43 = arith.constant 0 : i32
    %dma_wait3A_44 = arith.constant 0 : i32
    %dma_wait3A_45 = arith.constant 0 : i32
    %dma_wait3A_46 = tpu.memref_slice %arg10[%dma_wait3A_44, %dma_wait3A_45] : memref<64x129xf32, #tpu.memory_space<vmem>> -> memref<8x128xf32, #tpu.memory_space<vmem>>
    %dma_wait3A_47 = arith.constant 0 : i32
    %dma_wait3A_48 = arith.constant 0 : i32
    %dma_wait3A_49 = tpu.memref_slice %arg4[%dma_wait3A, %dma_wait3A_43, %add3A, %dma_wait3A_47, %dma_wait3A_48] : memref<200x8x32x8x128xf32, #tpu.memory_space<hbm>> -> memref<1x1x1x8x128xf32, #tpu.memory_space<hbm>>
    %dma_wait3A_50 = tpu.memref_squeeze %dma_wait3A_49 : memref<1x1x1x8x128xf32, #tpu.memory_space<hbm>> -> memref<8x128xf32, #tpu.memory_space<hbm>>
    %dma_wait3A_51 = arith.constant 0 : i32
    %dma_wait3A_52 = arith.constant 0 : i32
    %dma_wait3A_53 = tpu.memref_slice %arg4[%dma_wait3A, %dma_wait3A_43, %add3A, %dma_wait3A_51, %dma_wait3A_52] : memref<200x8x32x8x128xf32, #tpu.memory_space<hbm>> -> memref<1x1x1x8x128xf32, #tpu.memory_space<hbm>>
    %dma_wait3A_54 = tpu.memref_squeeze %dma_wait3A_53 : memref<1x1x1x8x128xf32, #tpu.memory_space<hbm>> -> memref<8x128xf32, #tpu.memory_space<hbm>>
    %dma_wait3A_55 = arith.constant 0 : i32
    %dma_wait3A_56 = arith.constant 0 : i32
    %dma_wait3A_57 = tpu.memref_slice %arg10[%dma_wait3A_55, %dma_wait3A_56] : memref<64x129xf32, #tpu.memory_space<vmem>> -> memref<8x128xf32, #tpu.memory_space<vmem>>
    tpu.wait_dma2 semaphore(%arg18 : memref<!tpu.dma_semaphore, #tpu.memory_space<semaphore_mem>>) src(%dma_wait3A_57 : memref<8x128xf32, #tpu.memory_space<vmem>>) dst(%dma_wait3A_54 : memref<8x128xf32, #tpu.memory_space<hbm>>)
    %dma_wait3A_58 = arith.constant 0 : i32
    %dma_wait3A_59 = arith.constant 1 : i32
    %dma_wait3A_60 = arith.constant 8 : i32
    %dma_wait3A_61 = arith.constant 0 : i32
    %dma_wait3A_62 = tpu.memref_slice %arg10[%dma_wait3A_60, %dma_wait3A_61] : memref<64x129xf32, #tpu.memory_space<vmem>> -> memref<8x128xf32, #tpu.memory_space<vmem>>
    %dma_wait3A_63 = arith.constant 0 : i32
    %dma_wait3A_64 = arith.constant 0 : i32
    %dma_wait3A_65 = tpu.memref_slice %arg4[%dma_wait3A_58, %dma_wait3A_59, %add3A, %dma_wait3A_63, %dma_wait3A_64] : memref<200x8x32x8x128xf32, #tpu.memory_space<hbm>> -> memref<1x1x1x8x128xf32, #tpu.memory_space<hbm>>
    %dma_wait3A_66 = tpu.memref_squeeze %dma_wait3A_65 : memref<1x1x1x8x128xf32, #tpu.memory_space<hbm>> -> memref<8x128xf32, #tpu.memory_space<hbm>>
    %dma_wait3A_67 = arith.constant 0 : i32
    %dma_wait3A_68 = arith.constant 0 : i32
    %dma_wait3A_69 = tpu.memref_slice %arg4[%dma_wait3A_58, %dma_wait3A_59, %add3A, %dma_wait3A_67, %dma_wait3A_68] : memref<200x8x32x8x128xf32, #tpu.memory_space<hbm>> -> memref<1x1x1x8x128xf32, #tpu.memory_space<hbm>>
    %dma_wait3A_70 = tpu.memref_squeeze %dma_wait3A_69 : memref<1x1x1x8x128xf32, #tpu.memory_space<hbm>> -> memref<8x128xf32, #tpu.memory_space<hbm>>
    %dma_wait3A_71 = arith.constant 8 : i32
    %dma_wait3A_72 = arith.constant 0 : i32
    %dma_wait3A_73 = tpu.memref_slice %arg10[%dma_wait3A_71, %dma_wait3A_72] : memref<64x129xf32, #tpu.memory_space<vmem>> -> memref<8x128xf32, #tpu.memory_space<vmem>>
    tpu.wait_dma2 semaphore(%arg18 : memref<!tpu.dma_semaphore, #tpu.memory_space<semaphore_mem>>) src(%dma_wait3A_73 : memref<8x128xf32, #tpu.memory_space<vmem>>) dst(%dma_wait3A_70 : memref<8x128xf32, #tpu.memory_space<hbm>>)
    %dma_wait3A_74 = arith.constant 0 : i32
    %dma_wait3A_75 = arith.constant 2 : i32
    %dma_wait3A_76 = arith.constant 16 : i32
    %dma_wait3A_77 = arith.constant 0 : i32
    %dma_wait3A_78 = tpu.memref_slice %arg10[%dma_wait3A_76, %dma_wait3A_77] : memref<64x129xf32, #tpu.memory_space<vmem>> -> memref<8x128xf32, #tpu.memory_space<vmem>>
    %dma_wait3A_79 = arith.constant 0 : i32
    %dma_wait3A_80 = arith.constant 0 : i32
    %dma_wait3A_81 = tpu.memref_slice %arg4[%dma_wait3A_74, %dma_wait3A_75, %add3A, %dma_wait3A_79, %dma_wait3A_80] : memref<200x8x32x8x128xf32, #tpu.memory_space<hbm>> -> memref<1x1x1x8x128xf32, #tpu.memory_space<hbm>>
    %dma_wait3A_82 = tpu.memref_squeeze %dma_wait3A_81 : memref<1x1x1x8x128xf32, #tpu.memory_space<hbm>> -> memref<8x128xf32, #tpu.memory_space<hbm>>
    %dma_wait3A_83 = arith.constant 0 : i32
    %dma_wait3A_84 = arith.constant 0 : i32
    %dma_wait3A_85 = tpu.memref_slice %arg4[%dma_wait3A_74, %dma_wait3A_75, %add3A, %dma_wait3A_83, %dma_wait3A_84] : memref<200x8x32x8x128xf32, #tpu.memory_space<hbm>> -> memref<1x1x1x8x128xf32, #tpu.memory_space<hbm>>
    %dma_wait3A_86 = tpu.memref_squeeze %dma_wait3A_85 : memref<1x1x1x8x128xf32, #tpu.memory_space<hbm>> -> memref<8x128xf32, #tpu.memory_space<hbm>>
    %dma_wait3A_87 = arith.constant 16 : i32
    %dma_wait3A_88 = arith.constant 0 : i32
    %dma_wait3A_89 = tpu.memref_slice %arg10[%dma_wait3A_87, %dma_wait3A_88] : memref<64x129xf32, #tpu.memory_space<vmem>> -> memref<8x128xf32, #tpu.memory_space<vmem>>
    tpu.wait_dma2 semaphore(%arg18 : memref<!tpu.dma_semaphore, #tpu.memory_space<semaphore_mem>>) src(%dma_wait3A_89 : memref<8x128xf32, #tpu.memory_space<vmem>>) dst(%dma_wait3A_86 : memref<8x128xf32, #tpu.memory_space<hbm>>)
    %dma_wait3A_90 = arith.constant 0 : i32
    %dma_wait3A_91 = arith.constant 3 : i32
    %dma_wait3A_92 = arith.constant 24 : i32
    %dma_wait3A_93 = arith.constant 0 : i32
    %dma_wait3A_94 = tpu.memref_slice %arg10[%dma_wait3A_92, %dma_wait3A_93] : memref<64x129xf32, #tpu.memory_space<vmem>> -> memref<8x128xf32, #tpu.memory_space<vmem>>
    %dma_wait3A_95 = arith.constant 0 : i32
    %dma_wait3A_96 = arith.constant 0 : i32
    %dma_wait3A_97 = tpu.memref_slice %arg4[%dma_wait3A_90, %dma_wait3A_91, %add3A, %dma_wait3A_95, %dma_wait3A_96] : memref<200x8x32x8x128xf32, #tpu.memory_space<hbm>> -> memref<1x1x1x8x128xf32, #tpu.memory_space<hbm>>
    %dma_wait3A_98 = tpu.memref_squeeze %dma_wait3A_97 : memref<1x1x1x8x128xf32, #tpu.memory_space<hbm>> -> memref<8x128xf32, #tpu.memory_space<hbm>>
    %dma_wait3A_99 = arith.constant 0 : i32
    %dma_wait3A_100 = arith.constant 0 : i32
    %dma_wait3A_101 = tpu.memref_slice %arg4[%dma_wait3A_90, %dma_wait3A_91, %add3A, %dma_wait3A_99, %dma_wait3A_100] : memref<200x8x32x8x128xf32, #tpu.memory_space<hbm>> -> memref<1x1x1x8x128xf32, #tpu.memory_space<hbm>>
    %dma_wait3A_102 = tpu.memref_squeeze %dma_wait3A_101 : memref<1x1x1x8x128xf32, #tpu.memory_space<hbm>> -> memref<8x128xf32, #tpu.memory_space<hbm>>
    %dma_wait3A_103 = arith.constant 24 : i32
    %dma_wait3A_104 = arith.constant 0 : i32
    %dma_wait3A_105 = tpu.memref_slice %arg10[%dma_wait3A_103, %dma_wait3A_104] : memref<64x129xf32, #tpu.memory_space<vmem>> -> memref<8x128xf32, #tpu.memory_space<vmem>>
    tpu.wait_dma2 semaphore(%arg18 : memref<!tpu.dma_semaphore, #tpu.memory_space<semaphore_mem>>) src(%dma_wait3A_105 : memref<8x128xf32, #tpu.memory_space<vmem>>) dst(%dma_wait3A_102 : memref<8x128xf32, #tpu.memory_space<hbm>>)
    %dma_wait3A_106 = arith.constant 0 : i32
    %dma_wait3A_107 = arith.constant 4 : i32
    %dma_wait3A_108 = arith.constant 32 : i32
    %dma_wait3A_109 = arith.constant 0 : i32
    %dma_wait3A_110 = tpu.memref_slice %arg10[%dma_wait3A_108, %dma_wait3A_109] : memref<64x129xf32, #tpu.memory_space<vmem>> -> memref<8x128xf32, #tpu.memory_space<vmem>>
    %dma_wait3A_111 = arith.constant 0 : i32
    %dma_wait3A_112 = arith.constant 0 : i32
    %dma_wait3A_113 = tpu.memref_slice %arg4[%dma_wait3A_106, %dma_wait3A_107, %add3A, %dma_wait3A_111, %dma_wait3A_112] : memref<200x8x32x8x128xf32, #tpu.memory_space<hbm>> -> memref<1x1x1x8x128xf32, #tpu.memory_space<hbm>>
    %dma_wait3A_114 = tpu.memref_squeeze %dma_wait3A_113 : memref<1x1x1x8x128xf32, #tpu.memory_space<hbm>> -> memref<8x128xf32, #tpu.memory_space<hbm>>
    %dma_wait3A_115 = arith.constant 0 : i32
    %dma_wait3A_116 = arith.constant 0 : i32
    %dma_wait3A_117 = tpu.memref_slice %arg4[%dma_wait3A_106, %dma_wait3A_107, %add3A, %dma_wait3A_115, %dma_wait3A_116] : memref<200x8x32x8x128xf32, #tpu.memory_space<hbm>> -> memref<1x1x1x8x128xf32, #tpu.memory_space<hbm>>
    %dma_wait3A_118 = tpu.memref_squeeze %dma_wait3A_117 : memref<1x1x1x8x128xf32, #tpu.memory_space<hbm>> -> memref<8x128xf32, #tpu.memory_space<hbm>>
    %dma_wait3A_119 = arith.constant 32 : i32
    %dma_wait3A_120 = arith.constant 0 : i32
    %dma_wait3A_121 = tpu.memref_slice %arg10[%dma_wait3A_119, %dma_wait3A_120] : memref<64x129xf32, #tpu.memory_space<vmem>> -> memref<8x128xf32, #tpu.memory_space<vmem>>
    tpu.wait_dma2 semaphore(%arg18 : memref<!tpu.dma_semaphore, #tpu.memory_space<semaphore_mem>>) src(%dma_wait3A_121 : memref<8x128xf32, #tpu.memory_space<vmem>>) dst(%dma_wait3A_118 : memref<8x128xf32, #tpu.memory_space<hbm>>)
    %dma_wait3A_122 = arith.constant 0 : i32
    %dma_wait3A_123 = arith.constant 5 : i32
    %dma_wait3A_124 = arith.constant 40 : i32
    %dma_wait3A_125 = arith.constant 0 : i32
    %dma_wait3A_126 = tpu.memref_slice %arg10[%dma_wait3A_124, %dma_wait3A_125] : memref<64x129xf32, #tpu.memory_space<vmem>> -> memref<8x128xf32, #tpu.memory_space<vmem>>
    %dma_wait3A_127 = arith.constant 0 : i32
    %dma_wait3A_128 = arith.constant 0 : i32
    %dma_wait3A_129 = tpu.memref_slice %arg4[%dma_wait3A_122, %dma_wait3A_123, %add3A, %dma_wait3A_127, %dma_wait3A_128] : memref<200x8x32x8x128xf32, #tpu.memory_space<hbm>> -> memref<1x1x1x8x128xf32, #tpu.memory_space<hbm>>
    %dma_wait3A_130 = tpu.memref_squeeze %dma_wait3A_129 : memref<1x1x1x8x128xf32, #tpu.memory_space<hbm>> -> memref<8x128xf32, #tpu.memory_space<hbm>>
    %dma_wait3A_131 = arith.constant 0 : i32
    %dma_wait3A_132 = arith.constant 0 : i32
    %dma_wait3A_133 = tpu.memref_slice %arg4[%dma_wait3A_122, %dma_wait3A_123, %add3A, %dma_wait3A_131, %dma_wait3A_132] : memref<200x8x32x8x128xf32, #tpu.memory_space<hbm>> -> memref<1x1x1x8x128xf32, #tpu.memory_space<hbm>>
    %dma_wait3A_134 = tpu.memref_squeeze %dma_wait3A_133 : memref<1x1x1x8x128xf32, #tpu.memory_space<hbm>> -> memref<8x128xf32, #tpu.memory_space<hbm>>
    %dma_wait3A_135 = arith.constant 40 : i32
    %dma_wait3A_136 = arith.constant 0 : i32
    %dma_wait3A_137 = tpu.memref_slice %arg10[%dma_wait3A_135, %dma_wait3A_136] : memref<64x129xf32, #tpu.memory_space<vmem>> -> memref<8x128xf32, #tpu.memory_space<vmem>>
    tpu.wait_dma2 semaphore(%arg18 : memref<!tpu.dma_semaphore, #tpu.memory_space<semaphore_mem>>) src(%dma_wait3A_137 : memref<8x128xf32, #tpu.memory_space<vmem>>) dst(%dma_wait3A_134 : memref<8x128xf32, #tpu.memory_space<hbm>>)
    %dma_wait3A_138 = arith.constant 0 : i32
    %dma_wait3A_139 = arith.constant 6 : i32
    %dma_wait3A_140 = arith.constant 48 : i32
    %dma_wait3A_141 = arith.constant 0 : i32
    %dma_wait3A_142 = tpu.memref_slice %arg10[%dma_wait3A_140, %dma_wait3A_141] : memref<64x129xf32, #tpu.memory_space<vmem>> -> memref<8x128xf32, #tpu.memory_space<vmem>>
    %dma_wait3A_143 = arith.constant 0 : i32
    %dma_wait3A_144 = arith.constant 0 : i32
    %dma_wait3A_145 = tpu.memref_slice %arg4[%dma_wait3A_138, %dma_wait3A_139, %add3A, %dma_wait3A_143, %dma_wait3A_144] : memref<200x8x32x8x128xf32, #tpu.memory_space<hbm>> -> memref<1x1x1x8x128xf32, #tpu.memory_space<hbm>>
    %dma_wait3A_146 = tpu.memref_squeeze %dma_wait3A_145 : memref<1x1x1x8x128xf32, #tpu.memory_space<hbm>> -> memref<8x128xf32, #tpu.memory_space<hbm>>
    %dma_wait3A_147 = arith.constant 0 : i32
    %dma_wait3A_148 = arith.constant 0 : i32
    %dma_wait3A_149 = tpu.memref_slice %arg4[%dma_wait3A_138, %dma_wait3A_139, %add3A, %dma_wait3A_147, %dma_wait3A_148] : memref<200x8x32x8x128xf32, #tpu.memory_space<hbm>> -> memref<1x1x1x8x128xf32, #tpu.memory_space<hbm>>
    %dma_wait3A_150 = tpu.memref_squeeze %dma_wait3A_149 : memref<1x1x1x8x128xf32, #tpu.memory_space<hbm>> -> memref<8x128xf32, #tpu.memory_space<hbm>>
    %dma_wait3A_151 = arith.constant 48 : i32
    %dma_wait3A_152 = arith.constant 0 : i32
    %dma_wait3A_153 = tpu.memref_slice %arg10[%dma_wait3A_151, %dma_wait3A_152] : memref<64x129xf32, #tpu.memory_space<vmem>> -> memref<8x128xf32, #tpu.memory_space<vmem>>
    tpu.wait_dma2 semaphore(%arg18 : memref<!tpu.dma_semaphore, #tpu.memory_space<semaphore_mem>>) src(%dma_wait3A_153 : memref<8x128xf32, #tpu.memory_space<vmem>>) dst(%dma_wait3A_150 : memref<8x128xf32, #tpu.memory_space<hbm>>)
    %dma_wait3A_154 = arith.constant 0 : i32
    %dma_wait3A_155 = arith.constant 7 : i32
    %dma_wait3A_156 = arith.constant 56 : i32
    %dma_wait3A_157 = arith.constant 0 : i32
    %dma_wait3A_158 = tpu.memref_slice %arg10[%dma_wait3A_156, %dma_wait3A_157] : memref<64x129xf32, #tpu.memory_space<vmem>> -> memref<8x128xf32, #tpu.memory_space<vmem>>
    %dma_wait3A_159 = arith.constant 0 : i32
    %dma_wait3A_160 = arith.constant 0 : i32
    %dma_wait3A_161 = tpu.memref_slice %arg4[%dma_wait3A_154, %dma_wait3A_155, %add3A, %dma_wait3A_159, %dma_wait3A_160] : memref<200x8x32x8x128xf32, #tpu.memory_space<hbm>> -> memref<1x1x1x8x128xf32, #tpu.memory_space<hbm>>
    %dma_wait3A_162 = tpu.memref_squeeze %dma_wait3A_161 : memref<1x1x1x8x128xf32, #tpu.memory_space<hbm>> -> memref<8x128xf32, #tpu.memory_space<hbm>>
    %dma_wait3A_163 = arith.constant 0 : i32
    %dma_wait3A_164 = arith.constant 0 : i32
    %dma_wait3A_165 = tpu.memref_slice %arg4[%dma_wait3A_154, %dma_wait3A_155, %add3A, %dma_wait3A_163, %dma_wait3A_164] : memref<200x8x32x8x128xf32, #tpu.memory_space<hbm>> -> memref<1x1x1x8x128xf32, #tpu.memory_space<hbm>>
    %dma_wait3A_166 = tpu.memref_squeeze %dma_wait3A_165 : memref<1x1x1x8x128xf32, #tpu.memory_space<hbm>> -> memref<8x128xf32, #tpu.memory_space<hbm>>
    %dma_wait3A_167 = arith.constant 56 : i32
    %dma_wait3A_168 = arith.constant 0 : i32
    %dma_wait3A_169 = tpu.memref_slice %arg10[%dma_wait3A_167, %dma_wait3A_168] : memref<64x129xf32, #tpu.memory_space<vmem>> -> memref<8x128xf32, #tpu.memory_space<vmem>>
    tpu.wait_dma2 semaphore(%arg18 : memref<!tpu.dma_semaphore, #tpu.memory_space<semaphore_mem>>) src(%dma_wait3A_169 : memref<8x128xf32, #tpu.memory_space<vmem>>) dst(%dma_wait3A_166 : memref<8x128xf32, #tpu.memory_space<hbm>>)
    %dma_wait3A_170 = arith.constant 0 : i32
    %dma_wait3A_171 = arith.constant 0 : i32
    %dma_wait3A_172 = arith.constant 0 : i32
    %dma_wait3A_173 = arith.constant 0 : i32
    %dma_wait3A_174 = tpu.memref_slice %arg11[%dma_wait3A_172, %dma_wait3A_173] : memref<64x129xf32, #tpu.memory_space<vmem>> -> memref<8x128xf32, #tpu.memory_space<vmem>>
    %dma_wait3A_175 = arith.constant 0 : i32
    %dma_wait3A_176 = arith.constant 0 : i32
    %dma_wait3A_177 = tpu.memref_slice %arg4[%dma_wait3A_170, %dma_wait3A_171, %add3A, %dma_wait3A_175, %dma_wait3A_176] : memref<200x8x32x8x128xf32, #tpu.memory_space<hbm>> -> memref<1x1x1x8x128xf32, #tpu.memory_space<hbm>>
    %dma_wait3A_178 = tpu.memref_squeeze %dma_wait3A_177 : memref<1x1x1x8x128xf32, #tpu.memory_space<hbm>> -> memref<8x128xf32, #tpu.memory_space<hbm>>
    %dma_wait3A_179 = arith.constant 0 : i32
    %dma_wait3A_180 = arith.constant 0 : i32
    %dma_wait3A_181 = tpu.memref_slice %arg4[%dma_wait3A_170, %dma_wait3A_171, %add3A, %dma_wait3A_179, %dma_wait3A_180] : memref<200x8x32x8x128xf32, #tpu.memory_space<hbm>> -> memref<1x1x1x8x128xf32, #tpu.memory_space<hbm>>
    %dma_wait3A_182 = tpu.memref_squeeze %dma_wait3A_181 : memref<1x1x1x8x128xf32, #tpu.memory_space<hbm>> -> memref<8x128xf32, #tpu.memory_space<hbm>>
    %dma_wait3A_183 = arith.constant 0 : i32
    %dma_wait3A_184 = arith.constant 0 : i32
    %dma_wait3A_185 = tpu.memref_slice %arg11[%dma_wait3A_183, %dma_wait3A_184] : memref<64x129xf32, #tpu.memory_space<vmem>> -> memref<8x128xf32, #tpu.memory_space<vmem>>
    tpu.wait_dma2 semaphore(%arg19 : memref<!tpu.dma_semaphore, #tpu.memory_space<semaphore_mem>>) src(%dma_wait3A_185 : memref<8x128xf32, #tpu.memory_space<vmem>>) dst(%dma_wait3A_182 : memref<8x128xf32, #tpu.memory_space<hbm>>)
    %dma_wait3A_186 = arith.constant 0 : i32
    %dma_wait3A_187 = arith.constant 1 : i32
    %dma_wait3A_188 = arith.constant 8 : i32
    %dma_wait3A_189 = arith.constant 0 : i32
    %dma_wait3A_190 = tpu.memref_slice %arg11[%dma_wait3A_188, %dma_wait3A_189] : memref<64x129xf32, #tpu.memory_space<vmem>> -> memref<8x128xf32, #tpu.memory_space<vmem>>
    %dma_wait3A_191 = arith.constant 0 : i32
    %dma_wait3A_192 = arith.constant 0 : i32
    %dma_wait3A_193 = tpu.memref_slice %arg4[%dma_wait3A_186, %dma_wait3A_187, %add3A, %dma_wait3A_191, %dma_wait3A_192] : memref<200x8x32x8x128xf32, #tpu.memory_space<hbm>> -> memref<1x1x1x8x128xf32, #tpu.memory_space<hbm>>
    %dma_wait3A_194 = tpu.memref_squeeze %dma_wait3A_193 : memref<1x1x1x8x128xf32, #tpu.memory_space<hbm>> -> memref<8x128xf32, #tpu.memory_space<hbm>>
    %dma_wait3A_195 = arith.constant 0 : i32
    %dma_wait3A_196 = arith.constant 0 : i32
    %dma_wait3A_197 = tpu.memref_slice %arg4[%dma_wait3A_186, %dma_wait3A_187, %add3A, %dma_wait3A_195, %dma_wait3A_196] : memref<200x8x32x8x128xf32, #tpu.memory_space<hbm>> -> memref<1x1x1x8x128xf32, #tpu.memory_space<hbm>>
    %dma_wait3A_198 = tpu.memref_squeeze %dma_wait3A_197 : memref<1x1x1x8x128xf32, #tpu.memory_space<hbm>> -> memref<8x128xf32, #tpu.memory_space<hbm>>
    %dma_wait3A_199 = arith.constant 8 : i32
    %dma_wait3A_200 = arith.constant 0 : i32
    %dma_wait3A_201 = tpu.memref_slice %arg11[%dma_wait3A_199, %dma_wait3A_200] : memref<64x129xf32, #tpu.memory_space<vmem>> -> memref<8x128xf32, #tpu.memory_space<vmem>>
    tpu.wait_dma2 semaphore(%arg19 : memref<!tpu.dma_semaphore, #tpu.memory_space<semaphore_mem>>) src(%dma_wait3A_201 : memref<8x128xf32, #tpu.memory_space<vmem>>) dst(%dma_wait3A_198 : memref<8x128xf32, #tpu.memory_space<hbm>>)
    %dma_wait3A_202 = arith.constant 0 : i32
    %dma_wait3A_203 = arith.constant 2 : i32
    %dma_wait3A_204 = arith.constant 16 : i32
    %dma_wait3A_205 = arith.constant 0 : i32
    %dma_wait3A_206 = tpu.memref_slice %arg11[%dma_wait3A_204, %dma_wait3A_205] : memref<64x129xf32, #tpu.memory_space<vmem>> -> memref<8x128xf32, #tpu.memory_space<vmem>>
    %dma_wait3A_207 = arith.constant 0 : i32
    %dma_wait3A_208 = arith.constant 0 : i32
    %dma_wait3A_209 = tpu.memref_slice %arg4[%dma_wait3A_202, %dma_wait3A_203, %add3A, %dma_wait3A_207, %dma_wait3A_208] : memref<200x8x32x8x128xf32, #tpu.memory_space<hbm>> -> memref<1x1x1x8x128xf32, #tpu.memory_space<hbm>>
    %dma_wait3A_210 = tpu.memref_squeeze %dma_wait3A_209 : memref<1x1x1x8x128xf32, #tpu.memory_space<hbm>> -> memref<8x128xf32, #tpu.memory_space<hbm>>
    %dma_wait3A_211 = arith.constant 0 : i32
    %dma_wait3A_212 = arith.constant 0 : i32
    %dma_wait3A_213 = tpu.memref_slice %arg4[%dma_wait3A_202, %dma_wait3A_203, %add3A, %dma_wait3A_211, %dma_wait3A_212] : memref<200x8x32x8x128xf32, #tpu.memory_space<hbm>> -> memref<1x1x1x8x128xf32, #tpu.memory_space<hbm>>
    %dma_wait3A_214 = tpu.memref_squeeze %dma_wait3A_213 : memref<1x1x1x8x128xf32, #tpu.memory_space<hbm>> -> memref<8x128xf32, #tpu.memory_space<hbm>>
    %dma_wait3A_215 = arith.constant 16 : i32
    %dma_wait3A_216 = arith.constant 0 : i32
    %dma_wait3A_217 = tpu.memref_slice %arg11[%dma_wait3A_215, %dma_wait3A_216] : memref<64x129xf32, #tpu.memory_space<vmem>> -> memref<8x128xf32, #tpu.memory_space<vmem>>
    tpu.wait_dma2 semaphore(%arg19 : memref<!tpu.dma_semaphore, #tpu.memory_space<semaphore_mem>>) src(%dma_wait3A_217 : memref<8x128xf32, #tpu.memory_space<vmem>>) dst(%dma_wait3A_214 : memref<8x128xf32, #tpu.memory_space<hbm>>)
    %dma_wait3A_218 = arith.constant 0 : i32
    %dma_wait3A_219 = arith.constant 3 : i32
    %dma_wait3A_220 = arith.constant 24 : i32
    %dma_wait3A_221 = arith.constant 0 : i32
    %dma_wait3A_222 = tpu.memref_slice %arg11[%dma_wait3A_220, %dma_wait3A_221] : memref<64x129xf32, #tpu.memory_space<vmem>> -> memref<8x128xf32, #tpu.memory_space<vmem>>
    %dma_wait3A_223 = arith.constant 0 : i32
    %dma_wait3A_224 = arith.constant 0 : i32
    %dma_wait3A_225 = tpu.memref_slice %arg4[%dma_wait3A_218, %dma_wait3A_219, %add3A, %dma_wait3A_223, %dma_wait3A_224] : memref<200x8x32x8x128xf32, #tpu.memory_space<hbm>> -> memref<1x1x1x8x128xf32, #tpu.memory_space<hbm>>
    %dma_wait3A_226 = tpu.memref_squeeze %dma_wait3A_225 : memref<1x1x1x8x128xf32, #tpu.memory_space<hbm>> -> memref<8x128xf32, #tpu.memory_space<hbm>>
    %dma_wait3A_227 = arith.constant 0 : i32
    %dma_wait3A_228 = arith.constant 0 : i32
    %dma_wait3A_229 = tpu.memref_slice %arg4[%dma_wait3A_218, %dma_wait3A_219, %add3A, %dma_wait3A_227, %dma_wait3A_228] : memref<200x8x32x8x128xf32, #tpu.memory_space<hbm>> -> memref<1x1x1x8x128xf32, #tpu.memory_space<hbm>>
    %dma_wait3A_230 = tpu.memref_squeeze %dma_wait3A_229 : memref<1x1x1x8x128xf32, #tpu.memory_space<hbm>> -> memref<8x128xf32, #tpu.memory_space<hbm>>
    %dma_wait3A_231 = arith.constant 24 : i32
    %dma_wait3A_232 = arith.constant 0 : i32
    %dma_wait3A_233 = tpu.memref_slice %arg11[%dma_wait3A_231, %dma_wait3A_232] : memref<64x129xf32, #tpu.memory_space<vmem>> -> memref<8x128xf32, #tpu.memory_space<vmem>>
    tpu.wait_dma2 semaphore(%arg19 : memref<!tpu.dma_semaphore, #tpu.memory_space<semaphore_mem>>) src(%dma_wait3A_233 : memref<8x128xf32, #tpu.memory_space<vmem>>) dst(%dma_wait3A_230 : memref<8x128xf32, #tpu.memory_space<hbm>>)
    %dma_wait3A_234 = arith.constant 0 : i32
    %dma_wait3A_235 = arith.constant 4 : i32
    %dma_wait3A_236 = arith.constant 32 : i32
    %dma_wait3A_237 = arith.constant 0 : i32
    %dma_wait3A_238 = tpu.memref_slice %arg11[%dma_wait3A_236, %dma_wait3A_237] : memref<64x129xf32, #tpu.memory_space<vmem>> -> memref<8x128xf32, #tpu.memory_space<vmem>>
    %dma_wait3A_239 = arith.constant 0 : i32
    %dma_wait3A_240 = arith.constant 0 : i32
    %dma_wait3A_241 = tpu.memref_slice %arg4[%dma_wait3A_234, %dma_wait3A_235, %add3A, %dma_wait3A_239, %dma_wait3A_240] : memref<200x8x32x8x128xf32, #tpu.memory_space<hbm>> -> memref<1x1x1x8x128xf32, #tpu.memory_space<hbm>>
    %dma_wait3A_242 = tpu.memref_squeeze %dma_wait3A_241 : memref<1x1x1x8x128xf32, #tpu.memory_space<hbm>> -> memref<8x128xf32, #tpu.memory_space<hbm>>
    %dma_wait3A_243 = arith.constant 0 : i32
    %dma_wait3A_244 = arith.constant 0 : i32
    %dma_wait3A_245 = tpu.memref_slice %arg4[%dma_wait3A_234, %dma_wait3A_235, %add3A, %dma_wait3A_243, %dma_wait3A_244] : memref<200x8x32x8x128xf32, #tpu.memory_space<hbm>> -> memref<1x1x1x8x128xf32, #tpu.memory_space<hbm>>
    %dma_wait3A_246 = tpu.memref_squeeze %dma_wait3A_245 : memref<1x1x1x8x128xf32, #tpu.memory_space<hbm>> -> memref<8x128xf32, #tpu.memory_space<hbm>>
    %dma_wait3A_247 = arith.constant 32 : i32
    %dma_wait3A_248 = arith.constant 0 : i32
    %dma_wait3A_249 = tpu.memref_slice %arg11[%dma_wait3A_247, %dma_wait3A_248] : memref<64x129xf32, #tpu.memory_space<vmem>> -> memref<8x128xf32, #tpu.memory_space<vmem>>
    tpu.wait_dma2 semaphore(%arg19 : memref<!tpu.dma_semaphore, #tpu.memory_space<semaphore_mem>>) src(%dma_wait3A_249 : memref<8x128xf32, #tpu.memory_space<vmem>>) dst(%dma_wait3A_246 : memref<8x128xf32, #tpu.memory_space<hbm>>)
    %dma_wait3A_250 = arith.constant 0 : i32
    %dma_wait3A_251 = arith.constant 5 : i32
    %dma_wait3A_252 = arith.constant 40 : i32
    %dma_wait3A_253 = arith.constant 0 : i32
    %dma_wait3A_254 = tpu.memref_slice %arg11[%dma_wait3A_252, %dma_wait3A_253] : memref<64x129xf32, #tpu.memory_space<vmem>> -> memref<8x128xf32, #tpu.memory_space<vmem>>
    %dma_wait3A_255 = arith.constant 0 : i32
    %dma_wait3A_256 = arith.constant 0 : i32
    %dma_wait3A_257 = tpu.memref_slice %arg4[%dma_wait3A_250, %dma_wait3A_251, %add3A, %dma_wait3A_255, %dma_wait3A_256] : memref<200x8x32x8x128xf32, #tpu.memory_space<hbm>> -> memref<1x1x1x8x128xf32, #tpu.memory_space<hbm>>
    %dma_wait3A_258 = tpu.memref_squeeze %dma_wait3A_257 : memref<1x1x1x8x128xf32, #tpu.memory_space<hbm>> -> memref<8x128xf32, #tpu.memory_space<hbm>>
    %dma_wait3A_259 = arith.constant 0 : i32
    %dma_wait3A_260 = arith.constant 0 : i32
    %dma_wait3A_261 = tpu.memref_slice %arg4[%dma_wait3A_250, %dma_wait3A_251, %add3A, %dma_wait3A_259, %dma_wait3A_260] : memref<200x8x32x8x128xf32, #tpu.memory_space<hbm>> -> memref<1x1x1x8x128xf32, #tpu.memory_space<hbm>>
    %dma_wait3A_262 = tpu.memref_squeeze %dma_wait3A_261 : memref<1x1x1x8x128xf32, #tpu.memory_space<hbm>> -> memref<8x128xf32, #tpu.memory_space<hbm>>
    %dma_wait3A_263 = arith.constant 40 : i32
    %dma_wait3A_264 = arith.constant 0 : i32
    %dma_wait3A_265 = tpu.memref_slice %arg11[%dma_wait3A_263, %dma_wait3A_264] : memref<64x129xf32, #tpu.memory_space<vmem>> -> memref<8x128xf32, #tpu.memory_space<vmem>>
    tpu.wait_dma2 semaphore(%arg19 : memref<!tpu.dma_semaphore, #tpu.memory_space<semaphore_mem>>) src(%dma_wait3A_265 : memref<8x128xf32, #tpu.memory_space<vmem>>) dst(%dma_wait3A_262 : memref<8x128xf32, #tpu.memory_space<hbm>>)
    %dma_wait3A_266 = arith.constant 0 : i32
    %dma_wait3A_267 = arith.constant 6 : i32
    %dma_wait3A_268 = arith.constant 48 : i32
    %dma_wait3A_269 = arith.constant 0 : i32
    %dma_wait3A_270 = tpu.memref_slice %arg11[%dma_wait3A_268, %dma_wait3A_269] : memref<64x129xf32, #tpu.memory_space<vmem>> -> memref<8x128xf32, #tpu.memory_space<vmem>>
    %dma_wait3A_271 = arith.constant 0 : i32
    %dma_wait3A_272 = arith.constant 0 : i32
    %dma_wait3A_273 = tpu.memref_slice %arg4[%dma_wait3A_266, %dma_wait3A_267, %add3A, %dma_wait3A_271, %dma_wait3A_272] : memref<200x8x32x8x128xf32, #tpu.memory_space<hbm>> -> memref<1x1x1x8x128xf32, #tpu.memory_space<hbm>>
    %dma_wait3A_274 = tpu.memref_squeeze %dma_wait3A_273 : memref<1x1x1x8x128xf32, #tpu.memory_space<hbm>> -> memref<8x128xf32, #tpu.memory_space<hbm>>
    %dma_wait3A_275 = arith.constant 0 : i32
    %dma_wait3A_276 = arith.constant 0 : i32
    %dma_wait3A_277 = tpu.memref_slice %arg4[%dma_wait3A_266, %dma_wait3A_267, %add3A, %dma_wait3A_275, %dma_wait3A_276] : memref<200x8x32x8x128xf32, #tpu.memory_space<hbm>> -> memref<1x1x1x8x128xf32, #tpu.memory_space<hbm>>
    %dma_wait3A_278 = tpu.memref_squeeze %dma_wait3A_277 : memref<1x1x1x8x128xf32, #tpu.memory_space<hbm>> -> memref<8x128xf32, #tpu.memory_space<hbm>>
    %dma_wait3A_279 = arith.constant 48 : i32
    %dma_wait3A_280 = arith.constant 0 : i32
    %dma_wait3A_281 = tpu.memref_slice %arg11[%dma_wait3A_279, %dma_wait3A_280] : memref<64x129xf32, #tpu.memory_space<vmem>> -> memref<8x128xf32, #tpu.memory_space<vmem>>
    tpu.wait_dma2 semaphore(%arg19 : memref<!tpu.dma_semaphore, #tpu.memory_space<semaphore_mem>>) src(%dma_wait3A_281 : memref<8x128xf32, #tpu.memory_space<vmem>>) dst(%dma_wait3A_278 : memref<8x128xf32, #tpu.memory_space<hbm>>)
    %dma_wait3A_282 = arith.constant 0 : i32
    %dma_wait3A_283 = arith.constant 7 : i32
    %dma_wait3A_284 = arith.constant 56 : i32
    %dma_wait3A_285 = arith.constant 0 : i32
    %dma_wait3A_286 = tpu.memref_slice %arg11[%dma_wait3A_284, %dma_wait3A_285] : memref<64x129xf32, #tpu.memory_space<vmem>> -> memref<8x128xf32, #tpu.memory_space<vmem>>
    %dma_wait3A_287 = arith.constant 0 : i32
    %dma_wait3A_288 = arith.constant 0 : i32
    %dma_wait3A_289 = tpu.memref_slice %arg4[%dma_wait3A_282, %dma_wait3A_283, %add3A, %dma_wait3A_287, %dma_wait3A_288] : memref<200x8x32x8x128xf32, #tpu.memory_space<hbm>> -> memref<1x1x1x8x128xf32, #tpu.memory_space<hbm>>
    %dma_wait3A_290 = tpu.memref_squeeze %dma_wait3A_289 : memref<1x1x1x8x128xf32, #tpu.memory_space<hbm>> -> memref<8x128xf32, #tpu.memory_space<hbm>>
    %dma_wait3A_291 = arith.constant 0 : i32
    %dma_wait3A_292 = arith.constant 0 : i32
    %dma_wait3A_293 = tpu.memref_slice %arg4[%dma_wait3A_282, %dma_wait3A_283, %add3A, %dma_wait3A_291, %dma_wait3A_292] : memref<200x8x32x8x128xf32, #tpu.memory_space<hbm>> -> memref<1x1x1x8x128xf32, #tpu.memory_space<hbm>>
    %dma_wait3A_294 = tpu.memref_squeeze %dma_wait3A_293 : memref<1x1x1x8x128xf32, #tpu.memory_space<hbm>> -> memref<8x128xf32, #tpu.memory_space<hbm>>
    %dma_wait3A_295 = arith.constant 56 : i32
    %dma_wait3A_296 = arith.constant 0 : i32
    %dma_wait3A_297 = tpu.memref_slice %arg11[%dma_wait3A_295, %dma_wait3A_296] : memref<64x129xf32, #tpu.memory_space<vmem>> -> memref<8x128xf32, #tpu.memory_space<vmem>>
    tpu.wait_dma2 semaphore(%arg19 : memref<!tpu.dma_semaphore, #tpu.memory_space<semaphore_mem>>) src(%dma_wait3A_297 : memref<8x128xf32, #tpu.memory_space<vmem>>) dst(%dma_wait3A_294 : memref<8x128xf32, #tpu.memory_space<hbm>>)
    %dma_wait3A_298 = arith.constant 0 : i32
    %dma_wait3A_299 = arith.constant 0 : i32
    %dma_wait3A_300 = arith.constant 0 : i32
    %dma_wait3A_301 = arith.constant 0 : i32
    %dma_wait3A_302 = tpu.memref_slice %arg12[%dma_wait3A_300, %dma_wait3A_301] : memref<64x129xf32, #tpu.memory_space<vmem>> -> memref<8x128xf32, #tpu.memory_space<vmem>>
    %dma_wait3A_303 = arith.constant 0 : i32
    %dma_wait3A_304 = arith.constant 0 : i32
    %dma_wait3A_305 = tpu.memref_slice %arg4[%dma_wait3A_298, %dma_wait3A_299, %add3A, %dma_wait3A_303, %dma_wait3A_304] : memref<200x8x32x8x128xf32, #tpu.memory_space<hbm>> -> memref<1x1x1x8x128xf32, #tpu.memory_space<hbm>>
    %dma_wait3A_306 = tpu.memref_squeeze %dma_wait3A_305 : memref<1x1x1x8x128xf32, #tpu.memory_space<hbm>> -> memref<8x128xf32, #tpu.memory_space<hbm>>
    %dma_wait3A_307 = arith.constant 0 : i32
    %dma_wait3A_308 = arith.constant 0 : i32
    %dma_wait3A_309 = tpu.memref_slice %arg4[%dma_wait3A_298, %dma_wait3A_299, %add3A, %dma_wait3A_307, %dma_wait3A_308] : memref<200x8x32x8x128xf32, #tpu.memory_space<hbm>> -> memref<1x1x1x8x128xf32, #tpu.memory_space<hbm>>
    %dma_wait3A_310 = tpu.memref_squeeze %dma_wait3A_309 : memref<1x1x1x8x128xf32, #tpu.memory_space<hbm>> -> memref<8x128xf32, #tpu.memory_space<hbm>>
    %dma_wait3A_311 = arith.constant 0 : i32
    %dma_wait3A_312 = arith.constant 0 : i32
    %dma_wait3A_313 = tpu.memref_slice %arg12[%dma_wait3A_311, %dma_wait3A_312] : memref<64x129xf32, #tpu.memory_space<vmem>> -> memref<8x128xf32, #tpu.memory_space<vmem>>
    tpu.wait_dma2 semaphore(%arg20 : memref<!tpu.dma_semaphore, #tpu.memory_space<semaphore_mem>>) src(%dma_wait3A_313 : memref<8x128xf32, #tpu.memory_space<vmem>>) dst(%dma_wait3A_310 : memref<8x128xf32, #tpu.memory_space<hbm>>)
    %dma_wait3A_314 = arith.constant 0 : i32
    %dma_wait3A_315 = arith.constant 1 : i32
    %dma_wait3A_316 = arith.constant 8 : i32
    %dma_wait3A_317 = arith.constant 0 : i32
    %dma_wait3A_318 = tpu.memref_slice %arg12[%dma_wait3A_316, %dma_wait3A_317] : memref<64x129xf32, #tpu.memory_space<vmem>> -> memref<8x128xf32, #tpu.memory_space<vmem>>
    %dma_wait3A_319 = arith.constant 0 : i32
    %dma_wait3A_320 = arith.constant 0 : i32
    %dma_wait3A_321 = tpu.memref_slice %arg4[%dma_wait3A_314, %dma_wait3A_315, %add3A, %dma_wait3A_319, %dma_wait3A_320] : memref<200x8x32x8x128xf32, #tpu.memory_space<hbm>> -> memref<1x1x1x8x128xf32, #tpu.memory_space<hbm>>
    %dma_wait3A_322 = tpu.memref_squeeze %dma_wait3A_321 : memref<1x1x1x8x128xf32, #tpu.memory_space<hbm>> -> memref<8x128xf32, #tpu.memory_space<hbm>>
    %dma_wait3A_323 = arith.constant 0 : i32
    %dma_wait3A_324 = arith.constant 0 : i32
    %dma_wait3A_325 = tpu.memref_slice %arg4[%dma_wait3A_314, %dma_wait3A_315, %add3A, %dma_wait3A_323, %dma_wait3A_324] : memref<200x8x32x8x128xf32, #tpu.memory_space<hbm>> -> memref<1x1x1x8x128xf32, #tpu.memory_space<hbm>>
    %dma_wait3A_326 = tpu.memref_squeeze %dma_wait3A_325 : memref<1x1x1x8x128xf32, #tpu.memory_space<hbm>> -> memref<8x128xf32, #tpu.memory_space<hbm>>
    %dma_wait3A_327 = arith.constant 8 : i32
    %dma_wait3A_328 = arith.constant 0 : i32
    %dma_wait3A_329 = tpu.memref_slice %arg12[%dma_wait3A_327, %dma_wait3A_328] : memref<64x129xf32, #tpu.memory_space<vmem>> -> memref<8x128xf32, #tpu.memory_space<vmem>>
    tpu.wait_dma2 semaphore(%arg20 : memref<!tpu.dma_semaphore, #tpu.memory_space<semaphore_mem>>) src(%dma_wait3A_329 : memref<8x128xf32, #tpu.memory_space<vmem>>) dst(%dma_wait3A_326 : memref<8x128xf32, #tpu.memory_space<hbm>>)
    %dma_wait3A_330 = arith.constant 0 : i32
    %dma_wait3A_331 = arith.constant 2 : i32
    %dma_wait3A_332 = arith.constant 16 : i32
    %dma_wait3A_333 = arith.constant 0 : i32
    %dma_wait3A_334 = tpu.memref_slice %arg12[%dma_wait3A_332, %dma_wait3A_333] : memref<64x129xf32, #tpu.memory_space<vmem>> -> memref<8x128xf32, #tpu.memory_space<vmem>>
    %dma_wait3A_335 = arith.constant 0 : i32
    %dma_wait3A_336 = arith.constant 0 : i32
    %dma_wait3A_337 = tpu.memref_slice %arg4[%dma_wait3A_330, %dma_wait3A_331, %add3A, %dma_wait3A_335, %dma_wait3A_336] : memref<200x8x32x8x128xf32, #tpu.memory_space<hbm>> -> memref<1x1x1x8x128xf32, #tpu.memory_space<hbm>>
    %dma_wait3A_338 = tpu.memref_squeeze %dma_wait3A_337 : memref<1x1x1x8x128xf32, #tpu.memory_space<hbm>> -> memref<8x128xf32, #tpu.memory_space<hbm>>
    %dma_wait3A_339 = arith.constant 0 : i32
    %dma_wait3A_340 = arith.constant 0 : i32
    %dma_wait3A_341 = tpu.memref_slice %arg4[%dma_wait3A_330, %dma_wait3A_331, %add3A, %dma_wait3A_339, %dma_wait3A_340] : memref<200x8x32x8x128xf32, #tpu.memory_space<hbm>> -> memref<1x1x1x8x128xf32, #tpu.memory_space<hbm>>
    %dma_wait3A_342 = tpu.memref_squeeze %dma_wait3A_341 : memref<1x1x1x8x128xf32, #tpu.memory_space<hbm>> -> memref<8x128xf32, #tpu.memory_space<hbm>>
    %dma_wait3A_343 = arith.constant 16 : i32
    %dma_wait3A_344 = arith.constant 0 : i32
    %dma_wait3A_345 = tpu.memref_slice %arg12[%dma_wait3A_343, %dma_wait3A_344] : memref<64x129xf32, #tpu.memory_space<vmem>> -> memref<8x128xf32, #tpu.memory_space<vmem>>
    tpu.wait_dma2 semaphore(%arg20 : memref<!tpu.dma_semaphore, #tpu.memory_space<semaphore_mem>>) src(%dma_wait3A_345 : memref<8x128xf32, #tpu.memory_space<vmem>>) dst(%dma_wait3A_342 : memref<8x128xf32, #tpu.memory_space<hbm>>)
    %dma_wait3A_346 = arith.constant 0 : i32
    %dma_wait3A_347 = arith.constant 3 : i32
    %dma_wait3A_348 = arith.constant 24 : i32
    %dma_wait3A_349 = arith.constant 0 : i32
    %dma_wait3A_350 = tpu.memref_slice %arg12[%dma_wait3A_348, %dma_wait3A_349] : memref<64x129xf32, #tpu.memory_space<vmem>> -> memref<8x128xf32, #tpu.memory_space<vmem>>
    %dma_wait3A_351 = arith.constant 0 : i32
    %dma_wait3A_352 = arith.constant 0 : i32
    %dma_wait3A_353 = tpu.memref_slice %arg4[%dma_wait3A_346, %dma_wait3A_347, %add3A, %dma_wait3A_351, %dma_wait3A_352] : memref<200x8x32x8x128xf32, #tpu.memory_space<hbm>> -> memref<1x1x1x8x128xf32, #tpu.memory_space<hbm>>
    %dma_wait3A_354 = tpu.memref_squeeze %dma_wait3A_353 : memref<1x1x1x8x128xf32, #tpu.memory_space<hbm>> -> memref<8x128xf32, #tpu.memory_space<hbm>>
    %dma_wait3A_355 = arith.constant 0 : i32
    %dma_wait3A_356 = arith.constant 0 : i32
    %dma_wait3A_357 = tpu.memref_slice %arg4[%dma_wait3A_346, %dma_wait3A_347, %add3A, %dma_wait3A_355, %dma_wait3A_356] : memref<200x8x32x8x128xf32, #tpu.memory_space<hbm>> -> memref<1x1x1x8x128xf32, #tpu.memory_space<hbm>>
    %dma_wait3A_358 = tpu.memref_squeeze %dma_wait3A_357 : memref<1x1x1x8x128xf32, #tpu.memory_space<hbm>> -> memref<8x128xf32, #tpu.memory_space<hbm>>
    %dma_wait3A_359 = arith.constant 24 : i32
    %dma_wait3A_360 = arith.constant 0 : i32
    %dma_wait3A_361 = tpu.memref_slice %arg12[%dma_wait3A_359, %dma_wait3A_360] : memref<64x129xf32, #tpu.memory_space<vmem>> -> memref<8x128xf32, #tpu.memory_space<vmem>>
    tpu.wait_dma2 semaphore(%arg20 : memref<!tpu.dma_semaphore, #tpu.memory_space<semaphore_mem>>) src(%dma_wait3A_361 : memref<8x128xf32, #tpu.memory_space<vmem>>) dst(%dma_wait3A_358 : memref<8x128xf32, #tpu.memory_space<hbm>>)
    %dma_wait3A_362 = arith.constant 0 : i32
    %dma_wait3A_363 = arith.constant 4 : i32
    %dma_wait3A_364 = arith.constant 32 : i32
    %dma_wait3A_365 = arith.constant 0 : i32
    %dma_wait3A_366 = tpu.memref_slice %arg12[%dma_wait3A_364, %dma_wait3A_365] : memref<64x129xf32, #tpu.memory_space<vmem>> -> memref<8x128xf32, #tpu.memory_space<vmem>>
    %dma_wait3A_367 = arith.constant 0 : i32
    %dma_wait3A_368 = arith.constant 0 : i32
    %dma_wait3A_369 = tpu.memref_slice %arg4[%dma_wait3A_362, %dma_wait3A_363, %add3A, %dma_wait3A_367, %dma_wait3A_368] : memref<200x8x32x8x128xf32, #tpu.memory_space<hbm>> -> memref<1x1x1x8x128xf32, #tpu.memory_space<hbm>>
    %dma_wait3A_370 = tpu.memref_squeeze %dma_wait3A_369 : memref<1x1x1x8x128xf32, #tpu.memory_space<hbm>> -> memref<8x128xf32, #tpu.memory_space<hbm>>
    %dma_wait3A_371 = arith.constant 0 : i32
    %dma_wait3A_372 = arith.constant 0 : i32
    %dma_wait3A_373 = tpu.memref_slice %arg4[%dma_wait3A_362, %dma_wait3A_363, %add3A, %dma_wait3A_371, %dma_wait3A_372] : memref<200x8x32x8x128xf32, #tpu.memory_space<hbm>> -> memref<1x1x1x8x128xf32, #tpu.memory_space<hbm>>
    %dma_wait3A_374 = tpu.memref_squeeze %dma_wait3A_373 : memref<1x1x1x8x128xf32, #tpu.memory_space<hbm>> -> memref<8x128xf32, #tpu.memory_space<hbm>>
    %dma_wait3A_375 = arith.constant 32 : i32
    %dma_wait3A_376 = arith.constant 0 : i32
    %dma_wait3A_377 = tpu.memref_slice %arg12[%dma_wait3A_375, %dma_wait3A_376] : memref<64x129xf32, #tpu.memory_space<vmem>> -> memref<8x128xf32, #tpu.memory_space<vmem>>
    tpu.wait_dma2 semaphore(%arg20 : memref<!tpu.dma_semaphore, #tpu.memory_space<semaphore_mem>>) src(%dma_wait3A_377 : memref<8x128xf32, #tpu.memory_space<vmem>>) dst(%dma_wait3A_374 : memref<8x128xf32, #tpu.memory_space<hbm>>)
    %dma_wait3A_378 = arith.constant 0 : i32
    %dma_wait3A_379 = arith.constant 5 : i32
    %dma_wait3A_380 = arith.constant 40 : i32
    %dma_wait3A_381 = arith.constant 0 : i32
    %dma_wait3A_382 = tpu.memref_slice %arg12[%dma_wait3A_380, %dma_wait3A_381] : memref<64x129xf32, #tpu.memory_space<vmem>> -> memref<8x128xf32, #tpu.memory_space<vmem>>
    %dma_wait3A_383 = arith.constant 0 : i32
    %dma_wait3A_384 = arith.constant 0 : i32
    %dma_wait3A_385 = tpu.memref_slice %arg4[%dma_wait3A_378, %dma_wait3A_379, %add3A, %dma_wait3A_383, %dma_wait3A_384] : memref<200x8x32x8x128xf32, #tpu.memory_space<hbm>> -> memref<1x1x1x8x128xf32, #tpu.memory_space<hbm>>
    %dma_wait3A_386 = tpu.memref_squeeze %dma_wait3A_385 : memref<1x1x1x8x128xf32, #tpu.memory_space<hbm>> -> memref<8x128xf32, #tpu.memory_space<hbm>>
    %dma_wait3A_387 = arith.constant 0 : i32
    %dma_wait3A_388 = arith.constant 0 : i32
    %dma_wait3A_389 = tpu.memref_slice %arg4[%dma_wait3A_378, %dma_wait3A_379, %add3A, %dma_wait3A_387, %dma_wait3A_388] : memref<200x8x32x8x128xf32, #tpu.memory_space<hbm>> -> memref<1x1x1x8x128xf32, #tpu.memory_space<hbm>>
    %dma_wait3A_390 = tpu.memref_squeeze %dma_wait3A_389 : memref<1x1x1x8x128xf32, #tpu.memory_space<hbm>> -> memref<8x128xf32, #tpu.memory_space<hbm>>
    %dma_wait3A_391 = arith.constant 40 : i32
    %dma_wait3A_392 = arith.constant 0 : i32
    %dma_wait3A_393 = tpu.memref_slice %arg12[%dma_wait3A_391, %dma_wait3A_392] : memref<64x129xf32, #tpu.memory_space<vmem>> -> memref<8x128xf32, #tpu.memory_space<vmem>>
    tpu.wait_dma2 semaphore(%arg20 : memref<!tpu.dma_semaphore, #tpu.memory_space<semaphore_mem>>) src(%dma_wait3A_393 : memref<8x128xf32, #tpu.memory_space<vmem>>) dst(%dma_wait3A_390 : memref<8x128xf32, #tpu.memory_space<hbm>>)
    %dma_wait3A_394 = arith.constant 0 : i32
    %dma_wait3A_395 = arith.constant 6 : i32
    %dma_wait3A_396 = arith.constant 48 : i32
    %dma_wait3A_397 = arith.constant 0 : i32
    %dma_wait3A_398 = tpu.memref_slice %arg12[%dma_wait3A_396, %dma_wait3A_397] : memref<64x129xf32, #tpu.memory_space<vmem>> -> memref<8x128xf32, #tpu.memory_space<vmem>>
    %dma_wait3A_399 = arith.constant 0 : i32
    %dma_wait3A_400 = arith.constant 0 : i32
    %dma_wait3A_401 = tpu.memref_slice %arg4[%dma_wait3A_394, %dma_wait3A_395, %add3A, %dma_wait3A_399, %dma_wait3A_400] : memref<200x8x32x8x128xf32, #tpu.memory_space<hbm>> -> memref<1x1x1x8x128xf32, #tpu.memory_space<hbm>>
    %dma_wait3A_402 = tpu.memref_squeeze %dma_wait3A_401 : memref<1x1x1x8x128xf32, #tpu.memory_space<hbm>> -> memref<8x128xf32, #tpu.memory_space<hbm>>
    %dma_wait3A_403 = arith.constant 0 : i32
    %dma_wait3A_404 = arith.constant 0 : i32
    %dma_wait3A_405 = tpu.memref_slice %arg4[%dma_wait3A_394, %dma_wait3A_395, %add3A, %dma_wait3A_403, %dma_wait3A_404] : memref<200x8x32x8x128xf32, #tpu.memory_space<hbm>> -> memref<1x1x1x8x128xf32, #tpu.memory_space<hbm>>
    %dma_wait3A_406 = tpu.memref_squeeze %dma_wait3A_405 : memref<1x1x1x8x128xf32, #tpu.memory_space<hbm>> -> memref<8x128xf32, #tpu.memory_space<hbm>>
    %dma_wait3A_407 = arith.constant 48 : i32
    %dma_wait3A_408 = arith.constant 0 : i32
    %dma_wait3A_409 = tpu.memref_slice %arg12[%dma_wait3A_407, %dma_wait3A_408] : memref<64x129xf32, #tpu.memory_space<vmem>> -> memref<8x128xf32, #tpu.memory_space<vmem>>
    tpu.wait_dma2 semaphore(%arg20 : memref<!tpu.dma_semaphore, #tpu.memory_space<semaphore_mem>>) src(%dma_wait3A_409 : memref<8x128xf32, #tpu.memory_space<vmem>>) dst(%dma_wait3A_406 : memref<8x128xf32, #tpu.memory_space<hbm>>)
    %dma_wait3A_410 = arith.constant 0 : i32
    %dma_wait3A_411 = arith.constant 7 : i32
    %dma_wait3A_412 = arith.constant 56 : i32
    %dma_wait3A_413 = arith.constant 0 : i32
    %dma_wait3A_414 = tpu.memref_slice %arg12[%dma_wait3A_412, %dma_wait3A_413] : memref<64x129xf32, #tpu.memory_space<vmem>> -> memref<8x128xf32, #tpu.memory_space<vmem>>
    %dma_wait3A_415 = arith.constant 0 : i32
    %dma_wait3A_416 = arith.constant 0 : i32
    %dma_wait3A_417 = tpu.memref_slice %arg4[%dma_wait3A_410, %dma_wait3A_411, %add3A, %dma_wait3A_415, %dma_wait3A_416] : memref<200x8x32x8x128xf32, #tpu.memory_space<hbm>> -> memref<1x1x1x8x128xf32, #tpu.memory_space<hbm>>
    %dma_wait3A_418 = tpu.memref_squeeze %dma_wait3A_417 : memref<1x1x1x8x128xf32, #tpu.memory_space<hbm>> -> memref<8x128xf32, #tpu.memory_space<hbm>>
    %dma_wait3A_419 = arith.constant 0 : i32
    %dma_wait3A_420 = arith.constant 0 : i32
    %dma_wait3A_421 = tpu.memref_slice %arg4[%dma_wait3A_410, %dma_wait3A_411, %add3A, %dma_wait3A_419, %dma_wait3A_420] : memref<200x8x32x8x128xf32, #tpu.memory_space<hbm>> -> memref<1x1x1x8x128xf32, #tpu.memory_space<hbm>>
    %dma_wait3A_422 = tpu.memref_squeeze %dma_wait3A_421 : memref<1x1x1x8x128xf32, #tpu.memory_space<hbm>> -> memref<8x128xf32, #tpu.memory_space<hbm>>
    %dma_wait3A_423 = arith.constant 56 : i32
    %dma_wait3A_424 = arith.constant 0 : i32
    %dma_wait3A_425 = tpu.memref_slice %arg12[%dma_wait3A_423, %dma_wait3A_424] : memref<64x129xf32, #tpu.memory_space<vmem>> -> memref<8x128xf32, #tpu.memory_space<vmem>>
    tpu.wait_dma2 semaphore(%arg20 : memref<!tpu.dma_semaphore, #tpu.memory_space<semaphore_mem>>) src(%dma_wait3A_425 : memref<8x128xf32, #tpu.memory_space<vmem>>) dst(%dma_wait3A_422 : memref<8x128xf32, #tpu.memory_space<hbm>>)
    %dma_wait3A_426 = arith.constant 0 : i32
    %dma_wait3A_427 = arith.constant 0 : i32
    %dma_wait3A_428 = arith.constant 0 : i32
    %dma_wait3A_429 = arith.constant 0 : i32
    %dma_wait3A_430 = tpu.memref_slice %arg13[%dma_wait3A_428, %dma_wait3A_429] : memref<64x129xf32, #tpu.memory_space<vmem>> -> memref<8x128xf32, #tpu.memory_space<vmem>>
    %dma_wait3A_431 = arith.constant 0 : i32
    %dma_wait3A_432 = arith.constant 0 : i32
    %dma_wait3A_433 = tpu.memref_slice %arg4[%dma_wait3A_426, %dma_wait3A_427, %add3A, %dma_wait3A_431, %dma_wait3A_432] : memref<200x8x32x8x128xf32, #tpu.memory_space<hbm>> -> memref<1x1x1x8x128xf32, #tpu.memory_space<hbm>>
    %dma_wait3A_434 = tpu.memref_squeeze %dma_wait3A_433 : memref<1x1x1x8x128xf32, #tpu.memory_space<hbm>> -> memref<8x128xf32, #tpu.memory_space<hbm>>
    %dma_wait3A_435 = arith.constant 0 : i32
    %dma_wait3A_436 = arith.constant 0 : i32
    %dma_wait3A_437 = tpu.memref_slice %arg4[%dma_wait3A_426, %dma_wait3A_427, %add3A, %dma_wait3A_435, %dma_wait3A_436] : memref<200x8x32x8x128xf32, #tpu.memory_space<hbm>> -> memref<1x1x1x8x128xf32, #tpu.memory_space<hbm>>
    %dma_wait3A_438 = tpu.memref_squeeze %dma_wait3A_437 : memref<1x1x1x8x128xf32, #tpu.memory_space<hbm>> -> memref<8x128xf32, #tpu.memory_space<hbm>>
    %dma_wait3A_439 = arith.constant 0 : i32
    %dma_wait3A_440 = arith.constant 0 : i32
    %dma_wait3A_441 = tpu.memref_slice %arg13[%dma_wait3A_439, %dma_wait3A_440] : memref<64x129xf32, #tpu.memory_space<vmem>> -> memref<8x128xf32, #tpu.memory_space<vmem>>
    tpu.wait_dma2 semaphore(%arg21 : memref<!tpu.dma_semaphore, #tpu.memory_space<semaphore_mem>>) src(%dma_wait3A_441 : memref<8x128xf32, #tpu.memory_space<vmem>>) dst(%dma_wait3A_438 : memref<8x128xf32, #tpu.memory_space<hbm>>)
    %dma_wait3A_442 = arith.constant 0 : i32
    %dma_wait3A_443 = arith.constant 1 : i32
    %dma_wait3A_444 = arith.constant 8 : i32
    %dma_wait3A_445 = arith.constant 0 : i32
    %dma_wait3A_446 = tpu.memref_slice %arg13[%dma_wait3A_444, %dma_wait3A_445] : memref<64x129xf32, #tpu.memory_space<vmem>> -> memref<8x128xf32, #tpu.memory_space<vmem>>
    %dma_wait3A_447 = arith.constant 0 : i32
    %dma_wait3A_448 = arith.constant 0 : i32
    %dma_wait3A_449 = tpu.memref_slice %arg4[%dma_wait3A_442, %dma_wait3A_443, %add3A, %dma_wait3A_447, %dma_wait3A_448] : memref<200x8x32x8x128xf32, #tpu.memory_space<hbm>> -> memref<1x1x1x8x128xf32, #tpu.memory_space<hbm>>
    %dma_wait3A_450 = tpu.memref_squeeze %dma_wait3A_449 : memref<1x1x1x8x128xf32, #tpu.memory_space<hbm>> -> memref<8x128xf32, #tpu.memory_space<hbm>>
    %dma_wait3A_451 = arith.constant 0 : i32
    %dma_wait3A_452 = arith.constant 0 : i32
    %dma_wait3A_453 = tpu.memref_slice %arg4[%dma_wait3A_442, %dma_wait3A_443, %add3A, %dma_wait3A_451, %dma_wait3A_452] : memref<200x8x32x8x128xf32, #tpu.memory_space<hbm>> -> memref<1x1x1x8x128xf32, #tpu.memory_space<hbm>>
    %dma_wait3A_454 = tpu.memref_squeeze %dma_wait3A_453 : memref<1x1x1x8x128xf32, #tpu.memory_space<hbm>> -> memref<8x128xf32, #tpu.memory_space<hbm>>
    %dma_wait3A_455 = arith.constant 8 : i32
    %dma_wait3A_456 = arith.constant 0 : i32
    %dma_wait3A_457 = tpu.memref_slice %arg13[%dma_wait3A_455, %dma_wait3A_456] : memref<64x129xf32, #tpu.memory_space<vmem>> -> memref<8x128xf32, #tpu.memory_space<vmem>>
    tpu.wait_dma2 semaphore(%arg21 : memref<!tpu.dma_semaphore, #tpu.memory_space<semaphore_mem>>) src(%dma_wait3A_457 : memref<8x128xf32, #tpu.memory_space<vmem>>) dst(%dma_wait3A_454 : memref<8x128xf32, #tpu.memory_space<hbm>>)
    %dma_wait3A_458 = arith.constant 0 : i32
    %dma_wait3A_459 = arith.constant 2 : i32
    %dma_wait3A_460 = arith.constant 16 : i32
    %dma_wait3A_461 = arith.constant 0 : i32
    %dma_wait3A_462 = tpu.memref_slice %arg13[%dma_wait3A_460, %dma_wait3A_461] : memref<64x129xf32, #tpu.memory_space<vmem>> -> memref<8x128xf32, #tpu.memory_space<vmem>>
    %dma_wait3A_463 = arith.constant 0 : i32
    %dma_wait3A_464 = arith.constant 0 : i32
    %dma_wait3A_465 = tpu.memref_slice %arg4[%dma_wait3A_458, %dma_wait3A_459, %add3A, %dma_wait3A_463, %dma_wait3A_464] : memref<200x8x32x8x128xf32, #tpu.memory_space<hbm>> -> memref<1x1x1x8x128xf32, #tpu.memory_space<hbm>>
    %dma_wait3A_466 = tpu.memref_squeeze %dma_wait3A_465 : memref<1x1x1x8x128xf32, #tpu.memory_space<hbm>> -> memref<8x128xf32, #tpu.memory_space<hbm>>
    %dma_wait3A_467 = arith.constant 0 : i32
    %dma_wait3A_468 = arith.constant 0 : i32
    %dma_wait3A_469 = tpu.memref_slice %arg4[%dma_wait3A_458, %dma_wait3A_459, %add3A, %dma_wait3A_467, %dma_wait3A_468] : memref<200x8x32x8x128xf32, #tpu.memory_space<hbm>> -> memref<1x1x1x8x128xf32, #tpu.memory_space<hbm>>
    %dma_wait3A_470 = tpu.memref_squeeze %dma_wait3A_469 : memref<1x1x1x8x128xf32, #tpu.memory_space<hbm>> -> memref<8x128xf32, #tpu.memory_space<hbm>>
    %dma_wait3A_471 = arith.constant 16 : i32
    %dma_wait3A_472 = arith.constant 0 : i32
    %dma_wait3A_473 = tpu.memref_slice %arg13[%dma_wait3A_471, %dma_wait3A_472] : memref<64x129xf32, #tpu.memory_space<vmem>> -> memref<8x128xf32, #tpu.memory_space<vmem>>
    tpu.wait_dma2 semaphore(%arg21 : memref<!tpu.dma_semaphore, #tpu.memory_space<semaphore_mem>>) src(%dma_wait3A_473 : memref<8x128xf32, #tpu.memory_space<vmem>>) dst(%dma_wait3A_470 : memref<8x128xf32, #tpu.memory_space<hbm>>)
    %dma_wait3A_474 = arith.constant 0 : i32
    %dma_wait3A_475 = arith.constant 3 : i32
    %dma_wait3A_476 = arith.constant 24 : i32
    %dma_wait3A_477 = arith.constant 0 : i32
    %dma_wait3A_478 = tpu.memref_slice %arg13[%dma_wait3A_476, %dma_wait3A_477] : memref<64x129xf32, #tpu.memory_space<vmem>> -> memref<8x128xf32, #tpu.memory_space<vmem>>
    %dma_wait3A_479 = arith.constant 0 : i32
    %dma_wait3A_480 = arith.constant 0 : i32
    %dma_wait3A_481 = tpu.memref_slice %arg4[%dma_wait3A_474, %dma_wait3A_475, %add3A, %dma_wait3A_479, %dma_wait3A_480] : memref<200x8x32x8x128xf32, #tpu.memory_space<hbm>> -> memref<1x1x1x8x128xf32, #tpu.memory_space<hbm>>
    %dma_wait3A_482 = tpu.memref_squeeze %dma_wait3A_481 : memref<1x1x1x8x128xf32, #tpu.memory_space<hbm>> -> memref<8x128xf32, #tpu.memory_space<hbm>>
    %dma_wait3A_483 = arith.constant 0 : i32
    %dma_wait3A_484 = arith.constant 0 : i32
    %dma_wait3A_485 = tpu.memref_slice %arg4[%dma_wait3A_474, %dma_wait3A_475, %add3A, %dma_wait3A_483, %dma_wait3A_484] : memref<200x8x32x8x128xf32, #tpu.memory_space<hbm>> -> memref<1x1x1x8x128xf32, #tpu.memory_space<hbm>>
    %dma_wait3A_486 = tpu.memref_squeeze %dma_wait3A_485 : memref<1x1x1x8x128xf32, #tpu.memory_space<hbm>> -> memref<8x128xf32, #tpu.memory_space<hbm>>
    %dma_wait3A_487 = arith.constant 24 : i32
    %dma_wait3A_488 = arith.constant 0 : i32
    %dma_wait3A_489 = tpu.memref_slice %arg13[%dma_wait3A_487, %dma_wait3A_488] : memref<64x129xf32, #tpu.memory_space<vmem>> -> memref<8x128xf32, #tpu.memory_space<vmem>>
    tpu.wait_dma2 semaphore(%arg21 : memref<!tpu.dma_semaphore, #tpu.memory_space<semaphore_mem>>) src(%dma_wait3A_489 : memref<8x128xf32, #tpu.memory_space<vmem>>) dst(%dma_wait3A_486 : memref<8x128xf32, #tpu.memory_space<hbm>>)
    %dma_wait3A_490 = arith.constant 0 : i32
    %dma_wait3A_491 = arith.constant 4 : i32
    %dma_wait3A_492 = arith.constant 32 : i32
    %dma_wait3A_493 = arith.constant 0 : i32
    %dma_wait3A_494 = tpu.memref_slice %arg13[%dma_wait3A_492, %dma_wait3A_493] : memref<64x129xf32, #tpu.memory_space<vmem>> -> memref<8x128xf32, #tpu.memory_space<vmem>>
    %dma_wait3A_495 = arith.constant 0 : i32
    %dma_wait3A_496 = arith.constant 0 : i32
    %dma_wait3A_497 = tpu.memref_slice %arg4[%dma_wait3A_490, %dma_wait3A_491, %add3A, %dma_wait3A_495, %dma_wait3A_496] : memref<200x8x32x8x128xf32, #tpu.memory_space<hbm>> -> memref<1x1x1x8x128xf32, #tpu.memory_space<hbm>>
    %dma_wait3A_498 = tpu.memref_squeeze %dma_wait3A_497 : memref<1x1x1x8x128xf32, #tpu.memory_space<hbm>> -> memref<8x128xf32, #tpu.memory_space<hbm>>
    %dma_wait3A_499 = arith.constant 0 : i32
    %dma_wait3A_500 = arith.constant 0 : i32
    %dma_wait3A_501 = tpu.memref_slice %arg4[%dma_wait3A_490, %dma_wait3A_491, %add3A, %dma_wait3A_499, %dma_wait3A_500] : memref<200x8x32x8x128xf32, #tpu.memory_space<hbm>> -> memref<1x1x1x8x128xf32, #tpu.memory_space<hbm>>
    %dma_wait3A_502 = tpu.memref_squeeze %dma_wait3A_501 : memref<1x1x1x8x128xf32, #tpu.memory_space<hbm>> -> memref<8x128xf32, #tpu.memory_space<hbm>>
    %dma_wait3A_503 = arith.constant 32 : i32
    %dma_wait3A_504 = arith.constant 0 : i32
    %dma_wait3A_505 = tpu.memref_slice %arg13[%dma_wait3A_503, %dma_wait3A_504] : memref<64x129xf32, #tpu.memory_space<vmem>> -> memref<8x128xf32, #tpu.memory_space<vmem>>
    tpu.wait_dma2 semaphore(%arg21 : memref<!tpu.dma_semaphore, #tpu.memory_space<semaphore_mem>>) src(%dma_wait3A_505 : memref<8x128xf32, #tpu.memory_space<vmem>>) dst(%dma_wait3A_502 : memref<8x128xf32, #tpu.memory_space<hbm>>)
    %dma_wait3A_506 = arith.constant 0 : i32
    %dma_wait3A_507 = arith.constant 5 : i32
    %dma_wait3A_508 = arith.constant 40 : i32
    %dma_wait3A_509 = arith.constant 0 : i32
    %dma_wait3A_510 = tpu.memref_slice %arg13[%dma_wait3A_508, %dma_wait3A_509] : memref<64x129xf32, #tpu.memory_space<vmem>> -> memref<8x128xf32, #tpu.memory_space<vmem>>
    %dma_wait3A_511 = arith.constant 0 : i32
    %dma_wait3A_512 = arith.constant 0 : i32
    %dma_wait3A_513 = tpu.memref_slice %arg4[%dma_wait3A_506, %dma_wait3A_507, %add3A, %dma_wait3A_511, %dma_wait3A_512] : memref<200x8x32x8x128xf32, #tpu.memory_space<hbm>> -> memref<1x1x1x8x128xf32, #tpu.memory_space<hbm>>
    %dma_wait3A_514 = tpu.memref_squeeze %dma_wait3A_513 : memref<1x1x1x8x128xf32, #tpu.memory_space<hbm>> -> memref<8x128xf32, #tpu.memory_space<hbm>>
    %dma_wait3A_515 = arith.constant 0 : i32
    %dma_wait3A_516 = arith.constant 0 : i32
    %dma_wait3A_517 = tpu.memref_slice %arg4[%dma_wait3A_506, %dma_wait3A_507, %add3A, %dma_wait3A_515, %dma_wait3A_516] : memref<200x8x32x8x128xf32, #tpu.memory_space<hbm>> -> memref<1x1x1x8x128xf32, #tpu.memory_space<hbm>>
    %dma_wait3A_518 = tpu.memref_squeeze %dma_wait3A_517 : memref<1x1x1x8x128xf32, #tpu.memory_space<hbm>> -> memref<8x128xf32, #tpu.memory_space<hbm>>
    %dma_wait3A_519 = arith.constant 40 : i32
    %dma_wait3A_520 = arith.constant 0 : i32
    %dma_wait3A_521 = tpu.memref_slice %arg13[%dma_wait3A_519, %dma_wait3A_520] : memref<64x129xf32, #tpu.memory_space<vmem>> -> memref<8x128xf32, #tpu.memory_space<vmem>>
    tpu.wait_dma2 semaphore(%arg21 : memref<!tpu.dma_semaphore, #tpu.memory_space<semaphore_mem>>) src(%dma_wait3A_521 : memref<8x128xf32, #tpu.memory_space<vmem>>) dst(%dma_wait3A_518 : memref<8x128xf32, #tpu.memory_space<hbm>>)
    %dma_wait3A_522 = arith.constant 0 : i32
    %dma_wait3A_523 = arith.constant 6 : i32
    %dma_wait3A_524 = arith.constant 48 : i32
    %dma_wait3A_525 = arith.constant 0 : i32
    %dma_wait3A_526 = tpu.memref_slice %arg13[%dma_wait3A_524, %dma_wait3A_525] : memref<64x129xf32, #tpu.memory_space<vmem>> -> memref<8x128xf32, #tpu.memory_space<vmem>>
    %dma_wait3A_527 = arith.constant 0 : i32
    %dma_wait3A_528 = arith.constant 0 : i32
    %dma_wait3A_529 = tpu.memref_slice %arg4[%dma_wait3A_522, %dma_wait3A_523, %add3A, %dma_wait3A_527, %dma_wait3A_528] : memref<200x8x32x8x128xf32, #tpu.memory_space<hbm>> -> memref<1x1x1x8x128xf32, #tpu.memory_space<hbm>>
    %dma_wait3A_530 = tpu.memref_squeeze %dma_wait3A_529 : memref<1x1x1x8x128xf32, #tpu.memory_space<hbm>> -> memref<8x128xf32, #tpu.memory_space<hbm>>
    %dma_wait3A_531 = arith.constant 0 : i32
    %dma_wait3A_532 = arith.constant 0 : i32
    %dma_wait3A_533 = tpu.memref_slice %arg4[%dma_wait3A_522, %dma_wait3A_523, %add3A, %dma_wait3A_531, %dma_wait3A_532] : memref<200x8x32x8x128xf32, #tpu.memory_space<hbm>> -> memref<1x1x1x8x128xf32, #tpu.memory_space<hbm>>
    %dma_wait3A_534 = tpu.memref_squeeze %dma_wait3A_533 : memref<1x1x1x8x128xf32, #tpu.memory_space<hbm>> -> memref<8x128xf32, #tpu.memory_space<hbm>>
    %dma_wait3A_535 = arith.constant 48 : i32
    %dma_wait3A_536 = arith.constant 0 : i32
    %dma_wait3A_537 = tpu.memref_slice %arg13[%dma_wait3A_535, %dma_wait3A_536] : memref<64x129xf32, #tpu.memory_space<vmem>> -> memref<8x128xf32, #tpu.memory_space<vmem>>
    tpu.wait_dma2 semaphore(%arg21 : memref<!tpu.dma_semaphore, #tpu.memory_space<semaphore_mem>>) src(%dma_wait3A_537 : memref<8x128xf32, #tpu.memory_space<vmem>>) dst(%dma_wait3A_534 : memref<8x128xf32, #tpu.memory_space<hbm>>)
    %dma_wait3A_538 = arith.constant 0 : i32
    %dma_wait3A_539 = arith.constant 7 : i32
    %dma_wait3A_540 = arith.constant 56 : i32
    %dma_wait3A_541 = arith.constant 0 : i32
    %dma_wait3A_542 = tpu.memref_slice %arg13[%dma_wait3A_540, %dma_wait3A_541] : memref<64x129xf32, #tpu.memory_space<vmem>> -> memref<8x128xf32, #tpu.memory_space<vmem>>
    %dma_wait3A_543 = arith.constant 0 : i32
    %dma_wait3A_544 = arith.constant 0 : i32
    %dma_wait3A_545 = tpu.memref_slice %arg4[%dma_wait3A_538, %dma_wait3A_539, %add3A, %dma_wait3A_543, %dma_wait3A_544] : memref<200x8x32x8x128xf32, #tpu.memory_space<hbm>> -> memref<1x1x1x8x128xf32, #tpu.memory_space<hbm>>
    %dma_wait3A_546 = tpu.memref_squeeze %dma_wait3A_545 : memref<1x1x1x8x128xf32, #tpu.memory_space<hbm>> -> memref<8x128xf32, #tpu.memory_space<hbm>>
    %dma_wait3A_547 = arith.constant 0 : i32
    %dma_wait3A_548 = arith.constant 0 : i32
    %dma_wait3A_549 = tpu.memref_slice %arg4[%dma_wait3A_538, %dma_wait3A_539, %add3A, %dma_wait3A_547, %dma_wait3A_548] : memref<200x8x32x8x128xf32, #tpu.memory_space<hbm>> -> memref<1x1x1x8x128xf32, #tpu.memory_space<hbm>>
    %dma_wait3A_550 = tpu.memref_squeeze %dma_wait3A_549 : memref<1x1x1x8x128xf32, #tpu.memory_space<hbm>> -> memref<8x128xf32, #tpu.memory_space<hbm>>
    %dma_wait3A_551 = arith.constant 56 : i32
    %dma_wait3A_552 = arith.constant 0 : i32
    %dma_wait3A_553 = tpu.memref_slice %arg13[%dma_wait3A_551, %dma_wait3A_552] : memref<64x129xf32, #tpu.memory_space<vmem>> -> memref<8x128xf32, #tpu.memory_space<vmem>>
    tpu.wait_dma2 semaphore(%arg21 : memref<!tpu.dma_semaphore, #tpu.memory_space<semaphore_mem>>) src(%dma_wait3A_553 : memref<8x128xf32, #tpu.memory_space<vmem>>) dst(%dma_wait3A_550 : memref<8x128xf32, #tpu.memory_space<hbm>>)
    return
  }
}

</mosaic_0001>

<sc_bundles>
// kernel: kernel.3.cloned.1.call-start
scs
__scs_entry_jumppad:
0x0: {  	(pc) =	sbr.rel $0x88, $3  }
0x1: {  	(tag) =	ssettag $0x0;
	lr =	simm.s32 $0x1  }
0x2: {  	[smem:$0x3F9F] =	sst lr;
	_ =	strace $0xD0000000  }
0x3: {  	_ = 	snop  }
0x4: {  	_ = 	snop  }
0x5: {  	_ = 	snop  }
0x6: {  	_ = 	snop  }
0x7: {  	_ = 	snop  }
__scs_overlays_trampoline_lowered:
0x8: {  	[smem:$0x3FAE] =	sst s0  }
0x9: {  	[smem:$0x3FAF] =	sst s1  }
0xa: {  	[smem:$0x3FB0] =	sst s2  }
0xb: {  	[smem:$0x3FB1] =	sst s3  }
0xc: {  	[smem:$0x3FB2] =	sst s4  }
0xd: {  	[smem:$0x3FB3] =	sst s5  }
0xe: {  	[smem:$0x3FB4] =	sst s6  }
0xf: {  	[smem:$0x3FB5] =	sst s7  }
0x10: {  	[smem:$0x3FB6] =	sst s8  }
0x11: {  	[smem:$0x3FB7] =	sst s9;
	s0 =	simm.s32 @!p0 $0x0  }
0x12: {  	s1 =	sld [smem:$0x3F9D];
	s0 =	simm.s32 @p0 $0x1  }
0x13: {  	[smem:$0x3FB8] =	sst s0;
	s0 =	simm.s32 @!p1 $0x0  }
0x14: {  	s2 =	sld [smem:$0x3F9C];
	s0 =	simm.s32 @p1 $0x1  }
0x15: {  	[smem:$0x3FB9] =	sst s0;
	s0 =	simm.s32 @!p2 $0x0  }
0x16: {  	s3 =	sld [smem:$0x3FDB];
	s0 =	simm.s32 @p2 $0x1  }
0x17: {  	s4 =	simm.s32 $0x1BF5;
	[smem:$0x3FBB] =	sst s0  }
0x18: {  	s0 =	sld [smem:$0x3F9E];
	_ =	swait.ge [sflag:s4], $0x0  }
0x19: {  	s7 =	sld [smem:$0x3F9F]  }
0x1a: {  	s8 =	sadd.s32 $0xFFFFE003, lr  }
0x1b: {  	s9 =	sadd.s32 $0xFFFFFEF7, lr;
	s5 =	simm.s32 $0xFFFFFFFF;
	p2 =	slt.u32 s8, $0xFFFFF086  }
0x1c: {  	p1 =	slt.u32 s9, $0xF7A;
	s5 =	simm.s32 @!p2 $0x0  }
0x1d: {  	s5 =	simm.s32 @p1 $0x1;
	p0 =	seq.s32 s7, s2  }
0x1e: {  	s7 =	smul.u32 @!p0 $0xF7A, s2;
	p2 =	seq.s32 @!p0 s5, $0x0  }
0x1f: {  	s9 =	smul.u32 $0xF7A, s1;
	s8 =	simm.s32 @!p0 $0x1BF5;
	p2 =	por !p2, p0  }
0x20: {  	[sflag:s8] =	ssyncset.s32 @!p0 $0xFFFFF086;
	s6 =	sadd.s32 @!p0 s3, s7;
	s7 =	simm.s32 @!p0 $0x108  }
0x21: {  	s3 =	sadd.s32 s3, s9;
	s6 =	sadd.s32 @!p0 $0x88, s6;
	s7 =	simm.s32 @p2 $0x1082  }
0x22: {  	[simem:s7], [sflag:s8] =	dma.local @!p0 [hbm:s6], $0xF7A  }
0x23: {  	s9 =	sor.u32 $0xD0000000, s2;
	s6 =	simm.s32 $0x108;
	_ =	swait.ge @!p0 [sflag:s8], $0x0  }
0x24: {  	s3 =	sadd.s32 $0x88, s3;
	s6 =	simm.s32 @!p1 $0x1082;
	[sflag:s4] =	ssyncset.s32 $0xFFFFF086  }
0x25: {  	[simem:s6], [sflag:s4] =	dma.local [hbm:s3], $0xF7A  }
0x26: {  	[smem:$0x3F9F] =	sst s1;
	(tag) =	ssettag s2;
	_ =	strace s9  }
0x27: {  	s1 =	sld [smem:$0x3FAF]  }
0x28: {  	s2 =	sld [smem:$0x3FB0]  }
0x29: {  	s4 =	sld [smem:$0x3FB2]  }
0x2a: {  	p0 =	seq.s32 s5, $0x0;
	s5 =	sld [smem:$0x3FB3]  }
0x2b: {  	s6 =	sld [smem:$0x3FB4]  }
0x2c: {  	s7 =	sld [smem:$0x3FB5]  }
0x2d: {  	s3 =	simm.s32 $0x108;
	s8 =	sld [smem:$0x3FB6]  }
0x2e: {  	s3 =	simm.s32 @!p0 $0x1082;
	s9 =	sld [smem:$0x3FB7]  }
0x2f: {  	lr =	sadd.s32 s0, s3;
	s0 =	sld [smem:$0x3FAE]  }
0x30: {  	s3 =	sld [smem:$0x3FB1]  }
0x31: {  	[smem:$0x3FBA] =	sst s10  }
0x32: {  	s10 =	sld [smem:$0x3FB8];
	_ =	sdelay $0x3  }
0x33: {  	p0 =	seq.s32 s10, $0x1;
	s10 =	sld [smem:$0x3FBA];
	_ =	sdelay $0x3  }
0x34: {  	[smem:$0x3FBA] =	sst s10  }
0x35: {  	s10 =	sld [smem:$0x3FB9];
	_ =	sdelay $0x3  }
0x36: {  	p1 =	seq.s32 s10, $0x1;
	s10 =	sld [smem:$0x3FBA];
	_ =	sdelay $0x3  }
0x37: {  	[smem:$0x3FBA] =	sst s10  }
0x38: {  	s10 =	sld [smem:$0x3FBB]  }
0x39: {  	_ = 	snop;
	(pc) =	sbr.ind lr, $3  }
0x3a: {  	_ = 	snop  }
0x3b: {  	_ = 	snop  }
0x3c: {  	p2 =	seq.s32 s10, $0x1;
	s10 =	sld [smem:$0x3FBA]  }
0x3d: {  	_ =	shalt  }
0x3e: {  	_ =	shalt  }
0x3f: {  	_ =	shalt  }
0x40: {  	_ =	shalt  }
0x41: {  	_ =	shalt  }
0x42: {  	_ =	shalt  }
0x43: {  	_ =	shalt  }
0x44: {  	_ =	shalt  }
0x45: {  	_ =	shalt  }
0x46: {  	_ =	shalt  }
0x47: {  	_ =	shalt  }
0x48: {  	_ =	shalt  }
0x49: {  	_ =	shalt  }
0x4a: {  	_ =	shalt  }
0x4b: {  	_ =	shalt  }
0x4c: {  	_ =	shalt  }
0x4d: {  	_ =	shalt  }
0x4e: {  	_ =	shalt  }
0x4f: {  	_ =	shalt  }
0x50: {  	_ =	shalt  }
0x51: {  	_ =	shalt  }
0x52: {  	_ =	shalt  }
0x53: {  	_ =	shalt  }
0x54: {  	_ =	shalt  }
0x55: {  	_ =	shalt  }
0x56: {  	_ =	shalt  }
0x57: {  	_ =	shalt  }
0x58: {  	_ =	shalt  }
0x59: {  	_ =	shalt  }
0x5a: {  	_ =	shalt  }
0x5b: {  	_ =	shalt  }
0x5c: {  	_ =	shalt  }
0x5d: {  	_ =	shalt  }
0x5e: {  	_ =	shalt  }
0x5f: {  	_ =	shalt  }
0x60: {  	_ =	shalt  }
0x61: {  	_ =	shalt  }
0x62: {  	_ =	shalt  }
0x63: {  	_ =	shalt  }
0x64: {  	_ =	shalt  }
0x65: {  	_ =	shalt  }
0x66: {  	_ =	shalt  }
0x67: {  	_ =	shalt  }
0x68: {  	_ =	shalt  }
0x69: {  	_ =	shalt  }
0x6a: {  	_ =	shalt  }
0x6b: {  	_ =	shalt  }
0x6c: {  	_ =	shalt  }
0x6d: {  	_ =	shalt  }
0x6e: {  	_ =	shalt  }
0x6f: {  	_ =	shalt  }
0x70: {  	_ =	shalt  }
0x71: {  	_ =	shalt  }
0x72: {  	_ =	shalt  }
0x73: {  	_ =	shalt  }
0x74: {  	_ =	shalt  }
0x75: {  	_ =	shalt  }
0x76: {  	_ =	shalt  }
0x77: {  	_ =	shalt  }
0x78: {  	_ =	shalt  }
0x79: {  	_ =	shalt  }
0x7a: {  	_ =	shalt  }
0x7b: {  	_ =	shalt  }
0x7c: {  	_ =	shalt  }
0x7d: {  	_ =	shalt  }
0x7e: {  	_ =	shalt  }
0x7f: {  	_ =	shalt  }
0x80: {  	_ =	shalt  }
0x81: {  	_ =	shalt  }
0x82: {  	_ =	shalt  }
0x83: {  	_ =	shalt  }
0x84: {  	_ =	shalt  }
0x85: {  	_ =	shalt  }
0x86: {  	_ =	shalt  }
0x87: {  	_ =	shalt  }
.Lfunc_end0:
.L_simem_size_0:
called_computation_lowered:
.L_overlay_start_0:
0x88: {  	s2 =	sld [smem:$0x3FD9]  }
0x89: {  	s3 =	sld [smem:$0x3FFE];
	_ =	sdelay $0x1  }
0x8a: {  	s1 =	srdreg.scid  }
0x8b: {  	s0 =	sand.u32 $0x1, s1  }
0x8c: {  	s17 =	sshll.u32 s0, $0xA;
	s2 =	sadd.s32 s3, s2  }
0x8d: {  	s2 =	sadd.s32 s2, s17  }
0x8e: {  	[smem:$0x3FC6] =	sst s2  }
0x8f: {  	_ = 	snop  }
0x90: {  	s2 =	sld [smem:$0x3FD0];
	(tm) =	ssettm $0x1  }
0x91: {  	s18 =	sld [smem:$0x3FFB];
	_ =	sdelay $0x3  }
0x92: {  	_ =	strace s18  }
0x93: {  	s3 =	sld [smem:$0x3FFC];
	_ =	sdelay $0x3  }
0x94: {  	_ =	strace s3  }
0x95: {  	s3 =	sld [smem:$0x3FFD];
	_ =	sdelay $0x3  }
0x96: {  	_ =	strace s3  }
0x97: {  	_ =	strace $0x8FFFFFFF  }
0x98: {  	s19 =	sld [smem:$0x3FDB];
	_ =	sdelay $0x1  }
0x99: {  	s4 =	simm.s32 $_scs_section_size  }
0x9a: {  	s5 =	simm.s32 $_size__tile_overlayer_lowered;
	s6 =	simm.s32 $_tile_overlayer_lowered  }
0x9b: {  	s22 =	simm.s32 $0x1BFF;
	s21 =	sshll.u32 s6, $0x1;
	s3 =	sadd.s32 s4, s19  }
0x9c: {  	s7 =	simm.s32 $0x0;
	s20 =	sshll.u32 s5, $0x1;
	s5 =	sadd.s32 s21, s3  }
0x9d: {  	[timem:s7], [sflag:s22] =	dma.local [hbm:s5], s20  }
0x9e: {  	_ =	swait.ge [sflag:s22], s20  }
0x9f: {  	s4 =	ssub.s32 $0x0, s20;
	[sflag:s22] =	ssyncset.done $0x0  }
0xa0: {  	[sflag:s22] =	ssyncadd.s32 s4;
	_ =	sdelay $0x1  }
0xa1: {  	s23 =	simm.s32 $0x1B8B  }
0xa2: {  	_ =	swait.ge [sflag:s23], $0x1  }
0xa3: {  	[sflag:s23] =	ssyncset.done $0x0  }
0xa4: {  	s25 =	simm.s32 $0x1B8E;
	s24 =	sld [smem:$0x3FFE];
	[sflag:s23] =	ssyncadd.s32 $0xFFFFFFFF  }
0xa5: {  	s26 =	simm.s32 $execute0_lowered;
	[smem:$0x3FD2] =	sst s25  }
0xa6: {  	s5 =	sshll.u32 s26, $0x1;
	_ =	strace $0x80000046;
	[dreg:$0x1] =	wrdreg $0xFFFFFFFF  }
0xa7: {  	s28 =	simm.s32 $_size_execute0_lowered;
	s3 =	sadd.s32 s3, s5;
	[dreg:$0x0] =	wrdreg $0x0  }
0xa8: {  	s5 =	sshll.u32 s28, $0x1;
	[dreg:$0x2] =	wrdreg s3  }
0xa9: {  	[dreg:$0x3] =	wrdreg s5  }
0xaa: {  	[dreg:$0x4] =	wrdreg $0xC0  }
0xab: {  	_ =	task [dreg:s7], $0x5FFFF  }
0xac: {  	[dreg:$0x1] =	wrdreg $0xFFFFFFFF  }
0xad: {  	[dreg:$0x0] =	wrdreg $0x60  }
0xae: {  	[dreg:$0x2] =	wrdreg s24  }
0xaf: {  	[dreg:$0x3] =	wrdreg s2  }
0xb0: {  	[dreg:$0x4] =	wrdreg $0x9  }
0xb1: {  	_ =	task.clear_ibuf [dreg:s7], $0x5FFFF;
	_ =	strace $0x90000046  }
0xb2: {  	s29 =	simm.s32 $0x9;
	_ =	strace $0x80000048  }
0xb3: {  	_ =	swait.ge [sflag:s29], $0x1  }
0xb4: {  	[sflag:s29] =	ssyncadd.s32 $0xFFFFFFFF  }
0xb5: {  	_ =	strace $0x90000048  }
0xb6: {  	_ =	sfence  }
0xb7: {  	s30 =	sld [smem:$0x0];
	_ =	sdelay $0x2  }
0xb8: {  	s31 =	sshll.u32 s1, $0xD;
	s1 =	sshrl.u32 s1, $0x2  }
0xb9: {  	s3 =	sand.u32 $0x4000, s31;
	s1 =	sadd.s32 s1, s30  }
0xba: {  	s0 =	sor.u32 s3, s0;
	s1 =	sshll.u32 s1, $0x11  }
0xbb: {  	s0 =	sor.u32 s1, s0  }
0xbc: {  	s0 =	sadd.s32 $0x8F2B, s0  }
0xbd: {  	[sflag:s0] =	ssyncadd.remote.s32 $0x1  }
0xbe: {  	_ =	sfence.sel $0xFFFF  }
0xbf: {  	[dreg:$0x0] =	wrdreg $0xFFFFFFFF;
	(pc) =	sbr.abs _section_cstart, $3  }
0xc0: {  	[dreg:$0x1] =	wrdreg $0xFFFFFFFF  }
0xc1: {  	_ =	task.clear_ibuf [dreg:s7], $0x2FFFF;
	_ =	strace $0x9FFFFFFF  }
0xc2: {  	(tm) =	ssettm $0x7FFFFFFF  }
0xc3: {  	_ =	shalt  }
tec
execute0_lowered:
.L_overlay_start_1:
0x0: {  	(tag) =	ssettag $0x1  }
0x1: {  	s0 =	rddreg [dreg:$0x0];
	s1 =	srdreg.scid  }
0x2: {  	s3 =	stileid.u32;
	s2 =	rddreg [dreg:$0x1]  }
0x3: {  	s15 =	simm.s32 $0x80;
	s23 =	simm.s32 $0x1;
	s24 =	simm.s32 $0xE400  }
0x4: {  	s21 =	simm.s32 $0x2;
	s25 =	simm.s32 $0x3;
	s26 =	simm.s32 $0x12800  }
0x5: {  	s17 =	simm.s32 $0x4;
	s22 =	simm.s32 $0x14A00;
	s16 =	simm.s32 $0x16AF0  }
0x6: {  	s18 =	simm.s32 $0x16B78;
	s14 =	simm.s32 $0x0;
	s1 =	sand.u32 $0x1, s1  }
0x7: {  	s4 =	sshll.u32 s3, $0x1;
	s3 =	simm.s32 $0x0;
	s8 =	sadd.s32 $0x2000, s2  }
0x8: {  	s9 =	sadd.s32 $0x3000, s2;
	s10 =	sadd.s32 $0x4000, s2;
	s11 =	sadd.s32 $0x5000, s2  }
0x9: {  	s12 =	sadd.s32 $0x6000, s2;
	s13 =	sadd.s32 $0x7000, s2;
	s5 =	sor.u32 s1, s4  }
0xa: {  	[smem:$0x7FF] =	sst s3;
	s1 =	ssub.s32 $0x2, s1;
	s4 =	sshll.u32 s5, $0x4  }
0xb: {  	v0 =	vlaneseq.u32;
	_ =	strace $0x80000047;
	s7 =	sshrl.u32 s1, $0x1;
	s6 =	sadd.s32 s4, s0  }
0xc: {  	v0 =	vmul.u32 $0x88, v0;
	s4 =	sadd.s32 $0xF42A00, s0;
	s30 =	ssub.s32 s1, s7;
	s31 =	sadd.s32 $0x600, s6  }
0xd: {  	s7 =	sadd.s32 $0x1000, s2;
	s0 =	smax.u32 s30, $0x1;
	[dreg:$0x3] =	wrdreg s31  }
0xe: {  	v1 =	vadd.s32 $0x880, v0;
	v2 =	vadd.s32 $0x1100, v0;
	v3 =	vadd.s32 $0x1980, v0;
	s6 =	sshll.u32 s5, $0xA;
	s5 =	simm.s32 $0x10600;
	[dreg:$0x4] =	wrdreg s0  }
.LBB2_1:
0xf: {  	[dreg:$0x5] =	wrdreg s14  }
0x10: {  	s0 =	rddreg [dreg:$0x3];
	s1 =	simm.s32 $0x1000;
	s20 =	simm.s32 $0x9  }
0x11: {  	[tilespmem:s3], [sflag:$0x9] =	stream.strided.gather [hbm4b:s0+s15], $0x6400, s1, s15, $0x38;
	[tilespmem:$0x16C00] =	vst v63  }
0x12: {  	_ =	swait.ge [sflag:s20], $0x6400  }
0x13: {  	[sflag:s20] =	ssyncset.done $0x0  }
0x14: {  	s28 =	simm.s32 $0x6400;
	[sflag:s20] =	ssyncadd.s32 $0xFFFF9C00  }
0x15: {  	[tilespmem:s28], [sflag:$0x1] =	stream.indirect.gather [hbm4b:s4+s15], $0x40, s3, s15, $0xb8;
	[tilespmem:$0x16C00] =	vst v63  }
0x16: {  	s29 =	simm.s32 $0x8400  }
0x17: {  	[tilespmem:s29], [sflag:$0x2] =	stream.indirect.gather [hbm4b:s4+s15], $0x40, s15, s15, $0xb8;
	[tilespmem:$0x16C00] =	vst v63  }
0x18: {  	s30 =	simm.s32 $0x100;
	s31 =	simm.s32 $0xA400;
	s19 =	simm.s32 $0x0  }
0x19: {  	[tilespmem:s31], [sflag:$0x3] =	stream.indirect.gather [hbm4b:s4+s15], $0x40, s30, s15, $0xb8;
	[tilespmem:$0x16C00] =	vst v63  }
.LBB2_2:
0x1a: {  	s1 =	sshll.u32 s19, $0x9  }
0x1b: {  	s20 =	sand.u32 $0x3FFFFE00, s1  }
0x1c: {  	s0 =	simm.s32 $0xC400;
	s1 =	sor.u32 $0x180, s20  }
0x1d: {  	[tilespmem:s0], [sflag:$0x4] =	stream.indirect.gather [hbm4b:s4+s15], $0x40, s1, s15, $0xb8;
	[tilespmem:$0x16C00] =	vst v63  }
0x1e: {  	_ =	swait.ge [sflag:s23], $0x2000  }
0x1f: {  	p0 =	seq.s32 s19, $0x0;
	[sflag:s23] =	ssyncset.done $0x0  }
0x20: {  	s1 =	simm.s32 @!p0 $0x5;
	[sflag:s23] =	ssyncadd.s32 $0xFFFFE000  }
0x21: {  	_ =	swait.ge @!p0 [sflag:s1], $0x400  }
0x22: {  	[sflag:s1] =	ssyncset.done @!p0 $0x0  }
0x23: {  	[sflag:s1] =	ssyncadd.s32 @!p0 $0xFFFFFC00  }
0x24: {  	_ =	swait.ge @!p0 [sflag:s1], $0x400  }
0x25: {  	[sflag:s1] =	ssyncset.done @!p0 $0x0  }
0x26: {  	[sflag:s1] =	ssyncadd.s32 @!p0 $0xFFFFFC00  }
0x27: {  	_ =	swait.ge @!p0 [sflag:s1], $0x400  }
0x28: {  	[sflag:s1] =	ssyncset.done @!p0 $0x0  }
0x29: {  	[sflag:s1] =	ssyncadd.s32 @!p0 $0xFFFFFC00  }
0x2a: {  	_ =	swait.ge @!p0 [sflag:s1], $0x400  }
0x2b: {  	[sflag:s1] =	ssyncset.done @!p0 $0x0  }
0x2c: {  	[sflag:s1] =	ssyncadd.s32 @!p0 $0xFFFFFC00  }
0x2d: {  	_ =	swait.ge @!p0 [sflag:s1], $0x400  }
0x2e: {  	[sflag:s1] =	ssyncset.done @!p0 $0x0  }
0x2f: {  	[sflag:s1] =	ssyncadd.s32 @!p0 $0xFFFFFC00  }
0x30: {  	_ =	swait.ge @!p0 [sflag:s1], $0x400  }
0x31: {  	[sflag:s1] =	ssyncset.done @!p0 $0x0  }
0x32: {  	[sflag:s1] =	ssyncadd.s32 @!p0 $0xFFFFFC00  }
0x33: {  	_ =	swait.ge @!p0 [sflag:s1], $0x400  }
0x34: {  	[sflag:s1] =	ssyncset.done @!p0 $0x0  }
0x35: {  	[sflag:s1] =	ssyncadd.s32 @!p0 $0xFFFFFC00  }
0x36: {  	_ =	swait.ge @!p0 [sflag:s1], $0x400  }
0x37: {  	[sflag:s1] =	ssyncset.done @!p0 $0x0  }
0x38: {  	s14 =	simm.s32 $0x6480;
	s0 =	simm.s32 $0x3;
	[sflag:s1] =	ssyncadd.s32 @!p0 $0xFFFFFC00  }
0x39: {  	v4 =	vmov s0;
	v5 =	vld [tilespmem:s14+$0x40]  }
0x3a: {  	v9 =	vand.u32 $0x7F, v4  }
0x3b: {  	s0 =	simm.s32 $0x0;
	v4 =	vadd.s32 v0, v9  }
0x3c: {  	s28 =	simm.s32 $0x2;
	v6 =	vmov s0;
	s0 =	simm.s32 $0x1;
	v7 =	vld [tilespmem:s14+$0xFFFFFF80]  }
0x3d: {  	v11 =	vmov s28;
	v8 =	vand.u32 $0x7C, v6;
	v6 =	vmov s0;
	v10 =	vld [tilespmem:s14+$0xFFFFFFC0]  }
0x3e: {  	v12 =	vadd.s32 v0, v8;
	v15 =	vand.u32 $0x7D, v6;
	v6 =	vld [tilespmem:s14+$0x0];
	v5 =	vmul.f32 $8.000000000e+00, v5  }
0x3f: {  	v17 =	vand.u32 $0x7E, v11;
	v13 =	vadd.s32 v0, v15  }
0x40: {  	v11 =	vadd.s32 v0, v17;
	[tilespmem:v4+s24+$0x0] =	vst.idx.msk $0xffff, v5  }
0x41: {  	v4 =	vmul.f32 $8.000000000e+00, v7;
	v5 =	vld [tilespmem:s14+$0x50]  }
0x42: {  	v7 =	vmul.f32 $8.000000000e+00, v10  }
0x43: {  	[tilespmem:v12+s24+$0x0] =	vst.idx.msk $0xffff, v4;
	v4 =	vmul.f32 $8.000000000e+00, v6;
	v6 =	vadd.s32 v1, v9  }
0x44: {  	[tilespmem:v13+s24+$0x0] =	vst.idx.msk $0xffff, v7;
	v10 =	vld [tilespmem:s14+$0xFFFFFF90]  }
0x45: {  	v7 =	vld [tilespmem:s14+$0xFFFFFFD0];
	[tilespmem:v11+s24+$0x0] =	vst.idx.msk $0xffff, v4  }
0x46: {  	v11 =	vld [tilespmem:s14+$0x10];
	v4 =	vmul.f32 $8.000000000e+00, v5  }
0x47: {  	s29 =	simm.s32 $0x7;
	s28 =	simm.s32 $0x6580;
	s0 =	simm.s32 $0x4;
	v12 =	vadd.s32 v1, v15  }
0x48: {  	v14 =	vld [tilespmem:s28+$0x40];
	v13 =	vadd.s32 v1, v17;
	v5 =	vmov s0;
	[tilespmem:v6+s24+$0x0] =	vst.idx.msk $0xffff, v4;
	v6 =	vmov s29  }
0x49: {  	v16 =	vadd.s32 v1, v8;
	v4 =	vand.u32 $0x7C, v5;
	v5 =	vand.u32 $0x7F, v6;
	v18 =	vld [tilespmem:s14+$0x60]  }
0x4a: {  	v22 =	vadd.s32 v2, v9;
	v19 =	vld [tilespmem:s28+$0xFFFFFF80];
	s0 =	simm.s32 $0x5;
	v6 =	vmul.f32 $8.000000000e+00, v7;
	v20 =	vadd.s32 v0, v5  }
0x4b: {  	v21 =	vld [tilespmem:s28+$0xFFFFFFC0];
	v10 =	vmul.f32 $8.000000000e+00, v10;
	v7 =	vmul.f32 $8.000000000e+00, v11;
	v11 =	vmov s0;
	s0 =	simm.s32 $0x6  }
0x4c: {  	v23 =	vadd.s32 v0, v4;
	[tilespmem:v12+s24+$0x0] =	vst.idx.msk $0xffff, v6;
	v12 =	vmov s0;
	v6 =	vand.u32 $0x7D, v11;
	v11 =	vld [tilespmem:s28+$0x0]  }
0x4d: {  	[tilespmem:v13+s24+$0x0] =	vst.idx.msk $0xffff, v7;
	v13 =	vadd.s32 v0, v6;
	v7 =	vand.u32 $0x7E, v12;
	v12 =	vmul.f32 $8.000000000e+00, v14;
	v14 =	vld [tilespmem:s14+$0xFFFFFFE0]  }
0x4e: {  	[tilespmem:v16+s24+$0x0] =	vst.idx.msk $0xffff, v10;
	v10 =	vadd.s32 v0, v7;
	v16 =	vld [tilespmem:s14+$0x20];
	v18 =	vmul.f32 $8.000000000e+00, v18  }
0x4f: {  	v19 =	vmul.f32 $8.000000000e+00, v19;
	[tilespmem:v20+s24+$0x0] =	vst.idx.msk $0xffff, v12;
	v12 =	vld [tilespmem:s14+$0xFFFFFFA0];
	v20 =	vadd.s32 v2, v15  }
0x50: {  	v25 =	vadd.s32 v2, v17;
	v21 =	vmul.f32 $8.000000000e+00, v21;
	v24 =	vld [tilespmem:s28+$0x50];
	[tilespmem:v22+s24+$0x0] =	vst.idx.msk $0xffff, v18  }
0x51: {  	[tilespmem:v23+s24+$0x0] =	vst.idx.msk $0xffff, v19;
	v19 =	vadd.s32 v2, v8;
	v11 =	vmul.f32 $8.000000000e+00, v11;
	v22 =	vld [tilespmem:s14+$0x70]  }
0x52: {  	v23 =	vld [tilespmem:s28+$0xFFFFFF90];
	[tilespmem:v13+s24+$0x0] =	vst.idx.msk $0xffff, v21;
	v21 =	vadd.s32 v1, v5;
	v14 =	vmul.f32 $8.000000000e+00, v14  }
0x53: {  	v27 =	vadd.s32 v3, v9;
	v26 =	vld [tilespmem:s28+$0xFFFFFFD0];
	[tilespmem:v10+s24+$0x0] =	vst.idx.msk $0xffff, v11;
	v10 =	vmul.f32 $8.000000000e+00, v16  }
0x54: {  	v18 =	vadd.s32 v1, v4;
	v13 =	vld [tilespmem:s28+$0x10];
	v9 =	vmul.f32 $8.000000000e+00, v12;
	[tilespmem:v20+s24+$0x0] =	vst.idx.msk $0xffff, v14  }
0x55: {  	s30 =	simm.s32 $0x8;
	v16 =	vadd.s32 v1, v6;
	[tilespmem:v25+s24+$0x0] =	vst.idx.msk $0xffff, v10;
	v14 =	vmul.f32 $8.000000000e+00, v24;
	v12 =	vld [tilespmem:s14+$0xFFFFFFF0]  }
0x56: {  	v20 =	vmov s30;
	v10 =	vadd.s32 v1, v7;
	v11 =	vld [tilespmem:s14+$0x30];
	[tilespmem:v19+s24+$0x0] =	vst.idx.msk $0xffff, v9;
	v63 =	vmul.f32 $8.000000000e+00, v22  }
0x57: {  	s29 =	simm.s32 $0x6680;
	s0 =	simm.s32 $0xB;
	v15 =	vadd.s32 v3, v15;
	v9 =	vand.u32 $0x7C, v20;
	v20 =	vmul.f32 $8.000000000e+00, v23;
	[tilespmem:v21+s24+$0x0] =	vst.idx.msk $0xffff, v14;
	v14 =	vld [tilespmem:s14+$0xFFFFFFB0]  }
0x58: {  	s31 =	simm.s32 $0xC;
	v17 =	vadd.s32 v3, v17;
	v22 =	vmov s0;
	v19 =	vld [tilespmem:s29+$0x40];
	s14 =	sshll.u32 s19, $0x2;
	v21 =	vmul.f32 $8.000000000e+00, v26;
	[tilespmem:v27+s24+$0x0] =	vst.idx.msk $0xffff, v63  }
.LBB2_3:
0x59: {  	p1 =	slt.u32 s31, $0x7C;
	s1 =	sadd.s32 $0x1, s30;
	v22 =	vand.u32 $0x7F, v22;
	[tilespmem:v18+s24+$0x0] =	vst.idx.msk $0xffff, v20;
	v13 =	vmul.f32 $8.000000000e+00, v13;
	v18 =	vld [tilespmem:s28+$0x60];
	v20 =	vadd.s32 v3, v8;
	v8 =	vmovc v4  }
0x5a: {  	v4 =	vmovc v9;
	v23 =	vld [tilespmem:s29+$0xFFFFFF80];
	v24 =	vmov s1;
	s1 =	sadd.s32 $0x2, s30;
	v25 =	vadd.s32 v0, v22;
	[tilespmem:v16+s24+$0x0] =	vst.idx.msk $0xffff, v21;
	v12 =	vmul.f32 $8.000000000e+00, v12;
	s30 =	smov.u32 s31  }
0x5b: {  	v9 =	vld [tilespmem:s29+$0xFFFFFFC0];
	v16 =	vmov s1;
	[tilespmem:v10+s24+$0x0] =	vst.idx.msk $0xffff, v13;
	v10 =	vadd.s32 v2, v5;
	v11 =	vmul.f32 $8.000000000e+00, v11  }
0x5c: {  	v13 =	vadd.s32 v0, v4;
	v21 =	vand.u32 $0x7D, v24;
	v24 =	vld [tilespmem:s29+$0x0];
	v14 =	vmul.f32 $8.000000000e+00, v14;
	[tilespmem:v15+s24+$0x0] =	vst.idx.msk $0xffff, v12  }
0x5d: {  	v12 =	vadd.s32 v0, v21;
	v26 =	vand.u32 $0x7E, v16;
	v15 =	vmul.f32 $8.000000000e+00, v19;
	v16 =	vld [tilespmem:s28+$0xFFFFFFE0];
	[tilespmem:v17+s24+$0x0] =	vst.idx.msk $0xffff, v11  }
0x5e: {  	v11 =	vadd.s32 v0, v26;
	v17 =	vld [tilespmem:s28+$0x20];
	v18 =	vmul.f32 $8.000000000e+00, v18;
	[tilespmem:v20+s24+$0x0] =	vst.idx.msk $0xffff, v14  }
0x5f: {  	v19 =	vadd.s32 v2, v6;
	v14 =	vmul.f32 $8.000000000e+00, v23;
	[tilespmem:v25+s24+$0x0] =	vst.idx.msk $0xffff, v15;
	v15 =	vld [tilespmem:s28+$0xFFFFFFA0]  }
0x60: {  	v23 =	vadd.s32 v2, v7;
	v9 =	vmul.f32 $8.000000000e+00, v9;
	v20 =	vld [tilespmem:s29+$0x50];
	[tilespmem:v10+s24+$0x0] =	vst.idx.msk $0xffff, v18  }
0x61: {  	[tilespmem:v13+s24+$0x0] =	vst.idx.msk $0xffff, v14;
	v10 =	vmul.f32 $8.000000000e+00, v24;
	v14 =	vadd.s32 v2, v8;
	v24 =	vld [tilespmem:s28+$0x70]  }
0x62: {  	v27 =	vadd.s32 v1, v22;
	v25 =	vld [tilespmem:s29+$0xFFFFFF90];
	[tilespmem:v12+s24+$0x0] =	vst.idx.msk $0xffff, v9;
	v9 =	vmul.f32 $8.000000000e+00, v16  }
0x63: {  	v29 =	vadd.s32 v3, v5;
	v5 =	vmov v22;
	v28 =	vld [tilespmem:s29+$0xFFFFFFD0];
	[tilespmem:v11+s24+$0x0] =	vst.idx.msk $0xffff, v10;
	v10 =	vmul.f32 $8.000000000e+00, v17  }
.Ltmp0:
0x64: {  	v18 =	vadd.s32 v1, v4;
	v13 =	vld [tilespmem:s29+$0x10];
	v11 =	vmul.f32 $8.000000000e+00, v15;
	[tilespmem:v19+s24+$0x0] =	vst.idx.msk $0xffff, v9;
	(pc) =	sbr.rel @p1 .LBB2_3-.Ltmp0, $4  }
0x65: {  	v16 =	vadd.s32 v1, v21;
	v15 =	vmul.f32 $8.000000000e+00, v20;
	v12 =	vld [tilespmem:s28+$0xFFFFFFF0];
	[tilespmem:v23+s24+$0x0] =	vst.idx.msk $0xffff, v10  }
0x66: {  	v9 =	vmov s31;
	v10 =	vadd.s32 v1, v26;
	[tilespmem:v14+s24+$0x0] =	vst.idx.msk $0xffff, v11;
	v11 =	vld [tilespmem:s28+$0x30];
	v23 =	vmul.f32 $8.000000000e+00, v24  }
0x67: {  	s1 =	sadd.s32 $0x3, s31;
	v9 =	vand.u32 $0x7C, v9;
	v20 =	vmul.f32 $8.000000000e+00, v25;
	[tilespmem:v27+s24+$0x0] =	vst.idx.msk $0xffff, v15;
	v14 =	vld [tilespmem:s28+$0xFFFFFFB0];
	v15 =	vadd.s32 v3, v6;
	v6 =	vmovc v21;
	s28 =	smov.u32 s29;
	s29 =	sadd.s32 $0x100, s29  }
0x68: {  	v22 =	vmov s1;
	v17 =	vadd.s32 v3, v7;
	v7 =	vmovc v26;
	s31 =	sadd.s32 $0x4, s31;
	v19 =	vld [tilespmem:s29+$0x40];
	v21 =	vmul.f32 $8.000000000e+00, v28;
	[tilespmem:v29+s24+$0x0] =	vst.idx.msk $0xffff, v23  }
0x69: {  	s1 =	sadd.s32 $0x1, s30  }
0x6a: {  	v22 =	vand.u32 $0x7F, v22;
	s0 =	sadd.s32 $0x2, s30;
	v24 =	vld [tilespmem:s29+$0xFFFFFFC0];
	v23 =	vmov s1  }
0x6b: {  	v27 =	vld [tilespmem:s29+$0x0];
	v25 =	vadd.s32 v0, v22;
	v26 =	vmov s0;
	v23 =	vand.u32 $0x7D, v23  }
0x6c: {  	v28 =	vld [tilespmem:s29+$0xFFFFFF80];
	v26 =	vand.u32 $0x7E, v26;
	v29 =	vadd.s32 v0, v23  }
0x6d: {  	v30 =	vadd.s32 v0, v26  }
0x6e: {  	[tilespmem:v18+s24+$0x0] =	vst.idx.msk $0xffff, v20;
	v18 =	vadd.s32 v0, v9;
	v19 =	vmul.f32 $8.000000000e+00, v19  }
0x6f: {  	[tilespmem:v16+s24+$0x0] =	vst.idx.msk $0xffff, v21;
	v16 =	vmul.f32 $8.000000000e+00, v24  }
0x70: {  	[tilespmem:v25+s24+$0x0] =	vst.idx.msk $0xffff, v19;
	v19 =	vmul.f32 $8.000000000e+00, v27  }
0x71: {  	v20 =	vmul.f32 $8.000000000e+00, v28;
	[tilespmem:v29+s24+$0x0] =	vst.idx.msk $0xffff, v16;
	v16 =	vld [tilespmem:s29+$0x50]  }
0x72: {  	v13 =	vmul.f32 $8.000000000e+00, v13;
	v8 =	vadd.s32 v3, v8;
	[tilespmem:v30+s24+$0x0] =	vst.idx.msk $0xffff, v19;
	v21 =	vld [tilespmem:s29+$0xFFFFFFD0]  }
0x73: {  	v12 =	vmul.f32 $8.000000000e+00, v12;
	[tilespmem:v18+s24+$0x0] =	vst.idx.msk $0xffff, v20;
	v18 =	vadd.s32 v1, v22;
	v19 =	vld [tilespmem:s29+$0x10]  }
0x74: {  	[tilespmem:v10+s24+$0x0] =	vst.idx.msk $0xffff, v13;
	v10 =	vmul.f32 $8.000000000e+00, v11;
	v13 =	vadd.s32 v1, v23;
	v11 =	vld [tilespmem:s29+$0xFFFFFF90]  }
0x75: {  	v14 =	vmul.f32 $8.000000000e+00, v14;
	[tilespmem:v15+s24+$0x0] =	vst.idx.msk $0xffff, v12;
	v12 =	vadd.s32 v1, v26;
	v20 =	vld [tilespmem:s28+$0x60]  }
0x76: {  	v15 =	vld [tilespmem:s28+$0xFFFFFFE0];
	[tilespmem:v17+s24+$0x0] =	vst.idx.msk $0xffff, v10;
	v10 =	vadd.s32 v1, v9;
	v16 =	vmul.f32 $8.000000000e+00, v16  }
0x77: {  	v58 =	vld [tilespmem:s28+$0x20];
	v17 =	vadd.s32 v2, v5;
	[tilespmem:v8+s24+$0x0] =	vst.idx.msk $0xffff, v14;
	v8 =	vmul.f32 $8.000000000e+00, v21  }
0x78: {  	v14 =	vld [tilespmem:s28+$0xFFFFFFA0];
	v21 =	vadd.s32 v2, v6;
	[tilespmem:v18+s24+$0x0] =	vst.idx.msk $0xffff, v16;
	v16 =	vmul.f32 $8.000000000e+00, v19  }
0x79: {  	v11 =	vmul.f32 $8.000000000e+00, v11;
	v18 =	vadd.s32 v2, v7;
	v19 =	vld [tilespmem:s29+$0x60];
	[tilespmem:v13+s24+$0x0] =	vst.idx.msk $0xffff, v8  }
0x7a: {  	v8 =	vmul.f32 $8.000000000e+00, v20;
	v13 =	vadd.s32 v2, v4;
	[tilespmem:v12+s24+$0x0] =	vst.idx.msk $0xffff, v16;
	v12 =	vld [tilespmem:s29+$0xFFFFFFE0]  }
0x7b: {  	v15 =	vmul.f32 $8.000000000e+00, v15;
	[tilespmem:v10+s24+$0x0] =	vst.idx.msk $0xffff, v11;
	v10 =	vadd.s32 v2, v22;
	v11 =	vld [tilespmem:s29+$0x20]  }
0x7c: {  	v16 =	vld [tilespmem:s29+$0xFFFFFFA0];
	[tilespmem:v17+s24+$0x0] =	vst.idx.msk $0xffff, v8;
	v8 =	vmul.f32 $8.000000000e+00, v58;
	v17 =	vadd.s32 v2, v23  }
0x7d: {  	v14 =	vmul.f32 $8.000000000e+00, v14;
	v20 =	vld [tilespmem:s28+$0x70];
	[tilespmem:v21+s24+$0x0] =	vst.idx.msk $0xffff, v15;
	v15 =	vadd.s32 v2, v26  }
0x7e: {  	v21 =	vld [tilespmem:s28+$0xFFFFFFF0];
	[tilespmem:v18+s24+$0x0] =	vst.idx.msk $0xffff, v8;
	v18 =	vadd.s32 v2, v9;
	v8 =	vmul.f32 $8.000000000e+00, v19  }
0x7f: {  	v5 =	vadd.s32 v3, v5;
	[tilespmem:v13+s24+$0x0] =	vst.idx.msk $0xffff, v14;
	v13 =	vld [tilespmem:s28+$0x30];
	v12 =	vmul.f32 $8.000000000e+00, v12  }
0x80: {  	v6 =	vadd.s32 v3, v6;
	v14 =	vld [tilespmem:s28+$0xFFFFFFB0];
	[tilespmem:v10+s24+$0x0] =	vst.idx.msk $0xffff, v8;
	v8 =	vmul.f32 $8.000000000e+00, v11  }
0x81: {  	v7 =	vadd.s32 v3, v7;
	v11 =	vmul.f32 $8.000000000e+00, v16;
	v10 =	vld [tilespmem:s29+$0x70];
	[tilespmem:v17+s24+$0x0] =	vst.idx.msk $0xffff, v12  }
0x82: {  	v4 =	vadd.s32 v3, v4;
	v12 =	vmul.f32 $8.000000000e+00, v20;
	v16 =	vld [tilespmem:s29+$0xFFFFFFF0];
	[tilespmem:v15+s24+$0x0] =	vst.idx.msk $0xffff, v8  }
0x83: {  	v8 =	vmul.f32 $8.000000000e+00, v21;
	v15 =	vadd.s32 v3, v22;
	[tilespmem:v18+s24+$0x0] =	vst.idx.msk $0xffff, v11;
	v11 =	vld [tilespmem:s29+$0x30]  }
0x84: {  	[tilespmem:v5+s24+$0x0] =	vst.idx.msk $0xffff, v12;
	v5 =	vmul.f32 $8.000000000e+00, v13;
	v12 =	vld [tilespmem:s29+$0xFFFFFFB0];
	v13 =	vadd.s32 v3, v23  }
0x85: {  	v14 =	vmul.f32 $8.000000000e+00, v14;
	[tilespmem:v6+s24+$0x0] =	vst.idx.msk $0xffff, v8;
	v6 =	vadd.s32 v3, v26  }
0x86: {  	[tilespmem:v7+s24+$0x0] =	vst.idx.msk $0xffff, v5;
	v7 =	vadd.s32 v3, v9;
	v5 =	vmul.f32 $8.000000000e+00, v10  }
0x87: {  	[tilespmem:v4+s24+$0x0] =	vst.idx.msk $0xffff, v14;
	v4 =	vmul.f32 $8.000000000e+00, v16  }
0x88: {  	s0 =	sshll.u32 s19, $0x14;
	[tilespmem:v15+s24+$0x0] =	vst.idx.msk $0xffff, v5;
	v5 =	vmul.f32 $8.000000000e+00, v11  }
0x89: {  	s1 =	sor.u32 s6, s0;
	v8 =	vmul.f32 $8.000000000e+00, v12;
	[tilespmem:v13+s24+$0x0] =	vst.idx.msk $0xffff, v4  }
0x8a: {  	s28 =	sshrl.u32 s1, $0x3;
	[tilespmem:v6+s24+$0x0] =	vst.idx.msk $0xffff, v5  }
0x8b: {  	s1 =	sadd.s32 s2, s28;
	[tilespmem:v7+s24+$0x0] =	vst.idx.msk $0xffff, v8  }
0x8c: {  	[hbm4b:s1+s3] =	stream.linear.scatter [tilespmem:s24], [sflag:$0x5], $0x80, $0x38;
	[tilespmem:$0x16C00] =	vst v63  }
0x8d: {  	s0 =	simm.s32 $0xE488;
	s29 =	sadd.s32 $0x10, s1  }
0x8e: {  	[hbm4b:s29+s3] =	stream.linear.scatter [tilespmem:s0], [sflag:$0x5], $0x80, $0x38;
	[tilespmem:$0x16C00] =	vst v63  }
0x8f: {  	s29 =	sadd.s32 $0x20, s1;
	s0 =	simm.s32 $0xE510  }
0x90: {  	[hbm4b:s29+s3] =	stream.linear.scatter [tilespmem:s0], [sflag:$0x5], $0x80, $0x38;
	[tilespmem:$0x16C00] =	vst v63  }
0x91: {  	s29 =	sadd.s32 $0x30, s1;
	s0 =	simm.s32 $0xE598  }
0x92: {  	[hbm4b:s29+s3] =	stream.linear.scatter [tilespmem:s0], [sflag:$0x5], $0x80, $0x38;
	[tilespmem:$0x16C00] =	vst v63  }
0x93: {  	s29 =	sadd.s32 $0x40, s1;
	s0 =	simm.s32 $0xE620  }
0x94: {  	[hbm4b:s29+s3] =	stream.linear.scatter [tilespmem:s0], [sflag:$0x5], $0x80, $0x38;
	[tilespmem:$0x16C00] =	vst v63  }
0x95: {  	s29 =	sadd.s32 $0x50, s1;
	s0 =	simm.s32 $0xE6A8  }
0x96: {  	[hbm4b:s29+s3] =	stream.linear.scatter [tilespmem:s0], [sflag:$0x5], $0x80, $0x38;
	[tilespmem:$0x16C00] =	vst v63  }
0x97: {  	s29 =	sadd.s32 $0x60, s1;
	s0 =	simm.s32 $0xE730  }
0x98: {  	[hbm4b:s29+s3] =	stream.linear.scatter [tilespmem:s0], [sflag:$0x5], $0x80, $0x38;
	[tilespmem:$0x16C00] =	vst v63  }
0x99: {  	s1 =	sadd.s32 $0x70, s1;
	s0 =	simm.s32 $0xE7B8  }
0x9a: {  	[hbm4b:s1+s3] =	stream.linear.scatter [tilespmem:s0], [sflag:$0x5], $0x80, $0x38;
	[tilespmem:$0x16C00] =	vst v63  }
0x9b: {  	s1 =	sadd.s32 s28, s7;
	s0 =	simm.s32 $0xE840  }
0x9c: {  	[hbm4b:s1+s3] =	stream.linear.scatter [tilespmem:s0], [sflag:$0x5], $0x80, $0x38;
	[tilespmem:$0x16C00] =	vst v63  }
0x9d: {  	s29 =	sadd.s32 $0x10, s1;
	s0 =	simm.s32 $0xE8C8  }
0x9e: {  	[hbm4b:s29+s3] =	stream.linear.scatter [tilespmem:s0], [sflag:$0x5], $0x80, $0x38;
	[tilespmem:$0x16C00] =	vst v63  }
0x9f: {  	s29 =	sadd.s32 $0x20, s1;
	s0 =	simm.s32 $0xE950  }
0xa0: {  	[hbm4b:s29+s3] =	stream.linear.scatter [tilespmem:s0], [sflag:$0x5], $0x80, $0x38;
	[tilespmem:$0x16C00] =	vst v63  }
0xa1: {  	s29 =	sadd.s32 $0x30, s1;
	s0 =	simm.s32 $0xE9D8  }
0xa2: {  	[hbm4b:s29+s3] =	stream.linear.scatter [tilespmem:s0], [sflag:$0x5], $0x80, $0x38;
	[tilespmem:$0x16C00] =	vst v63  }
0xa3: {  	s29 =	sadd.s32 $0x40, s1;
	s0 =	simm.s32 $0xEA60  }
0xa4: {  	[hbm4b:s29+s3] =	stream.linear.scatter [tilespmem:s0], [sflag:$0x5], $0x80, $0x38;
	[tilespmem:$0x16C00] =	vst v63  }
0xa5: {  	s29 =	sadd.s32 $0x50, s1;
	s0 =	simm.s32 $0xEAE8  }
0xa6: {  	[hbm4b:s29+s3] =	stream.linear.scatter [tilespmem:s0], [sflag:$0x5], $0x80, $0x38;
	[tilespmem:$0x16C00] =	vst v63  }
0xa7: {  	s29 =	sadd.s32 $0x60, s1;
	s0 =	simm.s32 $0xEB70  }
0xa8: {  	[hbm4b:s29+s3] =	stream.linear.scatter [tilespmem:s0], [sflag:$0x5], $0x80, $0x38;
	[tilespmem:$0x16C00] =	vst v63  }
0xa9: {  	s1 =	sadd.s32 $0x70, s1;
	s0 =	simm.s32 $0xEBF8  }
0xaa: {  	[hbm4b:s1+s3] =	stream.linear.scatter [tilespmem:s0], [sflag:$0x5], $0x80, $0x38;
	[tilespmem:$0x16C00] =	vst v63  }
0xab: {  	s1 =	sadd.s32 s28, s8;
	s0 =	simm.s32 $0xEC80  }
0xac: {  	[hbm4b:s1+s3] =	stream.linear.scatter [tilespmem:s0], [sflag:$0x5], $0x80, $0x38;
	[tilespmem:$0x16C00] =	vst v63  }
0xad: {  	s29 =	sadd.s32 $0x10, s1;
	s0 =	simm.s32 $0xED08  }
0xae: {  	[hbm4b:s29+s3] =	stream.linear.scatter [tilespmem:s0], [sflag:$0x5], $0x80, $0x38;
	[tilespmem:$0x16C00] =	vst v63  }
0xaf: {  	s29 =	sadd.s32 $0x20, s1;
	s0 =	simm.s32 $0xED90  }
0xb0: {  	[hbm4b:s29+s3] =	stream.linear.scatter [tilespmem:s0], [sflag:$0x5], $0x80, $0x38;
	[tilespmem:$0x16C00] =	vst v63  }
0xb1: {  	s29 =	sadd.s32 $0x30, s1;
	s0 =	simm.s32 $0xEE18  }
0xb2: {  	[hbm4b:s29+s3] =	stream.linear.scatter [tilespmem:s0], [sflag:$0x5], $0x80, $0x38;
	[tilespmem:$0x16C00] =	vst v63  }
0xb3: {  	s29 =	sadd.s32 $0x40, s1;
	s0 =	simm.s32 $0xEEA0  }
0xb4: {  	[hbm4b:s29+s3] =	stream.linear.scatter [tilespmem:s0], [sflag:$0x5], $0x80, $0x38;
	[tilespmem:$0x16C00] =	vst v63  }
0xb5: {  	s29 =	sadd.s32 $0x50, s1;
	s0 =	simm.s32 $0xEF28  }
0xb6: {  	[hbm4b:s29+s3] =	stream.linear.scatter [tilespmem:s0], [sflag:$0x5], $0x80, $0x38;
	[tilespmem:$0x16C00] =	vst v63  }
0xb7: {  	s29 =	sadd.s32 $0x60, s1;
	s0 =	simm.s32 $0xEFB0  }
0xb8: {  	[hbm4b:s29+s3] =	stream.linear.scatter [tilespmem:s0], [sflag:$0x5], $0x80, $0x38;
	[tilespmem:$0x16C00] =	vst v63  }
0xb9: {  	s1 =	sadd.s32 $0x70, s1;
	s0 =	simm.s32 $0xF038  }
0xba: {  	[hbm4b:s1+s3] =	stream.linear.scatter [tilespmem:s0], [sflag:$0x5], $0x80, $0x38;
	[tilespmem:$0x16C00] =	vst v63  }
0xbb: {  	s1 =	sadd.s32 s28, s9;
	s0 =	simm.s32 $0xF0C0  }
0xbc: {  	[hbm4b:s1+s3] =	stream.linear.scatter [tilespmem:s0], [sflag:$0x5], $0x80, $0x38;
	[tilespmem:$0x16C00] =	vst v63  }
0xbd: {  	s29 =	sadd.s32 $0x10, s1;
	s0 =	simm.s32 $0xF148  }
0xbe: {  	[hbm4b:s29+s3] =	stream.linear.scatter [tilespmem:s0], [sflag:$0x5], $0x80, $0x38;
	[tilespmem:$0x16C00] =	vst v63  }
0xbf: {  	s29 =	sadd.s32 $0x20, s1;
	s0 =	simm.s32 $0xF1D0  }
0xc0: {  	[hbm4b:s29+s3] =	stream.linear.scatter [tilespmem:s0], [sflag:$0x5], $0x80, $0x38;
	[tilespmem:$0x16C00] =	vst v63  }
0xc1: {  	s29 =	sadd.s32 $0x30, s1;
	s0 =	simm.s32 $0xF258  }
0xc2: {  	[hbm4b:s29+s3] =	stream.linear.scatter [tilespmem:s0], [sflag:$0x5], $0x80, $0x38;
	[tilespmem:$0x16C00] =	vst v63  }
0xc3: {  	s29 =	sadd.s32 $0x40, s1;
	s0 =	simm.s32 $0xF2E0  }
0xc4: {  	[hbm4b:s29+s3] =	stream.linear.scatter [tilespmem:s0], [sflag:$0x5], $0x80, $0x38;
	[tilespmem:$0x16C00] =	vst v63  }
0xc5: {  	s29 =	sadd.s32 $0x50, s1;
	s0 =	simm.s32 $0xF368  }
0xc6: {  	[hbm4b:s29+s3] =	stream.linear.scatter [tilespmem:s0], [sflag:$0x5], $0x80, $0x38;
	[tilespmem:$0x16C00] =	vst v63  }
0xc7: {  	s29 =	sadd.s32 $0x60, s1;
	s0 =	simm.s32 $0xF3F0  }
0xc8: {  	[hbm4b:s29+s3] =	stream.linear.scatter [tilespmem:s0], [sflag:$0x5], $0x80, $0x38;
	[tilespmem:$0x16C00] =	vst v63  }
0xc9: {  	s1 =	sadd.s32 $0x70, s1;
	s0 =	simm.s32 $0xF478  }
0xca: {  	[hbm4b:s1+s3] =	stream.linear.scatter [tilespmem:s0], [sflag:$0x5], $0x80, $0x38;
	[tilespmem:$0x16C00] =	vst v63  }
0xcb: {  	s1 =	sadd.s32 s28, s10;
	s0 =	simm.s32 $0xF500  }
0xcc: {  	[hbm4b:s1+s3] =	stream.linear.scatter [tilespmem:s0], [sflag:$0x5], $0x80, $0x38;
	[tilespmem:$0x16C00] =	vst v63  }
0xcd: {  	s29 =	sadd.s32 $0x10, s1;
	s0 =	simm.s32 $0xF588  }
0xce: {  	[hbm4b:s29+s3] =	stream.linear.scatter [tilespmem:s0], [sflag:$0x5], $0x80, $0x38;
	[tilespmem:$0x16C00] =	vst v63  }
0xcf: {  	s29 =	sadd.s32 $0x20, s1;
	s0 =	simm.s32 $0xF610  }
0xd0: {  	[hbm4b:s29+s3] =	stream.linear.scatter [tilespmem:s0], [sflag:$0x5], $0x80, $0x38;
	[tilespmem:$0x16C00] =	vst v63  }
0xd1: {  	s29 =	sadd.s32 $0x30, s1;
	s0 =	simm.s32 $0xF698  }
0xd2: {  	[hbm4b:s29+s3] =	stream.linear.scatter [tilespmem:s0], [sflag:$0x5], $0x80, $0x38;
	[tilespmem:$0x16C00] =	vst v63  }
0xd3: {  	s29 =	sadd.s32 $0x40, s1;
	s0 =	simm.s32 $0xF720  }
0xd4: {  	[hbm4b:s29+s3] =	stream.linear.scatter [tilespmem:s0], [sflag:$0x5], $0x80, $0x38;
	[tilespmem:$0x16C00] =	vst v63  }
0xd5: {  	s29 =	sadd.s32 $0x50, s1;
	s0 =	simm.s32 $0xF7A8  }
0xd6: {  	[hbm4b:s29+s3] =	stream.linear.scatter [tilespmem:s0], [sflag:$0x5], $0x80, $0x38;
	[tilespmem:$0x16C00] =	vst v63  }
0xd7: {  	s29 =	sadd.s32 $0x60, s1;
	s0 =	simm.s32 $0xF830  }
0xd8: {  	[hbm4b:s29+s3] =	stream.linear.scatter [tilespmem:s0], [sflag:$0x5], $0x80, $0x38;
	[tilespmem:$0x16C00] =	vst v63  }
0xd9: {  	s1 =	sadd.s32 $0x70, s1;
	s0 =	simm.s32 $0xF8B8  }
0xda: {  	[hbm4b:s1+s3] =	stream.linear.scatter [tilespmem:s0], [sflag:$0x5], $0x80, $0x38;
	[tilespmem:$0x16C00] =	vst v63  }
0xdb: {  	s1 =	sadd.s32 s28, s11;
	s0 =	simm.s32 $0xF940  }
0xdc: {  	[hbm4b:s1+s3] =	stream.linear.scatter [tilespmem:s0], [sflag:$0x5], $0x80, $0x38;
	[tilespmem:$0x16C00] =	vst v63  }
0xdd: {  	s29 =	sadd.s32 $0x10, s1;
	s0 =	simm.s32 $0xF9C8  }
0xde: {  	[hbm4b:s29+s3] =	stream.linear.scatter [tilespmem:s0], [sflag:$0x5], $0x80, $0x38;
	[tilespmem:$0x16C00] =	vst v63  }
0xdf: {  	s29 =	sadd.s32 $0x20, s1;
	s0 =	simm.s32 $0xFA50  }
0xe0: {  	[hbm4b:s29+s3] =	stream.linear.scatter [tilespmem:s0], [sflag:$0x5], $0x80, $0x38;
	[tilespmem:$0x16C00] =	vst v63  }
0xe1: {  	s29 =	sadd.s32 $0x30, s1;
	s0 =	simm.s32 $0xFAD8  }
0xe2: {  	[hbm4b:s29+s3] =	stream.linear.scatter [tilespmem:s0], [sflag:$0x5], $0x80, $0x38;
	[tilespmem:$0x16C00] =	vst v63  }
0xe3: {  	s29 =	sadd.s32 $0x40, s1;
	s0 =	simm.s32 $0xFB60  }
0xe4: {  	[hbm4b:s29+s3] =	stream.linear.scatter [tilespmem:s0], [sflag:$0x5], $0x80, $0x38;
	[tilespmem:$0x16C00] =	vst v63  }
0xe5: {  	s29 =	sadd.s32 $0x50, s1;
	s0 =	simm.s32 $0xFBE8  }
0xe6: {  	[hbm4b:s29+s3] =	stream.linear.scatter [tilespmem:s0], [sflag:$0x5], $0x80, $0x38;
	[tilespmem:$0x16C00] =	vst v63  }
0xe7: {  	s29 =	sadd.s32 $0x60, s1;
	s0 =	simm.s32 $0xFC70  }
0xe8: {  	[hbm4b:s29+s3] =	stream.linear.scatter [tilespmem:s0], [sflag:$0x5], $0x80, $0x38;
	[tilespmem:$0x16C00] =	vst v63  }
0xe9: {  	s1 =	sadd.s32 $0x70, s1;
	s0 =	simm.s32 $0xFCF8  }
0xea: {  	[hbm4b:s1+s3] =	stream.linear.scatter [tilespmem:s0], [sflag:$0x5], $0x80, $0x38;
	[tilespmem:$0x16C00] =	vst v63  }
0xeb: {  	s1 =	sadd.s32 s28, s12;
	s0 =	simm.s32 $0xFD80  }
0xec: {  	[hbm4b:s1+s3] =	stream.linear.scatter [tilespmem:s0], [sflag:$0x5], $0x80, $0x38;
	[tilespmem:$0x16C00] =	vst v63  }
0xed: {  	s29 =	sadd.s32 $0x10, s1;
	s0 =	simm.s32 $0xFE08  }
0xee: {  	[hbm4b:s29+s3] =	stream.linear.scatter [tilespmem:s0], [sflag:$0x5], $0x80, $0x38;
	[tilespmem:$0x16C00] =	vst v63  }
0xef: {  	s29 =	sadd.s32 $0x20, s1;
	s0 =	simm.s32 $0xFE90  }
0xf0: {  	[hbm4b:s29+s3] =	stream.linear.scatter [tilespmem:s0], [sflag:$0x5], $0x80, $0x38;
	[tilespmem:$0x16C00] =	vst v63  }
0xf1: {  	s29 =	sadd.s32 $0x30, s1;
	s0 =	simm.s32 $0xFF18  }
0xf2: {  	[hbm4b:s29+s3] =	stream.linear.scatter [tilespmem:s0], [sflag:$0x5], $0x80, $0x38;
	[tilespmem:$0x16C00] =	vst v63  }
0xf3: {  	s29 =	sadd.s32 $0x40, s1;
	s0 =	simm.s32 $0xFFA0  }
0xf4: {  	[hbm4b:s29+s3] =	stream.linear.scatter [tilespmem:s0], [sflag:$0x5], $0x80, $0x38;
	[tilespmem:$0x16C00] =	vst v63  }
0xf5: {  	s29 =	sadd.s32 $0x50, s1;
	s0 =	simm.s32 $0x10028  }
0xf6: {  	[hbm4b:s29+s3] =	stream.linear.scatter [tilespmem:s0], [sflag:$0x5], $0x80, $0x38;
	[tilespmem:$0x16C00] =	vst v63  }
0xf7: {  	s29 =	sadd.s32 $0x60, s1;
	s0 =	simm.s32 $0x100B0  }
0xf8: {  	[hbm4b:s29+s3] =	stream.linear.scatter [tilespmem:s0], [sflag:$0x5], $0x80, $0x38;
	[tilespmem:$0x16C00] =	vst v63  }
0xf9: {  	s1 =	sadd.s32 $0x70, s1;
	s0 =	simm.s32 $0x10138  }
0xfa: {  	[hbm4b:s1+s3] =	stream.linear.scatter [tilespmem:s0], [sflag:$0x5], $0x80, $0x38;
	[tilespmem:$0x16C00] =	vst v63  }
0xfb: {  	s1 =	sadd.s32 s28, s13;
	s0 =	simm.s32 $0x101C0  }
0xfc: {  	[hbm4b:s1+s3] =	stream.linear.scatter [tilespmem:s0], [sflag:$0x5], $0x80, $0x38;
	[tilespmem:$0x16C00] =	vst v63  }
0xfd: {  	s28 =	sadd.s32 $0x10, s1;
	s0 =	simm.s32 $0x10248  }
0xfe: {  	[hbm4b:s28+s3] =	stream.linear.scatter [tilespmem:s0], [sflag:$0x5], $0x80, $0x38;
	[tilespmem:$0x16C00] =	vst v63  }
0xff: {  	s28 =	sadd.s32 $0x20, s1;
	s0 =	simm.s32 $0x102D0  }
0x100: {  	[hbm4b:s28+s3] =	stream.linear.scatter [tilespmem:s0], [sflag:$0x5], $0x80, $0x38;
	[tilespmem:$0x16C00] =	vst v63  }
0x101: {  	s28 =	sadd.s32 $0x30, s1;
	s0 =	simm.s32 $0x10358  }
0x102: {  	[hbm4b:s28+s3] =	stream.linear.scatter [tilespmem:s0], [sflag:$0x5], $0x80, $0x38;
	[tilespmem:$0x16C00] =	vst v63  }
0x103: {  	s28 =	sadd.s32 $0x40, s1;
	s0 =	simm.s32 $0x103E0  }
0x104: {  	[hbm4b:s28+s3] =	stream.linear.scatter [tilespmem:s0], [sflag:$0x5], $0x80, $0x38;
	[tilespmem:$0x16C00] =	vst v63  }
0x105: {  	s28 =	sadd.s32 $0x50, s1;
	s0 =	simm.s32 $0x10468  }
0x106: {  	[hbm4b:s28+s3] =	stream.linear.scatter [tilespmem:s0], [sflag:$0x5], $0x80, $0x38;
	[tilespmem:$0x16C00] =	vst v63  }
0x107: {  	s28 =	sadd.s32 $0x60, s1;
	s0 =	simm.s32 $0x104F0  }
0x108: {  	[hbm4b:s28+s3] =	stream.linear.scatter [tilespmem:s0], [sflag:$0x5], $0x80, $0x38;
	[tilespmem:$0x16C00] =	vst v63  }
0x109: {  	s28 =	sor.u32 $0x1, s14  }
0x10a: {  	s1 =	sadd.s32 $0x70, s1;
	s0 =	simm.s32 $0x10578;
	p1 =	sgt.u32 s28, $0xC4  }
0x10b: {  	[hbm4b:s1+s3] =	stream.linear.scatter [tilespmem:s0], [sflag:$0x5], $0x80, $0x38;
	[tilespmem:$0x16C00] =	vst v63  }
0x10c: {  	s1 =	sadd.s32 @!p1 $0x200, s20;
	s29 =	simm.s32 @!p1 $0x80;
	s30 =	simm.s32 @!p1 $0x6400  }
0x10d: {  	[tilespmem:s30], [sflag:$0x1] =	stream.indirect.gather @!p1 [hbm4b:s4+s29], $0x40, s1, s29, $0xb8;
	[tilespmem:$0x16C00] =	vst v63  }
0x10e: {  	_ =	swait.ge [sflag:s21], $0x2000  }
0x10f: {  	[sflag:s21] =	ssyncset.done $0x0  }
0x110: {  	s1 =	simm.s32 @!p0 $0x6;
	[sflag:s21] =	ssyncadd.s32 $0xFFFFE000  }
0x111: {  	_ =	swait.ge @!p0 [sflag:s1], $0x400  }
0x112: {  	[sflag:s1] =	ssyncset.done @!p0 $0x0  }
0x113: {  	[sflag:s1] =	ssyncadd.s32 @!p0 $0xFFFFFC00  }
0x114: {  	_ =	swait.ge @!p0 [sflag:s1], $0x400  }
0x115: {  	[sflag:s1] =	ssyncset.done @!p0 $0x0  }
0x116: {  	[sflag:s1] =	ssyncadd.s32 @!p0 $0xFFFFFC00  }
0x117: {  	_ =	swait.ge @!p0 [sflag:s1], $0x400  }
0x118: {  	[sflag:s1] =	ssyncset.done @!p0 $0x0  }
0x119: {  	[sflag:s1] =	ssyncadd.s32 @!p0 $0xFFFFFC00  }
0x11a: {  	_ =	swait.ge @!p0 [sflag:s1], $0x400  }
0x11b: {  	[sflag:s1] =	ssyncset.done @!p0 $0x0  }
0x11c: {  	[sflag:s1] =	ssyncadd.s32 @!p0 $0xFFFFFC00  }
0x11d: {  	_ =	swait.ge @!p0 [sflag:s1], $0x400  }
0x11e: {  	[sflag:s1] =	ssyncset.done @!p0 $0x0  }
0x11f: {  	[sflag:s1] =	ssyncadd.s32 @!p0 $0xFFFFFC00  }
0x120: {  	_ =	swait.ge @!p0 [sflag:s1], $0x400  }
0x121: {  	[sflag:s1] =	ssyncset.done @!p0 $0x0  }
0x122: {  	[sflag:s1] =	ssyncadd.s32 @!p0 $0xFFFFFC00  }
0x123: {  	_ =	swait.ge @!p0 [sflag:s1], $0x400  }
0x124: {  	[sflag:s1] =	ssyncset.done @!p0 $0x0  }
0x125: {  	[sflag:s1] =	ssyncadd.s32 @!p0 $0xFFFFFC00  }
0x126: {  	_ =	swait.ge @!p0 [sflag:s1], $0x400  }
0x127: {  	[sflag:s1] =	ssyncset.done @!p0 $0x0  }
0x128: {  	s0 =	simm.s32 $0x3;
	s30 =	simm.s32 $0x8480;
	[sflag:s1] =	ssyncadd.s32 @!p0 $0xFFFFFC00  }
0x129: {  	v4 =	vmov s0;
	v5 =	vld [tilespmem:s30+$0x40]  }
0x12a: {  	v9 =	vand.u32 $0x7F, v4  }
0x12b: {  	s0 =	simm.s32 $0x0;
	v4 =	vadd.s32 v0, v9  }
0x12c: {  	v6 =	vmov s0;
	s0 =	simm.s32 $0x1;
	s29 =	simm.s32 $0x2;
	v7 =	vld [tilespmem:s30+$0xFFFFFF80]  }
0x12d: {  	v8 =	vand.u32 $0x7C, v6;
	v6 =	vmov s0;
	v11 =	vmov s29;
	v10 =	vld [tilespmem:s30+$0xFFFFFFC0]  }
0x12e: {  	v12 =	vadd.s32 v0, v8;
	v15 =	vand.u32 $0x7D, v6;
	v6 =	vld [tilespmem:s30+$0x0];
	v5 =	vmul.f32 $8.000000000e+00, v5  }
0x12f: {  	v17 =	vand.u32 $0x7E, v11;
	v13 =	vadd.s32 v0, v15  }
0x130: {  	v11 =	vadd.s32 v0, v17;
	[tilespmem:v4+s5+$0x0] =	vst.idx.msk $0xffff, v5  }
0x131: {  	v4 =	vmul.f32 $8.000000000e+00, v7;
	v5 =	vld [tilespmem:s30+$0x50]  }
0x132: {  	v7 =	vmul.f32 $8.000000000e+00, v10  }
0x133: {  	[tilespmem:v12+s5+$0x0] =	vst.idx.msk $0xffff, v4;
	v4 =	vmul.f32 $8.000000000e+00, v6;
	v6 =	vadd.s32 v1, v9  }
0x134: {  	[tilespmem:v13+s5+$0x0] =	vst.idx.msk $0xffff, v7;
	v10 =	vld [tilespmem:s30+$0xFFFFFF90]  }
0x135: {  	v7 =	vld [tilespmem:s30+$0xFFFFFFD0];
	[tilespmem:v11+s5+$0x0] =	vst.idx.msk $0xffff, v4  }
0x136: {  	v11 =	vld [tilespmem:s30+$0x10];
	v4 =	vmul.f32 $8.000000000e+00, v5  }
0x137: {  	s31 =	simm.s32 $0x7;
	s0 =	simm.s32 $0x4;
	s29 =	simm.s32 $0x8580;
	v12 =	vadd.s32 v1, v15  }
0x138: {  	v14 =	vld [tilespmem:s29+$0x40];
	v13 =	vadd.s32 v1, v17;
	v5 =	vmov s0;
	[tilespmem:v6+s5+$0x0] =	vst.idx.msk $0xffff, v4;
	v6 =	vmov s31  }
0x139: {  	v16 =	vadd.s32 v1, v8;
	v4 =	vand.u32 $0x7C, v5;
	v5 =	vand.u32 $0x7F, v6;
	v18 =	vld [tilespmem:s30+$0x60]  }
0x13a: {  	v22 =	vadd.s32 v2, v9;
	v19 =	vld [tilespmem:s29+$0xFFFFFF80];
	s0 =	simm.s32 $0x5;
	v6 =	vmul.f32 $8.000000000e+00, v7;
	v20 =	vadd.s32 v0, v5  }
0x13b: {  	v21 =	vld [tilespmem:s29+$0xFFFFFFC0];
	v10 =	vmul.f32 $8.000000000e+00, v10;
	v7 =	vmul.f32 $8.000000000e+00, v11;
	v11 =	vmov s0;
	s0 =	simm.s32 $0x6  }
0x13c: {  	v23 =	vadd.s32 v0, v4;
	[tilespmem:v12+s5+$0x0] =	vst.idx.msk $0xffff, v6;
	v12 =	vmov s0;
	v6 =	vand.u32 $0x7D, v11;
	v11 =	vld [tilespmem:s29+$0x0]  }
0x13d: {  	[tilespmem:v13+s5+$0x0] =	vst.idx.msk $0xffff, v7;
	v13 =	vadd.s32 v0, v6;
	v7 =	vand.u32 $0x7E, v12;
	v12 =	vmul.f32 $8.000000000e+00, v14;
	v14 =	vld [tilespmem:s30+$0xFFFFFFE0]  }
0x13e: {  	[tilespmem:v16+s5+$0x0] =	vst.idx.msk $0xffff, v10;
	v10 =	vadd.s32 v0, v7;
	v16 =	vld [tilespmem:s30+$0x20];
	v18 =	vmul.f32 $8.000000000e+00, v18  }
0x13f: {  	v19 =	vmul.f32 $8.000000000e+00, v19;
	[tilespmem:v20+s5+$0x0] =	vst.idx.msk $0xffff, v12;
	v12 =	vld [tilespmem:s30+$0xFFFFFFA0];
	v20 =	vadd.s32 v2, v15  }
0x140: {  	v60 =	vadd.s32 v2, v17;
	v21 =	vmul.f32 $8.000000000e+00, v21;
	v59 =	vld [tilespmem:s29+$0x50];
	[tilespmem:v22+s5+$0x0] =	vst.idx.msk $0xffff, v18  }
0x141: {  	[tilespmem:v23+s5+$0x0] =	vst.idx.msk $0xffff, v19;
	v19 =	vadd.s32 v2, v8;
	v11 =	vmul.f32 $8.000000000e+00, v11;
	v22 =	vld [tilespmem:s30+$0x70]  }
0x142: {  	v23 =	vld [tilespmem:s29+$0xFFFFFF90];
	[tilespmem:v13+s5+$0x0] =	vst.idx.msk $0xffff, v21;
	v21 =	vadd.s32 v1, v5;
	v14 =	vmul.f32 $8.000000000e+00, v14  }
0x143: {  	v62 =	vadd.s32 v3, v9;
	v61 =	vld [tilespmem:s29+$0xFFFFFFD0];
	[tilespmem:v10+s5+$0x0] =	vst.idx.msk $0xffff, v11;
	v10 =	vmul.f32 $8.000000000e+00, v16  }
0x144: {  	v18 =	vadd.s32 v1, v4;
	v13 =	vld [tilespmem:s29+$0x10];
	v9 =	vmul.f32 $8.000000000e+00, v12;
	[tilespmem:v20+s5+$0x0] =	vst.idx.msk $0xffff, v14  }
0x145: {  	s31 =	simm.s32 $0x8;
	v16 =	vadd.s32 v1, v6;
	[tilespmem:v60+s5+$0x0] =	vst.idx.msk $0xffff, v10;
	v14 =	vmul.f32 $8.000000000e+00, v59;
	v12 =	vld [tilespmem:s30+$0xFFFFFFF0]  }
0x146: {  	v20 =	vmov s31;
	v10 =	vadd.s32 v1, v7;
	v11 =	vld [tilespmem:s30+$0x30];
	[tilespmem:v19+s5+$0x0] =	vst.idx.msk $0xffff, v9;
	v63 =	vmul.f32 $8.000000000e+00, v22  }
0x147: {  	s0 =	simm.s32 $0xB;
	v15 =	vadd.s32 v3, v15;
	v9 =	vand.u32 $0x7C, v20;
	v20 =	vmul.f32 $8.000000000e+00, v23;
	[tilespmem:v21+s5+$0x0] =	vst.idx.msk $0xffff, v14;
	v14 =	vld [tilespmem:s30+$0xFFFFFFB0];
	s30 =	simm.s32 $0x8680  }
0x148: {  	s1 =	simm.s32 $0xC;
	v17 =	vadd.s32 v3, v17;
	v22 =	vmov s0;
	v21 =	vmul.f32 $8.000000000e+00, v61;
	v19 =	vld [tilespmem:s30+$0x40];
	[tilespmem:v62+s5+$0x0] =	vst.idx.msk $0xffff, v63  }
.LBB2_5:
0x149: {  	p1 =	slt.u32 s1, $0x7C;
	s0 =	sadd.s32 $0x1, s31;
	v22 =	vand.u32 $0x7F, v22;
	[tilespmem:v18+s5+$0x0] =	vst.idx.msk $0xffff, v20;
	v13 =	vmul.f32 $8.000000000e+00, v13;
	v18 =	vld [tilespmem:s29+$0x60];
	v20 =	vadd.s32 v3, v8;
	v8 =	vmovc v4  }
0x14a: {  	v4 =	vmovc v9;
	v23 =	vld [tilespmem:s30+$0xFFFFFF80];
	v24 =	vmov s0;
	s0 =	sadd.s32 $0x2, s31;
	v25 =	vadd.s32 v0, v22;
	[tilespmem:v16+s5+$0x0] =	vst.idx.msk $0xffff, v21;
	v12 =	vmul.f32 $8.000000000e+00, v12;
	s31 =	smov.u32 s1  }
0x14b: {  	v9 =	vld [tilespmem:s30+$0xFFFFFFC0];
	v16 =	vmov s0;
	[tilespmem:v10+s5+$0x0] =	vst.idx.msk $0xffff, v13;
	v10 =	vadd.s32 v2, v5;
	v11 =	vmul.f32 $8.000000000e+00, v11  }
0x14c: {  	v13 =	vadd.s32 v0, v4;
	v21 =	vand.u32 $0x7D, v24;
	v24 =	vld [tilespmem:s30+$0x0];
	v14 =	vmul.f32 $8.000000000e+00, v14;
	[tilespmem:v15+s5+$0x0] =	vst.idx.msk $0xffff, v12  }
0x14d: {  	v12 =	vadd.s32 v0, v21;
	v26 =	vand.u32 $0x7E, v16;
	v15 =	vmul.f32 $8.000000000e+00, v19;
	v16 =	vld [tilespmem:s29+$0xFFFFFFE0];
	[tilespmem:v17+s5+$0x0] =	vst.idx.msk $0xffff, v11  }
0x14e: {  	v11 =	vadd.s32 v0, v26;
	v17 =	vld [tilespmem:s29+$0x20];
	v18 =	vmul.f32 $8.000000000e+00, v18;
	[tilespmem:v20+s5+$0x0] =	vst.idx.msk $0xffff, v14  }
0x14f: {  	v19 =	vadd.s32 v2, v6;
	v14 =	vmul.f32 $8.000000000e+00, v23;
	[tilespmem:v25+s5+$0x0] =	vst.idx.msk $0xffff, v15;
	v15 =	vld [tilespmem:s29+$0xFFFFFFA0]  }
0x150: {  	v23 =	vadd.s32 v2, v7;
	v9 =	vmul.f32 $8.000000000e+00, v9;
	v20 =	vld [tilespmem:s30+$0x50];
	[tilespmem:v10+s5+$0x0] =	vst.idx.msk $0xffff, v18  }
0x151: {  	[tilespmem:v13+s5+$0x0] =	vst.idx.msk $0xffff, v14;
	v10 =	vmul.f32 $8.000000000e+00, v24;
	v14 =	vadd.s32 v2, v8;
	v24 =	vld [tilespmem:s29+$0x70]  }
0x152: {  	v27 =	vadd.s32 v1, v22;
	v25 =	vld [tilespmem:s30+$0xFFFFFF90];
	[tilespmem:v12+s5+$0x0] =	vst.idx.msk $0xffff, v9;
	v9 =	vmul.f32 $8.000000000e+00, v16  }
0x153: {  	v29 =	vadd.s32 v3, v5;
	v5 =	vmov v22;
	v28 =	vld [tilespmem:s30+$0xFFFFFFD0];
	[tilespmem:v11+s5+$0x0] =	vst.idx.msk $0xffff, v10;
	v10 =	vmul.f32 $8.000000000e+00, v17  }
.Ltmp1:
0x154: {  	v18 =	vadd.s32 v1, v4;
	v13 =	vld [tilespmem:s30+$0x10];
	v11 =	vmul.f32 $8.000000000e+00, v15;
	[tilespmem:v19+s5+$0x0] =	vst.idx.msk $0xffff, v9;
	(pc) =	sbr.rel @p1 .LBB2_5-.Ltmp1, $4  }
0x155: {  	v16 =	vadd.s32 v1, v21;
	v15 =	vmul.f32 $8.000000000e+00, v20;
	v12 =	vld [tilespmem:s29+$0xFFFFFFF0];
	[tilespmem:v23+s5+$0x0] =	vst.idx.msk $0xffff, v10  }
0x156: {  	v9 =	vmov s1;
	v10 =	vadd.s32 v1, v26;
	[tilespmem:v14+s5+$0x0] =	vst.idx.msk $0xffff, v11;
	v11 =	vld [tilespmem:s29+$0x30];
	v23 =	vmul.f32 $8.000000000e+00, v24  }
0x157: {  	s0 =	sadd.s32 $0x3, s1;
	v9 =	vand.u32 $0x7C, v9;
	v20 =	vmul.f32 $8.000000000e+00, v25;
	[tilespmem:v27+s5+$0x0] =	vst.idx.msk $0xffff, v15;
	v14 =	vld [tilespmem:s29+$0xFFFFFFB0];
	v15 =	vadd.s32 v3, v6;
	v6 =	vmovc v21;
	s29 =	smov.u32 s30;
	s30 =	sadd.s32 $0x100, s30  }
0x158: {  	v22 =	vmov s0;
	v17 =	vadd.s32 v3, v7;
	v7 =	vmovc v26;
	s1 =	sadd.s32 $0x4, s1;
	v19 =	vld [tilespmem:s30+$0x40];
	v21 =	vmul.f32 $8.000000000e+00, v28;
	[tilespmem:v29+s5+$0x0] =	vst.idx.msk $0xffff, v23  }
0x159: {  	s0 =	sadd.s32 $0x1, s31  }
0x15a: {  	v22 =	vand.u32 $0x7F, v22;
	s1 =	sadd.s32 $0x2, s31;
	v24 =	vld [tilespmem:s30+$0xFFFFFFC0];
	v23 =	vmov s0  }
0x15b: {  	v27 =	vld [tilespmem:s30+$0x0];
	v25 =	vadd.s32 v0, v22;
	v26 =	vmov s1;
	v23 =	vand.u32 $0x7D, v23  }
0x15c: {  	v28 =	vld [tilespmem:s30+$0xFFFFFF80];
	v26 =	vand.u32 $0x7E, v26;
	v29 =	vadd.s32 v0, v23  }
0x15d: {  	v30 =	vadd.s32 v0, v26  }
0x15e: {  	[tilespmem:v18+s5+$0x0] =	vst.idx.msk $0xffff, v20;
	v18 =	vadd.s32 v0, v9;
	v19 =	vmul.f32 $8.000000000e+00, v19  }
0x15f: {  	[tilespmem:v16+s5+$0x0] =	vst.idx.msk $0xffff, v21;
	v16 =	vmul.f32 $8.000000000e+00, v24  }
0x160: {  	[tilespmem:v25+s5+$0x0] =	vst.idx.msk $0xffff, v19;
	v19 =	vmul.f32 $8.000000000e+00, v27  }
0x161: {  	v20 =	vmul.f32 $8.000000000e+00, v28;
	[tilespmem:v29+s5+$0x0] =	vst.idx.msk $0xffff, v16;
	v16 =	vld [tilespmem:s30+$0x50]  }
0x162: {  	v13 =	vmul.f32 $8.000000000e+00, v13;
	v8 =	vadd.s32 v3, v8;
	[tilespmem:v30+s5+$0x0] =	vst.idx.msk $0xffff, v19;
	v21 =	vld [tilespmem:s30+$0xFFFFFFD0]  }
0x163: {  	v12 =	vmul.f32 $8.000000000e+00, v12;
	[tilespmem:v18+s5+$0x0] =	vst.idx.msk $0xffff, v20;
	v18 =	vadd.s32 v1, v22;
	v19 =	vld [tilespmem:s30+$0x10]  }
0x164: {  	[tilespmem:v10+s5+$0x0] =	vst.idx.msk $0xffff, v13;
	v10 =	vmul.f32 $8.000000000e+00, v11;
	v13 =	vadd.s32 v1, v23;
	v11 =	vld [tilespmem:s30+$0xFFFFFF90]  }
0x165: {  	v14 =	vmul.f32 $8.000000000e+00, v14;
	[tilespmem:v15+s5+$0x0] =	vst.idx.msk $0xffff, v12;
	v12 =	vadd.s32 v1, v26;
	v20 =	vld [tilespmem:s29+$0x60]  }
0x166: {  	v15 =	vld [tilespmem:s29+$0xFFFFFFE0];
	[tilespmem:v17+s5+$0x0] =	vst.idx.msk $0xffff, v10;
	v10 =	vadd.s32 v1, v9;
	v16 =	vmul.f32 $8.000000000e+00, v16  }
0x167: {  	v58 =	vld [tilespmem:s29+$0x20];
	v17 =	vadd.s32 v2, v5;
	[tilespmem:v8+s5+$0x0] =	vst.idx.msk $0xffff, v14;
	v8 =	vmul.f32 $8.000000000e+00, v21  }
0x168: {  	v14 =	vld [tilespmem:s29+$0xFFFFFFA0];
	v21 =	vadd.s32 v2, v6;
	[tilespmem:v18+s5+$0x0] =	vst.idx.msk $0xffff, v16;
	v16 =	vmul.f32 $8.000000000e+00, v19  }
0x169: {  	v11 =	vmul.f32 $8.000000000e+00, v11;
	v18 =	vadd.s32 v2, v7;
	v19 =	vld [tilespmem:s30+$0x60];
	[tilespmem:v13+s5+$0x0] =	vst.idx.msk $0xffff, v8  }
0x16a: {  	v8 =	vmul.f32 $8.000000000e+00, v20;
	v13 =	vadd.s32 v2, v4;
	[tilespmem:v12+s5+$0x0] =	vst.idx.msk $0xffff, v16;
	v12 =	vld [tilespmem:s30+$0xFFFFFFE0]  }
0x16b: {  	v15 =	vmul.f32 $8.000000000e+00, v15;
	[tilespmem:v10+s5+$0x0] =	vst.idx.msk $0xffff, v11;
	v10 =	vadd.s32 v2, v22;
	v11 =	vld [tilespmem:s30+$0x20]  }
0x16c: {  	v16 =	vld [tilespmem:s30+$0xFFFFFFA0];
	[tilespmem:v17+s5+$0x0] =	vst.idx.msk $0xffff, v8;
	v8 =	vmul.f32 $8.000000000e+00, v58;
	v17 =	vadd.s32 v2, v23  }
0x16d: {  	v14 =	vmul.f32 $8.000000000e+00, v14;
	v20 =	vld [tilespmem:s29+$0x70];
	[tilespmem:v21+s5+$0x0] =	vst.idx.msk $0xffff, v15;
	v15 =	vadd.s32 v2, v26  }
0x16e: {  	v21 =	vld [tilespmem:s29+$0xFFFFFFF0];
	[tilespmem:v18+s5+$0x0] =	vst.idx.msk $0xffff, v8;
	v18 =	vadd.s32 v2, v9;
	v8 =	vmul.f32 $8.000000000e+00, v19  }
0x16f: {  	v5 =	vadd.s32 v3, v5;
	[tilespmem:v13+s5+$0x0] =	vst.idx.msk $0xffff, v14;
	v13 =	vld [tilespmem:s29+$0x30];
	v12 =	vmul.f32 $8.000000000e+00, v12  }
0x170: {  	v6 =	vadd.s32 v3, v6;
	v14 =	vld [tilespmem:s29+$0xFFFFFFB0];
	[tilespmem:v10+s5+$0x0] =	vst.idx.msk $0xffff, v8;
	v8 =	vmul.f32 $8.000000000e+00, v11  }
0x171: {  	v7 =	vadd.s32 v3, v7;
	v11 =	vmul.f32 $8.000000000e+00, v16;
	v10 =	vld [tilespmem:s30+$0x70];
	[tilespmem:v17+s5+$0x0] =	vst.idx.msk $0xffff, v12  }
0x172: {  	v4 =	vadd.s32 v3, v4;
	v12 =	vmul.f32 $8.000000000e+00, v20;
	v16 =	vld [tilespmem:s30+$0xFFFFFFF0];
	[tilespmem:v15+s5+$0x0] =	vst.idx.msk $0xffff, v8  }
0x173: {  	v8 =	vmul.f32 $8.000000000e+00, v21;
	v15 =	vadd.s32 v3, v22;
	[tilespmem:v18+s5+$0x0] =	vst.idx.msk $0xffff, v11;
	v11 =	vld [tilespmem:s30+$0x30]  }
0x174: {  	[tilespmem:v5+s5+$0x0] =	vst.idx.msk $0xffff, v12;
	v5 =	vmul.f32 $8.000000000e+00, v13;
	v12 =	vld [tilespmem:s30+$0xFFFFFFB0];
	v13 =	vadd.s32 v3, v23  }
0x175: {  	v14 =	vmul.f32 $8.000000000e+00, v14;
	[tilespmem:v6+s5+$0x0] =	vst.idx.msk $0xffff, v8;
	v6 =	vadd.s32 v3, v26  }
0x176: {  	[tilespmem:v7+s5+$0x0] =	vst.idx.msk $0xffff, v5;
	v7 =	vadd.s32 v3, v9;
	v5 =	vmul.f32 $8.000000000e+00, v10  }
0x177: {  	[tilespmem:v4+s5+$0x0] =	vst.idx.msk $0xffff, v14;
	v4 =	vmul.f32 $8.000000000e+00, v16  }
0x178: {  	s1 =	sshll.u32 s28, $0x12;
	[tilespmem:v15+s5+$0x0] =	vst.idx.msk $0xffff, v5;
	v5 =	vmul.f32 $8.000000000e+00, v11  }
0x179: {  	s0 =	sor.u32 s6, s1;
	v8 =	vmul.f32 $8.000000000e+00, v12;
	[tilespmem:v13+s5+$0x0] =	vst.idx.msk $0xffff, v4  }
0x17a: {  	s28 =	sshrl.u32 s0, $0x3;
	[tilespmem:v6+s5+$0x0] =	vst.idx.msk $0xffff, v5  }
0x17b: {  	s0 =	sadd.s32 s2, s28;
	[tilespmem:v7+s5+$0x0] =	vst.idx.msk $0xffff, v8  }
0x17c: {  	[hbm4b:s0+s3] =	stream.linear.scatter [tilespmem:s5], [sflag:$0x6], $0x80, $0x38;
	[tilespmem:$0x16C00] =	vst v63  }
0x17d: {  	s1 =	sadd.s32 $0x10, s0;
	s29 =	simm.s32 $0x10688  }
0x17e: {  	[hbm4b:s1+s3] =	stream.linear.scatter [tilespmem:s29], [sflag:$0x6], $0x80, $0x38;
	[tilespmem:$0x16C00] =	vst v63  }
0x17f: {  	s1 =	sadd.s32 $0x20, s0;
	s29 =	simm.s32 $0x10710  }
0x180: {  	[hbm4b:s1+s3] =	stream.linear.scatter [tilespmem:s29], [sflag:$0x6], $0x80, $0x38;
	[tilespmem:$0x16C00] =	vst v63  }
0x181: {  	s1 =	sadd.s32 $0x30, s0;
	s29 =	simm.s32 $0x10798  }
0x182: {  	[hbm4b:s1+s3] =	stream.linear.scatter [tilespmem:s29], [sflag:$0x6], $0x80, $0x38;
	[tilespmem:$0x16C00] =	vst v63  }
0x183: {  	s1 =	sadd.s32 $0x40, s0;
	s29 =	simm.s32 $0x10820  }
0x184: {  	[hbm4b:s1+s3] =	stream.linear.scatter [tilespmem:s29], [sflag:$0x6], $0x80, $0x38;
	[tilespmem:$0x16C00] =	vst v63  }
0x185: {  	s1 =	sadd.s32 $0x50, s0;
	s29 =	simm.s32 $0x108A8  }
0x186: {  	[hbm4b:s1+s3] =	stream.linear.scatter [tilespmem:s29], [sflag:$0x6], $0x80, $0x38;
	[tilespmem:$0x16C00] =	vst v63  }
0x187: {  	s1 =	sadd.s32 $0x60, s0;
	s29 =	simm.s32 $0x10930  }
0x188: {  	[hbm4b:s1+s3] =	stream.linear.scatter [tilespmem:s29], [sflag:$0x6], $0x80, $0x38;
	[tilespmem:$0x16C00] =	vst v63  }
0x189: {  	s0 =	sadd.s32 $0x70, s0;
	s1 =	simm.s32 $0x109B8  }
0x18a: {  	[hbm4b:s0+s3] =	stream.linear.scatter [tilespmem:s1], [sflag:$0x6], $0x80, $0x38;
	[tilespmem:$0x16C00] =	vst v63  }
0x18b: {  	s0 =	sadd.s32 s28, s7;
	s1 =	simm.s32 $0x10A40  }
0x18c: {  	[hbm4b:s0+s3] =	stream.linear.scatter [tilespmem:s1], [sflag:$0x6], $0x80, $0x38;
	[tilespmem:$0x16C00] =	vst v63  }
0x18d: {  	s29 =	simm.s32 $0x10AC8;
	s1 =	sadd.s32 $0x10, s0  }
0x18e: {  	[hbm4b:s1+s3] =	stream.linear.scatter [tilespmem:s29], [sflag:$0x6], $0x80, $0x38;
	[tilespmem:$0x16C00] =	vst v63  }
0x18f: {  	s1 =	sadd.s32 $0x20, s0;
	s29 =	simm.s32 $0x10B50  }
0x190: {  	[hbm4b:s1+s3] =	stream.linear.scatter [tilespmem:s29], [sflag:$0x6], $0x80, $0x38;
	[tilespmem:$0x16C00] =	vst v63  }
0x191: {  	s1 =	sadd.s32 $0x30, s0;
	s29 =	simm.s32 $0x10BD8  }
0x192: {  	[hbm4b:s1+s3] =	stream.linear.scatter [tilespmem:s29], [sflag:$0x6], $0x80, $0x38;
	[tilespmem:$0x16C00] =	vst v63  }
0x193: {  	s1 =	sadd.s32 $0x40, s0;
	s29 =	simm.s32 $0x10C60  }
0x194: {  	[hbm4b:s1+s3] =	stream.linear.scatter [tilespmem:s29], [sflag:$0x6], $0x80, $0x38;
	[tilespmem:$0x16C00] =	vst v63  }
0x195: {  	s1 =	sadd.s32 $0x50, s0;
	s29 =	simm.s32 $0x10CE8  }
0x196: {  	[hbm4b:s1+s3] =	stream.linear.scatter [tilespmem:s29], [sflag:$0x6], $0x80, $0x38;
	[tilespmem:$0x16C00] =	vst v63  }
0x197: {  	s1 =	sadd.s32 $0x60, s0;
	s29 =	simm.s32 $0x10D70  }
0x198: {  	[hbm4b:s1+s3] =	stream.linear.scatter [tilespmem:s29], [sflag:$0x6], $0x80, $0x38;
	[tilespmem:$0x16C00] =	vst v63  }
0x199: {  	s0 =	sadd.s32 $0x70, s0;
	s1 =	simm.s32 $0x10DF8  }
0x19a: {  	[hbm4b:s0+s3] =	stream.linear.scatter [tilespmem:s1], [sflag:$0x6], $0x80, $0x38;
	[tilespmem:$0x16C00] =	vst v63  }
0x19b: {  	s0 =	sadd.s32 s28, s8;
	s1 =	simm.s32 $0x10E80  }
0x19c: {  	[hbm4b:s0+s3] =	stream.linear.scatter [tilespmem:s1], [sflag:$0x6], $0x80, $0x38;
	[tilespmem:$0x16C00] =	vst v63  }
0x19d: {  	s29 =	simm.s32 $0x10F08;
	s1 =	sadd.s32 $0x10, s0  }
0x19e: {  	[hbm4b:s1+s3] =	stream.linear.scatter [tilespmem:s29], [sflag:$0x6], $0x80, $0x38;
	[tilespmem:$0x16C00] =	vst v63  }
0x19f: {  	s1 =	sadd.s32 $0x20, s0;
	s29 =	simm.s32 $0x10F90  }
0x1a0: {  	[hbm4b:s1+s3] =	stream.linear.scatter [tilespmem:s29], [sflag:$0x6], $0x80, $0x38;
	[tilespmem:$0x16C00] =	vst v63  }
0x1a1: {  	s1 =	sadd.s32 $0x30, s0;
	s29 =	simm.s32 $0x11018  }
0x1a2: {  	[hbm4b:s1+s3] =	stream.linear.scatter [tilespmem:s29], [sflag:$0x6], $0x80, $0x38;
	[tilespmem:$0x16C00] =	vst v63  }
0x1a3: {  	s1 =	sadd.s32 $0x40, s0;
	s29 =	simm.s32 $0x110A0  }
0x1a4: {  	[hbm4b:s1+s3] =	stream.linear.scatter [tilespmem:s29], [sflag:$0x6], $0x80, $0x38;
	[tilespmem:$0x16C00] =	vst v63  }
0x1a5: {  	s1 =	sadd.s32 $0x50, s0;
	s29 =	simm.s32 $0x11128  }
0x1a6: {  	[hbm4b:s1+s3] =	stream.linear.scatter [tilespmem:s29], [sflag:$0x6], $0x80, $0x38;
	[tilespmem:$0x16C00] =	vst v63  }
0x1a7: {  	s1 =	sadd.s32 $0x60, s0;
	s29 =	simm.s32 $0x111B0  }
0x1a8: {  	[hbm4b:s1+s3] =	stream.linear.scatter [tilespmem:s29], [sflag:$0x6], $0x80, $0x38;
	[tilespmem:$0x16C00] =	vst v63  }
0x1a9: {  	s0 =	sadd.s32 $0x70, s0;
	s1 =	simm.s32 $0x11238  }
0x1aa: {  	[hbm4b:s0+s3] =	stream.linear.scatter [tilespmem:s1], [sflag:$0x6], $0x80, $0x38;
	[tilespmem:$0x16C00] =	vst v63  }
0x1ab: {  	s0 =	sadd.s32 s28, s9;
	s1 =	simm.s32 $0x112C0  }
0x1ac: {  	[hbm4b:s0+s3] =	stream.linear.scatter [tilespmem:s1], [sflag:$0x6], $0x80, $0x38;
	[tilespmem:$0x16C00] =	vst v63  }
0x1ad: {  	s29 =	simm.s32 $0x11348;
	s1 =	sadd.s32 $0x10, s0  }
0x1ae: {  	[hbm4b:s1+s3] =	stream.linear.scatter [tilespmem:s29], [sflag:$0x6], $0x80, $0x38;
	[tilespmem:$0x16C00] =	vst v63  }
0x1af: {  	s1 =	sadd.s32 $0x20, s0;
	s29 =	simm.s32 $0x113D0  }
0x1b0: {  	[hbm4b:s1+s3] =	stream.linear.scatter [tilespmem:s29], [sflag:$0x6], $0x80, $0x38;
	[tilespmem:$0x16C00] =	vst v63  }
0x1b1: {  	s1 =	sadd.s32 $0x30, s0;
	s29 =	simm.s32 $0x11458  }
0x1b2: {  	[hbm4b:s1+s3] =	stream.linear.scatter [tilespmem:s29], [sflag:$0x6], $0x80, $0x38;
	[tilespmem:$0x16C00] =	vst v63  }
0x1b3: {  	s1 =	sadd.s32 $0x40, s0;
	s29 =	simm.s32 $0x114E0  }
0x1b4: {  	[hbm4b:s1+s3] =	stream.linear.scatter [tilespmem:s29], [sflag:$0x6], $0x80, $0x38;
	[tilespmem:$0x16C00] =	vst v63  }
0x1b5: {  	s1 =	sadd.s32 $0x50, s0;
	s29 =	simm.s32 $0x11568  }
0x1b6: {  	[hbm4b:s1+s3] =	stream.linear.scatter [tilespmem:s29], [sflag:$0x6], $0x80, $0x38;
	[tilespmem:$0x16C00] =	vst v63  }
0x1b7: {  	s1 =	sadd.s32 $0x60, s0;
	s29 =	simm.s32 $0x115F0  }
0x1b8: {  	[hbm4b:s1+s3] =	stream.linear.scatter [tilespmem:s29], [sflag:$0x6], $0x80, $0x38;
	[tilespmem:$0x16C00] =	vst v63  }
0x1b9: {  	s0 =	sadd.s32 $0x70, s0;
	s1 =	simm.s32 $0x11678  }
0x1ba: {  	[hbm4b:s0+s3] =	stream.linear.scatter [tilespmem:s1], [sflag:$0x6], $0x80, $0x38;
	[tilespmem:$0x16C00] =	vst v63  }
0x1bb: {  	s0 =	sadd.s32 s28, s10;
	s1 =	simm.s32 $0x11700  }
0x1bc: {  	[hbm4b:s0+s3] =	stream.linear.scatter [tilespmem:s1], [sflag:$0x6], $0x80, $0x38;
	[tilespmem:$0x16C00] =	vst v63  }
0x1bd: {  	s29 =	simm.s32 $0x11788;
	s1 =	sadd.s32 $0x10, s0  }
0x1be: {  	[hbm4b:s1+s3] =	stream.linear.scatter [tilespmem:s29], [sflag:$0x6], $0x80, $0x38;
	[tilespmem:$0x16C00] =	vst v63  }
0x1bf: {  	s1 =	sadd.s32 $0x20, s0;
	s29 =	simm.s32 $0x11810  }
0x1c0: {  	[hbm4b:s1+s3] =	stream.linear.scatter [tilespmem:s29], [sflag:$0x6], $0x80, $0x38;
	[tilespmem:$0x16C00] =	vst v63  }
0x1c1: {  	s1 =	sadd.s32 $0x30, s0;
	s29 =	simm.s32 $0x11898  }
0x1c2: {  	[hbm4b:s1+s3] =	stream.linear.scatter [tilespmem:s29], [sflag:$0x6], $0x80, $0x38;
	[tilespmem:$0x16C00] =	vst v63  }
0x1c3: {  	s1 =	sadd.s32 $0x40, s0;
	s29 =	simm.s32 $0x11920  }
0x1c4: {  	[hbm4b:s1+s3] =	stream.linear.scatter [tilespmem:s29], [sflag:$0x6], $0x80, $0x38;
	[tilespmem:$0x16C00] =	vst v63  }
0x1c5: {  	s1 =	sadd.s32 $0x50, s0;
	s29 =	simm.s32 $0x119A8  }
0x1c6: {  	[hbm4b:s1+s3] =	stream.linear.scatter [tilespmem:s29], [sflag:$0x6], $0x80, $0x38;
	[tilespmem:$0x16C00] =	vst v63  }
0x1c7: {  	s1 =	sadd.s32 $0x60, s0;
	s29 =	simm.s32 $0x11A30  }
0x1c8: {  	[hbm4b:s1+s3] =	stream.linear.scatter [tilespmem:s29], [sflag:$0x6], $0x80, $0x38;
	[tilespmem:$0x16C00] =	vst v63  }
0x1c9: {  	s0 =	sadd.s32 $0x70, s0;
	s1 =	simm.s32 $0x11AB8  }
0x1ca: {  	[hbm4b:s0+s3] =	stream.linear.scatter [tilespmem:s1], [sflag:$0x6], $0x80, $0x38;
	[tilespmem:$0x16C00] =	vst v63  }
0x1cb: {  	s0 =	sadd.s32 s28, s11;
	s1 =	simm.s32 $0x11B40  }
0x1cc: {  	[hbm4b:s0+s3] =	stream.linear.scatter [tilespmem:s1], [sflag:$0x6], $0x80, $0x38;
	[tilespmem:$0x16C00] =	vst v63  }
0x1cd: {  	s29 =	simm.s32 $0x11BC8;
	s1 =	sadd.s32 $0x10, s0  }
0x1ce: {  	[hbm4b:s1+s3] =	stream.linear.scatter [tilespmem:s29], [sflag:$0x6], $0x80, $0x38;
	[tilespmem:$0x16C00] =	vst v63  }
0x1cf: {  	s1 =	sadd.s32 $0x20, s0;
	s29 =	simm.s32 $0x11C50  }
0x1d0: {  	[hbm4b:s1+s3] =	stream.linear.scatter [tilespmem:s29], [sflag:$0x6], $0x80, $0x38;
	[tilespmem:$0x16C00] =	vst v63  }
0x1d1: {  	s1 =	sadd.s32 $0x30, s0;
	s29 =	simm.s32 $0x11CD8  }
0x1d2: {  	[hbm4b:s1+s3] =	stream.linear.scatter [tilespmem:s29], [sflag:$0x6], $0x80, $0x38;
	[tilespmem:$0x16C00] =	vst v63  }
0x1d3: {  	s1 =	sadd.s32 $0x40, s0;
	s29 =	simm.s32 $0x11D60  }
0x1d4: {  	[hbm4b:s1+s3] =	stream.linear.scatter [tilespmem:s29], [sflag:$0x6], $0x80, $0x38;
	[tilespmem:$0x16C00] =	vst v63  }
0x1d5: {  	s1 =	sadd.s32 $0x50, s0;
	s29 =	simm.s32 $0x11DE8  }
0x1d6: {  	[hbm4b:s1+s3] =	stream.linear.scatter [tilespmem:s29], [sflag:$0x6], $0x80, $0x38;
	[tilespmem:$0x16C00] =	vst v63  }
0x1d7: {  	s1 =	sadd.s32 $0x60, s0;
	s29 =	simm.s32 $0x11E70  }
0x1d8: {  	[hbm4b:s1+s3] =	stream.linear.scatter [tilespmem:s29], [sflag:$0x6], $0x80, $0x38;
	[tilespmem:$0x16C00] =	vst v63  }
0x1d9: {  	s0 =	sadd.s32 $0x70, s0;
	s1 =	simm.s32 $0x11EF8  }
0x1da: {  	[hbm4b:s0+s3] =	stream.linear.scatter [tilespmem:s1], [sflag:$0x6], $0x80, $0x38;
	[tilespmem:$0x16C00] =	vst v63  }
0x1db: {  	s0 =	sadd.s32 s28, s12;
	s1 =	simm.s32 $0x11F80  }
0x1dc: {  	[hbm4b:s0+s3] =	stream.linear.scatter [tilespmem:s1], [sflag:$0x6], $0x80, $0x38;
	[tilespmem:$0x16C00] =	vst v63  }
0x1dd: {  	s29 =	simm.s32 $0x12008;
	s1 =	sadd.s32 $0x10, s0  }
0x1de: {  	[hbm4b:s1+s3] =	stream.linear.scatter [tilespmem:s29], [sflag:$0x6], $0x80, $0x38;
	[tilespmem:$0x16C00] =	vst v63  }
0x1df: {  	s1 =	sadd.s32 $0x20, s0;
	s29 =	simm.s32 $0x12090  }
0x1e0: {  	[hbm4b:s1+s3] =	stream.linear.scatter [tilespmem:s29], [sflag:$0x6], $0x80, $0x38;
	[tilespmem:$0x16C00] =	vst v63  }
0x1e1: {  	s1 =	sadd.s32 $0x30, s0;
	s29 =	simm.s32 $0x12118  }
0x1e2: {  	[hbm4b:s1+s3] =	stream.linear.scatter [tilespmem:s29], [sflag:$0x6], $0x80, $0x38;
	[tilespmem:$0x16C00] =	vst v63  }
0x1e3: {  	s1 =	sadd.s32 $0x40, s0;
	s29 =	simm.s32 $0x121A0  }
0x1e4: {  	[hbm4b:s1+s3] =	stream.linear.scatter [tilespmem:s29], [sflag:$0x6], $0x80, $0x38;
	[tilespmem:$0x16C00] =	vst v63  }
0x1e5: {  	s1 =	sadd.s32 $0x50, s0;
	s29 =	simm.s32 $0x12228  }
0x1e6: {  	[hbm4b:s1+s3] =	stream.linear.scatter [tilespmem:s29], [sflag:$0x6], $0x80, $0x38;
	[tilespmem:$0x16C00] =	vst v63  }
0x1e7: {  	s1 =	sadd.s32 $0x60, s0;
	s29 =	simm.s32 $0x122B0  }
0x1e8: {  	[hbm4b:s1+s3] =	stream.linear.scatter [tilespmem:s29], [sflag:$0x6], $0x80, $0x38;
	[tilespmem:$0x16C00] =	vst v63  }
0x1e9: {  	s0 =	sadd.s32 $0x70, s0;
	s1 =	simm.s32 $0x12338  }
0x1ea: {  	[hbm4b:s0+s3] =	stream.linear.scatter [tilespmem:s1], [sflag:$0x6], $0x80, $0x38;
	[tilespmem:$0x16C00] =	vst v63  }
0x1eb: {  	s0 =	sadd.s32 s28, s13;
	s1 =	simm.s32 $0x123C0  }
0x1ec: {  	[hbm4b:s0+s3] =	stream.linear.scatter [tilespmem:s1], [sflag:$0x6], $0x80, $0x38;
	[tilespmem:$0x16C00] =	vst v63  }
0x1ed: {  	s28 =	simm.s32 $0x12448;
	s1 =	sadd.s32 $0x10, s0  }
0x1ee: {  	[hbm4b:s1+s3] =	stream.linear.scatter [tilespmem:s28], [sflag:$0x6], $0x80, $0x38;
	[tilespmem:$0x16C00] =	vst v63  }
0x1ef: {  	s1 =	sadd.s32 $0x20, s0;
	s28 =	simm.s32 $0x124D0  }
0x1f0: {  	[hbm4b:s1+s3] =	stream.linear.scatter [tilespmem:s28], [sflag:$0x6], $0x80, $0x38;
	[tilespmem:$0x16C00] =	vst v63  }
0x1f1: {  	s1 =	sadd.s32 $0x30, s0;
	s28 =	simm.s32 $0x12558  }
0x1f2: {  	[hbm4b:s1+s3] =	stream.linear.scatter [tilespmem:s28], [sflag:$0x6], $0x80, $0x38;
	[tilespmem:$0x16C00] =	vst v63  }
0x1f3: {  	s1 =	sadd.s32 $0x40, s0;
	s28 =	simm.s32 $0x125E0  }
0x1f4: {  	[hbm4b:s1+s3] =	stream.linear.scatter [tilespmem:s28], [sflag:$0x6], $0x80, $0x38;
	[tilespmem:$0x16C00] =	vst v63  }
0x1f5: {  	s1 =	sadd.s32 $0x50, s0;
	s28 =	simm.s32 $0x12668  }
0x1f6: {  	[hbm4b:s1+s3] =	stream.linear.scatter [tilespmem:s28], [sflag:$0x6], $0x80, $0x38;
	[tilespmem:$0x16C00] =	vst v63  }
0x1f7: {  	s1 =	sadd.s32 $0x60, s0;
	s28 =	simm.s32 $0x126F0  }
0x1f8: {  	[hbm4b:s1+s3] =	stream.linear.scatter [tilespmem:s28], [sflag:$0x6], $0x80, $0x38;
	[tilespmem:$0x16C00] =	vst v63  }
0x1f9: {  	s28 =	sor.u32 $0x2, s14  }
0x1fa: {  	s0 =	sadd.s32 $0x70, s0;
	s1 =	simm.s32 $0x12778;
	p1 =	sgt.u32 s28, $0xC4  }
0x1fb: {  	[hbm4b:s0+s3] =	stream.linear.scatter [tilespmem:s1], [sflag:$0x6], $0x80, $0x38;
	[tilespmem:$0x16C00] =	vst v63  }
0x1fc: {  	s0 =	sadd.s32 @!p1 $0x280, s20;
	s1 =	simm.s32 @!p1 $0x80;
	s29 =	simm.s32 @!p1 $0x8400  }
0x1fd: {  	[tilespmem:s29], [sflag:$0x2] =	stream.indirect.gather @!p1 [hbm4b:s4+s1], $0x40, s0, s1, $0xb8;
	[tilespmem:$0x16C00] =	vst v63  }
0x1fe: {  	_ =	swait.ge [sflag:s25], $0x2000  }
0x1ff: {  	[sflag:s25] =	ssyncset.done $0x0  }
0x200: {  	s0 =	simm.s32 @!p0 $0x7;
	[sflag:s25] =	ssyncadd.s32 $0xFFFFE000  }
0x201: {  	_ =	swait.ge @!p0 [sflag:s0], $0x400  }
0x202: {  	[sflag:s0] =	ssyncset.done @!p0 $0x0  }
0x203: {  	[sflag:s0] =	ssyncadd.s32 @!p0 $0xFFFFFC00  }
0x204: {  	_ =	swait.ge @!p0 [sflag:s0], $0x400  }
0x205: {  	[sflag:s0] =	ssyncset.done @!p0 $0x0  }
0x206: {  	[sflag:s0] =	ssyncadd.s32 @!p0 $0xFFFFFC00  }
0x207: {  	_ =	swait.ge @!p0 [sflag:s0], $0x400  }
0x208: {  	[sflag:s0] =	ssyncset.done @!p0 $0x0  }
0x209: {  	[sflag:s0] =	ssyncadd.s32 @!p0 $0xFFFFFC00  }
0x20a: {  	_ =	swait.ge @!p0 [sflag:s0], $0x400  }
0x20b: {  	[sflag:s0] =	ssyncset.done @!p0 $0x0  }
0x20c: {  	[sflag:s0] =	ssyncadd.s32 @!p0 $0xFFFFFC00  }
0x20d: {  	_ =	swait.ge @!p0 [sflag:s0], $0x400  }
0x20e: {  	[sflag:s0] =	ssyncset.done @!p0 $0x0  }
0x20f: {  	[sflag:s0] =	ssyncadd.s32 @!p0 $0xFFFFFC00  }
0x210: {  	_ =	swait.ge @!p0 [sflag:s0], $0x400  }
0x211: {  	[sflag:s0] =	ssyncset.done @!p0 $0x0  }
0x212: {  	[sflag:s0] =	ssyncadd.s32 @!p0 $0xFFFFFC00  }
0x213: {  	_ =	swait.ge @!p0 [sflag:s0], $0x400  }
0x214: {  	[sflag:s0] =	ssyncset.done @!p0 $0x0  }
0x215: {  	[sflag:s0] =	ssyncadd.s32 @!p0 $0xFFFFFC00  }
0x216: {  	_ =	swait.ge @!p0 [sflag:s0], $0x400  }
0x217: {  	[sflag:s0] =	ssyncset.done @!p0 $0x0  }
0x218: {  	s30 =	simm.s32 $0xA480;
	s1 =	simm.s32 $0x3;
	[sflag:s0] =	ssyncadd.s32 @!p0 $0xFFFFFC00  }
0x219: {  	v4 =	vmov s1;
	v5 =	vld [tilespmem:s30+$0x40]  }
0x21a: {  	v9 =	vand.u32 $0x7F, v4  }
0x21b: {  	s1 =	simm.s32 $0x0;
	v4 =	vadd.s32 v0, v9  }
0x21c: {  	v6 =	vmov s1;
	s1 =	simm.s32 $0x2;
	s0 =	simm.s32 $0x1;
	v7 =	vld [tilespmem:s30+$0xFFFFFF80]  }
0x21d: {  	v8 =	vand.u32 $0x7C, v6;
	v11 =	vmov s1;
	v6 =	vmov s0;
	v10 =	vld [tilespmem:s30+$0xFFFFFFC0]  }
0x21e: {  	v12 =	vadd.s32 v0, v8;
	v15 =	vand.u32 $0x7D, v6;
	v6 =	vld [tilespmem:s30+$0x0];
	v5 =	vmul.f32 $8.000000000e+00, v5  }
0x21f: {  	v17 =	vand.u32 $0x7E, v11;
	v13 =	vadd.s32 v0, v15  }
0x220: {  	v11 =	vadd.s32 v0, v17;
	[tilespmem:v4+s26+$0x0] =	vst.idx.msk $0xffff, v5  }
0x221: {  	v4 =	vmul.f32 $8.000000000e+00, v7;
	v5 =	vld [tilespmem:s30+$0x50]  }
0x222: {  	v7 =	vmul.f32 $8.000000000e+00, v10  }
0x223: {  	[tilespmem:v12+s26+$0x0] =	vst.idx.msk $0xffff, v4;
	v4 =	vmul.f32 $8.000000000e+00, v6;
	v6 =	vadd.s32 v1, v9  }
0x224: {  	[tilespmem:v13+s26+$0x0] =	vst.idx.msk $0xffff, v7;
	v10 =	vld [tilespmem:s30+$0xFFFFFF90]  }
0x225: {  	v7 =	vld [tilespmem:s30+$0xFFFFFFD0];
	[tilespmem:v11+s26+$0x0] =	vst.idx.msk $0xffff, v4  }
0x226: {  	v11 =	vld [tilespmem:s30+$0x10];
	v4 =	vmul.f32 $8.000000000e+00, v5  }
0x227: {  	s29 =	simm.s32 $0xA580;
	s1 =	simm.s32 $0x7;
	s0 =	simm.s32 $0x4;
	v12 =	vadd.s32 v1, v15  }
0x228: {  	v14 =	vld [tilespmem:s29+$0x40];
	v13 =	vadd.s32 v1, v17;
	v5 =	vmov s0;
	[tilespmem:v6+s26+$0x0] =	vst.idx.msk $0xffff, v4;
	v6 =	vmov s1  }
0x229: {  	v16 =	vadd.s32 v1, v8;
	v4 =	vand.u32 $0x7C, v5;
	v5 =	vand.u32 $0x7F, v6;
	v18 =	vld [tilespmem:s30+$0x60]  }
0x22a: {  	v22 =	vadd.s32 v2, v9;
	v19 =	vld [tilespmem:s29+$0xFFFFFF80];
	s1 =	simm.s32 $0x5;
	v6 =	vmul.f32 $8.000000000e+00, v7;
	v20 =	vadd.s32 v0, v5  }
0x22b: {  	v21 =	vld [tilespmem:s29+$0xFFFFFFC0];
	v10 =	vmul.f32 $8.000000000e+00, v10;
	v7 =	vmul.f32 $8.000000000e+00, v11;
	v11 =	vmov s1;
	s1 =	simm.s32 $0x6  }
0x22c: {  	v23 =	vadd.s32 v0, v4;
	[tilespmem:v12+s26+$0x0] =	vst.idx.msk $0xffff, v6;
	v12 =	vmov s1;
	v6 =	vand.u32 $0x7D, v11;
	v11 =	vld [tilespmem:s29+$0x0]  }
0x22d: {  	[tilespmem:v13+s26+$0x0] =	vst.idx.msk $0xffff, v7;
	v13 =	vadd.s32 v0, v6;
	v7 =	vand.u32 $0x7E, v12;
	v12 =	vmul.f32 $8.000000000e+00, v14;
	v14 =	vld [tilespmem:s30+$0xFFFFFFE0]  }
0x22e: {  	[tilespmem:v16+s26+$0x0] =	vst.idx.msk $0xffff, v10;
	v10 =	vadd.s32 v0, v7;
	v16 =	vld [tilespmem:s30+$0x20];
	v18 =	vmul.f32 $8.000000000e+00, v18  }
0x22f: {  	v19 =	vmul.f32 $8.000000000e+00, v19;
	[tilespmem:v20+s26+$0x0] =	vst.idx.msk $0xffff, v12;
	v12 =	vld [tilespmem:s30+$0xFFFFFFA0];
	v20 =	vadd.s32 v2, v15  }
0x230: {  	v60 =	vadd.s32 v2, v17;
	v21 =	vmul.f32 $8.000000000e+00, v21;
	v59 =	vld [tilespmem:s29+$0x50];
	[tilespmem:v22+s26+$0x0] =	vst.idx.msk $0xffff, v18  }
0x231: {  	[tilespmem:v23+s26+$0x0] =	vst.idx.msk $0xffff, v19;
	v19 =	vadd.s32 v2, v8;
	v11 =	vmul.f32 $8.000000000e+00, v11;
	v22 =	vld [tilespmem:s30+$0x70]  }
0x232: {  	v23 =	vld [tilespmem:s29+$0xFFFFFF90];
	[tilespmem:v13+s26+$0x0] =	vst.idx.msk $0xffff, v21;
	v21 =	vadd.s32 v1, v5;
	v14 =	vmul.f32 $8.000000000e+00, v14  }
0x233: {  	v62 =	vadd.s32 v3, v9;
	v61 =	vld [tilespmem:s29+$0xFFFFFFD0];
	[tilespmem:v10+s26+$0x0] =	vst.idx.msk $0xffff, v11;
	v10 =	vmul.f32 $8.000000000e+00, v16  }
0x234: {  	v18 =	vadd.s32 v1, v4;
	v13 =	vld [tilespmem:s29+$0x10];
	v9 =	vmul.f32 $8.000000000e+00, v12;
	[tilespmem:v20+s26+$0x0] =	vst.idx.msk $0xffff, v14  }
0x235: {  	s31 =	simm.s32 $0x8;
	v16 =	vadd.s32 v1, v6;
	[tilespmem:v60+s26+$0x0] =	vst.idx.msk $0xffff, v10;
	v14 =	vmul.f32 $8.000000000e+00, v59;
	v12 =	vld [tilespmem:s30+$0xFFFFFFF0]  }
0x236: {  	v20 =	vmov s31;
	v10 =	vadd.s32 v1, v7;
	v11 =	vld [tilespmem:s30+$0x30];
	[tilespmem:v19+s26+$0x0] =	vst.idx.msk $0xffff, v9;
	v63 =	vmul.f32 $8.000000000e+00, v22  }
0x237: {  	s1 =	simm.s32 $0xB;
	v15 =	vadd.s32 v3, v15;
	v9 =	vand.u32 $0x7C, v20;
	v20 =	vmul.f32 $8.000000000e+00, v23;
	[tilespmem:v21+s26+$0x0] =	vst.idx.msk $0xffff, v14;
	v14 =	vld [tilespmem:s30+$0xFFFFFFB0];
	s30 =	simm.s32 $0xA680  }
0x238: {  	v17 =	vadd.s32 v3, v17;
	v22 =	vmov s1;
	s1 =	simm.s32 $0xC;
	v21 =	vmul.f32 $8.000000000e+00, v61;
	v19 =	vld [tilespmem:s30+$0x40];
	[tilespmem:v62+s26+$0x0] =	vst.idx.msk $0xffff, v63  }
.LBB2_7:
0x239: {  	p1 =	slt.u32 s1, $0x7C;
	s0 =	sadd.s32 $0x1, s31;
	v22 =	vand.u32 $0x7F, v22;
	[tilespmem:v18+s26+$0x0] =	vst.idx.msk $0xffff, v20;
	v13 =	vmul.f32 $8.000000000e+00, v13;
	v18 =	vld [tilespmem:s29+$0x60];
	v20 =	vadd.s32 v3, v8;
	v8 =	vmovc v4  }
0x23a: {  	v4 =	vmovc v9;
	v23 =	vld [tilespmem:s30+$0xFFFFFF80];
	v24 =	vmov s0;
	s0 =	sadd.s32 $0x2, s31;
	v25 =	vadd.s32 v0, v22;
	[tilespmem:v16+s26+$0x0] =	vst.idx.msk $0xffff, v21;
	v12 =	vmul.f32 $8.000000000e+00, v12;
	s31 =	smov.u32 s1  }
0x23b: {  	v9 =	vld [tilespmem:s30+$0xFFFFFFC0];
	v16 =	vmov s0;
	[tilespmem:v10+s26+$0x0] =	vst.idx.msk $0xffff, v13;
	v10 =	vadd.s32 v2, v5;
	v11 =	vmul.f32 $8.000000000e+00, v11  }
0x23c: {  	v13 =	vadd.s32 v0, v4;
	v21 =	vand.u32 $0x7D, v24;
	v24 =	vld [tilespmem:s30+$0x0];
	v14 =	vmul.f32 $8.000000000e+00, v14;
	[tilespmem:v15+s26+$0x0] =	vst.idx.msk $0xffff, v12  }
0x23d: {  	v12 =	vadd.s32 v0, v21;
	v26 =	vand.u32 $0x7E, v16;
	v15 =	vmul.f32 $8.000000000e+00, v19;
	v16 =	vld [tilespmem:s29+$0xFFFFFFE0];
	[tilespmem:v17+s26+$0x0] =	vst.idx.msk $0xffff, v11  }
0x23e: {  	v11 =	vadd.s32 v0, v26;
	v17 =	vld [tilespmem:s29+$0x20];
	v18 =	vmul.f32 $8.000000000e+00, v18;
	[tilespmem:v20+s26+$0x0] =	vst.idx.msk $0xffff, v14  }
0x23f: {  	v19 =	vadd.s32 v2, v6;
	v14 =	vmul.f32 $8.000000000e+00, v23;
	[tilespmem:v25+s26+$0x0] =	vst.idx.msk $0xffff, v15;
	v15 =	vld [tilespmem:s29+$0xFFFFFFA0]  }
0x240: {  	v23 =	vadd.s32 v2, v7;
	v9 =	vmul.f32 $8.000000000e+00, v9;
	v20 =	vld [tilespmem:s30+$0x50];
	[tilespmem:v10+s26+$0x0] =	vst.idx.msk $0xffff, v18  }
0x241: {  	[tilespmem:v13+s26+$0x0] =	vst.idx.msk $0xffff, v14;
	v10 =	vmul.f32 $8.000000000e+00, v24;
	v14 =	vadd.s32 v2, v8;
	v24 =	vld [tilespmem:s29+$0x70]  }
0x242: {  	v27 =	vadd.s32 v1, v22;
	v25 =	vld [tilespmem:s30+$0xFFFFFF90];
	[tilespmem:v12+s26+$0x0] =	vst.idx.msk $0xffff, v9;
	v9 =	vmul.f32 $8.000000000e+00, v16  }
0x243: {  	v29 =	vadd.s32 v3, v5;
	v5 =	vmov v22;
	v28 =	vld [tilespmem:s30+$0xFFFFFFD0];
	[tilespmem:v11+s26+$0x0] =	vst.idx.msk $0xffff, v10;
	v10 =	vmul.f32 $8.000000000e+00, v17  }
.Ltmp2:
0x244: {  	v18 =	vadd.s32 v1, v4;
	v13 =	vld [tilespmem:s30+$0x10];
	v11 =	vmul.f32 $8.000000000e+00, v15;
	[tilespmem:v19+s26+$0x0] =	vst.idx.msk $0xffff, v9;
	(pc) =	sbr.rel @p1 .LBB2_7-.Ltmp2, $4  }
0x245: {  	v16 =	vadd.s32 v1, v21;
	v15 =	vmul.f32 $8.000000000e+00, v20;
	v12 =	vld [tilespmem:s29+$0xFFFFFFF0];
	[tilespmem:v23+s26+$0x0] =	vst.idx.msk $0xffff, v10  }
0x246: {  	v9 =	vmov s1;
	v10 =	vadd.s32 v1, v26;
	[tilespmem:v14+s26+$0x0] =	vst.idx.msk $0xffff, v11;
	v11 =	vld [tilespmem:s29+$0x30];
	v23 =	vmul.f32 $8.000000000e+00, v24  }
0x247: {  	s0 =	sadd.s32 $0x3, s1;
	v9 =	vand.u32 $0x7C, v9;
	v20 =	vmul.f32 $8.000000000e+00, v25;
	[tilespmem:v27+s26+$0x0] =	vst.idx.msk $0xffff, v15;
	v14 =	vld [tilespmem:s29+$0xFFFFFFB0];
	v15 =	vadd.s32 v3, v6;
	v6 =	vmovc v21;
	s29 =	smov.u32 s30;
	s30 =	sadd.s32 $0x100, s30  }
0x248: {  	v22 =	vmov s0;
	v17 =	vadd.s32 v3, v7;
	v7 =	vmovc v26;
	s1 =	sadd.s32 $0x4, s1;
	v19 =	vld [tilespmem:s30+$0x40];
	v21 =	vmul.f32 $8.000000000e+00, v28;
	[tilespmem:v29+s26+$0x0] =	vst.idx.msk $0xffff, v23  }
0x249: {  	s0 =	sadd.s32 $0x1, s31  }
0x24a: {  	v22 =	vand.u32 $0x7F, v22;
	s31 =	sadd.s32 $0x2, s31;
	v24 =	vld [tilespmem:s30+$0xFFFFFFC0];
	v23 =	vmov s0  }
0x24b: {  	v27 =	vld [tilespmem:s30+$0x0];
	v25 =	vmov s31;
	v26 =	vadd.s32 v0, v22;
	v23 =	vand.u32 $0x7D, v23  }
0x24c: {  	v28 =	vld [tilespmem:s30+$0xFFFFFF80];
	v25 =	vand.u32 $0x7E, v25;
	v29 =	vadd.s32 v0, v23  }
0x24d: {  	v30 =	vadd.s32 v0, v25  }
0x24e: {  	[tilespmem:v18+s26+$0x0] =	vst.idx.msk $0xffff, v20;
	v18 =	vadd.s32 v0, v9;
	v19 =	vmul.f32 $8.000000000e+00, v19  }
0x24f: {  	[tilespmem:v16+s26+$0x0] =	vst.idx.msk $0xffff, v21;
	v16 =	vmul.f32 $8.000000000e+00, v24  }
0x250: {  	[tilespmem:v26+s26+$0x0] =	vst.idx.msk $0xffff, v19;
	v19 =	vmul.f32 $8.000000000e+00, v27  }
0x251: {  	v20 =	vmul.f32 $8.000000000e+00, v28;
	[tilespmem:v29+s26+$0x0] =	vst.idx.msk $0xffff, v16;
	v16 =	vld [tilespmem:s30+$0x50]  }
0x252: {  	v13 =	vmul.f32 $8.000000000e+00, v13;
	v8 =	vadd.s32 v3, v8;
	[tilespmem:v30+s26+$0x0] =	vst.idx.msk $0xffff, v19;
	v21 =	vld [tilespmem:s30+$0xFFFFFFD0]  }
0x253: {  	v12 =	vmul.f32 $8.000000000e+00, v12;
	[tilespmem:v18+s26+$0x0] =	vst.idx.msk $0xffff, v20;
	v18 =	vadd.s32 v1, v22;
	v19 =	vld [tilespmem:s30+$0x10]  }
0x254: {  	[tilespmem:v10+s26+$0x0] =	vst.idx.msk $0xffff, v13;
	v10 =	vmul.f32 $8.000000000e+00, v11;
	v13 =	vadd.s32 v1, v23;
	v11 =	vld [tilespmem:s30+$0xFFFFFF90]  }
0x255: {  	v14 =	vmul.f32 $8.000000000e+00, v14;
	[tilespmem:v15+s26+$0x0] =	vst.idx.msk $0xffff, v12;
	v12 =	vadd.s32 v1, v25;
	v20 =	vld [tilespmem:s29+$0x60]  }
0x256: {  	v15 =	vld [tilespmem:s29+$0xFFFFFFE0];
	[tilespmem:v17+s26+$0x0] =	vst.idx.msk $0xffff, v10;
	v10 =	vadd.s32 v1, v9;
	v16 =	vmul.f32 $8.000000000e+00, v16  }
0x257: {  	v58 =	vld [tilespmem:s29+$0x20];
	v17 =	vadd.s32 v2, v5;
	[tilespmem:v8+s26+$0x0] =	vst.idx.msk $0xffff, v14;
	v8 =	vmul.f32 $8.000000000e+00, v21  }
0x258: {  	v14 =	vld [tilespmem:s29+$0xFFFFFFA0];
	v21 =	vadd.s32 v2, v6;
	[tilespmem:v18+s26+$0x0] =	vst.idx.msk $0xffff, v16;
	v16 =	vmul.f32 $8.000000000e+00, v19  }
0x259: {  	v11 =	vmul.f32 $8.000000000e+00, v11;
	v18 =	vadd.s32 v2, v7;
	v19 =	vld [tilespmem:s30+$0x60];
	[tilespmem:v13+s26+$0x0] =	vst.idx.msk $0xffff, v8  }
0x25a: {  	v8 =	vmul.f32 $8.000000000e+00, v20;
	v13 =	vadd.s32 v2, v4;
	[tilespmem:v12+s26+$0x0] =	vst.idx.msk $0xffff, v16;
	v12 =	vld [tilespmem:s30+$0xFFFFFFE0]  }
0x25b: {  	v15 =	vmul.f32 $8.000000000e+00, v15;
	[tilespmem:v10+s26+$0x0] =	vst.idx.msk $0xffff, v11;
	v10 =	vadd.s32 v2, v22;
	v11 =	vld [tilespmem:s30+$0x20]  }
0x25c: {  	v16 =	vld [tilespmem:s30+$0xFFFFFFA0];
	[tilespmem:v17+s26+$0x0] =	vst.idx.msk $0xffff, v8;
	v8 =	vmul.f32 $8.000000000e+00, v58;
	v17 =	vadd.s32 v2, v23  }
0x25d: {  	v14 =	vmul.f32 $8.000000000e+00, v14;
	v20 =	vld [tilespmem:s29+$0x70];
	[tilespmem:v21+s26+$0x0] =	vst.idx.msk $0xffff, v15;
	v15 =	vadd.s32 v2, v25  }
0x25e: {  	v21 =	vld [tilespmem:s29+$0xFFFFFFF0];
	[tilespmem:v18+s26+$0x0] =	vst.idx.msk $0xffff, v8;
	v18 =	vadd.s32 v2, v9;
	v8 =	vmul.f32 $8.000000000e+00, v19  }
0x25f: {  	v5 =	vadd.s32 v3, v5;
	[tilespmem:v13+s26+$0x0] =	vst.idx.msk $0xffff, v14;
	v13 =	vld [tilespmem:s29+$0x30];
	v12 =	vmul.f32 $8.000000000e+00, v12  }
0x260: {  	v6 =	vadd.s32 v3, v6;
	v14 =	vld [tilespmem:s29+$0xFFFFFFB0];
	[tilespmem:v10+s26+$0x0] =	vst.idx.msk $0xffff, v8;
	v8 =	vmul.f32 $8.000000000e+00, v11  }
0x261: {  	v7 =	vadd.s32 v3, v7;
	v11 =	vmul.f32 $8.000000000e+00, v16;
	v10 =	vld [tilespmem:s30+$0x70];
	[tilespmem:v17+s26+$0x0] =	vst.idx.msk $0xffff, v12  }
0x262: {  	v4 =	vadd.s32 v3, v4;
	v12 =	vmul.f32 $8.000000000e+00, v20;
	v16 =	vld [tilespmem:s30+$0xFFFFFFF0];
	[tilespmem:v15+s26+$0x0] =	vst.idx.msk $0xffff, v8  }
0x263: {  	v8 =	vmul.f32 $8.000000000e+00, v21;
	v15 =	vadd.s32 v3, v22;
	[tilespmem:v18+s26+$0x0] =	vst.idx.msk $0xffff, v11;
	v11 =	vld [tilespmem:s30+$0x30]  }
0x264: {  	[tilespmem:v5+s26+$0x0] =	vst.idx.msk $0xffff, v12;
	v5 =	vmul.f32 $8.000000000e+00, v13;
	v12 =	vld [tilespmem:s30+$0xFFFFFFB0];
	v13 =	vadd.s32 v3, v23  }
0x265: {  	v14 =	vmul.f32 $8.000000000e+00, v14;
	[tilespmem:v6+s26+$0x0] =	vst.idx.msk $0xffff, v8;
	v6 =	vadd.s32 v3, v25  }
0x266: {  	[tilespmem:v7+s26+$0x0] =	vst.idx.msk $0xffff, v5;
	v7 =	vadd.s32 v3, v9;
	v5 =	vmul.f32 $8.000000000e+00, v10  }
0x267: {  	[tilespmem:v4+s26+$0x0] =	vst.idx.msk $0xffff, v14;
	v4 =	vmul.f32 $8.000000000e+00, v16  }
0x268: {  	s1 =	sshll.u32 s28, $0x12;
	[tilespmem:v15+s26+$0x0] =	vst.idx.msk $0xffff, v5;
	v5 =	vmul.f32 $8.000000000e+00, v11  }
0x269: {  	s0 =	sor.u32 s6, s1;
	v8 =	vmul.f32 $8.000000000e+00, v12;
	[tilespmem:v13+s26+$0x0] =	vst.idx.msk $0xffff, v4  }
0x26a: {  	s28 =	sshrl.u32 s0, $0x3;
	[tilespmem:v6+s26+$0x0] =	vst.idx.msk $0xffff, v5  }
0x26b: {  	s0 =	sadd.s32 s2, s28;
	[tilespmem:v7+s26+$0x0] =	vst.idx.msk $0xffff, v8  }
0x26c: {  	[hbm4b:s0+s3] =	stream.linear.scatter [tilespmem:s26], [sflag:$0x7], $0x80, $0x38;
	[tilespmem:$0x16C00] =	vst v63  }
0x26d: {  	s1 =	sadd.s32 $0x10, s0;
	s29 =	simm.s32 $0x12888  }
0x26e: {  	[hbm4b:s1+s3] =	stream.linear.scatter [tilespmem:s29], [sflag:$0x7], $0x80, $0x38;
	[tilespmem:$0x16C00] =	vst v63  }
0x26f: {  	s30 =	sadd.s32 $0x20, s0;
	s29 =	simm.s32 $0x12910  }
0x270: {  	[hbm4b:s30+s3] =	stream.linear.scatter [tilespmem:s29], [sflag:$0x7], $0x80, $0x38;
	[tilespmem:$0x16C00] =	vst v63  }
0x271: {  	s31 =	sadd.s32 $0x30, s0;
	s29 =	simm.s32 $0x12998  }
0x272: {  	[hbm4b:s31+s3] =	stream.linear.scatter [tilespmem:s29], [sflag:$0x7], $0x80, $0x38;
	[tilespmem:$0x16C00] =	vst v63  }
0x273: {  	s30 =	sadd.s32 $0x40, s0;
	s29 =	simm.s32 $0x12A20  }
0x274: {  	[hbm4b:s30+s3] =	stream.linear.scatter [tilespmem:s29], [sflag:$0x7], $0x80, $0x38;
	[tilespmem:$0x16C00] =	vst v63  }
0x275: {  	s31 =	sadd.s32 $0x50, s0;
	s29 =	simm.s32 $0x12AA8  }
0x276: {  	[hbm4b:s31+s3] =	stream.linear.scatter [tilespmem:s29], [sflag:$0x7], $0x80, $0x38;
	[tilespmem:$0x16C00] =	vst v63  }
0x277: {  	s30 =	sadd.s32 $0x60, s0;
	s29 =	simm.s32 $0x12B30  }
0x278: {  	[hbm4b:s30+s3] =	stream.linear.scatter [tilespmem:s29], [sflag:$0x7], $0x80, $0x38;
	[tilespmem:$0x16C00] =	vst v63  }
0x279: {  	s0 =	sadd.s32 $0x70, s0;
	s31 =	simm.s32 $0x12BB8  }
0x27a: {  	[hbm4b:s0+s3] =	stream.linear.scatter [tilespmem:s31], [sflag:$0x7], $0x80, $0x38;
	[tilespmem:$0x16C00] =	vst v63  }
0x27b: {  	s30 =	simm.s32 $0x12C40;
	s0 =	sadd.s32 s28, s7  }
0x27c: {  	[hbm4b:s0+s3] =	stream.linear.scatter [tilespmem:s30], [sflag:$0x7], $0x80, $0x38;
	[tilespmem:$0x16C00] =	vst v63  }
0x27d: {  	s29 =	simm.s32 $0x12CC8;
	s31 =	sadd.s32 $0x10, s0  }
0x27e: {  	[hbm4b:s31+s3] =	stream.linear.scatter [tilespmem:s29], [sflag:$0x7], $0x80, $0x38;
	[tilespmem:$0x16C00] =	vst v63  }
0x27f: {  	s30 =	sadd.s32 $0x20, s0;
	s29 =	simm.s32 $0x12D50  }
0x280: {  	[hbm4b:s30+s3] =	stream.linear.scatter [tilespmem:s29], [sflag:$0x7], $0x80, $0x38;
	[tilespmem:$0x16C00] =	vst v63  }
0x281: {  	s31 =	sadd.s32 $0x30, s0;
	s29 =	simm.s32 $0x12DD8  }
0x282: {  	[hbm4b:s31+s3] =	stream.linear.scatter [tilespmem:s29], [sflag:$0x7], $0x80, $0x38;
	[tilespmem:$0x16C00] =	vst v63  }
0x283: {  	s30 =	sadd.s32 $0x40, s0;
	s29 =	simm.s32 $0x12E60  }
0x284: {  	[hbm4b:s30+s3] =	stream.linear.scatter [tilespmem:s29], [sflag:$0x7], $0x80, $0x38;
	[tilespmem:$0x16C00] =	vst v63  }
0x285: {  	s31 =	sadd.s32 $0x50, s0;
	s29 =	simm.s32 $0x12EE8  }
0x286: {  	[hbm4b:s31+s3] =	stream.linear.scatter [tilespmem:s29], [sflag:$0x7], $0x80, $0x38;
	[tilespmem:$0x16C00] =	vst v63  }
0x287: {  	s30 =	sadd.s32 $0x60, s0;
	s29 =	simm.s32 $0x12F70  }
0x288: {  	[hbm4b:s30+s3] =	stream.linear.scatter [tilespmem:s29], [sflag:$0x7], $0x80, $0x38;
	[tilespmem:$0x16C00] =	vst v63  }
0x289: {  	s0 =	sadd.s32 $0x70, s0;
	s31 =	simm.s32 $0x12FF8  }
0x28a: {  	[hbm4b:s0+s3] =	stream.linear.scatter [tilespmem:s31], [sflag:$0x7], $0x80, $0x38;
	[tilespmem:$0x16C00] =	vst v63  }
0x28b: {  	s30 =	simm.s32 $0x13080;
	s0 =	sadd.s32 s28, s8  }
0x28c: {  	[hbm4b:s0+s3] =	stream.linear.scatter [tilespmem:s30], [sflag:$0x7], $0x80, $0x38;
	[tilespmem:$0x16C00] =	vst v63  }
0x28d: {  	s29 =	simm.s32 $0x13108;
	s31 =	sadd.s32 $0x10, s0  }
0x28e: {  	[hbm4b:s31+s3] =	stream.linear.scatter [tilespmem:s29], [sflag:$0x7], $0x80, $0x38;
	[tilespmem:$0x16C00] =	vst v63  }
0x28f: {  	s30 =	sadd.s32 $0x20, s0;
	s29 =	simm.s32 $0x13190  }
0x290: {  	[hbm4b:s30+s3] =	stream.linear.scatter [tilespmem:s29], [sflag:$0x7], $0x80, $0x38;
	[tilespmem:$0x16C00] =	vst v63  }
0x291: {  	s31 =	sadd.s32 $0x30, s0;
	s29 =	simm.s32 $0x13218  }
0x292: {  	[hbm4b:s31+s3] =	stream.linear.scatter [tilespmem:s29], [sflag:$0x7], $0x80, $0x38;
	[tilespmem:$0x16C00] =	vst v63  }
0x293: {  	s30 =	sadd.s32 $0x40, s0;
	s29 =	simm.s32 $0x132A0  }
0x294: {  	[hbm4b:s30+s3] =	stream.linear.scatter [tilespmem:s29], [sflag:$0x7], $0x80, $0x38;
	[tilespmem:$0x16C00] =	vst v63  }
0x295: {  	s31 =	sadd.s32 $0x50, s0;
	s29 =	simm.s32 $0x13328  }
0x296: {  	[hbm4b:s31+s3] =	stream.linear.scatter [tilespmem:s29], [sflag:$0x7], $0x80, $0x38;
	[tilespmem:$0x16C00] =	vst v63  }
0x297: {  	s30 =	sadd.s32 $0x60, s0;
	s29 =	simm.s32 $0x133B0  }
0x298: {  	[hbm4b:s30+s3] =	stream.linear.scatter [tilespmem:s29], [sflag:$0x7], $0x80, $0x38;
	[tilespmem:$0x16C00] =	vst v63  }
0x299: {  	s0 =	sadd.s32 $0x70, s0;
	s31 =	simm.s32 $0x13438  }
0x29a: {  	[hbm4b:s0+s3] =	stream.linear.scatter [tilespmem:s31], [sflag:$0x7], $0x80, $0x38;
	[tilespmem:$0x16C00] =	vst v63  }
0x29b: {  	s30 =	simm.s32 $0x134C0;
	s0 =	sadd.s32 s28, s9  }
0x29c: {  	[hbm4b:s0+s3] =	stream.linear.scatter [tilespmem:s30], [sflag:$0x7], $0x80, $0x38;
	[tilespmem:$0x16C00] =	vst v63  }
0x29d: {  	s29 =	simm.s32 $0x13548;
	s31 =	sadd.s32 $0x10, s0  }
0x29e: {  	[hbm4b:s31+s3] =	stream.linear.scatter [tilespmem:s29], [sflag:$0x7], $0x80, $0x38;
	[tilespmem:$0x16C00] =	vst v63  }
0x29f: {  	s30 =	sadd.s32 $0x20, s0;
	s29 =	simm.s32 $0x135D0  }
0x2a0: {  	[hbm4b:s30+s3] =	stream.linear.scatter [tilespmem:s29], [sflag:$0x7], $0x80, $0x38;
	[tilespmem:$0x16C00] =	vst v63  }
0x2a1: {  	s31 =	sadd.s32 $0x30, s0;
	s29 =	simm.s32 $0x13658  }
0x2a2: {  	[hbm4b:s31+s3] =	stream.linear.scatter [tilespmem:s29], [sflag:$0x7], $0x80, $0x38;
	[tilespmem:$0x16C00] =	vst v63  }
0x2a3: {  	s30 =	sadd.s32 $0x40, s0;
	s29 =	simm.s32 $0x136E0  }
0x2a4: {  	[hbm4b:s30+s3] =	stream.linear.scatter [tilespmem:s29], [sflag:$0x7], $0x80, $0x38;
	[tilespmem:$0x16C00] =	vst v63  }
0x2a5: {  	s31 =	sadd.s32 $0x50, s0;
	s29 =	simm.s32 $0x13768  }
0x2a6: {  	[hbm4b:s31+s3] =	stream.linear.scatter [tilespmem:s29], [sflag:$0x7], $0x80, $0x38;
	[tilespmem:$0x16C00] =	vst v63  }
0x2a7: {  	s30 =	sadd.s32 $0x60, s0;
	s29 =	simm.s32 $0x137F0  }
0x2a8: {  	[hbm4b:s30+s3] =	stream.linear.scatter [tilespmem:s29], [sflag:$0x7], $0x80, $0x38;
	[tilespmem:$0x16C00] =	vst v63  }
0x2a9: {  	s0 =	sadd.s32 $0x70, s0;
	s31 =	simm.s32 $0x13878  }
0x2aa: {  	[hbm4b:s0+s3] =	stream.linear.scatter [tilespmem:s31], [sflag:$0x7], $0x80, $0x38;
	[tilespmem:$0x16C00] =	vst v63  }
0x2ab: {  	s30 =	simm.s32 $0x13900;
	s0 =	sadd.s32 s28, s10  }
0x2ac: {  	[hbm4b:s0+s3] =	stream.linear.scatter [tilespmem:s30], [sflag:$0x7], $0x80, $0x38;
	[tilespmem:$0x16C00] =	vst v63  }
0x2ad: {  	s29 =	simm.s32 $0x13988;
	s31 =	sadd.s32 $0x10, s0  }
0x2ae: {  	[hbm4b:s31+s3] =	stream.linear.scatter [tilespmem:s29], [sflag:$0x7], $0x80, $0x38;
	[tilespmem:$0x16C00] =	vst v63  }
0x2af: {  	s30 =	sadd.s32 $0x20, s0;
	s29 =	simm.s32 $0x13A10  }
0x2b0: {  	[hbm4b:s30+s3] =	stream.linear.scatter [tilespmem:s29], [sflag:$0x7], $0x80, $0x38;
	[tilespmem:$0x16C00] =	vst v63  }
0x2b1: {  	s31 =	sadd.s32 $0x30, s0;
	s29 =	simm.s32 $0x13A98  }
0x2b2: {  	[hbm4b:s31+s3] =	stream.linear.scatter [tilespmem:s29], [sflag:$0x7], $0x80, $0x38;
	[tilespmem:$0x16C00] =	vst v63  }
0x2b3: {  	s30 =	sadd.s32 $0x40, s0;
	s29 =	simm.s32 $0x13B20  }
0x2b4: {  	[hbm4b:s30+s3] =	stream.linear.scatter [tilespmem:s29], [sflag:$0x7], $0x80, $0x38;
	[tilespmem:$0x16C00] =	vst v63  }
0x2b5: {  	s31 =	sadd.s32 $0x50, s0;
	s29 =	simm.s32 $0x13BA8  }
0x2b6: {  	[hbm4b:s31+s3] =	stream.linear.scatter [tilespmem:s29], [sflag:$0x7], $0x80, $0x38;
	[tilespmem:$0x16C00] =	vst v63  }
0x2b7: {  	s30 =	sadd.s32 $0x60, s0;
	s29 =	simm.s32 $0x13C30  }
0x2b8: {  	[hbm4b:s30+s3] =	stream.linear.scatter [tilespmem:s29], [sflag:$0x7], $0x80, $0x38;
	[tilespmem:$0x16C00] =	vst v63  }
0x2b9: {  	s0 =	sadd.s32 $0x70, s0;
	s31 =	simm.s32 $0x13CB8  }
0x2ba: {  	[hbm4b:s0+s3] =	stream.linear.scatter [tilespmem:s31], [sflag:$0x7], $0x80, $0x38;
	[tilespmem:$0x16C00] =	vst v63  }
0x2bb: {  	s30 =	simm.s32 $0x13D40;
	s0 =	sadd.s32 s28, s11  }
0x2bc: {  	[hbm4b:s0+s3] =	stream.linear.scatter [tilespmem:s30], [sflag:$0x7], $0x80, $0x38;
	[tilespmem:$0x16C00] =	vst v63  }
0x2bd: {  	s29 =	simm.s32 $0x13DC8;
	s31 =	sadd.s32 $0x10, s0  }
0x2be: {  	[hbm4b:s31+s3] =	stream.linear.scatter [tilespmem:s29], [sflag:$0x7], $0x80, $0x38;
	[tilespmem:$0x16C00] =	vst v63  }
0x2bf: {  	s30 =	sadd.s32 $0x20, s0;
	s29 =	simm.s32 $0x13E50  }
0x2c0: {  	[hbm4b:s30+s3] =	stream.linear.scatter [tilespmem:s29], [sflag:$0x7], $0x80, $0x38;
	[tilespmem:$0x16C00] =	vst v63  }
0x2c1: {  	s31 =	sadd.s32 $0x30, s0;
	s29 =	simm.s32 $0x13ED8  }
0x2c2: {  	[hbm4b:s31+s3] =	stream.linear.scatter [tilespmem:s29], [sflag:$0x7], $0x80, $0x38;
	[tilespmem:$0x16C00] =	vst v63  }
0x2c3: {  	s30 =	sadd.s32 $0x40, s0;
	s29 =	simm.s32 $0x13F60  }
0x2c4: {  	[hbm4b:s30+s3] =	stream.linear.scatter [tilespmem:s29], [sflag:$0x7], $0x80, $0x38;
	[tilespmem:$0x16C00] =	vst v63  }
0x2c5: {  	s31 =	sadd.s32 $0x50, s0;
	s29 =	simm.s32 $0x13FE8  }
0x2c6: {  	[hbm4b:s31+s3] =	stream.linear.scatter [tilespmem:s29], [sflag:$0x7], $0x80, $0x38;
	[tilespmem:$0x16C00] =	vst v63  }
0x2c7: {  	s30 =	sadd.s32 $0x60, s0;
	s29 =	simm.s32 $0x14070  }
0x2c8: {  	[hbm4b:s30+s3] =	stream.linear.scatter [tilespmem:s29], [sflag:$0x7], $0x80, $0x38;
	[tilespmem:$0x16C00] =	vst v63  }
0x2c9: {  	s0 =	sadd.s32 $0x70, s0;
	s31 =	simm.s32 $0x140F8  }
0x2ca: {  	[hbm4b:s0+s3] =	stream.linear.scatter [tilespmem:s31], [sflag:$0x7], $0x80, $0x38;
	[tilespmem:$0x16C00] =	vst v63  }
0x2cb: {  	s30 =	simm.s32 $0x14180;
	s0 =	sadd.s32 s28, s12  }
0x2cc: {  	[hbm4b:s0+s3] =	stream.linear.scatter [tilespmem:s30], [sflag:$0x7], $0x80, $0x38;
	[tilespmem:$0x16C00] =	vst v63  }
0x2cd: {  	s29 =	simm.s32 $0x14208;
	s31 =	sadd.s32 $0x10, s0  }
0x2ce: {  	[hbm4b:s31+s3] =	stream.linear.scatter [tilespmem:s29], [sflag:$0x7], $0x80, $0x38;
	[tilespmem:$0x16C00] =	vst v63  }
0x2cf: {  	s30 =	sadd.s32 $0x20, s0;
	s29 =	simm.s32 $0x14290  }
0x2d0: {  	[hbm4b:s30+s3] =	stream.linear.scatter [tilespmem:s29], [sflag:$0x7], $0x80, $0x38;
	[tilespmem:$0x16C00] =	vst v63  }
0x2d1: {  	s31 =	sadd.s32 $0x30, s0;
	s29 =	simm.s32 $0x14318  }
0x2d2: {  	[hbm4b:s31+s3] =	stream.linear.scatter [tilespmem:s29], [sflag:$0x7], $0x80, $0x38;
	[tilespmem:$0x16C00] =	vst v63  }
0x2d3: {  	s30 =	sadd.s32 $0x40, s0;
	s29 =	simm.s32 $0x143A0  }
0x2d4: {  	[hbm4b:s30+s3] =	stream.linear.scatter [tilespmem:s29], [sflag:$0x7], $0x80, $0x38;
	[tilespmem:$0x16C00] =	vst v63  }
0x2d5: {  	s31 =	sadd.s32 $0x50, s0;
	s29 =	simm.s32 $0x14428  }
0x2d6: {  	[hbm4b:s31+s3] =	stream.linear.scatter [tilespmem:s29], [sflag:$0x7], $0x80, $0x38;
	[tilespmem:$0x16C00] =	vst v63  }
0x2d7: {  	s30 =	sadd.s32 $0x60, s0;
	s29 =	simm.s32 $0x144B0  }
0x2d8: {  	[hbm4b:s30+s3] =	stream.linear.scatter [tilespmem:s29], [sflag:$0x7], $0x80, $0x38;
	[tilespmem:$0x16C00] =	vst v63  }
0x2d9: {  	s0 =	sadd.s32 $0x70, s0;
	s31 =	simm.s32 $0x14538  }
0x2da: {  	[hbm4b:s0+s3] =	stream.linear.scatter [tilespmem:s31], [sflag:$0x7], $0x80, $0x38;
	[tilespmem:$0x16C00] =	vst v63  }
0x2db: {  	s30 =	simm.s32 $0x145C0;
	s0 =	sadd.s32 s28, s13  }
0x2dc: {  	[hbm4b:s0+s3] =	stream.linear.scatter [tilespmem:s30], [sflag:$0x7], $0x80, $0x38;
	[tilespmem:$0x16C00] =	vst v63  }
0x2dd: {  	s28 =	simm.s32 $0x14648;
	s31 =	sadd.s32 $0x10, s0  }
0x2de: {  	[hbm4b:s31+s3] =	stream.linear.scatter [tilespmem:s28], [sflag:$0x7], $0x80, $0x38;
	[tilespmem:$0x16C00] =	vst v63  }
0x2df: {  	s30 =	sadd.s32 $0x20, s0;
	s28 =	simm.s32 $0x146D0  }
0x2e0: {  	[hbm4b:s30+s3] =	stream.linear.scatter [tilespmem:s28], [sflag:$0x7], $0x80, $0x38;
	[tilespmem:$0x16C00] =	vst v63  }
0x2e1: {  	s31 =	sadd.s32 $0x30, s0;
	s28 =	simm.s32 $0x14758  }
0x2e2: {  	[hbm4b:s31+s3] =	stream.linear.scatter [tilespmem:s28], [sflag:$0x7], $0x80, $0x38;
	[tilespmem:$0x16C00] =	vst v63  }
0x2e3: {  	s30 =	sadd.s32 $0x40, s0;
	s28 =	simm.s32 $0x147E0  }
0x2e4: {  	[hbm4b:s30+s3] =	stream.linear.scatter [tilespmem:s28], [sflag:$0x7], $0x80, $0x38;
	[tilespmem:$0x16C00] =	vst v63  }
0x2e5: {  	s31 =	sadd.s32 $0x50, s0;
	s28 =	simm.s32 $0x14868  }
0x2e6: {  	[hbm4b:s31+s3] =	stream.linear.scatter [tilespmem:s28], [sflag:$0x7], $0x80, $0x38;
	[tilespmem:$0x16C00] =	vst v63  }
0x2e7: {  	s14 =	sor.u32 $0x3, s14;
	s30 =	sadd.s32 $0x60, s0;
	s28 =	simm.s32 $0x148F0  }
0x2e8: {  	[hbm4b:s30+s3] =	stream.linear.scatter [tilespmem:s28], [sflag:$0x7], $0x80, $0x38;
	[tilespmem:$0x16C00] =	vst v63  }
0x2e9: {  	p1 =	sgt.u32 s14, $0xC4;
	s0 =	sadd.s32 $0x70, s0;
	s31 =	simm.s32 $0x14978  }
0x2ea: {  	[hbm4b:s0+s3] =	stream.linear.scatter [tilespmem:s31], [sflag:$0x7], $0x80, $0x38;
	[tilespmem:$0x16C00] =	vst v63  }
0x2eb: {  	s1 =	simm.s32 @!p1 $0x80;
	s0 =	sadd.s32 @!p1 $0x300, s20;
	s20 =	simm.s32 @!p1 $0xA400  }
0x2ec: {  	[tilespmem:s20], [sflag:$0x3] =	stream.indirect.gather @!p1 [hbm4b:s4+s1], $0x40, s0, s1, $0xb8;
	[tilespmem:$0x16C00] =	vst v63  }
0x2ed: {  	_ =	swait.ge [sflag:s17], $0x2000  }
0x2ee: {  	[sflag:s17] =	ssyncset.done $0x0  }
0x2ef: {  	s0 =	simm.s32 @!p0 $0x8;
	[sflag:s17] =	ssyncadd.s32 $0xFFFFE000  }
0x2f0: {  	_ =	swait.ge @!p0 [sflag:s0], $0x400  }
0x2f1: {  	[sflag:s0] =	ssyncset.done @!p0 $0x0  }
0x2f2: {  	[sflag:s0] =	ssyncadd.s32 @!p0 $0xFFFFFC00  }
0x2f3: {  	_ =	swait.ge @!p0 [sflag:s0], $0x400  }
0x2f4: {  	[sflag:s0] =	ssyncset.done @!p0 $0x0  }
0x2f5: {  	[sflag:s0] =	ssyncadd.s32 @!p0 $0xFFFFFC00  }
0x2f6: {  	_ =	swait.ge @!p0 [sflag:s0], $0x400  }
0x2f7: {  	[sflag:s0] =	ssyncset.done @!p0 $0x0  }
0x2f8: {  	[sflag:s0] =	ssyncadd.s32 @!p0 $0xFFFFFC00  }
0x2f9: {  	_ =	swait.ge @!p0 [sflag:s0], $0x400  }
0x2fa: {  	[sflag:s0] =	ssyncset.done @!p0 $0x0  }
0x2fb: {  	[sflag:s0] =	ssyncadd.s32 @!p0 $0xFFFFFC00  }
0x2fc: {  	_ =	swait.ge @!p0 [sflag:s0], $0x400  }
0x2fd: {  	[sflag:s0] =	ssyncset.done @!p0 $0x0  }
0x2fe: {  	[sflag:s0] =	ssyncadd.s32 @!p0 $0xFFFFFC00  }
0x2ff: {  	_ =	swait.ge @!p0 [sflag:s0], $0x400  }
0x300: {  	[sflag:s0] =	ssyncset.done @!p0 $0x0  }
0x301: {  	[sflag:s0] =	ssyncadd.s32 @!p0 $0xFFFFFC00  }
0x302: {  	_ =	swait.ge @!p0 [sflag:s0], $0x400  }
0x303: {  	[sflag:s0] =	ssyncset.done @!p0 $0x0  }
0x304: {  	[sflag:s0] =	ssyncadd.s32 @!p0 $0xFFFFFC00  }
0x305: {  	_ =	swait.ge @!p0 [sflag:s0], $0x400  }
0x306: {  	[sflag:s0] =	ssyncset.done @!p0 $0x0  }
0x307: {  	s28 =	simm.s32 $0xC480;
	s30 =	simm.s32 $0x3;
	[sflag:s0] =	ssyncadd.s32 @!p0 $0xFFFFFC00  }
0x308: {  	v4 =	vmov s30;
	v5 =	vld [tilespmem:s28+$0x40]  }
0x309: {  	v9 =	vand.u32 $0x7F, v4  }
0x30a: {  	s31 =	simm.s32 $0x0;
	v4 =	vadd.s32 v0, v9  }
0x30b: {  	v6 =	vmov s31;
	s1 =	simm.s32 $0x1;
	s20 =	simm.s32 $0x2;
	v7 =	vld [tilespmem:s28+$0xFFFFFF80]  }
0x30c: {  	v8 =	vand.u32 $0x7C, v6;
	v6 =	vmov s1;
	v11 =	vmov s20;
	v10 =	vld [tilespmem:s28+$0xFFFFFFC0]  }
0x30d: {  	v12 =	vadd.s32 v0, v8;
	v15 =	vand.u32 $0x7D, v6;
	v6 =	vld [tilespmem:s28+$0x0];
	v5 =	vmul.f32 $8.000000000e+00, v5  }
0x30e: {  	v17 =	vand.u32 $0x7E, v11;
	v13 =	vadd.s32 v0, v15  }
0x30f: {  	v11 =	vadd.s32 v0, v17;
	[tilespmem:v4+s22+$0x0] =	vst.idx.msk $0xffff, v5  }
0x310: {  	v4 =	vmul.f32 $8.000000000e+00, v7;
	v5 =	vld [tilespmem:s28+$0x50]  }
0x311: {  	v7 =	vmul.f32 $8.000000000e+00, v10  }
0x312: {  	[tilespmem:v12+s22+$0x0] =	vst.idx.msk $0xffff, v4;
	v4 =	vmul.f32 $8.000000000e+00, v6;
	v6 =	vadd.s32 v1, v9  }
0x313: {  	[tilespmem:v13+s22+$0x0] =	vst.idx.msk $0xffff, v7;
	v10 =	vld [tilespmem:s28+$0xFFFFFF90]  }
0x314: {  	v7 =	vld [tilespmem:s28+$0xFFFFFFD0];
	[tilespmem:v11+s22+$0x0] =	vst.idx.msk $0xffff, v4  }
0x315: {  	v11 =	vld [tilespmem:s28+$0x10];
	v4 =	vmul.f32 $8.000000000e+00, v5  }
0x316: {  	s30 =	simm.s32 $0x4;
	s31 =	simm.s32 $0x7;
	s20 =	simm.s32 $0xC580;
	v12 =	vadd.s32 v1, v15  }
0x317: {  	v14 =	vld [tilespmem:s20+$0x40];
	v13 =	vadd.s32 v1, v17;
	v5 =	vmov s30;
	[tilespmem:v6+s22+$0x0] =	vst.idx.msk $0xffff, v4;
	v6 =	vmov s31  }
0x318: {  	v16 =	vadd.s32 v1, v8;
	v4 =	vand.u32 $0x7C, v5;
	v5 =	vand.u32 $0x7F, v6;
	v18 =	vld [tilespmem:s28+$0x60]  }
0x319: {  	v22 =	vadd.s32 v2, v9;
	s1 =	simm.s32 $0x5;
	v19 =	vld [tilespmem:s20+$0xFFFFFF80];
	v6 =	vmul.f32 $8.000000000e+00, v7;
	v20 =	vadd.s32 v0, v5  }
0x31a: {  	v21 =	vld [tilespmem:s20+$0xFFFFFFC0];
	s30 =	simm.s32 $0x6;
	v10 =	vmul.f32 $8.000000000e+00, v10;
	v7 =	vmul.f32 $8.000000000e+00, v11;
	v11 =	vmov s1  }
0x31b: {  	v23 =	vadd.s32 v0, v4;
	[tilespmem:v12+s22+$0x0] =	vst.idx.msk $0xffff, v6;
	v12 =	vmov s30;
	v6 =	vand.u32 $0x7D, v11;
	v11 =	vld [tilespmem:s20+$0x0]  }
0x31c: {  	[tilespmem:v13+s22+$0x0] =	vst.idx.msk $0xffff, v7;
	v13 =	vadd.s32 v0, v6;
	v7 =	vand.u32 $0x7E, v12;
	v12 =	vmul.f32 $8.000000000e+00, v14;
	v14 =	vld [tilespmem:s28+$0xFFFFFFE0]  }
0x31d: {  	[tilespmem:v16+s22+$0x0] =	vst.idx.msk $0xffff, v10;
	v10 =	vadd.s32 v0, v7;
	v16 =	vld [tilespmem:s28+$0x20];
	v18 =	vmul.f32 $8.000000000e+00, v18  }
0x31e: {  	v19 =	vmul.f32 $8.000000000e+00, v19;
	[tilespmem:v20+s22+$0x0] =	vst.idx.msk $0xffff, v12;
	v12 =	vld [tilespmem:s28+$0xFFFFFFA0];
	v20 =	vadd.s32 v2, v15  }
0x31f: {  	v60 =	vadd.s32 v2, v17;
	v21 =	vmul.f32 $8.000000000e+00, v21;
	v59 =	vld [tilespmem:s20+$0x50];
	[tilespmem:v22+s22+$0x0] =	vst.idx.msk $0xffff, v18  }
0x320: {  	[tilespmem:v23+s22+$0x0] =	vst.idx.msk $0xffff, v19;
	v19 =	vadd.s32 v2, v8;
	v11 =	vmul.f32 $8.000000000e+00, v11;
	v22 =	vld [tilespmem:s28+$0x70]  }
0x321: {  	v23 =	vld [tilespmem:s20+$0xFFFFFF90];
	[tilespmem:v13+s22+$0x0] =	vst.idx.msk $0xffff, v21;
	v21 =	vadd.s32 v1, v5;
	v14 =	vmul.f32 $8.000000000e+00, v14  }
0x322: {  	v62 =	vadd.s32 v3, v9;
	v61 =	vld [tilespmem:s20+$0xFFFFFFD0];
	[tilespmem:v10+s22+$0x0] =	vst.idx.msk $0xffff, v11;
	v10 =	vmul.f32 $8.000000000e+00, v16  }
0x323: {  	v18 =	vadd.s32 v1, v4;
	v13 =	vld [tilespmem:s20+$0x10];
	v9 =	vmul.f32 $8.000000000e+00, v12;
	[tilespmem:v20+s22+$0x0] =	vst.idx.msk $0xffff, v14  }
0x324: {  	s29 =	simm.s32 $0x8;
	v16 =	vadd.s32 v1, v6;
	[tilespmem:v60+s22+$0x0] =	vst.idx.msk $0xffff, v10;
	v14 =	vmul.f32 $8.000000000e+00, v59;
	v12 =	vld [tilespmem:s28+$0xFFFFFFF0]  }
0x325: {  	v20 =	vmov s29;
	v10 =	vadd.s32 v1, v7;
	v11 =	vld [tilespmem:s28+$0x30];
	[tilespmem:v19+s22+$0x0] =	vst.idx.msk $0xffff, v9;
	v63 =	vmul.f32 $8.000000000e+00, v22  }
0x326: {  	s31 =	simm.s32 $0xB;
	v15 =	vadd.s32 v3, v15;
	v9 =	vand.u32 $0x7C, v20;
	v20 =	vmul.f32 $8.000000000e+00, v23;
	[tilespmem:v21+s22+$0x0] =	vst.idx.msk $0xffff, v14;
	v14 =	vld [tilespmem:s28+$0xFFFFFFB0];
	s28 =	simm.s32 $0xC680  }
0x327: {  	v17 =	vadd.s32 v3, v17;
	s1 =	simm.s32 $0xC;
	v22 =	vmov s31;
	v21 =	vmul.f32 $8.000000000e+00, v61;
	v19 =	vld [tilespmem:s28+$0x40];
	[tilespmem:v62+s22+$0x0] =	vst.idx.msk $0xffff, v63  }
.LBB2_9:
0x328: {  	p0 =	slt.u32 s1, $0x7C;
	s0 =	sadd.s32 $0x1, s29;
	v22 =	vand.u32 $0x7F, v22;
	[tilespmem:v18+s22+$0x0] =	vst.idx.msk $0xffff, v20;
	v13 =	vmul.f32 $8.000000000e+00, v13;
	v18 =	vld [tilespmem:s20+$0x60];
	v20 =	vadd.s32 v3, v8;
	v8 =	vmovc v4  }
0x329: {  	v4 =	vmovc v9;
	v23 =	vld [tilespmem:s28+$0xFFFFFF80];
	v24 =	vmov s0;
	s0 =	sadd.s32 $0x2, s29;
	v25 =	vadd.s32 v0, v22;
	[tilespmem:v16+s22+$0x0] =	vst.idx.msk $0xffff, v21;
	v12 =	vmul.f32 $8.000000000e+00, v12;
	s29 =	smov.u32 s1  }
0x32a: {  	v9 =	vld [tilespmem:s28+$0xFFFFFFC0];
	v16 =	vmov s0;
	[tilespmem:v10+s22+$0x0] =	vst.idx.msk $0xffff, v13;
	v10 =	vadd.s32 v2, v5;
	v11 =	vmul.f32 $8.000000000e+00, v11  }
0x32b: {  	v13 =	vadd.s32 v0, v4;
	v21 =	vand.u32 $0x7D, v24;
	v24 =	vld [tilespmem:s28+$0x0];
	v14 =	vmul.f32 $8.000000000e+00, v14;
	[tilespmem:v15+s22+$0x0] =	vst.idx.msk $0xffff, v12  }
0x32c: {  	v12 =	vadd.s32 v0, v21;
	v26 =	vand.u32 $0x7E, v16;
	v15 =	vmul.f32 $8.000000000e+00, v19;
	v16 =	vld [tilespmem:s20+$0xFFFFFFE0];
	[tilespmem:v17+s22+$0x0] =	vst.idx.msk $0xffff, v11  }
0x32d: {  	v11 =	vadd.s32 v0, v26;
	v17 =	vld [tilespmem:s20+$0x20];
	v18 =	vmul.f32 $8.000000000e+00, v18;
	[tilespmem:v20+s22+$0x0] =	vst.idx.msk $0xffff, v14  }
0x32e: {  	v19 =	vadd.s32 v2, v6;
	v14 =	vmul.f32 $8.000000000e+00, v23;
	[tilespmem:v25+s22+$0x0] =	vst.idx.msk $0xffff, v15;
	v15 =	vld [tilespmem:s20+$0xFFFFFFA0]  }
0x32f: {  	v23 =	vadd.s32 v2, v7;
	v9 =	vmul.f32 $8.000000000e+00, v9;
	v20 =	vld [tilespmem:s28+$0x50];
	[tilespmem:v10+s22+$0x0] =	vst.idx.msk $0xffff, v18  }
0x330: {  	[tilespmem:v13+s22+$0x0] =	vst.idx.msk $0xffff, v14;
	v10 =	vmul.f32 $8.000000000e+00, v24;
	v14 =	vadd.s32 v2, v8;
	v24 =	vld [tilespmem:s20+$0x70]  }
0x331: {  	v27 =	vadd.s32 v1, v22;
	v25 =	vld [tilespmem:s28+$0xFFFFFF90];
	[tilespmem:v12+s22+$0x0] =	vst.idx.msk $0xffff, v9;
	v9 =	vmul.f32 $8.000000000e+00, v16  }
0x332: {  	v29 =	vadd.s32 v3, v5;
	v5 =	vmov v22;
	v28 =	vld [tilespmem:s28+$0xFFFFFFD0];
	[tilespmem:v11+s22+$0x0] =	vst.idx.msk $0xffff, v10;
	v10 =	vmul.f32 $8.000000000e+00, v17  }
.Ltmp3:
0x333: {  	v18 =	vadd.s32 v1, v4;
	v13 =	vld [tilespmem:s28+$0x10];
	v11 =	vmul.f32 $8.000000000e+00, v15;
	[tilespmem:v19+s22+$0x0] =	vst.idx.msk $0xffff, v9;
	(pc) =	sbr.rel @p0 .LBB2_9-.Ltmp3, $4  }
0x334: {  	v16 =	vadd.s32 v1, v21;
	v15 =	vmul.f32 $8.000000000e+00, v20;
	v12 =	vld [tilespmem:s20+$0xFFFFFFF0];
	[tilespmem:v23+s22+$0x0] =	vst.idx.msk $0xffff, v10  }
0x335: {  	v9 =	vmov s1;
	v10 =	vadd.s32 v1, v26;
	[tilespmem:v14+s22+$0x0] =	vst.idx.msk $0xffff, v11;
	v11 =	vld [tilespmem:s20+$0x30];
	v23 =	vmul.f32 $8.000000000e+00, v24  }
0x336: {  	s0 =	sadd.s32 $0x3, s1;
	v9 =	vand.u32 $0x7C, v9;
	v20 =	vmul.f32 $8.000000000e+00, v25;
	[tilespmem:v27+s22+$0x0] =	vst.idx.msk $0xffff, v15;
	v14 =	vld [tilespmem:s20+$0xFFFFFFB0];
	v15 =	vadd.s32 v3, v6;
	v6 =	vmovc v21;
	s20 =	smov.u32 s28;
	s28 =	sadd.s32 $0x100, s28  }
0x337: {  	v22 =	vmov s0;
	v17 =	vadd.s32 v3, v7;
	v7 =	vmovc v26;
	s1 =	sadd.s32 $0x4, s1;
	v19 =	vld [tilespmem:s28+$0x40];
	v21 =	vmul.f32 $8.000000000e+00, v28;
	[tilespmem:v29+s22+$0x0] =	vst.idx.msk $0xffff, v23  }
0x338: {  	s0 =	sadd.s32 $0x1, s29;
	v22 =	vand.u32 $0x7F, v22;
	v28 =	vld [tilespmem:s28+$0xFFFFFF80]  }
0x339: {  	s1 =	sadd.s32 $0x2, s29;
	v24 =	vld [tilespmem:s28+$0xFFFFFFC0];
	v23 =	vmov s0;
	v26 =	vadd.s32 v0, v22  }
0x33a: {  	v27 =	vld [tilespmem:s28+$0x0];
	v51 =	vadd.s32 v0, v9;
	v25 =	vmov s1;
	v23 =	vand.u32 $0x7D, v23  }
0x33b: {  	v25 =	vand.u32 $0x7E, v25;
	v29 =	vadd.s32 v0, v23  }
0x33c: {  	[tilespmem:v18+s22+$0x0] =	vst.idx.msk $0xffff, v20;
	v30 =	vadd.s32 v0, v25;
	v19 =	vmul.f32 $8.000000000e+00, v19  }
0x33d: {  	[tilespmem:v16+s22+$0x0] =	vst.idx.msk $0xffff, v21;
	v54 =	vmul.f32 $8.000000000e+00, v28  }
0x33e: {  	v52 =	vmul.f32 $8.000000000e+00, v24;
	[tilespmem:v26+s22+$0x0] =	vst.idx.msk $0xffff, v19  }
0x33f: {  	v53 =	vmul.f32 $8.000000000e+00, v27;
	v55 =	vld [tilespmem:s28+$0x50];
	[tilespmem:v51+s22+$0x0] =	vst.idx.msk $0xffff, v54  }
0x340: {  	v13 =	vmul.f32 $8.000000000e+00, v13;
	v8 =	vadd.s32 v3, v8;
	[tilespmem:v29+s22+$0x0] =	vst.idx.msk $0xffff, v52;
	v59 =	vld [tilespmem:s28+$0xFFFFFF90]  }
0x341: {  	v12 =	vmul.f32 $8.000000000e+00, v12;
	v57 =	vadd.s32 v1, v22;
	[tilespmem:v30+s22+$0x0] =	vst.idx.msk $0xffff, v53;
	v56 =	vld [tilespmem:s28+$0xFFFFFFD0]  }
0x342: {  	[tilespmem:v10+s22+$0x0] =	vst.idx.msk $0xffff, v13;
	v58 =	vmul.f32 $8.000000000e+00, v11;
	v28 =	vadd.s32 v1, v9;
	v19 =	vld [tilespmem:s28+$0x10]  }
0x343: {  	v61 =	vld [tilespmem:s20+$0x60];
	v60 =	vadd.s32 v1, v23;
	v14 =	vmul.f32 $8.000000000e+00, v14;
	[tilespmem:v15+s22+$0x0] =	vst.idx.msk $0xffff, v12  }
0x344: {  	v32 =	vld [tilespmem:s20+$0xFFFFFFA0];
	v62 =	vadd.s32 v1, v25;
	[tilespmem:v17+s22+$0x0] =	vst.idx.msk $0xffff, v58;
	v16 =	vmul.f32 $8.000000000e+00, v55  }
0x345: {  	[tilespmem:v8+s22+$0x0] =	vst.idx.msk $0xffff, v14;
	v29 =	vadd.s32 v2, v5;
	v30 =	vld [tilespmem:s20+$0x20];
	v11 =	vmul.f32 $8.000000000e+00, v59  }
0x346: {  	v38 =	vadd.s32 v2, v4;
	v63 =	vld [tilespmem:s20+$0xFFFFFFE0];
	v31 =	vmul.f32 $8.000000000e+00, v56;
	[tilespmem:v57+s22+$0x0] =	vst.idx.msk $0xffff, v16  }
0x347: {  	v35 =	vadd.s32 v2, v7;
	v34 =	vmul.f32 $8.000000000e+00, v19;
	v36 =	vld [tilespmem:s28+$0x60];
	[tilespmem:v28+s22+$0x0] =	vst.idx.msk $0xffff, v11  }
0x348: {  	v33 =	vadd.s32 v2, v6;
	v37 =	vmul.f32 $8.000000000e+00, v61;
	[tilespmem:v60+s22+$0x0] =	vst.idx.msk $0xffff, v31;
	v43 =	vld [tilespmem:s28+$0xFFFFFFA0]  }
0x349: {  	v40 =	vadd.s32 v2, v22;
	v14 =	vmul.f32 $8.000000000e+00, v32;
	[tilespmem:v62+s22+$0x0] =	vst.idx.msk $0xffff, v34;
	v39 =	vld [tilespmem:s28+$0xFFFFFFE0]  }
0x34a: {  	v48 =	vadd.s32 v2, v9;
	[tilespmem:v29+s22+$0x0] =	vst.idx.msk $0xffff, v37;
	v42 =	vmul.f32 $8.000000000e+00, v30;
	v41 =	vld [tilespmem:s28+$0x20]  }
0x34b: {  	v44 =	vadd.s32 v2, v23;
	v15 =	vmul.f32 $8.000000000e+00, v63;
	[tilespmem:v38+s22+$0x0] =	vst.idx.msk $0xffff, v14;
	v45 =	vld [tilespmem:s20+$0x70]  }
0x34c: {  	v46 =	vadd.s32 v2, v25;
	v14 =	vld [tilespmem:s20+$0xFFFFFFB0];
	[tilespmem:v35+s22+$0x0] =	vst.idx.msk $0xffff, v42;
	v47 =	vmul.f32 $8.000000000e+00, v36  }
0x34d: {  	v5 =	vadd.s32 v3, v5;
	[tilespmem:v33+s22+$0x0] =	vst.idx.msk $0xffff, v15;
	v49 =	vld [tilespmem:s20+$0x30];
	v53 =	vmul.f32 $8.000000000e+00, v43  }
0x34e: {  	v4 =	vadd.s32 v3, v4;
	v21 =	vld [tilespmem:s20+$0xFFFFFFF0];
	v12 =	vmul.f32 $8.000000000e+00, v39;
	[tilespmem:v40+s22+$0x0] =	vst.idx.msk $0xffff, v47  }
0x34f: {  	v52 =	vadd.s32 v3, v7;
	v51 =	vmul.f32 $8.000000000e+00, v41;
	v10 =	vld [tilespmem:s28+$0x70];
	[tilespmem:v48+s22+$0x0] =	vst.idx.msk $0xffff, v53  }
0x350: {  	v50 =	vadd.s32 v3, v6;
	v54 =	vmul.f32 $8.000000000e+00, v45;
	[tilespmem:v44+s22+$0x0] =	vst.idx.msk $0xffff, v12;
	v59 =	vld [tilespmem:s28+$0xFFFFFFB0]  }
0x351: {  	v57 =	vadd.s32 v3, v22;
	v14 =	vmul.f32 $8.000000000e+00, v14;
	[tilespmem:v46+s22+$0x0] =	vst.idx.msk $0xffff, v51;
	v55 =	vld [tilespmem:s28+$0xFFFFFFF0]  }
0x352: {  	v62 =	vadd.s32 v3, v9;
	[tilespmem:v5+s22+$0x0] =	vst.idx.msk $0xffff, v54;
	v5 =	vmul.f32 $8.000000000e+00, v49;
	v58 =	vld [tilespmem:s28+$0x30]  }
0x353: {  	v56 =	vmul.f32 $8.000000000e+00, v21;
	v60 =	vadd.s32 v3, v23;
	[tilespmem:v4+s22+$0x0] =	vst.idx.msk $0xffff, v14  }
0x354: {  	v61 =	vadd.s32 v3, v25;
	[tilespmem:v52+s22+$0x0] =	vst.idx.msk $0xffff, v5;
	v5 =	vmul.f32 $8.000000000e+00, v10  }
0x355: {  	[tilespmem:v50+s22+$0x0] =	vst.idx.msk $0xffff, v56;
	v63 =	vmul.f32 $8.000000000e+00, v59  }
0x356: {  	s28 =	sshll.u32 s14, $0x12;
	v4 =	vmul.f32 $8.000000000e+00, v55;
	[tilespmem:v57+s22+$0x0] =	vst.idx.msk $0xffff, v5  }
0x357: {  	s0 =	sor.u32 s6, s28;
	v5 =	vmul.f32 $8.000000000e+00, v58;
	[tilespmem:v62+s22+$0x0] =	vst.idx.msk $0xffff, v63  }
0x358: {  	s14 =	sshrl.u32 s0, $0x3;
	[tilespmem:v60+s22+$0x0] =	vst.idx.msk $0xffff, v4  }
0x359: {  	s0 =	sadd.s32 s2, s14;
	[tilespmem:v61+s22+$0x0] =	vst.idx.msk $0xffff, v5  }
0x35a: {  	[hbm4b:s0+s3] =	stream.linear.scatter [tilespmem:s22], [sflag:$0x8], $0x80, $0x38;
	[tilespmem:$0x16C00] =	vst v63  }
0x35b: {  	s29 =	simm.s32 $0x14A88;
	s1 =	sadd.s32 $0x10, s0  }
0x35c: {  	[hbm4b:s1+s3] =	stream.linear.scatter [tilespmem:s29], [sflag:$0x8], $0x80, $0x38;
	[tilespmem:$0x16C00] =	vst v63  }
0x35d: {  	s31 =	simm.s32 $0x14B10;
	s30 =	sadd.s32 $0x20, s0  }
0x35e: {  	[hbm4b:s30+s3] =	stream.linear.scatter [tilespmem:s31], [sflag:$0x8], $0x80, $0x38;
	[tilespmem:$0x16C00] =	vst v63  }
0x35f: {  	s28 =	sadd.s32 $0x30, s0;
	s29 =	simm.s32 $0x14B98  }
0x360: {  	[hbm4b:s28+s3] =	stream.linear.scatter [tilespmem:s29], [sflag:$0x8], $0x80, $0x38;
	[tilespmem:$0x16C00] =	vst v63  }
0x361: {  	s30 =	sadd.s32 $0x40, s0;
	s31 =	simm.s32 $0x14C20  }
0x362: {  	[hbm4b:s30+s3] =	stream.linear.scatter [tilespmem:s31], [sflag:$0x8], $0x80, $0x38;
	[tilespmem:$0x16C00] =	vst v63  }
0x363: {  	s20 =	sadd.s32 $0x50, s0;
	s28 =	simm.s32 $0x14CA8  }
0x364: {  	[hbm4b:s20+s3] =	stream.linear.scatter [tilespmem:s28], [sflag:$0x8], $0x80, $0x38;
	[tilespmem:$0x16C00] =	vst v63  }
0x365: {  	s29 =	sadd.s32 $0x60, s0;
	s30 =	simm.s32 $0x14D30  }
0x366: {  	[hbm4b:s29+s3] =	stream.linear.scatter [tilespmem:s30], [sflag:$0x8], $0x80, $0x38;
	[tilespmem:$0x16C00] =	vst v63  }
0x367: {  	s0 =	sadd.s32 $0x70, s0;
	s31 =	simm.s32 $0x14DB8  }
0x368: {  	[hbm4b:s0+s3] =	stream.linear.scatter [tilespmem:s31], [sflag:$0x8], $0x80, $0x38;
	[tilespmem:$0x16C00] =	vst v63  }
0x369: {  	s20 =	simm.s32 $0x14E40;
	s0 =	sadd.s32 s14, s7  }
0x36a: {  	[hbm4b:s0+s3] =	stream.linear.scatter [tilespmem:s20], [sflag:$0x8], $0x80, $0x38;
	[tilespmem:$0x16C00] =	vst v63  }
0x36b: {  	s29 =	simm.s32 $0x14EC8;
	s28 =	sadd.s32 $0x10, s0  }
0x36c: {  	[hbm4b:s28+s3] =	stream.linear.scatter [tilespmem:s29], [sflag:$0x8], $0x80, $0x38;
	[tilespmem:$0x16C00] =	vst v63  }
0x36d: {  	s31 =	simm.s32 $0x14F50;
	s30 =	sadd.s32 $0x20, s0  }
0x36e: {  	[hbm4b:s30+s3] =	stream.linear.scatter [tilespmem:s31], [sflag:$0x8], $0x80, $0x38;
	[tilespmem:$0x16C00] =	vst v63  }
0x36f: {  	s28 =	sadd.s32 $0x30, s0;
	s29 =	simm.s32 $0x14FD8  }
0x370: {  	[hbm4b:s28+s3] =	stream.linear.scatter [tilespmem:s29], [sflag:$0x8], $0x80, $0x38;
	[tilespmem:$0x16C00] =	vst v63  }
0x371: {  	s30 =	sadd.s32 $0x40, s0;
	s31 =	simm.s32 $0x15060  }
0x372: {  	[hbm4b:s30+s3] =	stream.linear.scatter [tilespmem:s31], [sflag:$0x8], $0x80, $0x38;
	[tilespmem:$0x16C00] =	vst v63  }
0x373: {  	s20 =	sadd.s32 $0x50, s0;
	s28 =	simm.s32 $0x150E8  }
0x374: {  	[hbm4b:s20+s3] =	stream.linear.scatter [tilespmem:s28], [sflag:$0x8], $0x80, $0x38;
	[tilespmem:$0x16C00] =	vst v63  }
0x375: {  	s29 =	sadd.s32 $0x60, s0;
	s30 =	simm.s32 $0x15170  }
0x376: {  	[hbm4b:s29+s3] =	stream.linear.scatter [tilespmem:s30], [sflag:$0x8], $0x80, $0x38;
	[tilespmem:$0x16C00] =	vst v63  }
0x377: {  	s0 =	sadd.s32 $0x70, s0;
	s31 =	simm.s32 $0x151F8  }
0x378: {  	[hbm4b:s0+s3] =	stream.linear.scatter [tilespmem:s31], [sflag:$0x8], $0x80, $0x38;
	[tilespmem:$0x16C00] =	vst v63  }
0x379: {  	s20 =	simm.s32 $0x15280;
	s0 =	sadd.s32 s14, s8  }
0x37a: {  	[hbm4b:s0+s3] =	stream.linear.scatter [tilespmem:s20], [sflag:$0x8], $0x80, $0x38;
	[tilespmem:$0x16C00] =	vst v63  }
0x37b: {  	s29 =	simm.s32 $0x15308;
	s28 =	sadd.s32 $0x10, s0  }
0x37c: {  	[hbm4b:s28+s3] =	stream.linear.scatter [tilespmem:s29], [sflag:$0x8], $0x80, $0x38;
	[tilespmem:$0x16C00] =	vst v63  }
0x37d: {  	s31 =	simm.s32 $0x15390;
	s30 =	sadd.s32 $0x20, s0  }
0x37e: {  	[hbm4b:s30+s3] =	stream.linear.scatter [tilespmem:s31], [sflag:$0x8], $0x80, $0x38;
	[tilespmem:$0x16C00] =	vst v63  }
0x37f: {  	s28 =	sadd.s32 $0x30, s0;
	s29 =	simm.s32 $0x15418  }
0x380: {  	[hbm4b:s28+s3] =	stream.linear.scatter [tilespmem:s29], [sflag:$0x8], $0x80, $0x38;
	[tilespmem:$0x16C00] =	vst v63  }
0x381: {  	s30 =	sadd.s32 $0x40, s0;
	s31 =	simm.s32 $0x154A0  }
0x382: {  	[hbm4b:s30+s3] =	stream.linear.scatter [tilespmem:s31], [sflag:$0x8], $0x80, $0x38;
	[tilespmem:$0x16C00] =	vst v63  }
0x383: {  	s20 =	sadd.s32 $0x50, s0;
	s28 =	simm.s32 $0x15528  }
0x384: {  	[hbm4b:s20+s3] =	stream.linear.scatter [tilespmem:s28], [sflag:$0x8], $0x80, $0x38;
	[tilespmem:$0x16C00] =	vst v63  }
0x385: {  	s29 =	sadd.s32 $0x60, s0;
	s30 =	simm.s32 $0x155B0  }
0x386: {  	[hbm4b:s29+s3] =	stream.linear.scatter [tilespmem:s30], [sflag:$0x8], $0x80, $0x38;
	[tilespmem:$0x16C00] =	vst v63  }
0x387: {  	s0 =	sadd.s32 $0x70, s0;
	s31 =	simm.s32 $0x15638  }
0x388: {  	[hbm4b:s0+s3] =	stream.linear.scatter [tilespmem:s31], [sflag:$0x8], $0x80, $0x38;
	[tilespmem:$0x16C00] =	vst v63  }
0x389: {  	s20 =	simm.s32 $0x156C0;
	s0 =	sadd.s32 s14, s9  }
0x38a: {  	[hbm4b:s0+s3] =	stream.linear.scatter [tilespmem:s20], [sflag:$0x8], $0x80, $0x38;
	[tilespmem:$0x16C00] =	vst v63  }
0x38b: {  	s29 =	simm.s32 $0x15748;
	s28 =	sadd.s32 $0x10, s0  }
0x38c: {  	[hbm4b:s28+s3] =	stream.linear.scatter [tilespmem:s29], [sflag:$0x8], $0x80, $0x38;
	[tilespmem:$0x16C00] =	vst v63  }
0x38d: {  	s31 =	simm.s32 $0x157D0;
	s30 =	sadd.s32 $0x20, s0  }
0x38e: {  	[hbm4b:s30+s3] =	stream.linear.scatter [tilespmem:s31], [sflag:$0x8], $0x80, $0x38;
	[tilespmem:$0x16C00] =	vst v63  }
0x38f: {  	s28 =	sadd.s32 $0x30, s0;
	s29 =	simm.s32 $0x15858  }
0x390: {  	[hbm4b:s28+s3] =	stream.linear.scatter [tilespmem:s29], [sflag:$0x8], $0x80, $0x38;
	[tilespmem:$0x16C00] =	vst v63  }
0x391: {  	s30 =	sadd.s32 $0x40, s0;
	s31 =	simm.s32 $0x158E0  }
0x392: {  	[hbm4b:s30+s3] =	stream.linear.scatter [tilespmem:s31], [sflag:$0x8], $0x80, $0x38;
	[tilespmem:$0x16C00] =	vst v63  }
0x393: {  	s20 =	sadd.s32 $0x50, s0;
	s28 =	simm.s32 $0x15968  }
0x394: {  	[hbm4b:s20+s3] =	stream.linear.scatter [tilespmem:s28], [sflag:$0x8], $0x80, $0x38;
	[tilespmem:$0x16C00] =	vst v63  }
0x395: {  	s29 =	sadd.s32 $0x60, s0;
	s30 =	simm.s32 $0x159F0  }
0x396: {  	[hbm4b:s29+s3] =	stream.linear.scatter [tilespmem:s30], [sflag:$0x8], $0x80, $0x38;
	[tilespmem:$0x16C00] =	vst v63  }
0x397: {  	s0 =	sadd.s32 $0x70, s0;
	s31 =	simm.s32 $0x15A78  }
0x398: {  	[hbm4b:s0+s3] =	stream.linear.scatter [tilespmem:s31], [sflag:$0x8], $0x80, $0x38;
	[tilespmem:$0x16C00] =	vst v63  }
0x399: {  	s20 =	simm.s32 $0x15B00;
	s0 =	sadd.s32 s14, s10  }
0x39a: {  	[hbm4b:s0+s3] =	stream.linear.scatter [tilespmem:s20], [sflag:$0x8], $0x80, $0x38;
	[tilespmem:$0x16C00] =	vst v63  }
0x39b: {  	s29 =	simm.s32 $0x15B88;
	s28 =	sadd.s32 $0x10, s0  }
0x39c: {  	[hbm4b:s28+s3] =	stream.linear.scatter [tilespmem:s29], [sflag:$0x8], $0x80, $0x38;
	[tilespmem:$0x16C00] =	vst v63  }
0x39d: {  	s31 =	simm.s32 $0x15C10;
	s30 =	sadd.s32 $0x20, s0  }
0x39e: {  	[hbm4b:s30+s3] =	stream.linear.scatter [tilespmem:s31], [sflag:$0x8], $0x80, $0x38;
	[tilespmem:$0x16C00] =	vst v63  }
0x39f: {  	s28 =	sadd.s32 $0x30, s0;
	s29 =	simm.s32 $0x15C98  }
0x3a0: {  	[hbm4b:s28+s3] =	stream.linear.scatter [tilespmem:s29], [sflag:$0x8], $0x80, $0x38;
	[tilespmem:$0x16C00] =	vst v63  }
0x3a1: {  	s30 =	sadd.s32 $0x40, s0;
	s31 =	simm.s32 $0x15D20  }
0x3a2: {  	[hbm4b:s30+s3] =	stream.linear.scatter [tilespmem:s31], [sflag:$0x8], $0x80, $0x38;
	[tilespmem:$0x16C00] =	vst v63  }
0x3a3: {  	s20 =	sadd.s32 $0x50, s0;
	s28 =	simm.s32 $0x15DA8  }
0x3a4: {  	[hbm4b:s20+s3] =	stream.linear.scatter [tilespmem:s28], [sflag:$0x8], $0x80, $0x38;
	[tilespmem:$0x16C00] =	vst v63  }
0x3a5: {  	s29 =	sadd.s32 $0x60, s0;
	s30 =	simm.s32 $0x15E30  }
0x3a6: {  	[hbm4b:s29+s3] =	stream.linear.scatter [tilespmem:s30], [sflag:$0x8], $0x80, $0x38;
	[tilespmem:$0x16C00] =	vst v63  }
0x3a7: {  	s0 =	sadd.s32 $0x70, s0;
	s31 =	simm.s32 $0x15EB8  }
0x3a8: {  	[hbm4b:s0+s3] =	stream.linear.scatter [tilespmem:s31], [sflag:$0x8], $0x80, $0x38;
	[tilespmem:$0x16C00] =	vst v63  }
0x3a9: {  	s20 =	simm.s32 $0x15F40;
	s0 =	sadd.s32 s14, s11  }
0x3aa: {  	[hbm4b:s0+s3] =	stream.linear.scatter [tilespmem:s20], [sflag:$0x8], $0x80, $0x38;
	[tilespmem:$0x16C00] =	vst v63  }
0x3ab: {  	s29 =	simm.s32 $0x15FC8;
	s28 =	sadd.s32 $0x10, s0  }
0x3ac: {  	[hbm4b:s28+s3] =	stream.linear.scatter [tilespmem:s29], [sflag:$0x8], $0x80, $0x38;
	[tilespmem:$0x16C00] =	vst v63  }
0x3ad: {  	s31 =	simm.s32 $0x16050;
	s30 =	sadd.s32 $0x20, s0  }
0x3ae: {  	[hbm4b:s30+s3] =	stream.linear.scatter [tilespmem:s31], [sflag:$0x8], $0x80, $0x38;
	[tilespmem:$0x16C00] =	vst v63  }
0x3af: {  	s28 =	sadd.s32 $0x30, s0;
	s29 =	simm.s32 $0x160D8  }
0x3b0: {  	[hbm4b:s28+s3] =	stream.linear.scatter [tilespmem:s29], [sflag:$0x8], $0x80, $0x38;
	[tilespmem:$0x16C00] =	vst v63  }
0x3b1: {  	s30 =	sadd.s32 $0x40, s0;
	s31 =	simm.s32 $0x16160  }
0x3b2: {  	[hbm4b:s30+s3] =	stream.linear.scatter [tilespmem:s31], [sflag:$0x8], $0x80, $0x38;
	[tilespmem:$0x16C00] =	vst v63  }
0x3b3: {  	s28 =	sadd.s32 $0x50, s0;
	s29 =	simm.s32 $0x161E8  }
0x3b4: {  	[hbm4b:s28+s3] =	stream.linear.scatter [tilespmem:s29], [sflag:$0x8], $0x80, $0x38;
	[tilespmem:$0x16C00] =	vst v63  }
0x3b5: {  	s30 =	sadd.s32 $0x60, s0;
	s31 =	simm.s32 $0x16270  }
0x3b6: {  	[hbm4b:s30+s3] =	stream.linear.scatter [tilespmem:s31], [sflag:$0x8], $0x80, $0x38;
	[tilespmem:$0x16C00] =	vst v63  }
0x3b7: {  	s0 =	sadd.s32 $0x70, s0;
	s28 =	simm.s32 $0x162F8  }
0x3b8: {  	[hbm4b:s0+s3] =	stream.linear.scatter [tilespmem:s28], [sflag:$0x8], $0x80, $0x38;
	[tilespmem:$0x16C00] =	vst v63  }
0x3b9: {  	s29 =	simm.s32 $0x16380;
	s0 =	sadd.s32 s14, s12  }
0x3ba: {  	[hbm4b:s0+s3] =	stream.linear.scatter [tilespmem:s29], [sflag:$0x8], $0x80, $0x38;
	[tilespmem:$0x16C00] =	vst v63  }
0x3bb: {  	s31 =	simm.s32 $0x16408;
	s30 =	sadd.s32 $0x10, s0  }
0x3bc: {  	[hbm4b:s30+s3] =	stream.linear.scatter [tilespmem:s31], [sflag:$0x8], $0x80, $0x38;
	[tilespmem:$0x16C00] =	vst v63  }
0x3bd: {  	s28 =	sadd.s32 $0x20, s0;
	s29 =	simm.s32 $0x16490  }
0x3be: {  	[hbm4b:s28+s3] =	stream.linear.scatter [tilespmem:s29], [sflag:$0x8], $0x80, $0x38;
	[tilespmem:$0x16C00] =	vst v63  }
0x3bf: {  	s30 =	sadd.s32 $0x30, s0;
	s31 =	simm.s32 $0x16518  }
0x3c0: {  	[hbm4b:s30+s3] =	stream.linear.scatter [tilespmem:s31], [sflag:$0x8], $0x80, $0x38;
	[tilespmem:$0x16C00] =	vst v63  }
0x3c1: {  	s28 =	sadd.s32 $0x40, s0;
	s29 =	simm.s32 $0x165A0  }
0x3c2: {  	[hbm4b:s28+s3] =	stream.linear.scatter [tilespmem:s29], [sflag:$0x8], $0x80, $0x38;
	[tilespmem:$0x16C00] =	vst v63  }
0x3c3: {  	s30 =	sadd.s32 $0x50, s0;
	s31 =	simm.s32 $0x16628  }
0x3c4: {  	[hbm4b:s30+s3] =	stream.linear.scatter [tilespmem:s31], [sflag:$0x8], $0x80, $0x38;
	[tilespmem:$0x16C00] =	vst v63  }
0x3c5: {  	s28 =	sadd.s32 $0x60, s0;
	s29 =	simm.s32 $0x166B0  }
0x3c6: {  	[hbm4b:s28+s3] =	stream.linear.scatter [tilespmem:s29], [sflag:$0x8], $0x80, $0x38;
	[tilespmem:$0x16C00] =	vst v63  }
0x3c7: {  	s0 =	sadd.s32 $0x70, s0;
	s30 =	simm.s32 $0x16738  }
0x3c8: {  	[hbm4b:s0+s3] =	stream.linear.scatter [tilespmem:s30], [sflag:$0x8], $0x80, $0x38;
	[tilespmem:$0x16C00] =	vst v63  }
0x3c9: {  	s31 =	simm.s32 $0x167C0;
	s0 =	sadd.s32 s14, s13  }
0x3ca: {  	[hbm4b:s0+s3] =	stream.linear.scatter [tilespmem:s31], [sflag:$0x8], $0x80, $0x38;
	[tilespmem:$0x16C00] =	vst v63  }
0x3cb: {  	s20 =	simm.s32 $0x16848;
	s14 =	sadd.s32 $0x10, s0  }
0x3cc: {  	[hbm4b:s14+s3] =	stream.linear.scatter [tilespmem:s20], [sflag:$0x8], $0x80, $0x38;
	[tilespmem:$0x16C00] =	vst v63  }
0x3cd: {  	s29 =	simm.s32 $0x168D0;
	s28 =	sadd.s32 $0x20, s0  }
0x3ce: {  	[hbm4b:s28+s3] =	stream.linear.scatter [tilespmem:s29], [sflag:$0x8], $0x80, $0x38;
	[tilespmem:$0x16C00] =	vst v63  }
0x3cf: {  	s30 =	sadd.s32 $0x30, s0;
	s31 =	simm.s32 $0x16958  }
0x3d0: {  	[hbm4b:s30+s3] =	stream.linear.scatter [tilespmem:s31], [sflag:$0x8], $0x80, $0x38;
	[tilespmem:$0x16C00] =	vst v63  }
0x3d1: {  	s19 =	sadd.s32 $0x1, s19;
	s20 =	sadd.s32 $0x40, s0;
	s28 =	simm.s32 $0x169E0  }
0x3d2: {  	[hbm4b:s20+s3] =	stream.linear.scatter [tilespmem:s28], [sflag:$0x8], $0x80, $0x38;
	[tilespmem:$0x16C00] =	vst v63  }
0x3d3: {  	p0 =	sne.s32 s19, $0x32;
	s29 =	sadd.s32 $0x50, s0;
	s30 =	simm.s32 $0x16A68  }
0x3d4: {  	[hbm4b:s29+s3] =	stream.linear.scatter [tilespmem:s30], [sflag:$0x8], $0x80, $0x38;
	[tilespmem:$0x16C00] =	vst v63  }
.Ltmp4:
0x3d5: {  	_ = 	snop;
	(pc) =	sbr.rel @p0 .LBB2_2-.Ltmp4, $4  }
0x3d6: {  	s31 =	sadd.s32 $0x60, s0  }
0x3d7: {  	[hbm4b:s31+s3] =	stream.linear.scatter [tilespmem:s16], [sflag:$0x8], $0x80, $0x38;
	[tilespmem:$0x16C00] =	vst v63  }
0x3d8: {  	s0 =	sadd.s32 $0x70, s0  }
0x3d9: {  	[hbm4b:s0+s3] =	stream.linear.scatter [tilespmem:s18], [sflag:$0x8], $0x80, $0x38;
	[tilespmem:$0x16C00] =	vst v63  }
0x3da: {  	s0 =	simm.s32 $0x5  }
0x3db: {  	_ =	swait.ge [sflag:s0], $0x400  }
0x3dc: {  	[sflag:s0] =	ssyncset.done $0x0  }
0x3dd: {  	[sflag:s0] =	ssyncadd.s32 $0xFFFFFC00  }
0x3de: {  	_ =	swait.ge [sflag:s0], $0x400  }
0x3df: {  	[sflag:s0] =	ssyncset.done $0x0  }
0x3e0: {  	[sflag:s0] =	ssyncadd.s32 $0xFFFFFC00  }
0x3e1: {  	_ =	swait.ge [sflag:s0], $0x400  }
0x3e2: {  	[sflag:s0] =	ssyncset.done $0x0  }
0x3e3: {  	[sflag:s0] =	ssyncadd.s32 $0xFFFFFC00  }
0x3e4: {  	_ =	swait.ge [sflag:s0], $0x400  }
0x3e5: {  	[sflag:s0] =	ssyncset.done $0x0  }
0x3e6: {  	[sflag:s0] =	ssyncadd.s32 $0xFFFFFC00  }
0x3e7: {  	_ =	swait.ge [sflag:s0], $0x400  }
0x3e8: {  	[sflag:s0] =	ssyncset.done $0x0  }
0x3e9: {  	[sflag:s0] =	ssyncadd.s32 $0xFFFFFC00  }
0x3ea: {  	_ =	swait.ge [sflag:s0], $0x400  }
0x3eb: {  	[sflag:s0] =	ssyncset.done $0x0  }
0x3ec: {  	[sflag:s0] =	ssyncadd.s32 $0xFFFFFC00  }
0x3ed: {  	_ =	swait.ge [sflag:s0], $0x400  }
0x3ee: {  	[sflag:s0] =	ssyncset.done $0x0  }
0x3ef: {  	[sflag:s0] =	ssyncadd.s32 $0xFFFFFC00  }
0x3f0: {  	_ =	swait.ge [sflag:s0], $0x400  }
0x3f1: {  	[sflag:s0] =	ssyncset.done $0x0  }
0x3f2: {  	s29 =	simm.s32 $0x6;
	[sflag:s0] =	ssyncadd.s32 $0xFFFFFC00  }
0x3f3: {  	_ =	swait.ge [sflag:s29], $0x400  }
0x3f4: {  	[sflag:s29] =	ssyncset.done $0x0  }
0x3f5: {  	[sflag:s29] =	ssyncadd.s32 $0xFFFFFC00  }
0x3f6: {  	_ =	swait.ge [sflag:s29], $0x400  }
0x3f7: {  	[sflag:s29] =	ssyncset.done $0x0  }
0x3f8: {  	[sflag:s29] =	ssyncadd.s32 $0xFFFFFC00  }
0x3f9: {  	_ =	swait.ge [sflag:s29], $0x400  }
0x3fa: {  	[sflag:s29] =	ssyncset.done $0x0  }
0x3fb: {  	[sflag:s29] =	ssyncadd.s32 $0xFFFFFC00  }
0x3fc: {  	_ =	swait.ge [sflag:s29], $0x400  }
0x3fd: {  	[sflag:s29] =	ssyncset.done $0x0  }
0x3fe: {  	[sflag:s29] =	ssyncadd.s32 $0xFFFFFC00  }
0x3ff: {  	_ =	swait.ge [sflag:s29], $0x400  }
0x400: {  	[sflag:s29] =	ssyncset.done $0x0  }
0x401: {  	[sflag:s29] =	ssyncadd.s32 $0xFFFFFC00  }
0x402: {  	_ =	swait.ge [sflag:s29], $0x400  }
0x403: {  	[sflag:s29] =	ssyncset.done $0x0  }
0x404: {  	[sflag:s29] =	ssyncadd.s32 $0xFFFFFC00  }
0x405: {  	_ =	swait.ge [sflag:s29], $0x400  }
0x406: {  	[sflag:s29] =	ssyncset.done $0x0  }
0x407: {  	[sflag:s29] =	ssyncadd.s32 $0xFFFFFC00  }
0x408: {  	_ =	swait.ge [sflag:s29], $0x400  }
0x409: {  	[sflag:s29] =	ssyncset.done $0x0  }
0x40a: {  	s30 =	simm.s32 $0x7;
	[sflag:s29] =	ssyncadd.s32 $0xFFFFFC00  }
0x40b: {  	_ =	swait.ge [sflag:s30], $0x400  }
0x40c: {  	[sflag:s30] =	ssyncset.done $0x0  }
0x40d: {  	[sflag:s30] =	ssyncadd.s32 $0xFFFFFC00  }
0x40e: {  	_ =	swait.ge [sflag:s30], $0x400  }
0x40f: {  	[sflag:s30] =	ssyncset.done $0x0  }
0x410: {  	[sflag:s30] =	ssyncadd.s32 $0xFFFFFC00  }
0x411: {  	_ =	swait.ge [sflag:s30], $0x400  }
0x412: {  	[sflag:s30] =	ssyncset.done $0x0  }
0x413: {  	[sflag:s30] =	ssyncadd.s32 $0xFFFFFC00  }
0x414: {  	_ =	swait.ge [sflag:s30], $0x400  }
0x415: {  	[sflag:s30] =	ssyncset.done $0x0  }
0x416: {  	[sflag:s30] =	ssyncadd.s32 $0xFFFFFC00  }
0x417: {  	_ =	swait.ge [sflag:s30], $0x400  }
0x418: {  	[sflag:s30] =	ssyncset.done $0x0  }
0x419: {  	[sflag:s30] =	ssyncadd.s32 $0xFFFFFC00  }
0x41a: {  	_ =	swait.ge [sflag:s30], $0x400  }
0x41b: {  	[sflag:s30] =	ssyncset.done $0x0  }
0x41c: {  	[sflag:s30] =	ssyncadd.s32 $0xFFFFFC00  }
0x41d: {  	_ =	swait.ge [sflag:s30], $0x400  }
0x41e: {  	[sflag:s30] =	ssyncset.done $0x0  }
0x41f: {  	[sflag:s30] =	ssyncadd.s32 $0xFFFFFC00  }
0x420: {  	_ =	swait.ge [sflag:s30], $0x400  }
0x421: {  	[sflag:s30] =	ssyncset.done $0x0  }
0x422: {  	s1 =	simm.s32 $0x8;
	[sflag:s30] =	ssyncadd.s32 $0xFFFFFC00  }
0x423: {  	_ =	swait.ge [sflag:s1], $0x400  }
0x424: {  	[sflag:s1] =	ssyncset.done $0x0  }
0x425: {  	[sflag:s1] =	ssyncadd.s32 $0xFFFFFC00  }
0x426: {  	_ =	swait.ge [sflag:s1], $0x400  }
0x427: {  	[sflag:s1] =	ssyncset.done $0x0  }
0x428: {  	[sflag:s1] =	ssyncadd.s32 $0xFFFFFC00  }
0x429: {  	_ =	swait.ge [sflag:s1], $0x400  }
0x42a: {  	[sflag:s1] =	ssyncset.done $0x0  }
0x42b: {  	[sflag:s1] =	ssyncadd.s32 $0xFFFFFC00  }
0x42c: {  	_ =	swait.ge [sflag:s1], $0x400  }
0x42d: {  	[sflag:s1] =	ssyncset.done $0x0  }
0x42e: {  	[sflag:s1] =	ssyncadd.s32 $0xFFFFFC00  }
0x42f: {  	_ =	swait.ge [sflag:s1], $0x400  }
0x430: {  	[sflag:s1] =	ssyncset.done $0x0  }
0x431: {  	[sflag:s1] =	ssyncadd.s32 $0xFFFFFC00  }
0x432: {  	_ =	swait.ge [sflag:s1], $0x400  }
0x433: {  	[sflag:s1] =	ssyncset.done $0x0  }
0x434: {  	[sflag:s1] =	ssyncadd.s32 $0xFFFFFC00  }
0x435: {  	_ =	swait.ge [sflag:s1], $0x400  }
0x436: {  	[sflag:s1] =	ssyncset.done $0x0  }
0x437: {  	[sflag:s1] =	ssyncadd.s32 $0xFFFFFC00  }
0x438: {  	_ =	swait.ge [sflag:s1], $0x400  }
0x439: {  	s14 =	rddreg [dreg:$0x5]  }
0x43a: {  	s31 =	rddreg [dreg:$0x4];
	s14 =	sadd.s32 $0x1, s14  }
0x43b: {  	p0 =	sne.s32 s14, s31  }
.Ltmp5:
0x43c: {  	_ = 	snop;
	(pc) =	sbr.rel @p0 .LBB2_1-.Ltmp5, $3  }
0x43d: {  	_ =	sdelay $0x1  }
0x43e: {  	[sflag:s1] =	ssyncset.done $0x0  }
0x43f: {  	[sflag:s1] =	ssyncadd.s32 $0xFFFFFC00  }
0x440: {  	_ =	sfence.sel $0x180000  }
0x441: {  	[bflag:$0x0] =	sbarrier.arrive $0xFFFF  }
0x442: {  	_ =	strace $0x90000047  }
0x443: {  	s0 =	stileid.u32;
	[bflag:$0x2] =	sbarrier.arrive $0xFFFF  }
0x444: {  	p0 =	sne.s32 s0, $0x0;
	s0 =	rddreg [dreg:$0x2]  }
0x445: {  	s0 =	sadd.s32 @!p0 $0x100000, s0  }
0x446: {  	[sflag:s0] =	ssyncadd.tile.s32 @!p0 $0x1;
	_ =	shalt  }
.Lfunc_end2:
_tile_overlayer_lowered:
.L_overlay_start_2:
0x447: {  	(tag) =	ssettag $0x2  }
0x448: {  	s0 =	rddreg [dreg:$0x0];
	s2 =	stileid.u32  }
0x449: {  	s1 =	rddreg [dreg:$0x1];
	p0 =	sne.s32 s2, $0x0  }
0x44a: {  	s3 =	rddreg [dreg:$0x2];
	[bflag:$0x3] =	sbarrier.arrive $0xFFFF;
	s2 =	simm.s32 @!p0 $0x1C09  }
0x44b: {  	[timem:s3], [sflag:s2] =	dma.local @!p0 [hbm:s0], s1  }
0x44c: {  	s0 =	simm.s32 @!p0 $0x9  }
0x44d: {  	_ =	swait.ge @!p0 [sflag:s0], s1  }
0x44e: {  	s1 =	ssub.s32 @!p0 $0x0, s1;
	[sflag:s0] =	ssyncset.done @!p0 $0x0  }
0x44f: {  	[sflag:s0] =	ssyncadd.s32 @!p0 s1  }
0x450: {  	[bflag:$0x3] =	sbarrier.arrive $0xFFFF  }
0x451: {  	_ =	shalt  }

</sc_bundles>
